<compile_context>
chip_gen: v7x
topology: tpu7x:2x2x1
jax: 0.10.2.dev20260603
libtpu: 0.0.44.dev20260713+nightly
codegen_flags: <defaults>
</compile_context>

<pallas_src>
import jax
import jax.numpy as jnp
from jax import lax
from jax.experimental import pallas as pl
from jax.experimental.pallas import tpu as pltpu
from jax.experimental.pallas import tpu_sc as plsc

N = 10000
NP = 10240
E = 320000
D = 128
H = 128
C = 16

NC = 2
NS = 16
LANES = 16

_SC_PARAMS = pltpu.CompilerParams(use_tc_tiling_on_sc=False)


def _mesh():
    return plsc.VectorSubcoreMesh(core_axis_name="c", subcore_axis_name="s")


_K1_CHUNK = 128
_K1_ROWS = E // _K1_CHUNK
_K1_RT = _K1_ROWS // NS
_K1_XTRA = _K1_ROWS - _K1_RT * NS
_K1_CMB = 656
_K1_PRIV = _K1_CMB * NS
_K1_LAST = NP - (NS - 1) * _K1_CMB
_K1_DEPTH = 8


def _deg_body(edges_hbm, degs_hbm, idx2, ones_r, dbuf, cbuf, semh, parts):
    c = lax.axis_index("c")
    s = lax.axis_index("s")

    zv = jnp.zeros((LANES,), jnp.float32)
    ov = jnp.ones((LANES,), jnp.float32)

    def fo(r, _):
        ones_r[pl.ds(r * LANES, LANES)] = ov
        return 0

    lax.fori_loop(0, _K1_CHUNK // LANES, fo, 0)

    def fz(r, _):
        dbuf[pl.ds(r * LANES, LANES)] = zv
        return 0

    lax.fori_loop(0, _K1_CMB // LANES, fz, 0)

    for t in range(NS):
        pltpu.async_copy(
            dbuf, parts.at[pl.ds(s * _K1_PRIV + t * _K1_CMB, _K1_CMB)], semh)
    for t in range(NS):
        pltpu.make_async_copy(
            dbuf, parts.at[pl.ds(s * _K1_PRIV + t * _K1_CMB, _K1_CMB)],
            semh).wait()

    r0 = c * _K1_ROWS + s * _K1_RT
    pltpu.sync_copy(edges_hbm.at[pl.ds(r0, _K1_RT)], idx2.at[pl.ds(0, _K1_RT)])

    @pl.when(s < _K1_XTRA)
    def _():
        xr = c * _K1_ROWS + _K1_ROWS - _K1_XTRA + s
        pltpu.sync_copy(edges_hbm.at[xr], idx2.at[_K1_RT])

    shift = s * _K1_PRIV

    def shift_row(r, _):
        for g in range(_K1_CHUNK // LANES):
            idx2[r, pl.ds(g * LANES, LANES)] = (
                idx2[r, pl.ds(g * LANES, LANES)] + shift)
        return 0

    lax.fori_loop(0, _K1_RT + 1, shift_row, 0)

    nrows = jnp.where(s < _K1_XTRA, _K1_RT + 1, _K1_RT)

    def fire(r):
        pltpu.async_copy(ones_r, parts.at[idx2.at[r]], semh, add=True)

    for r in range(_K1_DEPTH):
        fire(r)

    def ring(r, _):
        pltpu.make_async_copy(ones_r, parts.at[idx2.at[r]], semh).wait()

        @pl.when(r + _K1_DEPTH < nrows)
        def _():
            fire(r + _K1_DEPTH)

        return 0

    lax.fori_loop(0, nrows, ring, 0)

    plsc.subcore_barrier()

    for t in range(NS):
        pltpu.async_copy(
            parts.at[pl.ds(t * _K1_PRIV + s * _K1_CMB, _K1_CMB)],
            cbuf.at[pl.ds(t * _K1_CMB, _K1_CMB)], semh)
    for t in range(NS):
        pltpu.make_async_copy(
            parts.at[pl.ds(t * _K1_PRIV + s * _K1_CMB, _K1_CMB)],
            cbuf.at[pl.ds(t * _K1_CMB, _K1_CMB)], semh).wait()

    def cmb(g, _):
        v = cbuf[pl.ds(g * LANES, LANES)]
        for t in range(1, NS):
            v = v + cbuf[pl.ds(t * _K1_CMB + g * LANES, LANES)]
        dbuf[pl.ds(g * LANES, LANES)] = v
        return 0

    lax.fori_loop(0, _K1_CMB // LANES, cmb, 0)

    @pl.when(s < NS - 1)
    def _():
        pltpu.sync_copy(dbuf, degs_hbm.at[pl.ds(c * NP + s * _K1_CMB,
                                                _K1_CMB)])

    @pl.when(s == NS - 1)
    def _():
        pltpu.sync_copy(
            dbuf.at[pl.ds(0, _K1_LAST)],
            degs_hbm.at[pl.ds(c * NP + (NS - 1) * _K1_CMB, _K1_LAST)])


def _degrees(edges2d):
    return pl.kernel(
        _deg_body,
        out_type=jax.ShapeDtypeStruct((2 * NP,), jnp.float32),
        mesh=_mesh(),
        scratch_types=[
            pltpu.VMEM((_K1_RT + 1, _K1_CHUNK), jnp.int32),
            pltpu.VMEM((_K1_CHUNK,), jnp.float32),
            pltpu.VMEM((_K1_CMB,), jnp.float32),
            pltpu.VMEM((_K1_PRIV,), jnp.float32),
            pltpu.SemaphoreType.DMA,
            pltpu.VMEM_SHARED((NS * _K1_PRIV,), jnp.float32),
        ],
        compiler_params=_SC_PARAMS,
    )(edges2d)


_AGG_B = 128
_EROWS = E // _AGG_B
_AGG_RT = _EROWS // (NC * NS)
_AGG_XTRA = _EROWS - _AGG_RT * NC * NS
_AGG_RPT = NP // NS
_AGG_OCH = 64


def _agg_body(table_hbm, edges_hbm, part_hbm, sidx_a, sidx_b,
              didx_a, didx_b, rows_a, rows_b, sem_a, sem_b, ssem_a, ssem_b,
              acc):
    c = lax.axis_index("c")
    s = lax.axis_index("s")
    wid = s * NC + c

    zv = jnp.zeros((LANES,), jnp.float32)

    def zr(r, _):
        for k in range(H // LANES):
            rows_a[r, pl.ds(k * LANES, LANES)] = zv
        return 0

    lax.fori_loop(0, _AGG_OCH, zr, 0)
    for k in range(_AGG_RPT // _AGG_OCH):
        pltpu.async_copy(rows_a.at[pl.ds(0, _AGG_OCH)],
                         acc.at[pl.ds(s * _AGG_RPT + k * _AGG_OCH, _AGG_OCH)],
                         sem_a)
    for k in range(_AGG_RPT // _AGG_OCH):
        pltpu.make_async_copy(
            rows_a.at[pl.ds(0, _AGG_OCH)],
            acc.at[pl.ds(s * _AGG_RPT + k * _AGG_OCH, _AGG_OCH)],
            sem_a).wait()
    plsc.subcore_barrier()

    r0 = wid * _AGG_RT

    def srow(j):
        return r0 + j

    def drow(j):
        return _EROWS + r0 + j

    pltpu.sync_copy(edges_hbm.at[srow(0)], sidx_a)
    pltpu.sync_copy(edges_hbm.at[drow(0)], didx_a.at[0])
    pltpu.async_copy(table_hbm.at[sidx_a], rows_a, sem_a)

    def pair(k, _):
        j0 = 2 * k
        j1 = j0 + 1
        pltpu.sync_copy(edges_hbm.at[srow(j1)], sidx_b)
        pltpu.make_async_copy(table_hbm.at[sidx_a], rows_a, sem_a).wait()

        @pl.when(k > 0)
        def _():
            pltpu.make_async_copy(rows_b, acc.at[didx_b.at[0]], ssem_b).wait()

        pltpu.async_copy(table_hbm.at[sidx_b], rows_b, sem_b)
        pltpu.sync_copy(edges_hbm.at[drow(j1)], didx_b.at[0])
        pltpu.async_copy(rows_a, acc.at[didx_a.at[0]], ssem_a, add=True)

        @pl.when(j0 + 2 < _AGG_RT)
        def _():
            pltpu.sync_copy(edges_hbm.at[srow(j0 + 2)], sidx_a)

        pltpu.make_async_copy(table_hbm.at[sidx_b], rows_b, sem_b).wait()
        pltpu.make_async_copy(rows_a, acc.at[didx_a.at[0]], ssem_a).wait()

        @pl.when(j0 + 2 < _AGG_RT)
        def _():
            pltpu.async_copy(table_hbm.at[sidx_a], rows_a, sem_a)
            pltpu.sync_copy(edges_hbm.at[drow(j0 + 2)], didx_a.at[0])

        pltpu.async_copy(rows_b, acc.at[didx_b.at[0]], ssem_b, add=True)
        return 0

    lax.fori_loop(0, _AGG_RT // 2, pair, 0)
    pltpu.make_async_copy(rows_b, acc.at[didx_b.at[0]], ssem_b).wait()

    @pl.when(wid < _AGG_XTRA)
    def _():
        xr = _EROWS - _AGG_XTRA + wid
        pltpu.sync_copy(edges_hbm.at[xr], sidx_a)
        pltpu.sync_copy(edges_hbm.at[_EROWS + xr], didx_a.at[0])
        pltpu.sync_copy(table_hbm.at[sidx_a], rows_a)
        pltpu.sync_copy(rows_a, acc.at[didx_a.at[0]], add=True)

    plsc.subcore_barrier()

    nch = _AGG_RPT // _AGG_OCH

    def obuf(k):
        b = rows_a if k % 2 == 0 else rows_b
        return b.at[pl.ds(0, _AGG_OCH)]

    def isem(k):
        return sem_a if k % 2 == 0 else sem_b

    def osem(k):
        return ssem_a if k % 2 == 0 else ssem_b

    def rr(k):
        return s * _AGG_RPT + k * _AGG_OCH

    pltpu.async_copy(acc.at[pl.ds(rr(0), _AGG_OCH)], obuf(0), isem(0))
    pltpu.async_copy(acc.at[pl.ds(rr(1), _AGG_OCH)], obuf(1), isem(1))
    for k in range(nch):
        pltpu.make_async_copy(acc.at[pl.ds(rr(k), _AGG_OCH)], obuf(k),
                              isem(k)).wait()
        pltpu.async_copy(obuf(k), part_hbm.at[c, pl.ds(rr(k), _AGG_OCH)],
                         osem(k))
        if k + 2 < nch:
            pltpu.make_async_copy(obuf(k),
                                  part_hbm.at[c, pl.ds(rr(k), _AGG_OCH)],
                                  osem(k)).wait()
            pltpu.async_copy(acc.at[pl.ds(rr(k + 2), _AGG_OCH)], obuf(k + 2),
                             isem(k + 2))
    for k in (nch - 2, nch - 1):
        pltpu.make_async_copy(obuf(k), part_hbm.at[c, pl.ds(rr(k), _AGG_OCH)],
                              osem(k)).wait()


def _agg(table, edges2d):
    return pl.kernel(
        _agg_body,
        out_type=jax.ShapeDtypeStruct((NC, NP, H), jnp.float32),
        mesh=_mesh(),
        scratch_types=[
            pltpu.VMEM((_AGG_B,), jnp.int32),
            pltpu.VMEM((_AGG_B,), jnp.int32),
            pltpu.VMEM((1, _AGG_B), jnp.int32),
            pltpu.VMEM((1, _AGG_B), jnp.int32),
            pltpu.VMEM((_AGG_B, H), jnp.float32),
            pltpu.VMEM((_AGG_B, H), jnp.float32),
            pltpu.SemaphoreType.DMA,
            pltpu.SemaphoreType.DMA,
            pltpu.SemaphoreType.DMA,
            pltpu.SemaphoreType.DMA,
            pltpu.VMEM_SHARED((NP, H), jnp.float32),
        ],
        compiler_params=_SC_PARAMS,
    )(table, edges2d)


_TB = 1024


def _norm_from_deg(d):
    return jnp.where(d > 0, lax.rsqrt(jnp.maximum(d, 1e-12)), 0.0)


def _mm1_body(x_ref, w_ref, dego_ref, degi_ref, o_ref, no_ref, ni_ref):
    no = _norm_from_deg(dego_ref[...])
    ni = _norm_from_deg(degi_ref[...])
    no_ref[...] = no
    ni_ref[...] = ni
    o_ref[...] = (
        jnp.dot(x_ref[...], w_ref[...], preferred_element_type=jnp.float32)
        * no
    )


def _mm1(x, W1, dego2d, degi2d):
    return pl.pallas_call(
        _mm1_body,
        grid=(NP // _TB,),
        in_specs=[
            pl.BlockSpec((_TB, D), lambda i: (i, 0)),
            pl.BlockSpec((D, H), lambda i: (0, 0)),
            pl.BlockSpec((_TB, 1), lambda i: (i, 0)),
            pl.BlockSpec((_TB, 1), lambda i: (i, 0)),
        ],
        out_specs=[
            pl.BlockSpec((_TB, H), lambda i: (i, 0)),
            pl.BlockSpec((_TB, 1), lambda i: (i, 0)),
            pl.BlockSpec((_TB, 1), lambda i: (i, 0)),
        ],
        out_shape=[
            jax.ShapeDtypeStruct((NP, H), jnp.float32),
            jax.ShapeDtypeStruct((NP, 1), jnp.float32),
            jax.ShapeDtypeStruct((NP, 1), jnp.float32),
        ],
    )(x, W1, dego2d, degi2d)


def _mid_body(p_ref, ni_ref, b1_ref, w2_ref, no_ref, o_ref):
    sacc = p_ref[0] + p_ref[1]
    h = jnp.maximum(sacc * ni_ref[...] + b1_ref[...], 0.0)
    o_ref[...] = (
        jnp.dot(h, w2_ref[...], preferred_element_type=jnp.float32)
        * no_ref[...]
    )


def _mid(p, ni2d, b1r, W2p, no2d):
    return pl.pallas_call(
        _mid_body,
        grid=(NP // _TB,),
        in_specs=[
            pl.BlockSpec((NC, _TB, H), lambda i: (0, i, 0)),
            pl.BlockSpec((_TB, 1), lambda i: (i, 0)),
            pl.BlockSpec((1, H), lambda i: (0, 0)),
            pl.BlockSpec((H, H), lambda i: (0, 0)),
            pl.BlockSpec((_TB, 1), lambda i: (i, 0)),
        ],
        out_specs=pl.BlockSpec((_TB, H), lambda i: (i, 0)),
        out_shape=jax.ShapeDtypeStruct((NP, H), jnp.float32),
    )(p, ni2d, b1r, W2p, no2d)


def _fin_body(q_ref, ni_ref, b2_ref, o_ref):
    v = (q_ref[0] + q_ref[1]) * ni_ref[...] + b2_ref[...]
    o_ref[...] = v[:, :C]


def _fin(q, ni2d, b2r):
    nb = N // 10
    return pl.pallas_call(
        _fin_body,
        grid=(10,),
        in_specs=[
            pl.BlockSpec((NC, nb, H), lambda i: (0, i, 0)),
            pl.BlockSpec((nb, 1), lambda i: (i, 0)),
            pl.BlockSpec((1, H), lambda i: (0, 0)),
        ],
        out_specs=pl.BlockSpec((nb, C), lambda i: (i, 0)),
        out_shape=jax.ShapeDtypeStruct((N, C), jnp.float32),
    )(q, ni2d, b2r)


def kernel(in_feat, edge_index, W1, b1, W2, b2):
    edges2d = edge_index.reshape(2 * E // _AGG_B, _AGG_B)
    W2p = jnp.zeros((H, H), W2.dtype).at[:, :C].set(W2)
    b2p = jnp.zeros((1, H), b2.dtype).at[0, :C].set(b2)

    degs = _degrees(edges2d)
    xw, no2d, ni2d = _mm1(in_feat, W1, degs[:NP].reshape(NP, 1),
                          degs[NP:].reshape(NP, 1))
    p = _agg(xw, edges2d)
    t2 = _mid(p, ni2d, b1.reshape(1, H), W2p, no2d)
    q = _agg(t2, edges2d)
    return _fin(q, ni2d, b2p)

# --- scband reference (transcript-rebuilt; emitter-appended) ---
"""Pipeline reference for scband-gcn-10574209483243 (READ-ONLY COPY).

The authoritative reference and input builder live on the scoring server;
editing this copy changes nothing except your own understanding.
"""

import jax, jax.numpy as jnp
import numpy as np

N = 10000
E = 320000
D = 128
H = 128
C = 16


def _gcn_layer(x, src, dst, W, b, n):
    # DGL GraphConv with norm='both', allow_zero_in_degree=True:
    # h = D_in^{-1/2} A D_out^{-1/2} x W + b, zero-degree norms set to 0
    ones = jnp.ones((src.shape[0],), dtype=x.dtype)
    deg_out = jax.ops.segment_sum(ones, src, num_segments=n)
    deg_in = jax.ops.segment_sum(ones, dst, num_segments=n)
    norm_out = jnp.where(deg_out > 0, jax.lax.rsqrt(jnp.maximum(deg_out, 1e-12)), 0.0)
    norm_in = jnp.where(deg_in > 0, jax.lax.rsqrt(jnp.maximum(deg_in, 1e-12)), 0.0)
    h = x * norm_out[:, None]
    msg = jnp.take(h, src, axis=0)          # gather over edges
    agg = jax.ops.segment_sum(msg, dst, num_segments=n)  # scatter-add
    agg = agg * norm_in[:, None]
    return agg @ W + b


def setup_inputs(seed: int = 0) -> dict:
    key = jax.random.key(seed)
    k1, k2, k3, k4, k5, k6 = jax.random.split(key, 6)
    in_feat = jax.random.normal(k1, (N, D), dtype=jnp.float32)
    edge_index = jax.random.randint(k2, (2, E), 0, N, dtype=jnp.int32)
    W1 = jax.random.normal(k3, (D, H), dtype=jnp.float32) * (1.0 / np.sqrt(D))
    b1 = jnp.zeros((H,), dtype=jnp.float32)
    W2 = jax.random.normal(k4, (H, C), dtype=jnp.float32) * (1.0 / np.sqrt(H))
    b2 = jnp.zeros((C,), dtype=jnp.float32)
    return {"in_feat": in_feat, "edge_index": edge_index, "W1": W1, "b1": b1, "W2": W2, "b2": b2}


def reference(in_feat, edge_index, W1, b1, W2, b2):
    src = edge_index[0]
    dst = edge_index[1]
    n = in_feat.shape[0]
    h = _gcn_layer(in_feat, src, dst, W1, b1, n)   # conv_in
    h = jax.nn.relu(h)
    # num_layers=2 -> no inter_layers
    h = _gcn_layer(h, src, dst, W2, b2, n)         # conv_out
    return h

if __name__ == "__main__":
    import jax
    _d = setup_inputs()
    print(jax.jit(kernel)(*tuple(_d.values())))

</pallas_src>

<mosaic_0001>
#map = affine_map<(d0, d1) -> (0, 0)>
#map1 = affine_map<(d0, d1) -> (0)>
module attributes {stable_mosaic.version = 14 : i64} {
  func.func @_deg_body(%arg0: i32, %arg1: i32, %arg2: memref<5000x128xi32, #tpu.memory_space<hbm>>, %arg3: memref<20480xf32, #tpu.memory_space<hbm>>, %arg4: memref<157x128xi32, #tpu.memory_space<vmem>>, %arg5: memref<128xf32, #tpu.memory_space<vmem>>, %arg6: memref<656xf32, #tpu.memory_space<vmem>>, %arg7: memref<10496xf32, #tpu.memory_space<vmem>>, %arg8: memref<!tpu.dma_semaphore, #tpu.memory_space<semaphore_mem>>, %arg9: memref<167936xf32, #tpu.memory_space<vmem_shared>>) attributes {dimension_semantics = [#tpu.dimension_semantics<core_parallel>, #tpu.dimension_semantics<subcore_parallel>], iteration_bounds = array<i64: 2, 16>, scalar_prefetch = 0 : i64, scratch_operands = 6 : i64, tpu.core_type = #tpu.core_type<sc_vector_subcore>, window_params = [{transform_indices = #map}, {transform_indices = #map1}]} {
    %broadcast_in_dim3A = arith.constant 0.000000e+00 : f32
    %broadcast_in_dim3A_0 = vector.broadcast %broadcast_in_dim3A : f32 to vector<16xf32>
    %broadcast_in_dim3A_1 = arith.constant 1.000000e+00 : f32
    %broadcast_in_dim3A_2 = vector.broadcast %broadcast_in_dim3A_1 : f32 to vector<16xf32>
    %scan3A = arith.constant 0 : i32
    %scan3A_3 = arith.constant 0 : i32
    %scan3A_4 = arith.constant 8 : i32
    %scan3A_5 = arith.addi %scan3A_3, %scan3A_4 : i32
    %scan3A_6 = arith.constant 1 : i32
    %scan3A_7 = scf.for %scan3A_618 = %scan3A_3 to %scan3A_5 step %scan3A_6 iter_args(%scan3A_619 = %scan3A) -> (i32)  : i32 {
      %mul3A_620 = arith.constant 16 : i32
      %mul3A_621 = arith.muli %scan3A_618, %mul3A_620 : i32
      %swap3A = arith.index_cast %mul3A_621 : i32 to index
      %swap3A_622 = tpu.vector_load %arg5[%swap3A] {strides = array<i32>} : memref<128xf32, #tpu.memory_space<vmem>>, vector<16xf32>,
      %swap3A_623 = vector.shape_cast %swap3A_622 : vector<16xf32> to vector<16xf32>
      %swap3A_624 = vector.shape_cast %broadcast_in_dim3A_2 : vector<16xf32> to vector<16xf32>
      tpu.vector_store %arg5[%swap3A], %swap3A_624 {strides = array<i32>} : memref<128xf32, #tpu.memory_space<vmem>>, vector<16xf32>,
      %scan3A_625 = arith.constant 0 : i32
      scf.yield %scan3A_625 : i32
    }
    %scan3A_8 = arith.constant 8 : i32
    %scan3A_9 = arith.constant 0 : i32
    %scan3A_10 = arith.constant 0 : i32
    %scan3A_11 = arith.constant 41 : i32
    %scan3A_12 = arith.addi %scan3A_10, %scan3A_11 : i32
    %scan3A_13 = arith.constant 1 : i32
    %scan3A_14 = scf.for %scan3A_618 = %scan3A_10 to %scan3A_12 step %scan3A_13 iter_args(%scan3A_619 = %scan3A_9) -> (i32)  : i32 {
      %mul3A_620 = arith.constant 16 : i32
      %mul3A_621 = arith.muli %scan3A_618, %mul3A_620 : i32
      %swap3A = arith.index_cast %mul3A_621 : i32 to index
      %swap3A_622 = tpu.vector_load %arg6[%swap3A] {strides = array<i32>} : memref<656xf32, #tpu.memory_space<vmem>>, vector<16xf32>,
      %swap3A_623 = vector.shape_cast %swap3A_622 : vector<16xf32> to vector<16xf32>
      %swap3A_624 = vector.shape_cast %broadcast_in_dim3A_0 : vector<16xf32> to vector<16xf32>
      tpu.vector_store %arg6[%swap3A], %swap3A_624 {strides = array<i32>} : memref<656xf32, #tpu.memory_space<vmem>>, vector<16xf32>,
      %scan3A_625 = arith.constant 0 : i32
      scf.yield %scan3A_625 : i32
    }
    %scan3A_15 = arith.constant 41 : i32
    %mul3A = arith.constant 10496 : i32
    %mul3A_16 = arith.muli %arg1, %mul3A : i32
    %add3A = arith.constant 0 : i32
    %add3A_17 = arith.addi %mul3A_16, %add3A : i32
    %dma_start3A = tpu.memref_slice %arg9[%add3A_17] : memref<167936xf32, #tpu.memory_space<vmem_shared>> -> memref<656xf32, #tpu.memory_space<vmem_shared>>
    %dma_start3A_18 = tpu.memref_slice %arg9[%add3A_17] : memref<167936xf32, #tpu.memory_space<vmem_shared>> -> memref<656xf32, #tpu.memory_space<vmem_shared>>
    tpu.enqueue_dma source(%arg6 : memref<656xf32, #tpu.memory_space<vmem>>) target(%dma_start3A_18 : memref<656xf32, #tpu.memory_space<vmem_shared>>) target_semaphore(%arg8 : memref<!tpu.dma_semaphore, #tpu.memory_space<semaphore_mem>>)
    %mul3A_19 = arith.constant 10496 : i32
    %mul3A_20 = arith.muli %arg1, %mul3A_19 : i32
    %add3A_21 = arith.constant 656 : i32
    %add3A_22 = arith.addi %mul3A_20, %add3A_21 : i32
    %dma_start3A_23 = tpu.memref_slice %arg9[%add3A_22] : memref<167936xf32, #tpu.memory_space<vmem_shared>> -> memref<656xf32, #tpu.memory_space<vmem_shared>>
    %dma_start3A_24 = tpu.memref_slice %arg9[%add3A_22] : memref<167936xf32, #tpu.memory_space<vmem_shared>> -> memref<656xf32, #tpu.memory_space<vmem_shared>>
    tpu.enqueue_dma source(%arg6 : memref<656xf32, #tpu.memory_space<vmem>>) target(%dma_start3A_24 : memref<656xf32, #tpu.memory_space<vmem_shared>>) target_semaphore(%arg8 : memref<!tpu.dma_semaphore, #tpu.memory_space<semaphore_mem>>)
    %mul3A_25 = arith.constant 10496 : i32
    %mul3A_26 = arith.muli %arg1, %mul3A_25 : i32
    %add3A_27 = arith.constant 1312 : i32
    %add3A_28 = arith.addi %mul3A_26, %add3A_27 : i32
    %dma_start3A_29 = tpu.memref_slice %arg9[%add3A_28] : memref<167936xf32, #tpu.memory_space<vmem_shared>> -> memref<656xf32, #tpu.memory_space<vmem_shared>>
    %dma_start3A_30 = tpu.memref_slice %arg9[%add3A_28] : memref<167936xf32, #tpu.memory_space<vmem_shared>> -> memref<656xf32, #tpu.memory_space<vmem_shared>>
    tpu.enqueue_dma source(%arg6 : memref<656xf32, #tpu.memory_space<vmem>>) target(%dma_start3A_30 : memref<656xf32, #tpu.memory_space<vmem_shared>>) target_semaphore(%arg8 : memref<!tpu.dma_semaphore, #tpu.memory_space<semaphore_mem>>)
    %mul3A_31 = arith.constant 10496 : i32
    %mul3A_32 = arith.muli %arg1, %mul3A_31 : i32
    %add3A_33 = arith.constant 1968 : i32
    %add3A_34 = arith.addi %mul3A_32, %add3A_33 : i32
    %dma_start3A_35 = tpu.memref_slice %arg9[%add3A_34] : memref<167936xf32, #tpu.memory_space<vmem_shared>> -> memref<656xf32, #tpu.memory_space<vmem_shared>>
    %dma_start3A_36 = tpu.memref_slice %arg9[%add3A_34] : memref<167936xf32, #tpu.memory_space<vmem_shared>> -> memref<656xf32, #tpu.memory_space<vmem_shared>>
    tpu.enqueue_dma source(%arg6 : memref<656xf32, #tpu.memory_space<vmem>>) target(%dma_start3A_36 : memref<656xf32, #tpu.memory_space<vmem_shared>>) target_semaphore(%arg8 : memref<!tpu.dma_semaphore, #tpu.memory_space<semaphore_mem>>)
    %mul3A_37 = arith.constant 10496 : i32
    %mul3A_38 = arith.muli %arg1, %mul3A_37 : i32
    %add3A_39 = arith.constant 2624 : i32
    %add3A_40 = arith.addi %mul3A_38, %add3A_39 : i32
    %dma_start3A_41 = tpu.memref_slice %arg9[%add3A_40] : memref<167936xf32, #tpu.memory_space<vmem_shared>> -> memref<656xf32, #tpu.memory_space<vmem_shared>>
    %dma_start3A_42 = tpu.memref_slice %arg9[%add3A_40] : memref<167936xf32, #tpu.memory_space<vmem_shared>> -> memref<656xf32, #tpu.memory_space<vmem_shared>>
    tpu.enqueue_dma source(%arg6 : memref<656xf32, #tpu.memory_space<vmem>>) target(%dma_start3A_42 : memref<656xf32, #tpu.memory_space<vmem_shared>>) target_semaphore(%arg8 : memref<!tpu.dma_semaphore, #tpu.memory_space<semaphore_mem>>)
    %mul3A_43 = arith.constant 10496 : i32
    %mul3A_44 = arith.muli %arg1, %mul3A_43 : i32
    %add3A_45 = arith.constant 3280 : i32
    %add3A_46 = arith.addi %mul3A_44, %add3A_45 : i32
    %dma_start3A_47 = tpu.memref_slice %arg9[%add3A_46] : memref<167936xf32, #tpu.memory_space<vmem_shared>> -> memref<656xf32, #tpu.memory_space<vmem_shared>>
    %dma_start3A_48 = tpu.memref_slice %arg9[%add3A_46] : memref<167936xf32, #tpu.memory_space<vmem_shared>> -> memref<656xf32, #tpu.memory_space<vmem_shared>>
    tpu.enqueue_dma source(%arg6 : memref<656xf32, #tpu.memory_space<vmem>>) target(%dma_start3A_48 : memref<656xf32, #tpu.memory_space<vmem_shared>>) target_semaphore(%arg8 : memref<!tpu.dma_semaphore, #tpu.memory_space<semaphore_mem>>)
    %mul3A_49 = arith.constant 10496 : i32
    %mul3A_50 = arith.muli %arg1, %mul3A_49 : i32
    %add3A_51 = arith.constant 3936 : i32
    %add3A_52 = arith.addi %mul3A_50, %add3A_51 : i32
    %dma_start3A_53 = tpu.memref_slice %arg9[%add3A_52] : memref<167936xf32, #tpu.memory_space<vmem_shared>> -> memref<656xf32, #tpu.memory_space<vmem_shared>>
    %dma_start3A_54 = tpu.memref_slice %arg9[%add3A_52] : memref<167936xf32, #tpu.memory_space<vmem_shared>> -> memref<656xf32, #tpu.memory_space<vmem_shared>>
    tpu.enqueue_dma source(%arg6 : memref<656xf32, #tpu.memory_space<vmem>>) target(%dma_start3A_54 : memref<656xf32, #tpu.memory_space<vmem_shared>>) target_semaphore(%arg8 : memref<!tpu.dma_semaphore, #tpu.memory_space<semaphore_mem>>)
    %mul3A_55 = arith.constant 10496 : i32
    %mul3A_56 = arith.muli %arg1, %mul3A_55 : i32
    %add3A_57 = arith.constant 4592 : i32
    %add3A_58 = arith.addi %mul3A_56, %add3A_57 : i32
    %dma_start3A_59 = tpu.memref_slice %arg9[%add3A_58] : memref<167936xf32, #tpu.memory_space<vmem_shared>> -> memref<656xf32, #tpu.memory_space<vmem_shared>>
    %dma_start3A_60 = tpu.memref_slice %arg9[%add3A_58] : memref<167936xf32, #tpu.memory_space<vmem_shared>> -> memref<656xf32, #tpu.memory_space<vmem_shared>>
    tpu.enqueue_dma source(%arg6 : memref<656xf32, #tpu.memory_space<vmem>>) target(%dma_start3A_60 : memref<656xf32, #tpu.memory_space<vmem_shared>>) target_semaphore(%arg8 : memref<!tpu.dma_semaphore, #tpu.memory_space<semaphore_mem>>)
    %mul3A_61 = arith.constant 10496 : i32
    %mul3A_62 = arith.muli %arg1, %mul3A_61 : i32
    %add3A_63 = arith.constant 5248 : i32
    %add3A_64 = arith.addi %mul3A_62, %add3A_63 : i32
    %dma_start3A_65 = tpu.memref_slice %arg9[%add3A_64] : memref<167936xf32, #tpu.memory_space<vmem_shared>> -> memref<656xf32, #tpu.memory_space<vmem_shared>>
    %dma_start3A_66 = tpu.memref_slice %arg9[%add3A_64] : memref<167936xf32, #tpu.memory_space<vmem_shared>> -> memref<656xf32, #tpu.memory_space<vmem_shared>>
    tpu.enqueue_dma source(%arg6 : memref<656xf32, #tpu.memory_space<vmem>>) target(%dma_start3A_66 : memref<656xf32, #tpu.memory_space<vmem_shared>>) target_semaphore(%arg8 : memref<!tpu.dma_semaphore, #tpu.memory_space<semaphore_mem>>)
    %mul3A_67 = arith.constant 10496 : i32
    %mul3A_68 = arith.muli %arg1, %mul3A_67 : i32
    %add3A_69 = arith.constant 5904 : i32
    %add3A_70 = arith.addi %mul3A_68, %add3A_69 : i32
    %dma_start3A_71 = tpu.memref_slice %arg9[%add3A_70] : memref<167936xf32, #tpu.memory_space<vmem_shared>> -> memref<656xf32, #tpu.memory_space<vmem_shared>>
    %dma_start3A_72 = tpu.memref_slice %arg9[%add3A_70] : memref<167936xf32, #tpu.memory_space<vmem_shared>> -> memref<656xf32, #tpu.memory_space<vmem_shared>>
    tpu.enqueue_dma source(%arg6 : memref<656xf32, #tpu.memory_space<vmem>>) target(%dma_start3A_72 : memref<656xf32, #tpu.memory_space<vmem_shared>>) target_semaphore(%arg8 : memref<!tpu.dma_semaphore, #tpu.memory_space<semaphore_mem>>)
    %mul3A_73 = arith.constant 10496 : i32
    %mul3A_74 = arith.muli %arg1, %mul3A_73 : i32
    %add3A_75 = arith.constant 6560 : i32
    %add3A_76 = arith.addi %mul3A_74, %add3A_75 : i32
    %dma_start3A_77 = tpu.memref_slice %arg9[%add3A_76] : memref<167936xf32, #tpu.memory_space<vmem_shared>> -> memref<656xf32, #tpu.memory_space<vmem_shared>>
    %dma_start3A_78 = tpu.memref_slice %arg9[%add3A_76] : memref<167936xf32, #tpu.memory_space<vmem_shared>> -> memref<656xf32, #tpu.memory_space<vmem_shared>>
    tpu.enqueue_dma source(%arg6 : memref<656xf32, #tpu.memory_space<vmem>>) target(%dma_start3A_78 : memref<656xf32, #tpu.memory_space<vmem_shared>>) target_semaphore(%arg8 : memref<!tpu.dma_semaphore, #tpu.memory_space<semaphore_mem>>)
    %mul3A_79 = arith.constant 10496 : i32
    %mul3A_80 = arith.muli %arg1, %mul3A_79 : i32
    %add3A_81 = arith.constant 7216 : i32
    %add3A_82 = arith.addi %mul3A_80, %add3A_81 : i32
    %dma_start3A_83 = tpu.memref_slice %arg9[%add3A_82] : memref<167936xf32, #tpu.memory_space<vmem_shared>> -> memref<656xf32, #tpu.memory_space<vmem_shared>>
    %dma_start3A_84 = tpu.memref_slice %arg9[%add3A_82] : memref<167936xf32, #tpu.memory_space<vmem_shared>> -> memref<656xf32, #tpu.memory_space<vmem_shared>>
    tpu.enqueue_dma source(%arg6 : memref<656xf32, #tpu.memory_space<vmem>>) target(%dma_start3A_84 : memref<656xf32, #tpu.memory_space<vmem_shared>>) target_semaphore(%arg8 : memref<!tpu.dma_semaphore, #tpu.memory_space<semaphore_mem>>)
    %mul3A_85 = arith.constant 10496 : i32
    %mul3A_86 = arith.muli %arg1, %mul3A_85 : i32
    %add3A_87 = arith.constant 7872 : i32
    %add3A_88 = arith.addi %mul3A_86, %add3A_87 : i32
    %dma_start3A_89 = tpu.memref_slice %arg9[%add3A_88] : memref<167936xf32, #tpu.memory_space<vmem_shared>> -> memref<656xf32, #tpu.memory_space<vmem_shared>>
    %dma_start3A_90 = tpu.memref_slice %arg9[%add3A_88] : memref<167936xf32, #tpu.memory_space<vmem_shared>> -> memref<656xf32, #tpu.memory_space<vmem_shared>>
    tpu.enqueue_dma source(%arg6 : memref<656xf32, #tpu.memory_space<vmem>>) target(%dma_start3A_90 : memref<656xf32, #tpu.memory_space<vmem_shared>>) target_semaphore(%arg8 : memref<!tpu.dma_semaphore, #tpu.memory_space<semaphore_mem>>)
    %mul3A_91 = arith.constant 10496 : i32
    %mul3A_92 = arith.muli %arg1, %mul3A_91 : i32
    %add3A_93 = arith.constant 8528 : i32
    %add3A_94 = arith.addi %mul3A_92, %add3A_93 : i32
    %dma_start3A_95 = tpu.memref_slice %arg9[%add3A_94] : memref<167936xf32, #tpu.memory_space<vmem_shared>> -> memref<656xf32, #tpu.memory_space<vmem_shared>>
    %dma_start3A_96 = tpu.memref_slice %arg9[%add3A_94] : memref<167936xf32, #tpu.memory_space<vmem_shared>> -> memref<656xf32, #tpu.memory_space<vmem_shared>>
    tpu.enqueue_dma source(%arg6 : memref<656xf32, #tpu.memory_space<vmem>>) target(%dma_start3A_96 : memref<656xf32, #tpu.memory_space<vmem_shared>>) target_semaphore(%arg8 : memref<!tpu.dma_semaphore, #tpu.memory_space<semaphore_mem>>)
    %mul3A_97 = arith.constant 10496 : i32
    %mul3A_98 = arith.muli %arg1, %mul3A_97 : i32
    %add3A_99 = arith.constant 9184 : i32
    %add3A_100 = arith.addi %mul3A_98, %add3A_99 : i32
    %dma_start3A_101 = tpu.memref_slice %arg9[%add3A_100] : memref<167936xf32, #tpu.memory_space<vmem_shared>> -> memref<656xf32, #tpu.memory_space<vmem_shared>>
    %dma_start3A_102 = tpu.memref_slice %arg9[%add3A_100] : memref<167936xf32, #tpu.memory_space<vmem_shared>> -> memref<656xf32, #tpu.memory_space<vmem_shared>>
    tpu.enqueue_dma source(%arg6 : memref<656xf32, #tpu.memory_space<vmem>>) target(%dma_start3A_102 : memref<656xf32, #tpu.memory_space<vmem_shared>>) target_semaphore(%arg8 : memref<!tpu.dma_semaphore, #tpu.memory_space<semaphore_mem>>)
    %mul3A_103 = arith.constant 10496 : i32
    %mul3A_104 = arith.muli %arg1, %mul3A_103 : i32
    %add3A_105 = arith.constant 9840 : i32
    %add3A_106 = arith.addi %mul3A_104, %add3A_105 : i32
    %dma_start3A_107 = tpu.memref_slice %arg9[%add3A_106] : memref<167936xf32, #tpu.memory_space<vmem_shared>> -> memref<656xf32, #tpu.memory_space<vmem_shared>>
    %dma_start3A_108 = tpu.memref_slice %arg9[%add3A_106] : memref<167936xf32, #tpu.memory_space<vmem_shared>> -> memref<656xf32, #tpu.memory_space<vmem_shared>>
    tpu.enqueue_dma source(%arg6 : memref<656xf32, #tpu.memory_space<vmem>>) target(%dma_start3A_108 : memref<656xf32, #tpu.memory_space<vmem_shared>>) target_semaphore(%arg8 : memref<!tpu.dma_semaphore, #tpu.memory_space<semaphore_mem>>)
    %mul3A_109 = arith.constant 10496 : i32
    %mul3A_110 = arith.muli %arg1, %mul3A_109 : i32
    %add3A_111 = arith.constant 0 : i32
    %add3A_112 = arith.addi %mul3A_110, %add3A_111 : i32
    %dma_wait3A = tpu.memref_slice %arg9[%add3A_112] : memref<167936xf32, #tpu.memory_space<vmem_shared>> -> memref<656xf32, #tpu.memory_space<vmem_shared>>
    %dma_wait3A_113 = tpu.memref_slice %arg9[%add3A_112] : memref<167936xf32, #tpu.memory_space<vmem_shared>> -> memref<656xf32, #tpu.memory_space<vmem_shared>>
    tpu.wait_dma2 semaphore(%arg8 : memref<!tpu.dma_semaphore, #tpu.memory_space<semaphore_mem>>) src(%arg6 : memref<656xf32, #tpu.memory_space<vmem>>) dst(%dma_wait3A_113 : memref<656xf32, #tpu.memory_space<vmem_shared>>)
    %mul3A_114 = arith.constant 10496 : i32
    %mul3A_115 = arith.muli %arg1, %mul3A_114 : i32
    %add3A_116 = arith.constant 656 : i32
    %add3A_117 = arith.addi %mul3A_115, %add3A_116 : i32
    %dma_wait3A_118 = tpu.memref_slice %arg9[%add3A_117] : memref<167936xf32, #tpu.memory_space<vmem_shared>> -> memref<656xf32, #tpu.memory_space<vmem_shared>>
    %dma_wait3A_119 = tpu.memref_slice %arg9[%add3A_117] : memref<167936xf32, #tpu.memory_space<vmem_shared>> -> memref<656xf32, #tpu.memory_space<vmem_shared>>
    tpu.wait_dma2 semaphore(%arg8 : memref<!tpu.dma_semaphore, #tpu.memory_space<semaphore_mem>>) src(%arg6 : memref<656xf32, #tpu.memory_space<vmem>>) dst(%dma_wait3A_119 : memref<656xf32, #tpu.memory_space<vmem_shared>>)
    %mul3A_120 = arith.constant 10496 : i32
    %mul3A_121 = arith.muli %arg1, %mul3A_120 : i32
    %add3A_122 = arith.constant 1312 : i32
    %add3A_123 = arith.addi %mul3A_121, %add3A_122 : i32
    %dma_wait3A_124 = tpu.memref_slice %arg9[%add3A_123] : memref<167936xf32, #tpu.memory_space<vmem_shared>> -> memref<656xf32, #tpu.memory_space<vmem_shared>>
    %dma_wait3A_125 = tpu.memref_slice %arg9[%add3A_123] : memref<167936xf32, #tpu.memory_space<vmem_shared>> -> memref<656xf32, #tpu.memory_space<vmem_shared>>
    tpu.wait_dma2 semaphore(%arg8 : memref<!tpu.dma_semaphore, #tpu.memory_space<semaphore_mem>>) src(%arg6 : memref<656xf32, #tpu.memory_space<vmem>>) dst(%dma_wait3A_125 : memref<656xf32, #tpu.memory_space<vmem_shared>>)
    %mul3A_126 = arith.constant 10496 : i32
    %mul3A_127 = arith.muli %arg1, %mul3A_126 : i32
    %add3A_128 = arith.constant 1968 : i32
    %add3A_129 = arith.addi %mul3A_127, %add3A_128 : i32
    %dma_wait3A_130 = tpu.memref_slice %arg9[%add3A_129] : memref<167936xf32, #tpu.memory_space<vmem_shared>> -> memref<656xf32, #tpu.memory_space<vmem_shared>>
    %dma_wait3A_131 = tpu.memref_slice %arg9[%add3A_129] : memref<167936xf32, #tpu.memory_space<vmem_shared>> -> memref<656xf32, #tpu.memory_space<vmem_shared>>
    tpu.wait_dma2 semaphore(%arg8 : memref<!tpu.dma_semaphore, #tpu.memory_space<semaphore_mem>>) src(%arg6 : memref<656xf32, #tpu.memory_space<vmem>>) dst(%dma_wait3A_131 : memref<656xf32, #tpu.memory_space<vmem_shared>>)
    %mul3A_132 = arith.constant 10496 : i32
    %mul3A_133 = arith.muli %arg1, %mul3A_132 : i32
    %add3A_134 = arith.constant 2624 : i32
    %add3A_135 = arith.addi %mul3A_133, %add3A_134 : i32
    %dma_wait3A_136 = tpu.memref_slice %arg9[%add3A_135] : memref<167936xf32, #tpu.memory_space<vmem_shared>> -> memref<656xf32, #tpu.memory_space<vmem_shared>>
    %dma_wait3A_137 = tpu.memref_slice %arg9[%add3A_135] : memref<167936xf32, #tpu.memory_space<vmem_shared>> -> memref<656xf32, #tpu.memory_space<vmem_shared>>
    tpu.wait_dma2 semaphore(%arg8 : memref<!tpu.dma_semaphore, #tpu.memory_space<semaphore_mem>>) src(%arg6 : memref<656xf32, #tpu.memory_space<vmem>>) dst(%dma_wait3A_137 : memref<656xf32, #tpu.memory_space<vmem_shared>>)
    %mul3A_138 = arith.constant 10496 : i32
    %mul3A_139 = arith.muli %arg1, %mul3A_138 : i32
    %add3A_140 = arith.constant 3280 : i32
    %add3A_141 = arith.addi %mul3A_139, %add3A_140 : i32
    %dma_wait3A_142 = tpu.memref_slice %arg9[%add3A_141] : memref<167936xf32, #tpu.memory_space<vmem_shared>> -> memref<656xf32, #tpu.memory_space<vmem_shared>>
    %dma_wait3A_143 = tpu.memref_slice %arg9[%add3A_141] : memref<167936xf32, #tpu.memory_space<vmem_shared>> -> memref<656xf32, #tpu.memory_space<vmem_shared>>
    tpu.wait_dma2 semaphore(%arg8 : memref<!tpu.dma_semaphore, #tpu.memory_space<semaphore_mem>>) src(%arg6 : memref<656xf32, #tpu.memory_space<vmem>>) dst(%dma_wait3A_143 : memref<656xf32, #tpu.memory_space<vmem_shared>>)
    %mul3A_144 = arith.constant 10496 : i32
    %mul3A_145 = arith.muli %arg1, %mul3A_144 : i32
    %add3A_146 = arith.constant 3936 : i32
    %add3A_147 = arith.addi %mul3A_145, %add3A_146 : i32
    %dma_wait3A_148 = tpu.memref_slice %arg9[%add3A_147] : memref<167936xf32, #tpu.memory_space<vmem_shared>> -> memref<656xf32, #tpu.memory_space<vmem_shared>>
    %dma_wait3A_149 = tpu.memref_slice %arg9[%add3A_147] : memref<167936xf32, #tpu.memory_space<vmem_shared>> -> memref<656xf32, #tpu.memory_space<vmem_shared>>
    tpu.wait_dma2 semaphore(%arg8 : memref<!tpu.dma_semaphore, #tpu.memory_space<semaphore_mem>>) src(%arg6 : memref<656xf32, #tpu.memory_space<vmem>>) dst(%dma_wait3A_149 : memref<656xf32, #tpu.memory_space<vmem_shared>>)
    %mul3A_150 = arith.constant 10496 : i32
    %mul3A_151 = arith.muli %arg1, %mul3A_150 : i32
    %add3A_152 = arith.constant 4592 : i32
    %add3A_153 = arith.addi %mul3A_151, %add3A_152 : i32
    %dma_wait3A_154 = tpu.memref_slice %arg9[%add3A_153] : memref<167936xf32, #tpu.memory_space<vmem_shared>> -> memref<656xf32, #tpu.memory_space<vmem_shared>>
    %dma_wait3A_155 = tpu.memref_slice %arg9[%add3A_153] : memref<167936xf32, #tpu.memory_space<vmem_shared>> -> memref<656xf32, #tpu.memory_space<vmem_shared>>
    tpu.wait_dma2 semaphore(%arg8 : memref<!tpu.dma_semaphore, #tpu.memory_space<semaphore_mem>>) src(%arg6 : memref<656xf32, #tpu.memory_space<vmem>>) dst(%dma_wait3A_155 : memref<656xf32, #tpu.memory_space<vmem_shared>>)
    %mul3A_156 = arith.constant 10496 : i32
    %mul3A_157 = arith.muli %arg1, %mul3A_156 : i32
    %add3A_158 = arith.constant 5248 : i32
    %add3A_159 = arith.addi %mul3A_157, %add3A_158 : i32
    %dma_wait3A_160 = tpu.memref_slice %arg9[%add3A_159] : memref<167936xf32, #tpu.memory_space<vmem_shared>> -> memref<656xf32, #tpu.memory_space<vmem_shared>>
    %dma_wait3A_161 = tpu.memref_slice %arg9[%add3A_159] : memref<167936xf32, #tpu.memory_space<vmem_shared>> -> memref<656xf32, #tpu.memory_space<vmem_shared>>
    tpu.wait_dma2 semaphore(%arg8 : memref<!tpu.dma_semaphore, #tpu.memory_space<semaphore_mem>>) src(%arg6 : memref<656xf32, #tpu.memory_space<vmem>>) dst(%dma_wait3A_161 : memref<656xf32, #tpu.memory_space<vmem_shared>>)
    %mul3A_162 = arith.constant 10496 : i32
    %mul3A_163 = arith.muli %arg1, %mul3A_162 : i32
    %add3A_164 = arith.constant 5904 : i32
    %add3A_165 = arith.addi %mul3A_163, %add3A_164 : i32
    %dma_wait3A_166 = tpu.memref_slice %arg9[%add3A_165] : memref<167936xf32, #tpu.memory_space<vmem_shared>> -> memref<656xf32, #tpu.memory_space<vmem_shared>>
    %dma_wait3A_167 = tpu.memref_slice %arg9[%add3A_165] : memref<167936xf32, #tpu.memory_space<vmem_shared>> -> memref<656xf32, #tpu.memory_space<vmem_shared>>
    tpu.wait_dma2 semaphore(%arg8 : memref<!tpu.dma_semaphore, #tpu.memory_space<semaphore_mem>>) src(%arg6 : memref<656xf32, #tpu.memory_space<vmem>>) dst(%dma_wait3A_167 : memref<656xf32, #tpu.memory_space<vmem_shared>>)
    %mul3A_168 = arith.constant 10496 : i32
    %mul3A_169 = arith.muli %arg1, %mul3A_168 : i32
    %add3A_170 = arith.constant 6560 : i32
    %add3A_171 = arith.addi %mul3A_169, %add3A_170 : i32
    %dma_wait3A_172 = tpu.memref_slice %arg9[%add3A_171] : memref<167936xf32, #tpu.memory_space<vmem_shared>> -> memref<656xf32, #tpu.memory_space<vmem_shared>>
    %dma_wait3A_173 = tpu.memref_slice %arg9[%add3A_171] : memref<167936xf32, #tpu.memory_space<vmem_shared>> -> memref<656xf32, #tpu.memory_space<vmem_shared>>
    tpu.wait_dma2 semaphore(%arg8 : memref<!tpu.dma_semaphore, #tpu.memory_space<semaphore_mem>>) src(%arg6 : memref<656xf32, #tpu.memory_space<vmem>>) dst(%dma_wait3A_173 : memref<656xf32, #tpu.memory_space<vmem_shared>>)
    %mul3A_174 = arith.constant 10496 : i32
    %mul3A_175 = arith.muli %arg1, %mul3A_174 : i32
    %add3A_176 = arith.constant 7216 : i32
    %add3A_177 = arith.addi %mul3A_175, %add3A_176 : i32
    %dma_wait3A_178 = tpu.memref_slice %arg9[%add3A_177] : memref<167936xf32, #tpu.memory_space<vmem_shared>> -> memref<656xf32, #tpu.memory_space<vmem_shared>>
    %dma_wait3A_179 = tpu.memref_slice %arg9[%add3A_177] : memref<167936xf32, #tpu.memory_space<vmem_shared>> -> memref<656xf32, #tpu.memory_space<vmem_shared>>
    tpu.wait_dma2 semaphore(%arg8 : memref<!tpu.dma_semaphore, #tpu.memory_space<semaphore_mem>>) src(%arg6 : memref<656xf32, #tpu.memory_space<vmem>>) dst(%dma_wait3A_179 : memref<656xf32, #tpu.memory_space<vmem_shared>>)
    %mul3A_180 = arith.constant 10496 : i32
    %mul3A_181 = arith.muli %arg1, %mul3A_180 : i32
    %add3A_182 = arith.constant 7872 : i32
    %add3A_183 = arith.addi %mul3A_181, %add3A_182 : i32
    %dma_wait3A_184 = tpu.memref_slice %arg9[%add3A_183] : memref<167936xf32, #tpu.memory_space<vmem_shared>> -> memref<656xf32, #tpu.memory_space<vmem_shared>>
    %dma_wait3A_185 = tpu.memref_slice %arg9[%add3A_183] : memref<167936xf32, #tpu.memory_space<vmem_shared>> -> memref<656xf32, #tpu.memory_space<vmem_shared>>
    tpu.wait_dma2 semaphore(%arg8 : memref<!tpu.dma_semaphore, #tpu.memory_space<semaphore_mem>>) src(%arg6 : memref<656xf32, #tpu.memory_space<vmem>>) dst(%dma_wait3A_185 : memref<656xf32, #tpu.memory_space<vmem_shared>>)
    %mul3A_186 = arith.constant 10496 : i32
    %mul3A_187 = arith.muli %arg1, %mul3A_186 : i32
    %add3A_188 = arith.constant 8528 : i32
    %add3A_189 = arith.addi %mul3A_187, %add3A_188 : i32
    %dma_wait3A_190 = tpu.memref_slice %arg9[%add3A_189] : memref<167936xf32, #tpu.memory_space<vmem_shared>> -> memref<656xf32, #tpu.memory_space<vmem_shared>>
    %dma_wait3A_191 = tpu.memref_slice %arg9[%add3A_189] : memref<167936xf32, #tpu.memory_space<vmem_shared>> -> memref<656xf32, #tpu.memory_space<vmem_shared>>
    tpu.wait_dma2 semaphore(%arg8 : memref<!tpu.dma_semaphore, #tpu.memory_space<semaphore_mem>>) src(%arg6 : memref<656xf32, #tpu.memory_space<vmem>>) dst(%dma_wait3A_191 : memref<656xf32, #tpu.memory_space<vmem_shared>>)
    %mul3A_192 = arith.constant 10496 : i32
    %mul3A_193 = arith.muli %arg1, %mul3A_192 : i32
    %add3A_194 = arith.constant 9184 : i32
    %add3A_195 = arith.addi %mul3A_193, %add3A_194 : i32
    %dma_wait3A_196 = tpu.memref_slice %arg9[%add3A_195] : memref<167936xf32, #tpu.memory_space<vmem_shared>> -> memref<656xf32, #tpu.memory_space<vmem_shared>>
    %dma_wait3A_197 = tpu.memref_slice %arg9[%add3A_195] : memref<167936xf32, #tpu.memory_space<vmem_shared>> -> memref<656xf32, #tpu.memory_space<vmem_shared>>
    tpu.wait_dma2 semaphore(%arg8 : memref<!tpu.dma_semaphore, #tpu.memory_space<semaphore_mem>>) src(%arg6 : memref<656xf32, #tpu.memory_space<vmem>>) dst(%dma_wait3A_197 : memref<656xf32, #tpu.memory_space<vmem_shared>>)
    %mul3A_198 = arith.constant 10496 : i32
    %mul3A_199 = arith.muli %arg1, %mul3A_198 : i32
    %add3A_200 = arith.constant 9840 : i32
    %add3A_201 = arith.addi %mul3A_199, %add3A_200 : i32
    %dma_wait3A_202 = tpu.memref_slice %arg9[%add3A_201] : memref<167936xf32, #tpu.memory_space<vmem_shared>> -> memref<656xf32, #tpu.memory_space<vmem_shared>>
    %dma_wait3A_203 = tpu.memref_slice %arg9[%add3A_201] : memref<167936xf32, #tpu.memory_space<vmem_shared>> -> memref<656xf32, #tpu.memory_space<vmem_shared>>
    tpu.wait_dma2 semaphore(%arg8 : memref<!tpu.dma_semaphore, #tpu.memory_space<semaphore_mem>>) src(%arg6 : memref<656xf32, #tpu.memory_space<vmem>>) dst(%dma_wait3A_203 : memref<656xf32, #tpu.memory_space<vmem_shared>>)
    %mul3A_204 = arith.constant 2500 : i32
    %mul3A_205 = arith.muli %arg0, %mul3A_204 : i32
    %mul3A_206 = arith.constant 156 : i32
    %mul3A_207 = arith.muli %arg1, %mul3A_206 : i32
    %add3A_208 = arith.addi %mul3A_205, %mul3A_207 : i32
    "tpu.region"() ({
      %run_scoped3A = tpu.sem_alloc : memref<!tpu.dma_semaphore, #tpu.memory_space<semaphore_mem>>
      %dma_start3A_618 = arith.constant 0 : i32
      %dma_start3A_619 = arith.constant 0 : i32
      %dma_start3A_620 = tpu.memref_slice %arg4[%dma_start3A_618, %dma_start3A_619] : memref<157x128xi32, #tpu.memory_space<vmem>> -> memref<156x128xi32, #tpu.memory_space<vmem>>
      %dma_start3A_621 = arith.constant 0 : i32
      %dma_start3A_622 = tpu.memref_slice %arg2[%add3A_208, %dma_start3A_621] : memref<5000x128xi32, #tpu.memory_space<hbm>> -> memref<156x128xi32, #tpu.memory_space<hbm>>
      %dma_start3A_623 = arith.constant 0 : i32
      %dma_start3A_624 = arith.constant 0 : i32
      %dma_start3A_625 = tpu.memref_slice %arg4[%dma_start3A_623, %dma_start3A_624] : memref<157x128xi32, #tpu.memory_space<vmem>> -> memref<156x128xi32, #tpu.memory_space<vmem>>
      %dma_start3A_626 = arith.constant 0 : i32
      %dma_start3A_627 = tpu.memref_slice %arg2[%add3A_208, %dma_start3A_626] : memref<5000x128xi32, #tpu.memory_space<hbm>> -> memref<156x128xi32, #tpu.memory_space<hbm>>
      tpu.enqueue_dma source(%dma_start3A_627 : memref<156x128xi32, #tpu.memory_space<hbm>>) target(%dma_start3A_625 : memref<156x128xi32, #tpu.memory_space<vmem>>) target_semaphore(%run_scoped3A : memref<!tpu.dma_semaphore, #tpu.memory_space<semaphore_mem>>)
      %dma_wait3A_628 = arith.constant 0 : i32
      %dma_wait3A_629 = arith.constant 0 : i32
      %dma_wait3A_630 = tpu.memref_slice %arg4[%dma_wait3A_628, %dma_wait3A_629] : memref<157x128xi32, #tpu.memory_space<vmem>> -> memref<156x128xi32, #tpu.memory_space<vmem>>
      %dma_wait3A_631 = arith.constant 0 : i32
      %dma_wait3A_632 = tpu.memref_slice %arg2[%add3A_208, %dma_wait3A_631] : memref<5000x128xi32, #tpu.memory_space<hbm>> -> memref<156x128xi32, #tpu.memory_space<hbm>>
      %dma_wait3A_633 = arith.constant 0 : i32
      %dma_wait3A_634 = arith.constant 0 : i32
      %dma_wait3A_635 = tpu.memref_slice %arg4[%dma_wait3A_633, %dma_wait3A_634] : memref<157x128xi32, #tpu.memory_space<vmem>> -> memref<156x128xi32, #tpu.memory_space<vmem>>
      %dma_wait3A_636 = arith.constant 0 : i32
      %dma_wait3A_637 = tpu.memref_slice %arg2[%add3A_208, %dma_wait3A_636] : memref<5000x128xi32, #tpu.memory_space<hbm>> -> memref<156x128xi32, #tpu.memory_space<hbm>>
      tpu.wait_dma2 semaphore(%run_scoped3A : memref<!tpu.dma_semaphore, #tpu.memory_space<semaphore_mem>>) src(%dma_wait3A_637 : memref<156x128xi32, #tpu.memory_space<hbm>>) dst(%dma_wait3A_635 : memref<156x128xi32, #tpu.memory_space<vmem>>)
      tpu.yield
    }) : () -> ()
    %lt3A = arith.constant 4 : i32
    %lt3A_209 = arith.cmpi slt, %arg1, %lt3A : i32
    %convert_element_type3A = arith.extui %lt3A_209 : i1 to i32
    %cond3A = arith.constant 0 : i32
    %cond3A_210 = arith.cmpi ne, %convert_element_type3A, %cond3A : i32
    scf.if %cond3A_210 {
      %mul3A_618 = arith.constant 2500 : i32
      %mul3A_619 = arith.muli %arg0, %mul3A_618 : i32
      %add3A_620 = arith.constant 2500 : i32
      %add3A_621 = arith.addi %mul3A_619, %add3A_620 : i32
      %sub3A = arith.constant 4 : i32
      %sub3A_622 = arith.subi %add3A_621, %sub3A : i32
      %add3A_623 = arith.addi %sub3A_622, %arg1 : i32
      %run_scoped3A = arith.constant 156 : i32
      "tpu.region"() ({
        %run_scoped3A_624 = tpu.sem_alloc : memref<!tpu.dma_semaphore, #tpu.memory_space<semaphore_mem>>
        %dma_start3A_625 = arith.constant 0 : i32
        %dma_start3A_626 = tpu.memref_slice %arg4[%run_scoped3A, %dma_start3A_625] : memref<157x128xi32, #tpu.memory_space<vmem>> -> memref<1x128xi32, #tpu.memory_space<vmem>>
        %dma_start3A_627 = tpu.memref_squeeze %dma_start3A_626 : memref<1x128xi32, #tpu.memory_space<vmem>> -> memref<128xi32, #tpu.memory_space<vmem>>
        %dma_start3A_628 = arith.constant 0 : i32
        %dma_start3A_629 = tpu.memref_slice %arg2[%add3A_623, %dma_start3A_628] : memref<5000x128xi32, #tpu.memory_space<hbm>> -> memref<1x128xi32, #tpu.memory_space<hbm>>
        %dma_start3A_630 = tpu.memref_squeeze %dma_start3A_629 : memref<1x128xi32, #tpu.memory_space<hbm>> -> memref<128xi32, #tpu.memory_space<hbm>>
        %dma_start3A_631 = arith.constant 0 : i32
        %dma_start3A_632 = tpu.memref_slice %arg4[%run_scoped3A, %dma_start3A_631] : memref<157x128xi32, #tpu.memory_space<vmem>> -> memref<1x128xi32, #tpu.memory_space<vmem>>
        %dma_start3A_633 = tpu.memref_squeeze %dma_start3A_632 : memref<1x128xi32, #tpu.memory_space<vmem>> -> memref<128xi32, #tpu.memory_space<vmem>>
        %dma_start3A_634 = arith.constant 0 : i32
        %dma_start3A_635 = tpu.memref_slice %arg2[%add3A_623, %dma_start3A_634] : memref<5000x128xi32, #tpu.memory_space<hbm>> -> memref<1x128xi32, #tpu.memory_space<hbm>>
        %dma_start3A_636 = tpu.memref_squeeze %dma_start3A_635 : memref<1x128xi32, #tpu.memory_space<hbm>> -> memref<128xi32, #tpu.memory_space<hbm>>
        tpu.enqueue_dma source(%dma_start3A_636 : memref<128xi32, #tpu.memory_space<hbm>>) target(%dma_start3A_633 : memref<128xi32, #tpu.memory_space<vmem>>) target_semaphore(%run_scoped3A_624 : memref<!tpu.dma_semaphore, #tpu.memory_space<semaphore_mem>>)
        %dma_wait3A_637 = arith.constant 0 : i32
        %dma_wait3A_638 = tpu.memref_slice %arg4[%run_scoped3A, %dma_wait3A_637] : memref<157x128xi32, #tpu.memory_space<vmem>> -> memref<1x128xi32, #tpu.memory_space<vmem>>
        %dma_wait3A_639 = tpu.memref_squeeze %dma_wait3A_638 : memref<1x128xi32, #tpu.memory_space<vmem>> -> memref<128xi32, #tpu.memory_space<vmem>>
        %dma_wait3A_640 = arith.constant 0 : i32
        %dma_wait3A_641 = tpu.memref_slice %arg2[%add3A_623, %dma_wait3A_640] : memref<5000x128xi32, #tpu.memory_space<hbm>> -> memref<1x128xi32, #tpu.memory_space<hbm>>
        %dma_wait3A_642 = tpu.memref_squeeze %dma_wait3A_641 : memref<1x128xi32, #tpu.memory_space<hbm>> -> memref<128xi32, #tpu.memory_space<hbm>>
        %dma_wait3A_643 = arith.constant 0 : i32
        %dma_wait3A_644 = tpu.memref_slice %arg4[%run_scoped3A, %dma_wait3A_643] : memref<157x128xi32, #tpu.memory_space<vmem>> -> memref<1x128xi32, #tpu.memory_space<vmem>>
        %dma_wait3A_645 = tpu.memref_squeeze %dma_wait3A_644 : memref<1x128xi32, #tpu.memory_space<vmem>> -> memref<128xi32, #tpu.memory_space<vmem>>
        %dma_wait3A_646 = arith.constant 0 : i32
        %dma_wait3A_647 = tpu.memref_slice %arg2[%add3A_623, %dma_wait3A_646] : memref<5000x128xi32, #tpu.memory_space<hbm>> -> memref<1x128xi32, #tpu.memory_space<hbm>>
        %dma_wait3A_648 = tpu.memref_squeeze %dma_wait3A_647 : memref<1x128xi32, #tpu.memory_space<hbm>> -> memref<128xi32, #tpu.memory_space<hbm>>
        tpu.wait_dma2 semaphore(%run_scoped3A_624 : memref<!tpu.dma_semaphore, #tpu.memory_space<semaphore_mem>>) src(%dma_wait3A_648 : memref<128xi32, #tpu.memory_space<hbm>>) dst(%dma_wait3A_645 : memref<128xi32, #tpu.memory_space<vmem>>)
        tpu.yield
      }) : () -> ()
    } else {
    }
    %mul3A_211 = arith.constant 10496 : i32
    %mul3A_212 = arith.muli %arg1, %mul3A_211 : i32
    %scan3A_213 = arith.constant 0 : i32
    %scan3A_214 = arith.constant 0 : i32
    %scan3A_215 = arith.constant 157 : i32
    %scan3A_216 = arith.addi %scan3A_214, %scan3A_215 : i32
    %scan3A_217 = arith.constant 1 : i32
    %scan3A_218 = scf.for %scan3A_618 = %scan3A_214 to %scan3A_216 step %scan3A_217 iter_args(%scan3A_619 = %scan3A_213) -> (i32)  : i32 {
      %get3A = arith.index_cast %scan3A_618 : i32 to index
      %get3A_620 = arith.constant 0 : index
      %get3A_621 = tpu.vector_load %arg4[%get3A, %get3A_620] {strides = array<i32>} : memref<157x128xi32, #tpu.memory_space<vmem>>, vector<1x16xi32>,
      %get3A_622 = vector.shape_cast %get3A_621 : vector<1x16xi32> to vector<16xi32>
      %add3A_623 = vector.broadcast %mul3A_212 : i32 to vector<16xi32>
      %add3A_624 = arith.addi %get3A_622, %add3A_623 : vector<16xi32>
      %swap3A = arith.index_cast %scan3A_618 : i32 to index
      %swap3A_625 = arith.constant 0 : index
      %swap3A_626 = tpu.vector_load %arg4[%swap3A, %swap3A_625] {strides = array<i32>} : memref<157x128xi32, #tpu.memory_space<vmem>>, vector<1x16xi32>,
      %swap3A_627 = vector.shape_cast %swap3A_626 : vector<1x16xi32> to vector<16xi32>
      %swap3A_628 = vector.shape_cast %add3A_624 : vector<16xi32> to vector<1x16xi32>
      tpu.vector_store %arg4[%swap3A, %swap3A_625], %swap3A_628 {strides = array<i32>} : memref<157x128xi32, #tpu.memory_space<vmem>>, vector<1x16xi32>,
      %get3A_629 = arith.index_cast %scan3A_618 : i32 to index
      %get3A_630 = arith.constant 16 : index
      %get3A_631 = tpu.vector_load %arg4[%get3A_629, %get3A_630] {strides = array<i32>} : memref<157x128xi32, #tpu.memory_space<vmem>>, vector<1x16xi32>,
      %get3A_632 = vector.shape_cast %get3A_631 : vector<1x16xi32> to vector<16xi32>
      %add3A_633 = vector.broadcast %mul3A_212 : i32 to vector<16xi32>
      %add3A_634 = arith.addi %get3A_632, %add3A_633 : vector<16xi32>
      %swap3A_635 = arith.index_cast %scan3A_618 : i32 to index
      %swap3A_636 = arith.constant 16 : index
      %swap3A_637 = tpu.vector_load %arg4[%swap3A_635, %swap3A_636] {strides = array<i32>} : memref<157x128xi32, #tpu.memory_space<vmem>>, vector<1x16xi32>,
      %swap3A_638 = vector.shape_cast %swap3A_637 : vector<1x16xi32> to vector<16xi32>
      %swap3A_639 = vector.shape_cast %add3A_634 : vector<16xi32> to vector<1x16xi32>
      tpu.vector_store %arg4[%swap3A_635, %swap3A_636], %swap3A_639 {strides = array<i32>} : memref<157x128xi32, #tpu.memory_space<vmem>>, vector<1x16xi32>,
      %get3A_640 = arith.index_cast %scan3A_618 : i32 to index
      %get3A_641 = arith.constant 32 : index
      %get3A_642 = tpu.vector_load %arg4[%get3A_640, %get3A_641] {strides = array<i32>} : memref<157x128xi32, #tpu.memory_space<vmem>>, vector<1x16xi32>,
      %get3A_643 = vector.shape_cast %get3A_642 : vector<1x16xi32> to vector<16xi32>
      %add3A_644 = vector.broadcast %mul3A_212 : i32 to vector<16xi32>
      %add3A_645 = arith.addi %get3A_643, %add3A_644 : vector<16xi32>
      %swap3A_646 = arith.index_cast %scan3A_618 : i32 to index
      %swap3A_647 = arith.constant 32 : index
      %swap3A_648 = tpu.vector_load %arg4[%swap3A_646, %swap3A_647] {strides = array<i32>} : memref<157x128xi32, #tpu.memory_space<vmem>>, vector<1x16xi32>,
      %swap3A_649 = vector.shape_cast %swap3A_648 : vector<1x16xi32> to vector<16xi32>
      %swap3A_650 = vector.shape_cast %add3A_645 : vector<16xi32> to vector<1x16xi32>
      tpu.vector_store %arg4[%swap3A_646, %swap3A_647], %swap3A_650 {strides = array<i32>} : memref<157x128xi32, #tpu.memory_space<vmem>>, vector<1x16xi32>,
      %get3A_651 = arith.index_cast %scan3A_618 : i32 to index
      %get3A_652 = arith.constant 48 : index
      %get3A_653 = tpu.vector_load %arg4[%get3A_651, %get3A_652] {strides = array<i32>} : memref<157x128xi32, #tpu.memory_space<vmem>>, vector<1x16xi32>,
      %get3A_654 = vector.shape_cast %get3A_653 : vector<1x16xi32> to vector<16xi32>
      %add3A_655 = vector.broadcast %mul3A_212 : i32 to vector<16xi32>
      %add3A_656 = arith.addi %get3A_654, %add3A_655 : vector<16xi32>
      %swap3A_657 = arith.index_cast %scan3A_618 : i32 to index
      %swap3A_658 = arith.constant 48 : index
      %swap3A_659 = tpu.vector_load %arg4[%swap3A_657, %swap3A_658] {strides = array<i32>} : memref<157x128xi32, #tpu.memory_space<vmem>>, vector<1x16xi32>,
      %swap3A_660 = vector.shape_cast %swap3A_659 : vector<1x16xi32> to vector<16xi32>
      %swap3A_661 = vector.shape_cast %add3A_656 : vector<16xi32> to vector<1x16xi32>
      tpu.vector_store %arg4[%swap3A_657, %swap3A_658], %swap3A_661 {strides = array<i32>} : memref<157x128xi32, #tpu.memory_space<vmem>>, vector<1x16xi32>,
      %get3A_662 = arith.index_cast %scan3A_618 : i32 to index
      %get3A_663 = arith.constant 64 : index
      %get3A_664 = tpu.vector_load %arg4[%get3A_662, %get3A_663] {strides = array<i32>} : memref<157x128xi32, #tpu.memory_space<vmem>>, vector<1x16xi32>,
      %get3A_665 = vector.shape_cast %get3A_664 : vector<1x16xi32> to vector<16xi32>
      %add3A_666 = vector.broadcast %mul3A_212 : i32 to vector<16xi32>
      %add3A_667 = arith.addi %get3A_665, %add3A_666 : vector<16xi32>
      %swap3A_668 = arith.index_cast %scan3A_618 : i32 to index
      %swap3A_669 = arith.constant 64 : index
      %swap3A_670 = tpu.vector_load %arg4[%swap3A_668, %swap3A_669] {strides = array<i32>} : memref<157x128xi32, #tpu.memory_space<vmem>>, vector<1x16xi32>,
      %swap3A_671 = vector.shape_cast %swap3A_670 : vector<1x16xi32> to vector<16xi32>
      %swap3A_672 = vector.shape_cast %add3A_667 : vector<16xi32> to vector<1x16xi32>
      tpu.vector_store %arg4[%swap3A_668, %swap3A_669], %swap3A_672 {strides = array<i32>} : memref<157x128xi32, #tpu.memory_space<vmem>>, vector<1x16xi32>,
      %get3A_673 = arith.index_cast %scan3A_618 : i32 to index
      %get3A_674 = arith.constant 80 : index
      %get3A_675 = tpu.vector_load %arg4[%get3A_673, %get3A_674] {strides = array<i32>} : memref<157x128xi32, #tpu.memory_space<vmem>>, vector<1x16xi32>,
      %get3A_676 = vector.shape_cast %get3A_675 : vector<1x16xi32> to vector<16xi32>
      %add3A_677 = vector.broadcast %mul3A_212 : i32 to vector<16xi32>
      %add3A_678 = arith.addi %get3A_676, %add3A_677 : vector<16xi32>
      %swap3A_679 = arith.index_cast %scan3A_618 : i32 to index
      %swap3A_680 = arith.constant 80 : index
      %swap3A_681 = tpu.vector_load %arg4[%swap3A_679, %swap3A_680] {strides = array<i32>} : memref<157x128xi32, #tpu.memory_space<vmem>>, vector<1x16xi32>,
      %swap3A_682 = vector.shape_cast %swap3A_681 : vector<1x16xi32> to vector<16xi32>
      %swap3A_683 = vector.shape_cast %add3A_678 : vector<16xi32> to vector<1x16xi32>
      tpu.vector_store %arg4[%swap3A_679, %swap3A_680], %swap3A_683 {strides = array<i32>} : memref<157x128xi32, #tpu.memory_space<vmem>>, vector<1x16xi32>,
      %get3A_684 = arith.index_cast %scan3A_618 : i32 to index
      %get3A_685 = arith.constant 96 : index
      %get3A_686 = tpu.vector_load %arg4[%get3A_684, %get3A_685] {strides = array<i32>} : memref<157x128xi32, #tpu.memory_space<vmem>>, vector<1x16xi32>,
      %get3A_687 = vector.shape_cast %get3A_686 : vector<1x16xi32> to vector<16xi32>
      %add3A_688 = vector.broadcast %mul3A_212 : i32 to vector<16xi32>
      %add3A_689 = arith.addi %get3A_687, %add3A_688 : vector<16xi32>
      %swap3A_690 = arith.index_cast %scan3A_618 : i32 to index
      %swap3A_691 = arith.constant 96 : index
      %swap3A_692 = tpu.vector_load %arg4[%swap3A_690, %swap3A_691] {strides = array<i32>} : memref<157x128xi32, #tpu.memory_space<vmem>>, vector<1x16xi32>,
      %swap3A_693 = vector.shape_cast %swap3A_692 : vector<1x16xi32> to vector<16xi32>
      %swap3A_694 = vector.shape_cast %add3A_689 : vector<16xi32> to vector<1x16xi32>
      tpu.vector_store %arg4[%swap3A_690, %swap3A_691], %swap3A_694 {strides = array<i32>} : memref<157x128xi32, #tpu.memory_space<vmem>>, vector<1x16xi32>,
      %get3A_695 = arith.index_cast %scan3A_618 : i32 to index
      %get3A_696 = arith.constant 112 : index
      %get3A_697 = tpu.vector_load %arg4[%get3A_695, %get3A_696] {strides = array<i32>} : memref<157x128xi32, #tpu.memory_space<vmem>>, vector<1x16xi32>,
      %get3A_698 = vector.shape_cast %get3A_697 : vector<1x16xi32> to vector<16xi32>
      %add3A_699 = vector.broadcast %mul3A_212 : i32 to vector<16xi32>
      %add3A_700 = arith.addi %get3A_698, %add3A_699 : vector<16xi32>
      %swap3A_701 = arith.index_cast %scan3A_618 : i32 to index
      %swap3A_702 = arith.constant 112 : index
      %swap3A_703 = tpu.vector_load %arg4[%swap3A_701, %swap3A_702] {strides = array<i32>} : memref<157x128xi32, #tpu.memory_space<vmem>>, vector<1x16xi32>,
      %swap3A_704 = vector.shape_cast %swap3A_703 : vector<1x16xi32> to vector<16xi32>
      %swap3A_705 = vector.shape_cast %add3A_700 : vector<16xi32> to vector<1x16xi32>
      tpu.vector_store %arg4[%swap3A_701, %swap3A_702], %swap3A_705 {strides = array<i32>} : memref<157x128xi32, #tpu.memory_space<vmem>>, vector<1x16xi32>,
      %scan3A_706 = arith.constant 0 : i32
      scf.yield %scan3A_706 : i32
    }
    %scan3A_219 = arith.constant 157 : i32
    %lt3A_220 = arith.constant 4 : i32
    %lt3A_221 = arith.cmpi slt, %arg1, %lt3A_220 : i32
    %jit3A = arith.constant 157 : i32
    %jit3A_222 = arith.constant 156 : i32
    %select_n3A = arith.select %lt3A_221, %jit3A, %jit3A_222 : i32
    %dma_start3A_223 = arith.constant 0 : i32
    %dma_start3A_224 = arith.constant 0 : i32
    %dma_start3A_225 = tpu.memref_slice %arg4[%dma_start3A_223, %dma_start3A_224] : memref<157x128xi32, #tpu.memory_space<vmem>> -> memref<1x128xi32, #tpu.memory_space<vmem>>
    %dma_start3A_226 = tpu.memref_squeeze %dma_start3A_225 : memref<1x128xi32, #tpu.memory_space<vmem>> -> memref<128xi32, #tpu.memory_space<vmem>>
    %dma_start3A_227 = arith.constant 0 : i32
    %dma_start3A_228 = tpu.memref_slice %arg9[%dma_start3A_227] : memref<167936xf32, #tpu.memory_space<vmem_shared>> -> memref<167936xf32, #tpu.memory_space<vmem_shared>>
    tpu.enqueue_indirect_dma source(%arg5 : memref<128xf32, #tpu.memory_space<vmem>>) target(%dma_start3A_228 : memref<167936xf32, #tpu.memory_space<vmem_shared>>) offsets(%dma_start3A_226 : memref<128xi32, #tpu.memory_space<vmem>>) semaphore(%arg8 : memref<!tpu.dma_semaphore, #tpu.memory_space<semaphore_mem>>) {add = true}
    %dma_start3A_229 = arith.constant 1 : i32
    %dma_start3A_230 = arith.constant 0 : i32
    %dma_start3A_231 = tpu.memref_slice %arg4[%dma_start3A_229, %dma_start3A_230] : memref<157x128xi32, #tpu.memory_space<vmem>> -> memref<1x128xi32, #tpu.memory_space<vmem>>
    %dma_start3A_232 = tpu.memref_squeeze %dma_start3A_231 : memref<1x128xi32, #tpu.memory_space<vmem>> -> memref<128xi32, #tpu.memory_space<vmem>>
    %dma_start3A_233 = arith.constant 0 : i32
    %dma_start3A_234 = tpu.memref_slice %arg9[%dma_start3A_233] : memref<167936xf32, #tpu.memory_space<vmem_shared>> -> memref<167936xf32, #tpu.memory_space<vmem_shared>>
    tpu.enqueue_indirect_dma source(%arg5 : memref<128xf32, #tpu.memory_space<vmem>>) target(%dma_start3A_234 : memref<167936xf32, #tpu.memory_space<vmem_shared>>) offsets(%dma_start3A_232 : memref<128xi32, #tpu.memory_space<vmem>>) semaphore(%arg8 : memref<!tpu.dma_semaphore, #tpu.memory_space<semaphore_mem>>) {add = true}
    %dma_start3A_235 = arith.constant 2 : i32
    %dma_start3A_236 = arith.constant 0 : i32
    %dma_start3A_237 = tpu.memref_slice %arg4[%dma_start3A_235, %dma_start3A_236] : memref<157x128xi32, #tpu.memory_space<vmem>> -> memref<1x128xi32, #tpu.memory_space<vmem>>
    %dma_start3A_238 = tpu.memref_squeeze %dma_start3A_237 : memref<1x128xi32, #tpu.memory_space<vmem>> -> memref<128xi32, #tpu.memory_space<vmem>>
    %dma_start3A_239 = arith.constant 0 : i32
    %dma_start3A_240 = tpu.memref_slice %arg9[%dma_start3A_239] : memref<167936xf32, #tpu.memory_space<vmem_shared>> -> memref<167936xf32, #tpu.memory_space<vmem_shared>>
    tpu.enqueue_indirect_dma source(%arg5 : memref<128xf32, #tpu.memory_space<vmem>>) target(%dma_start3A_240 : memref<167936xf32, #tpu.memory_space<vmem_shared>>) offsets(%dma_start3A_238 : memref<128xi32, #tpu.memory_space<vmem>>) semaphore(%arg8 : memref<!tpu.dma_semaphore, #tpu.memory_space<semaphore_mem>>) {add = true}
    %dma_start3A_241 = arith.constant 3 : i32
    %dma_start3A_242 = arith.constant 0 : i32
    %dma_start3A_243 = tpu.memref_slice %arg4[%dma_start3A_241, %dma_start3A_242] : memref<157x128xi32, #tpu.memory_space<vmem>> -> memref<1x128xi32, #tpu.memory_space<vmem>>
    %dma_start3A_244 = tpu.memref_squeeze %dma_start3A_243 : memref<1x128xi32, #tpu.memory_space<vmem>> -> memref<128xi32, #tpu.memory_space<vmem>>
    %dma_start3A_245 = arith.constant 0 : i32
    %dma_start3A_246 = tpu.memref_slice %arg9[%dma_start3A_245] : memref<167936xf32, #tpu.memory_space<vmem_shared>> -> memref<167936xf32, #tpu.memory_space<vmem_shared>>
    tpu.enqueue_indirect_dma source(%arg5 : memref<128xf32, #tpu.memory_space<vmem>>) target(%dma_start3A_246 : memref<167936xf32, #tpu.memory_space<vmem_shared>>) offsets(%dma_start3A_244 : memref<128xi32, #tpu.memory_space<vmem>>) semaphore(%arg8 : memref<!tpu.dma_semaphore, #tpu.memory_space<semaphore_mem>>) {add = true}
    %dma_start3A_247 = arith.constant 4 : i32
    %dma_start3A_248 = arith.constant 0 : i32
    %dma_start3A_249 = tpu.memref_slice %arg4[%dma_start3A_247, %dma_start3A_248] : memref<157x128xi32, #tpu.memory_space<vmem>> -> memref<1x128xi32, #tpu.memory_space<vmem>>
    %dma_start3A_250 = tpu.memref_squeeze %dma_start3A_249 : memref<1x128xi32, #tpu.memory_space<vmem>> -> memref<128xi32, #tpu.memory_space<vmem>>
    %dma_start3A_251 = arith.constant 0 : i32
    %dma_start3A_252 = tpu.memref_slice %arg9[%dma_start3A_251] : memref<167936xf32, #tpu.memory_space<vmem_shared>> -> memref<167936xf32, #tpu.memory_space<vmem_shared>>
    tpu.enqueue_indirect_dma source(%arg5 : memref<128xf32, #tpu.memory_space<vmem>>) target(%dma_start3A_252 : memref<167936xf32, #tpu.memory_space<vmem_shared>>) offsets(%dma_start3A_250 : memref<128xi32, #tpu.memory_space<vmem>>) semaphore(%arg8 : memref<!tpu.dma_semaphore, #tpu.memory_space<semaphore_mem>>) {add = true}
    %dma_start3A_253 = arith.constant 5 : i32
    %dma_start3A_254 = arith.constant 0 : i32
    %dma_start3A_255 = tpu.memref_slice %arg4[%dma_start3A_253, %dma_start3A_254] : memref<157x128xi32, #tpu.memory_space<vmem>> -> memref<1x128xi32, #tpu.memory_space<vmem>>
    %dma_start3A_256 = tpu.memref_squeeze %dma_start3A_255 : memref<1x128xi32, #tpu.memory_space<vmem>> -> memref<128xi32, #tpu.memory_space<vmem>>
    %dma_start3A_257 = arith.constant 0 : i32
    %dma_start3A_258 = tpu.memref_slice %arg9[%dma_start3A_257] : memref<167936xf32, #tpu.memory_space<vmem_shared>> -> memref<167936xf32, #tpu.memory_space<vmem_shared>>
    tpu.enqueue_indirect_dma source(%arg5 : memref<128xf32, #tpu.memory_space<vmem>>) target(%dma_start3A_258 : memref<167936xf32, #tpu.memory_space<vmem_shared>>) offsets(%dma_start3A_256 : memref<128xi32, #tpu.memory_space<vmem>>) semaphore(%arg8 : memref<!tpu.dma_semaphore, #tpu.memory_space<semaphore_mem>>) {add = true}
    %dma_start3A_259 = arith.constant 6 : i32
    %dma_start3A_260 = arith.constant 0 : i32
    %dma_start3A_261 = tpu.memref_slice %arg4[%dma_start3A_259, %dma_start3A_260] : memref<157x128xi32, #tpu.memory_space<vmem>> -> memref<1x128xi32, #tpu.memory_space<vmem>>
    %dma_start3A_262 = tpu.memref_squeeze %dma_start3A_261 : memref<1x128xi32, #tpu.memory_space<vmem>> -> memref<128xi32, #tpu.memory_space<vmem>>
    %dma_start3A_263 = arith.constant 0 : i32
    %dma_start3A_264 = tpu.memref_slice %arg9[%dma_start3A_263] : memref<167936xf32, #tpu.memory_space<vmem_shared>> -> memref<167936xf32, #tpu.memory_space<vmem_shared>>
    tpu.enqueue_indirect_dma source(%arg5 : memref<128xf32, #tpu.memory_space<vmem>>) target(%dma_start3A_264 : memref<167936xf32, #tpu.memory_space<vmem_shared>>) offsets(%dma_start3A_262 : memref<128xi32, #tpu.memory_space<vmem>>) semaphore(%arg8 : memref<!tpu.dma_semaphore, #tpu.memory_space<semaphore_mem>>) {add = true}
    %dma_start3A_265 = arith.constant 7 : i32
    %dma_start3A_266 = arith.constant 0 : i32
    %dma_start3A_267 = tpu.memref_slice %arg4[%dma_start3A_265, %dma_start3A_266] : memref<157x128xi32, #tpu.memory_space<vmem>> -> memref<1x128xi32, #tpu.memory_space<vmem>>
    %dma_start3A_268 = tpu.memref_squeeze %dma_start3A_267 : memref<1x128xi32, #tpu.memory_space<vmem>> -> memref<128xi32, #tpu.memory_space<vmem>>
    %dma_start3A_269 = arith.constant 0 : i32
    %dma_start3A_270 = tpu.memref_slice %arg9[%dma_start3A_269] : memref<167936xf32, #tpu.memory_space<vmem_shared>> -> memref<167936xf32, #tpu.memory_space<vmem_shared>>
    tpu.enqueue_indirect_dma source(%arg5 : memref<128xf32, #tpu.memory_space<vmem>>) target(%dma_start3A_270 : memref<167936xf32, #tpu.memory_space<vmem_shared>>) offsets(%dma_start3A_268 : memref<128xi32, #tpu.memory_space<vmem>>) semaphore(%arg8 : memref<!tpu.dma_semaphore, #tpu.memory_space<semaphore_mem>>) {add = true}
    %while3A = arith.constant 0 : i32
    %while3A_271 = arith.constant 0 : i32
    %while3A_272 = arith.subi %select_n3A, %while3A : i32
    %while3A_273 = arith.addi %while3A, %while3A_272 : i32
    %while3A_274 = arith.constant 1 : i32
    %while3A_275 = arith.divsi %while3A_272, %while3A_274 : i32
    %while3A_276 = arith.muli %while3A_275, %while3A_274 : i32
    %while3A_277 = arith.addi %while3A, %while3A_276 : i32
    %while3A_278 = arith.constant 1 : i32
    %while3A_279 = scf.for %while3A_618 = %while3A to %while3A_277 step %while3A_278 iter_args(%while3A_619 = %while3A_271) -> (i32)  : i32 {
      %dma_wait3A_620 = arith.constant 0 : i32
      %dma_wait3A_621 = tpu.memref_slice %arg4[%while3A_618, %dma_wait3A_620] : memref<157x128xi32, #tpu.memory_space<vmem>> -> memref<1x128xi32, #tpu.memory_space<vmem>>
      %dma_wait3A_622 = tpu.memref_squeeze %dma_wait3A_621 : memref<1x128xi32, #tpu.memory_space<vmem>> -> memref<128xi32, #tpu.memory_space<vmem>>
      %dma_wait3A_623 = arith.constant 0 : i32
      %dma_wait3A_624 = tpu.memref_slice %arg9[%dma_wait3A_623] : memref<167936xf32, #tpu.memory_space<vmem_shared>> -> memref<167936xf32, #tpu.memory_space<vmem_shared>>
      tpu.wait_indirect_dma semaphore(%arg8 : memref<!tpu.dma_semaphore, #tpu.memory_space<semaphore_mem>>) src(%arg5 : memref<128xf32, #tpu.memory_space<vmem>>) dst(%dma_wait3A_624 : memref<167936xf32, #tpu.memory_space<vmem_shared>>)
      %add3A_625 = arith.constant 8 : i32
      %add3A_626 = arith.addi %while3A_618, %add3A_625 : i32
      %lt3A_627 = arith.cmpi slt, %add3A_626, %select_n3A : i32
      %convert_element_type3A_628 = arith.extui %lt3A_627 : i1 to i32
      %cond3A_629 = arith.constant 0 : i32
      %cond3A_630 = arith.cmpi ne, %convert_element_type3A_628, %cond3A_629 : i32
      scf.if %cond3A_630 {
        %add3A_632 = arith.constant 8 : i32
        %add3A_633 = arith.addi %while3A_618, %add3A_632 : i32
        %dma_start3A_634 = arith.constant 0 : i32
        %dma_start3A_635 = tpu.memref_slice %arg4[%add3A_633, %dma_start3A_634] : memref<157x128xi32, #tpu.memory_space<vmem>> -> memref<1x128xi32, #tpu.memory_space<vmem>>
        %dma_start3A_636 = tpu.memref_squeeze %dma_start3A_635 : memref<1x128xi32, #tpu.memory_space<vmem>> -> memref<128xi32, #tpu.memory_space<vmem>>
        %dma_start3A_637 = arith.constant 0 : i32
        %dma_start3A_638 = tpu.memref_slice %arg9[%dma_start3A_637] : memref<167936xf32, #tpu.memory_space<vmem_shared>> -> memref<167936xf32, #tpu.memory_space<vmem_shared>>
        tpu.enqueue_indirect_dma source(%arg5 : memref<128xf32, #tpu.memory_space<vmem>>) target(%dma_start3A_638 : memref<167936xf32, #tpu.memory_space<vmem_shared>>) offsets(%dma_start3A_636 : memref<128xi32, #tpu.memory_space<vmem>>) semaphore(%arg8 : memref<!tpu.dma_semaphore, #tpu.memory_space<semaphore_mem>>) {add = true}
      } else {
      }
      %while3A_631 = arith.constant 0 : i32
      scf.yield %while3A_631 : i32
    }
    %while3A_280 = arith.constant 1 : i32
    %while3A_281 = scf.for %while3A_618 = %while3A_277 to %while3A_273 step %while3A_280 iter_args(%while3A_619 = %while3A_279) -> (i32)  : i32 {
      %dma_wait3A_620 = arith.constant 0 : i32
      %dma_wait3A_621 = tpu.memref_slice %arg4[%while3A_618, %dma_wait3A_620] : memref<157x128xi32, #tpu.memory_space<vmem>> -> memref<1x128xi32, #tpu.memory_space<vmem>>
      %dma_wait3A_622 = tpu.memref_squeeze %dma_wait3A_621 : memref<1x128xi32, #tpu.memory_space<vmem>> -> memref<128xi32, #tpu.memory_space<vmem>>
      %dma_wait3A_623 = arith.constant 0 : i32
      %dma_wait3A_624 = tpu.memref_slice %arg9[%dma_wait3A_623] : memref<167936xf32, #tpu.memory_space<vmem_shared>> -> memref<167936xf32, #tpu.memory_space<vmem_shared>>
      tpu.wait_indirect_dma semaphore(%arg8 : memref<!tpu.dma_semaphore, #tpu.memory_space<semaphore_mem>>) src(%arg5 : memref<128xf32, #tpu.memory_space<vmem>>) dst(%dma_wait3A_624 : memref<167936xf32, #tpu.memory_space<vmem_shared>>)
      %add3A_625 = arith.constant 8 : i32
      %add3A_626 = arith.addi %while3A_618, %add3A_625 : i32
      %lt3A_627 = arith.cmpi slt, %add3A_626, %select_n3A : i32
      %convert_element_type3A_628 = arith.extui %lt3A_627 : i1 to i32
      %cond3A_629 = arith.constant 0 : i32
      %cond3A_630 = arith.cmpi ne, %convert_element_type3A_628, %cond3A_629 : i32
      scf.if %cond3A_630 {
        %add3A_632 = arith.constant 8 : i32
        %add3A_633 = arith.addi %while3A_618, %add3A_632 : i32
        %dma_start3A_634 = arith.constant 0 : i32
        %dma_start3A_635 = tpu.memref_slice %arg4[%add3A_633, %dma_start3A_634] : memref<157x128xi32, #tpu.memory_space<vmem>> -> memref<1x128xi32, #tpu.memory_space<vmem>>
        %dma_start3A_636 = tpu.memref_squeeze %dma_start3A_635 : memref<1x128xi32, #tpu.memory_space<vmem>> -> memref<128xi32, #tpu.memory_space<vmem>>
        %dma_start3A_637 = arith.constant 0 : i32
        %dma_start3A_638 = tpu.memref_slice %arg9[%dma_start3A_637] : memref<167936xf32, #tpu.memory_space<vmem_shared>> -> memref<167936xf32, #tpu.memory_space<vmem_shared>>
        tpu.enqueue_indirect_dma source(%arg5 : memref<128xf32, #tpu.memory_space<vmem>>) target(%dma_start3A_638 : memref<167936xf32, #tpu.memory_space<vmem_shared>>) offsets(%dma_start3A_636 : memref<128xi32, #tpu.memory_space<vmem>>) semaphore(%arg8 : memref<!tpu.dma_semaphore, #tpu.memory_space<semaphore_mem>>) {add = true}
      } else {
      }
      %while3A_631 = arith.constant 0 : i32
      scf.yield %while3A_631 : i32
    }
    %barrier3A = arith.constant 0 : index
    tpu.barrier barrier_id(%barrier3A)
    %mul3A_282 = arith.constant 656 : i32
    %mul3A_283 = arith.muli %arg1, %mul3A_282 : i32
    %add3A_284 = arith.constant 0 : i32
    %add3A_285 = arith.addi %add3A_284, %mul3A_283 : i32
    %dma_start3A_286 = arith.constant 0 : i32
    %dma_start3A_287 = tpu.memref_slice %arg7[%dma_start3A_286] : memref<10496xf32, #tpu.memory_space<vmem>> -> memref<656xf32, #tpu.memory_space<vmem>>
    %dma_start3A_288 = tpu.memref_slice %arg9[%add3A_285] : memref<167936xf32, #tpu.memory_space<vmem_shared>> -> memref<656xf32, #tpu.memory_space<vmem_shared>>
    %dma_start3A_289 = arith.constant 0 : i32
    %dma_start3A_290 = tpu.memref_slice %arg7[%dma_start3A_289] : memref<10496xf32, #tpu.memory_space<vmem>> -> memref<656xf32, #tpu.memory_space<vmem>>
    %dma_start3A_291 = tpu.memref_slice %arg9[%add3A_285] : memref<167936xf32, #tpu.memory_space<vmem_shared>> -> memref<656xf32, #tpu.memory_space<vmem_shared>>
    tpu.enqueue_dma source(%dma_start3A_291 : memref<656xf32, #tpu.memory_space<vmem_shared>>) target(%dma_start3A_290 : memref<656xf32, #tpu.memory_space<vmem>>) target_semaphore(%arg8 : memref<!tpu.dma_semaphore, #tpu.memory_space<semaphore_mem>>)
    %mul3A_292 = arith.constant 656 : i32
    %mul3A_293 = arith.muli %arg1, %mul3A_292 : i32
    %add3A_294 = arith.constant 10496 : i32
    %add3A_295 = arith.addi %add3A_294, %mul3A_293 : i32
    %dma_start3A_296 = arith.constant 656 : i32
    %dma_start3A_297 = tpu.memref_slice %arg7[%dma_start3A_296] : memref<10496xf32, #tpu.memory_space<vmem>> -> memref<656xf32, #tpu.memory_space<vmem>>
    %dma_start3A_298 = tpu.memref_slice %arg9[%add3A_295] : memref<167936xf32, #tpu.memory_space<vmem_shared>> -> memref<656xf32, #tpu.memory_space<vmem_shared>>
    %dma_start3A_299 = arith.constant 656 : i32
    %dma_start3A_300 = tpu.memref_slice %arg7[%dma_start3A_299] : memref<10496xf32, #tpu.memory_space<vmem>> -> memref<656xf32, #tpu.memory_space<vmem>>
    %dma_start3A_301 = tpu.memref_slice %arg9[%add3A_295] : memref<167936xf32, #tpu.memory_space<vmem_shared>> -> memref<656xf32, #tpu.memory_space<vmem_shared>>
    tpu.enqueue_dma source(%dma_start3A_301 : memref<656xf32, #tpu.memory_space<vmem_shared>>) target(%dma_start3A_300 : memref<656xf32, #tpu.memory_space<vmem>>) target_semaphore(%arg8 : memref<!tpu.dma_semaphore, #tpu.memory_space<semaphore_mem>>)
    %mul3A_302 = arith.constant 656 : i32
    %mul3A_303 = arith.muli %arg1, %mul3A_302 : i32
    %add3A_304 = arith.constant 20992 : i32
    %add3A_305 = arith.addi %add3A_304, %mul3A_303 : i32
    %dma_start3A_306 = arith.constant 1312 : i32
    %dma_start3A_307 = tpu.memref_slice %arg7[%dma_start3A_306] : memref<10496xf32, #tpu.memory_space<vmem>> -> memref<656xf32, #tpu.memory_space<vmem>>
    %dma_start3A_308 = tpu.memref_slice %arg9[%add3A_305] : memref<167936xf32, #tpu.memory_space<vmem_shared>> -> memref<656xf32, #tpu.memory_space<vmem_shared>>
    %dma_start3A_309 = arith.constant 1312 : i32
    %dma_start3A_310 = tpu.memref_slice %arg7[%dma_start3A_309] : memref<10496xf32, #tpu.memory_space<vmem>> -> memref<656xf32, #tpu.memory_space<vmem>>
    %dma_start3A_311 = tpu.memref_slice %arg9[%add3A_305] : memref<167936xf32, #tpu.memory_space<vmem_shared>> -> memref<656xf32, #tpu.memory_space<vmem_shared>>
    tpu.enqueue_dma source(%dma_start3A_311 : memref<656xf32, #tpu.memory_space<vmem_shared>>) target(%dma_start3A_310 : memref<656xf32, #tpu.memory_space<vmem>>) target_semaphore(%arg8 : memref<!tpu.dma_semaphore, #tpu.memory_space<semaphore_mem>>)
    %mul3A_312 = arith.constant 656 : i32
    %mul3A_313 = arith.muli %arg1, %mul3A_312 : i32
    %add3A_314 = arith.constant 31488 : i32
    %add3A_315 = arith.addi %add3A_314, %mul3A_313 : i32
    %dma_start3A_316 = arith.constant 1968 : i32
    %dma_start3A_317 = tpu.memref_slice %arg7[%dma_start3A_316] : memref<10496xf32, #tpu.memory_space<vmem>> -> memref<656xf32, #tpu.memory_space<vmem>>
    %dma_start3A_318 = tpu.memref_slice %arg9[%add3A_315] : memref<167936xf32, #tpu.memory_space<vmem_shared>> -> memref<656xf32, #tpu.memory_space<vmem_shared>>
    %dma_start3A_319 = arith.constant 1968 : i32
    %dma_start3A_320 = tpu.memref_slice %arg7[%dma_start3A_319] : memref<10496xf32, #tpu.memory_space<vmem>> -> memref<656xf32, #tpu.memory_space<vmem>>
    %dma_start3A_321 = tpu.memref_slice %arg9[%add3A_315] : memref<167936xf32, #tpu.memory_space<vmem_shared>> -> memref<656xf32, #tpu.memory_space<vmem_shared>>
    tpu.enqueue_dma source(%dma_start3A_321 : memref<656xf32, #tpu.memory_space<vmem_shared>>) target(%dma_start3A_320 : memref<656xf32, #tpu.memory_space<vmem>>) target_semaphore(%arg8 : memref<!tpu.dma_semaphore, #tpu.memory_space<semaphore_mem>>)
    %mul3A_322 = arith.constant 656 : i32
    %mul3A_323 = arith.muli %arg1, %mul3A_322 : i32
    %add3A_324 = arith.constant 41984 : i32
    %add3A_325 = arith.addi %add3A_324, %mul3A_323 : i32
    %dma_start3A_326 = arith.constant 2624 : i32
    %dma_start3A_327 = tpu.memref_slice %arg7[%dma_start3A_326] : memref<10496xf32, #tpu.memory_space<vmem>> -> memref<656xf32, #tpu.memory_space<vmem>>
    %dma_start3A_328 = tpu.memref_slice %arg9[%add3A_325] : memref<167936xf32, #tpu.memory_space<vmem_shared>> -> memref<656xf32, #tpu.memory_space<vmem_shared>>
    %dma_start3A_329 = arith.constant 2624 : i32
    %dma_start3A_330 = tpu.memref_slice %arg7[%dma_start3A_329] : memref<10496xf32, #tpu.memory_space<vmem>> -> memref<656xf32, #tpu.memory_space<vmem>>
    %dma_start3A_331 = tpu.memref_slice %arg9[%add3A_325] : memref<167936xf32, #tpu.memory_space<vmem_shared>> -> memref<656xf32, #tpu.memory_space<vmem_shared>>
    tpu.enqueue_dma source(%dma_start3A_331 : memref<656xf32, #tpu.memory_space<vmem_shared>>) target(%dma_start3A_330 : memref<656xf32, #tpu.memory_space<vmem>>) target_semaphore(%arg8 : memref<!tpu.dma_semaphore, #tpu.memory_space<semaphore_mem>>)
    %mul3A_332 = arith.constant 656 : i32
    %mul3A_333 = arith.muli %arg1, %mul3A_332 : i32
    %add3A_334 = arith.constant 52480 : i32
    %add3A_335 = arith.addi %add3A_334, %mul3A_333 : i32
    %dma_start3A_336 = arith.constant 3280 : i32
    %dma_start3A_337 = tpu.memref_slice %arg7[%dma_start3A_336] : memref<10496xf32, #tpu.memory_space<vmem>> -> memref<656xf32, #tpu.memory_space<vmem>>
    %dma_start3A_338 = tpu.memref_slice %arg9[%add3A_335] : memref<167936xf32, #tpu.memory_space<vmem_shared>> -> memref<656xf32, #tpu.memory_space<vmem_shared>>
    %dma_start3A_339 = arith.constant 3280 : i32
    %dma_start3A_340 = tpu.memref_slice %arg7[%dma_start3A_339] : memref<10496xf32, #tpu.memory_space<vmem>> -> memref<656xf32, #tpu.memory_space<vmem>>
    %dma_start3A_341 = tpu.memref_slice %arg9[%add3A_335] : memref<167936xf32, #tpu.memory_space<vmem_shared>> -> memref<656xf32, #tpu.memory_space<vmem_shared>>
    tpu.enqueue_dma source(%dma_start3A_341 : memref<656xf32, #tpu.memory_space<vmem_shared>>) target(%dma_start3A_340 : memref<656xf32, #tpu.memory_space<vmem>>) target_semaphore(%arg8 : memref<!tpu.dma_semaphore, #tpu.memory_space<semaphore_mem>>)
    %mul3A_342 = arith.constant 656 : i32
    %mul3A_343 = arith.muli %arg1, %mul3A_342 : i32
    %add3A_344 = arith.constant 62976 : i32
    %add3A_345 = arith.addi %add3A_344, %mul3A_343 : i32
    %dma_start3A_346 = arith.constant 3936 : i32
    %dma_start3A_347 = tpu.memref_slice %arg7[%dma_start3A_346] : memref<10496xf32, #tpu.memory_space<vmem>> -> memref<656xf32, #tpu.memory_space<vmem>>
    %dma_start3A_348 = tpu.memref_slice %arg9[%add3A_345] : memref<167936xf32, #tpu.memory_space<vmem_shared>> -> memref<656xf32, #tpu.memory_space<vmem_shared>>
    %dma_start3A_349 = arith.constant 3936 : i32
    %dma_start3A_350 = tpu.memref_slice %arg7[%dma_start3A_349] : memref<10496xf32, #tpu.memory_space<vmem>> -> memref<656xf32, #tpu.memory_space<vmem>>
    %dma_start3A_351 = tpu.memref_slice %arg9[%add3A_345] : memref<167936xf32, #tpu.memory_space<vmem_shared>> -> memref<656xf32, #tpu.memory_space<vmem_shared>>
    tpu.enqueue_dma source(%dma_start3A_351 : memref<656xf32, #tpu.memory_space<vmem_shared>>) target(%dma_start3A_350 : memref<656xf32, #tpu.memory_space<vmem>>) target_semaphore(%arg8 : memref<!tpu.dma_semaphore, #tpu.memory_space<semaphore_mem>>)
    %mul3A_352 = arith.constant 656 : i32
    %mul3A_353 = arith.muli %arg1, %mul3A_352 : i32
    %add3A_354 = arith.constant 73472 : i32
    %add3A_355 = arith.addi %add3A_354, %mul3A_353 : i32
    %dma_start3A_356 = arith.constant 4592 : i32
    %dma_start3A_357 = tpu.memref_slice %arg7[%dma_start3A_356] : memref<10496xf32, #tpu.memory_space<vmem>> -> memref<656xf32, #tpu.memory_space<vmem>>
    %dma_start3A_358 = tpu.memref_slice %arg9[%add3A_355] : memref<167936xf32, #tpu.memory_space<vmem_shared>> -> memref<656xf32, #tpu.memory_space<vmem_shared>>
    %dma_start3A_359 = arith.constant 4592 : i32
    %dma_start3A_360 = tpu.memref_slice %arg7[%dma_start3A_359] : memref<10496xf32, #tpu.memory_space<vmem>> -> memref<656xf32, #tpu.memory_space<vmem>>
    %dma_start3A_361 = tpu.memref_slice %arg9[%add3A_355] : memref<167936xf32, #tpu.memory_space<vmem_shared>> -> memref<656xf32, #tpu.memory_space<vmem_shared>>
    tpu.enqueue_dma source(%dma_start3A_361 : memref<656xf32, #tpu.memory_space<vmem_shared>>) target(%dma_start3A_360 : memref<656xf32, #tpu.memory_space<vmem>>) target_semaphore(%arg8 : memref<!tpu.dma_semaphore, #tpu.memory_space<semaphore_mem>>)
    %mul3A_362 = arith.constant 656 : i32
    %mul3A_363 = arith.muli %arg1, %mul3A_362 : i32
    %add3A_364 = arith.constant 83968 : i32
    %add3A_365 = arith.addi %add3A_364, %mul3A_363 : i32
    %dma_start3A_366 = arith.constant 5248 : i32
    %dma_start3A_367 = tpu.memref_slice %arg7[%dma_start3A_366] : memref<10496xf32, #tpu.memory_space<vmem>> -> memref<656xf32, #tpu.memory_space<vmem>>
    %dma_start3A_368 = tpu.memref_slice %arg9[%add3A_365] : memref<167936xf32, #tpu.memory_space<vmem_shared>> -> memref<656xf32, #tpu.memory_space<vmem_shared>>
    %dma_start3A_369 = arith.constant 5248 : i32
    %dma_start3A_370 = tpu.memref_slice %arg7[%dma_start3A_369] : memref<10496xf32, #tpu.memory_space<vmem>> -> memref<656xf32, #tpu.memory_space<vmem>>
    %dma_start3A_371 = tpu.memref_slice %arg9[%add3A_365] : memref<167936xf32, #tpu.memory_space<vmem_shared>> -> memref<656xf32, #tpu.memory_space<vmem_shared>>
    tpu.enqueue_dma source(%dma_start3A_371 : memref<656xf32, #tpu.memory_space<vmem_shared>>) target(%dma_start3A_370 : memref<656xf32, #tpu.memory_space<vmem>>) target_semaphore(%arg8 : memref<!tpu.dma_semaphore, #tpu.memory_space<semaphore_mem>>)
    %mul3A_372 = arith.constant 656 : i32
    %mul3A_373 = arith.muli %arg1, %mul3A_372 : i32
    %add3A_374 = arith.constant 94464 : i32
    %add3A_375 = arith.addi %add3A_374, %mul3A_373 : i32
    %dma_start3A_376 = arith.constant 5904 : i32
    %dma_start3A_377 = tpu.memref_slice %arg7[%dma_start3A_376] : memref<10496xf32, #tpu.memory_space<vmem>> -> memref<656xf32, #tpu.memory_space<vmem>>
    %dma_start3A_378 = tpu.memref_slice %arg9[%add3A_375] : memref<167936xf32, #tpu.memory_space<vmem_shared>> -> memref<656xf32, #tpu.memory_space<vmem_shared>>
    %dma_start3A_379 = arith.constant 5904 : i32
    %dma_start3A_380 = tpu.memref_slice %arg7[%dma_start3A_379] : memref<10496xf32, #tpu.memory_space<vmem>> -> memref<656xf32, #tpu.memory_space<vmem>>
    %dma_start3A_381 = tpu.memref_slice %arg9[%add3A_375] : memref<167936xf32, #tpu.memory_space<vmem_shared>> -> memref<656xf32, #tpu.memory_space<vmem_shared>>
    tpu.enqueue_dma source(%dma_start3A_381 : memref<656xf32, #tpu.memory_space<vmem_shared>>) target(%dma_start3A_380 : memref<656xf32, #tpu.memory_space<vmem>>) target_semaphore(%arg8 : memref<!tpu.dma_semaphore, #tpu.memory_space<semaphore_mem>>)
    %mul3A_382 = arith.constant 656 : i32
    %mul3A_383 = arith.muli %arg1, %mul3A_382 : i32
    %add3A_384 = arith.constant 104960 : i32
    %add3A_385 = arith.addi %add3A_384, %mul3A_383 : i32
    %dma_start3A_386 = arith.constant 6560 : i32
    %dma_start3A_387 = tpu.memref_slice %arg7[%dma_start3A_386] : memref<10496xf32, #tpu.memory_space<vmem>> -> memref<656xf32, #tpu.memory_space<vmem>>
    %dma_start3A_388 = tpu.memref_slice %arg9[%add3A_385] : memref<167936xf32, #tpu.memory_space<vmem_shared>> -> memref<656xf32, #tpu.memory_space<vmem_shared>>
    %dma_start3A_389 = arith.constant 6560 : i32
    %dma_start3A_390 = tpu.memref_slice %arg7[%dma_start3A_389] : memref<10496xf32, #tpu.memory_space<vmem>> -> memref<656xf32, #tpu.memory_space<vmem>>
    %dma_start3A_391 = tpu.memref_slice %arg9[%add3A_385] : memref<167936xf32, #tpu.memory_space<vmem_shared>> -> memref<656xf32, #tpu.memory_space<vmem_shared>>
    tpu.enqueue_dma source(%dma_start3A_391 : memref<656xf32, #tpu.memory_space<vmem_shared>>) target(%dma_start3A_390 : memref<656xf32, #tpu.memory_space<vmem>>) target_semaphore(%arg8 : memref<!tpu.dma_semaphore, #tpu.memory_space<semaphore_mem>>)
    %mul3A_392 = arith.constant 656 : i32
    %mul3A_393 = arith.muli %arg1, %mul3A_392 : i32
    %add3A_394 = arith.constant 115456 : i32
    %add3A_395 = arith.addi %add3A_394, %mul3A_393 : i32
    %dma_start3A_396 = arith.constant 7216 : i32
    %dma_start3A_397 = tpu.memref_slice %arg7[%dma_start3A_396] : memref<10496xf32, #tpu.memory_space<vmem>> -> memref<656xf32, #tpu.memory_space<vmem>>
    %dma_start3A_398 = tpu.memref_slice %arg9[%add3A_395] : memref<167936xf32, #tpu.memory_space<vmem_shared>> -> memref<656xf32, #tpu.memory_space<vmem_shared>>
    %dma_start3A_399 = arith.constant 7216 : i32
    %dma_start3A_400 = tpu.memref_slice %arg7[%dma_start3A_399] : memref<10496xf32, #tpu.memory_space<vmem>> -> memref<656xf32, #tpu.memory_space<vmem>>
    %dma_start3A_401 = tpu.memref_slice %arg9[%add3A_395] : memref<167936xf32, #tpu.memory_space<vmem_shared>> -> memref<656xf32, #tpu.memory_space<vmem_shared>>
    tpu.enqueue_dma source(%dma_start3A_401 : memref<656xf32, #tpu.memory_space<vmem_shared>>) target(%dma_start3A_400 : memref<656xf32, #tpu.memory_space<vmem>>) target_semaphore(%arg8 : memref<!tpu.dma_semaphore, #tpu.memory_space<semaphore_mem>>)
    %mul3A_402 = arith.constant 656 : i32
    %mul3A_403 = arith.muli %arg1, %mul3A_402 : i32
    %add3A_404 = arith.constant 125952 : i32
    %add3A_405 = arith.addi %add3A_404, %mul3A_403 : i32
    %dma_start3A_406 = arith.constant 7872 : i32
    %dma_start3A_407 = tpu.memref_slice %arg7[%dma_start3A_406] : memref<10496xf32, #tpu.memory_space<vmem>> -> memref<656xf32, #tpu.memory_space<vmem>>
    %dma_start3A_408 = tpu.memref_slice %arg9[%add3A_405] : memref<167936xf32, #tpu.memory_space<vmem_shared>> -> memref<656xf32, #tpu.memory_space<vmem_shared>>
    %dma_start3A_409 = arith.constant 7872 : i32
    %dma_start3A_410 = tpu.memref_slice %arg7[%dma_start3A_409] : memref<10496xf32, #tpu.memory_space<vmem>> -> memref<656xf32, #tpu.memory_space<vmem>>
    %dma_start3A_411 = tpu.memref_slice %arg9[%add3A_405] : memref<167936xf32, #tpu.memory_space<vmem_shared>> -> memref<656xf32, #tpu.memory_space<vmem_shared>>
    tpu.enqueue_dma source(%dma_start3A_411 : memref<656xf32, #tpu.memory_space<vmem_shared>>) target(%dma_start3A_410 : memref<656xf32, #tpu.memory_space<vmem>>) target_semaphore(%arg8 : memref<!tpu.dma_semaphore, #tpu.memory_space<semaphore_mem>>)
    %mul3A_412 = arith.constant 656 : i32
    %mul3A_413 = arith.muli %arg1, %mul3A_412 : i32
    %add3A_414 = arith.constant 136448 : i32
    %add3A_415 = arith.addi %add3A_414, %mul3A_413 : i32
    %dma_start3A_416 = arith.constant 8528 : i32
    %dma_start3A_417 = tpu.memref_slice %arg7[%dma_start3A_416] : memref<10496xf32, #tpu.memory_space<vmem>> -> memref<656xf32, #tpu.memory_space<vmem>>
    %dma_start3A_418 = tpu.memref_slice %arg9[%add3A_415] : memref<167936xf32, #tpu.memory_space<vmem_shared>> -> memref<656xf32, #tpu.memory_space<vmem_shared>>
    %dma_start3A_419 = arith.constant 8528 : i32
    %dma_start3A_420 = tpu.memref_slice %arg7[%dma_start3A_419] : memref<10496xf32, #tpu.memory_space<vmem>> -> memref<656xf32, #tpu.memory_space<vmem>>
    %dma_start3A_421 = tpu.memref_slice %arg9[%add3A_415] : memref<167936xf32, #tpu.memory_space<vmem_shared>> -> memref<656xf32, #tpu.memory_space<vmem_shared>>
    tpu.enqueue_dma source(%dma_start3A_421 : memref<656xf32, #tpu.memory_space<vmem_shared>>) target(%dma_start3A_420 : memref<656xf32, #tpu.memory_space<vmem>>) target_semaphore(%arg8 : memref<!tpu.dma_semaphore, #tpu.memory_space<semaphore_mem>>)
    %mul3A_422 = arith.constant 656 : i32
    %mul3A_423 = arith.muli %arg1, %mul3A_422 : i32
    %add3A_424 = arith.constant 146944 : i32
    %add3A_425 = arith.addi %add3A_424, %mul3A_423 : i32
    %dma_start3A_426 = arith.constant 9184 : i32
    %dma_start3A_427 = tpu.memref_slice %arg7[%dma_start3A_426] : memref<10496xf32, #tpu.memory_space<vmem>> -> memref<656xf32, #tpu.memory_space<vmem>>
    %dma_start3A_428 = tpu.memref_slice %arg9[%add3A_425] : memref<167936xf32, #tpu.memory_space<vmem_shared>> -> memref<656xf32, #tpu.memory_space<vmem_shared>>
    %dma_start3A_429 = arith.constant 9184 : i32
    %dma_start3A_430 = tpu.memref_slice %arg7[%dma_start3A_429] : memref<10496xf32, #tpu.memory_space<vmem>> -> memref<656xf32, #tpu.memory_space<vmem>>
    %dma_start3A_431 = tpu.memref_slice %arg9[%add3A_425] : memref<167936xf32, #tpu.memory_space<vmem_shared>> -> memref<656xf32, #tpu.memory_space<vmem_shared>>
    tpu.enqueue_dma source(%dma_start3A_431 : memref<656xf32, #tpu.memory_space<vmem_shared>>) target(%dma_start3A_430 : memref<656xf32, #tpu.memory_space<vmem>>) target_semaphore(%arg8 : memref<!tpu.dma_semaphore, #tpu.memory_space<semaphore_mem>>)
    %mul3A_432 = arith.constant 656 : i32
    %mul3A_433 = arith.muli %arg1, %mul3A_432 : i32
    %add3A_434 = arith.constant 157440 : i32
    %add3A_435 = arith.addi %add3A_434, %mul3A_433 : i32
    %dma_start3A_436 = arith.constant 9840 : i32
    %dma_start3A_437 = tpu.memref_slice %arg7[%dma_start3A_436] : memref<10496xf32, #tpu.memory_space<vmem>> -> memref<656xf32, #tpu.memory_space<vmem>>
    %dma_start3A_438 = tpu.memref_slice %arg9[%add3A_435] : memref<167936xf32, #tpu.memory_space<vmem_shared>> -> memref<656xf32, #tpu.memory_space<vmem_shared>>
    %dma_start3A_439 = arith.constant 9840 : i32
    %dma_start3A_440 = tpu.memref_slice %arg7[%dma_start3A_439] : memref<10496xf32, #tpu.memory_space<vmem>> -> memref<656xf32, #tpu.memory_space<vmem>>
    %dma_start3A_441 = tpu.memref_slice %arg9[%add3A_435] : memref<167936xf32, #tpu.memory_space<vmem_shared>> -> memref<656xf32, #tpu.memory_space<vmem_shared>>
    tpu.enqueue_dma source(%dma_start3A_441 : memref<656xf32, #tpu.memory_space<vmem_shared>>) target(%dma_start3A_440 : memref<656xf32, #tpu.memory_space<vmem>>) target_semaphore(%arg8 : memref<!tpu.dma_semaphore, #tpu.memory_space<semaphore_mem>>)
    %mul3A_442 = arith.constant 656 : i32
    %mul3A_443 = arith.muli %arg1, %mul3A_442 : i32
    %add3A_444 = arith.constant 0 : i32
    %add3A_445 = arith.addi %add3A_444, %mul3A_443 : i32
    %dma_wait3A_446 = arith.constant 0 : i32
    %dma_wait3A_447 = tpu.memref_slice %arg7[%dma_wait3A_446] : memref<10496xf32, #tpu.memory_space<vmem>> -> memref<656xf32, #tpu.memory_space<vmem>>
    %dma_wait3A_448 = tpu.memref_slice %arg9[%add3A_445] : memref<167936xf32, #tpu.memory_space<vmem_shared>> -> memref<656xf32, #tpu.memory_space<vmem_shared>>
    %dma_wait3A_449 = arith.constant 0 : i32
    %dma_wait3A_450 = tpu.memref_slice %arg7[%dma_wait3A_449] : memref<10496xf32, #tpu.memory_space<vmem>> -> memref<656xf32, #tpu.memory_space<vmem>>
    %dma_wait3A_451 = tpu.memref_slice %arg9[%add3A_445] : memref<167936xf32, #tpu.memory_space<vmem_shared>> -> memref<656xf32, #tpu.memory_space<vmem_shared>>
    tpu.wait_dma2 semaphore(%arg8 : memref<!tpu.dma_semaphore, #tpu.memory_space<semaphore_mem>>) src(%dma_wait3A_451 : memref<656xf32, #tpu.memory_space<vmem_shared>>) dst(%dma_wait3A_450 : memref<656xf32, #tpu.memory_space<vmem>>)
    %mul3A_452 = arith.constant 656 : i32
    %mul3A_453 = arith.muli %arg1, %mul3A_452 : i32
    %add3A_454 = arith.constant 10496 : i32
    %add3A_455 = arith.addi %add3A_454, %mul3A_453 : i32
    %dma_wait3A_456 = arith.constant 656 : i32
    %dma_wait3A_457 = tpu.memref_slice %arg7[%dma_wait3A_456] : memref<10496xf32, #tpu.memory_space<vmem>> -> memref<656xf32, #tpu.memory_space<vmem>>
    %dma_wait3A_458 = tpu.memref_slice %arg9[%add3A_455] : memref<167936xf32, #tpu.memory_space<vmem_shared>> -> memref<656xf32, #tpu.memory_space<vmem_shared>>
    %dma_wait3A_459 = arith.constant 656 : i32
    %dma_wait3A_460 = tpu.memref_slice %arg7[%dma_wait3A_459] : memref<10496xf32, #tpu.memory_space<vmem>> -> memref<656xf32, #tpu.memory_space<vmem>>
    %dma_wait3A_461 = tpu.memref_slice %arg9[%add3A_455] : memref<167936xf32, #tpu.memory_space<vmem_shared>> -> memref<656xf32, #tpu.memory_space<vmem_shared>>
    tpu.wait_dma2 semaphore(%arg8 : memref<!tpu.dma_semaphore, #tpu.memory_space<semaphore_mem>>) src(%dma_wait3A_461 : memref<656xf32, #tpu.memory_space<vmem_shared>>) dst(%dma_wait3A_460 : memref<656xf32, #tpu.memory_space<vmem>>)
    %mul3A_462 = arith.constant 656 : i32
    %mul3A_463 = arith.muli %arg1, %mul3A_462 : i32
    %add3A_464 = arith.constant 20992 : i32
    %add3A_465 = arith.addi %add3A_464, %mul3A_463 : i32
    %dma_wait3A_466 = arith.constant 1312 : i32
    %dma_wait3A_467 = tpu.memref_slice %arg7[%dma_wait3A_466] : memref<10496xf32, #tpu.memory_space<vmem>> -> memref<656xf32, #tpu.memory_space<vmem>>
    %dma_wait3A_468 = tpu.memref_slice %arg9[%add3A_465] : memref<167936xf32, #tpu.memory_space<vmem_shared>> -> memref<656xf32, #tpu.memory_space<vmem_shared>>
    %dma_wait3A_469 = arith.constant 1312 : i32
    %dma_wait3A_470 = tpu.memref_slice %arg7[%dma_wait3A_469] : memref<10496xf32, #tpu.memory_space<vmem>> -> memref<656xf32, #tpu.memory_space<vmem>>
    %dma_wait3A_471 = tpu.memref_slice %arg9[%add3A_465] : memref<167936xf32, #tpu.memory_space<vmem_shared>> -> memref<656xf32, #tpu.memory_space<vmem_shared>>
    tpu.wait_dma2 semaphore(%arg8 : memref<!tpu.dma_semaphore, #tpu.memory_space<semaphore_mem>>) src(%dma_wait3A_471 : memref<656xf32, #tpu.memory_space<vmem_shared>>) dst(%dma_wait3A_470 : memref<656xf32, #tpu.memory_space<vmem>>)
    %mul3A_472 = arith.constant 656 : i32
    %mul3A_473 = arith.muli %arg1, %mul3A_472 : i32
    %add3A_474 = arith.constant 31488 : i32
    %add3A_475 = arith.addi %add3A_474, %mul3A_473 : i32
    %dma_wait3A_476 = arith.constant 1968 : i32
    %dma_wait3A_477 = tpu.memref_slice %arg7[%dma_wait3A_476] : memref<10496xf32, #tpu.memory_space<vmem>> -> memref<656xf32, #tpu.memory_space<vmem>>
    %dma_wait3A_478 = tpu.memref_slice %arg9[%add3A_475] : memref<167936xf32, #tpu.memory_space<vmem_shared>> -> memref<656xf32, #tpu.memory_space<vmem_shared>>
    %dma_wait3A_479 = arith.constant 1968 : i32
    %dma_wait3A_480 = tpu.memref_slice %arg7[%dma_wait3A_479] : memref<10496xf32, #tpu.memory_space<vmem>> -> memref<656xf32, #tpu.memory_space<vmem>>
    %dma_wait3A_481 = tpu.memref_slice %arg9[%add3A_475] : memref<167936xf32, #tpu.memory_space<vmem_shared>> -> memref<656xf32, #tpu.memory_space<vmem_shared>>
    tpu.wait_dma2 semaphore(%arg8 : memref<!tpu.dma_semaphore, #tpu.memory_space<semaphore_mem>>) src(%dma_wait3A_481 : memref<656xf32, #tpu.memory_space<vmem_shared>>) dst(%dma_wait3A_480 : memref<656xf32, #tpu.memory_space<vmem>>)
    %mul3A_482 = arith.constant 656 : i32
    %mul3A_483 = arith.muli %arg1, %mul3A_482 : i32
    %add3A_484 = arith.constant 41984 : i32
    %add3A_485 = arith.addi %add3A_484, %mul3A_483 : i32
    %dma_wait3A_486 = arith.constant 2624 : i32
    %dma_wait3A_487 = tpu.memref_slice %arg7[%dma_wait3A_486] : memref<10496xf32, #tpu.memory_space<vmem>> -> memref<656xf32, #tpu.memory_space<vmem>>
    %dma_wait3A_488 = tpu.memref_slice %arg9[%add3A_485] : memref<167936xf32, #tpu.memory_space<vmem_shared>> -> memref<656xf32, #tpu.memory_space<vmem_shared>>
    %dma_wait3A_489 = arith.constant 2624 : i32
    %dma_wait3A_490 = tpu.memref_slice %arg7[%dma_wait3A_489] : memref<10496xf32, #tpu.memory_space<vmem>> -> memref<656xf32, #tpu.memory_space<vmem>>
    %dma_wait3A_491 = tpu.memref_slice %arg9[%add3A_485] : memref<167936xf32, #tpu.memory_space<vmem_shared>> -> memref<656xf32, #tpu.memory_space<vmem_shared>>
    tpu.wait_dma2 semaphore(%arg8 : memref<!tpu.dma_semaphore, #tpu.memory_space<semaphore_mem>>) src(%dma_wait3A_491 : memref<656xf32, #tpu.memory_space<vmem_shared>>) dst(%dma_wait3A_490 : memref<656xf32, #tpu.memory_space<vmem>>)
    %mul3A_492 = arith.constant 656 : i32
    %mul3A_493 = arith.muli %arg1, %mul3A_492 : i32
    %add3A_494 = arith.constant 52480 : i32
    %add3A_495 = arith.addi %add3A_494, %mul3A_493 : i32
    %dma_wait3A_496 = arith.constant 3280 : i32
    %dma_wait3A_497 = tpu.memref_slice %arg7[%dma_wait3A_496] : memref<10496xf32, #tpu.memory_space<vmem>> -> memref<656xf32, #tpu.memory_space<vmem>>
    %dma_wait3A_498 = tpu.memref_slice %arg9[%add3A_495] : memref<167936xf32, #tpu.memory_space<vmem_shared>> -> memref<656xf32, #tpu.memory_space<vmem_shared>>
    %dma_wait3A_499 = arith.constant 3280 : i32
    %dma_wait3A_500 = tpu.memref_slice %arg7[%dma_wait3A_499] : memref<10496xf32, #tpu.memory_space<vmem>> -> memref<656xf32, #tpu.memory_space<vmem>>
    %dma_wait3A_501 = tpu.memref_slice %arg9[%add3A_495] : memref<167936xf32, #tpu.memory_space<vmem_shared>> -> memref<656xf32, #tpu.memory_space<vmem_shared>>
    tpu.wait_dma2 semaphore(%arg8 : memref<!tpu.dma_semaphore, #tpu.memory_space<semaphore_mem>>) src(%dma_wait3A_501 : memref<656xf32, #tpu.memory_space<vmem_shared>>) dst(%dma_wait3A_500 : memref<656xf32, #tpu.memory_space<vmem>>)
    %mul3A_502 = arith.constant 656 : i32
    %mul3A_503 = arith.muli %arg1, %mul3A_502 : i32
    %add3A_504 = arith.constant 62976 : i32
    %add3A_505 = arith.addi %add3A_504, %mul3A_503 : i32
    %dma_wait3A_506 = arith.constant 3936 : i32
    %dma_wait3A_507 = tpu.memref_slice %arg7[%dma_wait3A_506] : memref<10496xf32, #tpu.memory_space<vmem>> -> memref<656xf32, #tpu.memory_space<vmem>>
    %dma_wait3A_508 = tpu.memref_slice %arg9[%add3A_505] : memref<167936xf32, #tpu.memory_space<vmem_shared>> -> memref<656xf32, #tpu.memory_space<vmem_shared>>
    %dma_wait3A_509 = arith.constant 3936 : i32
    %dma_wait3A_510 = tpu.memref_slice %arg7[%dma_wait3A_509] : memref<10496xf32, #tpu.memory_space<vmem>> -> memref<656xf32, #tpu.memory_space<vmem>>
    %dma_wait3A_511 = tpu.memref_slice %arg9[%add3A_505] : memref<167936xf32, #tpu.memory_space<vmem_shared>> -> memref<656xf32, #tpu.memory_space<vmem_shared>>
    tpu.wait_dma2 semaphore(%arg8 : memref<!tpu.dma_semaphore, #tpu.memory_space<semaphore_mem>>) src(%dma_wait3A_511 : memref<656xf32, #tpu.memory_space<vmem_shared>>) dst(%dma_wait3A_510 : memref<656xf32, #tpu.memory_space<vmem>>)
    %mul3A_512 = arith.constant 656 : i32
    %mul3A_513 = arith.muli %arg1, %mul3A_512 : i32
    %add3A_514 = arith.constant 73472 : i32
    %add3A_515 = arith.addi %add3A_514, %mul3A_513 : i32
    %dma_wait3A_516 = arith.constant 4592 : i32
    %dma_wait3A_517 = tpu.memref_slice %arg7[%dma_wait3A_516] : memref<10496xf32, #tpu.memory_space<vmem>> -> memref<656xf32, #tpu.memory_space<vmem>>
    %dma_wait3A_518 = tpu.memref_slice %arg9[%add3A_515] : memref<167936xf32, #tpu.memory_space<vmem_shared>> -> memref<656xf32, #tpu.memory_space<vmem_shared>>
    %dma_wait3A_519 = arith.constant 4592 : i32
    %dma_wait3A_520 = tpu.memref_slice %arg7[%dma_wait3A_519] : memref<10496xf32, #tpu.memory_space<vmem>> -> memref<656xf32, #tpu.memory_space<vmem>>
    %dma_wait3A_521 = tpu.memref_slice %arg9[%add3A_515] : memref<167936xf32, #tpu.memory_space<vmem_shared>> -> memref<656xf32, #tpu.memory_space<vmem_shared>>
    tpu.wait_dma2 semaphore(%arg8 : memref<!tpu.dma_semaphore, #tpu.memory_space<semaphore_mem>>) src(%dma_wait3A_521 : memref<656xf32, #tpu.memory_space<vmem_shared>>) dst(%dma_wait3A_520 : memref<656xf32, #tpu.memory_space<vmem>>)
    %mul3A_522 = arith.constant 656 : i32
    %mul3A_523 = arith.muli %arg1, %mul3A_522 : i32
    %add3A_524 = arith.constant 83968 : i32
    %add3A_525 = arith.addi %add3A_524, %mul3A_523 : i32
    %dma_wait3A_526 = arith.constant 5248 : i32
    %dma_wait3A_527 = tpu.memref_slice %arg7[%dma_wait3A_526] : memref<10496xf32, #tpu.memory_space<vmem>> -> memref<656xf32, #tpu.memory_space<vmem>>
    %dma_wait3A_528 = tpu.memref_slice %arg9[%add3A_525] : memref<167936xf32, #tpu.memory_space<vmem_shared>> -> memref<656xf32, #tpu.memory_space<vmem_shared>>
    %dma_wait3A_529 = arith.constant 5248 : i32
    %dma_wait3A_530 = tpu.memref_slice %arg7[%dma_wait3A_529] : memref<10496xf32, #tpu.memory_space<vmem>> -> memref<656xf32, #tpu.memory_space<vmem>>
    %dma_wait3A_531 = tpu.memref_slice %arg9[%add3A_525] : memref<167936xf32, #tpu.memory_space<vmem_shared>> -> memref<656xf32, #tpu.memory_space<vmem_shared>>
    tpu.wait_dma2 semaphore(%arg8 : memref<!tpu.dma_semaphore, #tpu.memory_space<semaphore_mem>>) src(%dma_wait3A_531 : memref<656xf32, #tpu.memory_space<vmem_shared>>) dst(%dma_wait3A_530 : memref<656xf32, #tpu.memory_space<vmem>>)
    %mul3A_532 = arith.constant 656 : i32
    %mul3A_533 = arith.muli %arg1, %mul3A_532 : i32
    %add3A_534 = arith.constant 94464 : i32
    %add3A_535 = arith.addi %add3A_534, %mul3A_533 : i32
    %dma_wait3A_536 = arith.constant 5904 : i32
    %dma_wait3A_537 = tpu.memref_slice %arg7[%dma_wait3A_536] : memref<10496xf32, #tpu.memory_space<vmem>> -> memref<656xf32, #tpu.memory_space<vmem>>
    %dma_wait3A_538 = tpu.memref_slice %arg9[%add3A_535] : memref<167936xf32, #tpu.memory_space<vmem_shared>> -> memref<656xf32, #tpu.memory_space<vmem_shared>>
    %dma_wait3A_539 = arith.constant 5904 : i32
    %dma_wait3A_540 = tpu.memref_slice %arg7[%dma_wait3A_539] : memref<10496xf32, #tpu.memory_space<vmem>> -> memref<656xf32, #tpu.memory_space<vmem>>
    %dma_wait3A_541 = tpu.memref_slice %arg9[%add3A_535] : memref<167936xf32, #tpu.memory_space<vmem_shared>> -> memref<656xf32, #tpu.memory_space<vmem_shared>>
    tpu.wait_dma2 semaphore(%arg8 : memref<!tpu.dma_semaphore, #tpu.memory_space<semaphore_mem>>) src(%dma_wait3A_541 : memref<656xf32, #tpu.memory_space<vmem_shared>>) dst(%dma_wait3A_540 : memref<656xf32, #tpu.memory_space<vmem>>)
    %mul3A_542 = arith.constant 656 : i32
    %mul3A_543 = arith.muli %arg1, %mul3A_542 : i32
    %add3A_544 = arith.constant 104960 : i32
    %add3A_545 = arith.addi %add3A_544, %mul3A_543 : i32
    %dma_wait3A_546 = arith.constant 6560 : i32
    %dma_wait3A_547 = tpu.memref_slice %arg7[%dma_wait3A_546] : memref<10496xf32, #tpu.memory_space<vmem>> -> memref<656xf32, #tpu.memory_space<vmem>>
    %dma_wait3A_548 = tpu.memref_slice %arg9[%add3A_545] : memref<167936xf32, #tpu.memory_space<vmem_shared>> -> memref<656xf32, #tpu.memory_space<vmem_shared>>
    %dma_wait3A_549 = arith.constant 6560 : i32
    %dma_wait3A_550 = tpu.memref_slice %arg7[%dma_wait3A_549] : memref<10496xf32, #tpu.memory_space<vmem>> -> memref<656xf32, #tpu.memory_space<vmem>>
    %dma_wait3A_551 = tpu.memref_slice %arg9[%add3A_545] : memref<167936xf32, #tpu.memory_space<vmem_shared>> -> memref<656xf32, #tpu.memory_space<vmem_shared>>
    tpu.wait_dma2 semaphore(%arg8 : memref<!tpu.dma_semaphore, #tpu.memory_space<semaphore_mem>>) src(%dma_wait3A_551 : memref<656xf32, #tpu.memory_space<vmem_shared>>) dst(%dma_wait3A_550 : memref<656xf32, #tpu.memory_space<vmem>>)
    %mul3A_552 = arith.constant 656 : i32
    %mul3A_553 = arith.muli %arg1, %mul3A_552 : i32
    %add3A_554 = arith.constant 115456 : i32
    %add3A_555 = arith.addi %add3A_554, %mul3A_553 : i32
    %dma_wait3A_556 = arith.constant 7216 : i32
    %dma_wait3A_557 = tpu.memref_slice %arg7[%dma_wait3A_556] : memref<10496xf32, #tpu.memory_space<vmem>> -> memref<656xf32, #tpu.memory_space<vmem>>
    %dma_wait3A_558 = tpu.memref_slice %arg9[%add3A_555] : memref<167936xf32, #tpu.memory_space<vmem_shared>> -> memref<656xf32, #tpu.memory_space<vmem_shared>>
    %dma_wait3A_559 = arith.constant 7216 : i32
    %dma_wait3A_560 = tpu.memref_slice %arg7[%dma_wait3A_559] : memref<10496xf32, #tpu.memory_space<vmem>> -> memref<656xf32, #tpu.memory_space<vmem>>
    %dma_wait3A_561 = tpu.memref_slice %arg9[%add3A_555] : memref<167936xf32, #tpu.memory_space<vmem_shared>> -> memref<656xf32, #tpu.memory_space<vmem_shared>>
    tpu.wait_dma2 semaphore(%arg8 : memref<!tpu.dma_semaphore, #tpu.memory_space<semaphore_mem>>) src(%dma_wait3A_561 : memref<656xf32, #tpu.memory_space<vmem_shared>>) dst(%dma_wait3A_560 : memref<656xf32, #tpu.memory_space<vmem>>)
    %mul3A_562 = arith.constant 656 : i32
    %mul3A_563 = arith.muli %arg1, %mul3A_562 : i32
    %add3A_564 = arith.constant 125952 : i32
    %add3A_565 = arith.addi %add3A_564, %mul3A_563 : i32
    %dma_wait3A_566 = arith.constant 7872 : i32
    %dma_wait3A_567 = tpu.memref_slice %arg7[%dma_wait3A_566] : memref<10496xf32, #tpu.memory_space<vmem>> -> memref<656xf32, #tpu.memory_space<vmem>>
    %dma_wait3A_568 = tpu.memref_slice %arg9[%add3A_565] : memref<167936xf32, #tpu.memory_space<vmem_shared>> -> memref<656xf32, #tpu.memory_space<vmem_shared>>
    %dma_wait3A_569 = arith.constant 7872 : i32
    %dma_wait3A_570 = tpu.memref_slice %arg7[%dma_wait3A_569] : memref<10496xf32, #tpu.memory_space<vmem>> -> memref<656xf32, #tpu.memory_space<vmem>>
    %dma_wait3A_571 = tpu.memref_slice %arg9[%add3A_565] : memref<167936xf32, #tpu.memory_space<vmem_shared>> -> memref<656xf32, #tpu.memory_space<vmem_shared>>
    tpu.wait_dma2 semaphore(%arg8 : memref<!tpu.dma_semaphore, #tpu.memory_space<semaphore_mem>>) src(%dma_wait3A_571 : memref<656xf32, #tpu.memory_space<vmem_shared>>) dst(%dma_wait3A_570 : memref<656xf32, #tpu.memory_space<vmem>>)
    %mul3A_572 = arith.constant 656 : i32
    %mul3A_573 = arith.muli %arg1, %mul3A_572 : i32
    %add3A_574 = arith.constant 136448 : i32
    %add3A_575 = arith.addi %add3A_574, %mul3A_573 : i32
    %dma_wait3A_576 = arith.constant 8528 : i32
    %dma_wait3A_577 = tpu.memref_slice %arg7[%dma_wait3A_576] : memref<10496xf32, #tpu.memory_space<vmem>> -> memref<656xf32, #tpu.memory_space<vmem>>
    %dma_wait3A_578 = tpu.memref_slice %arg9[%add3A_575] : memref<167936xf32, #tpu.memory_space<vmem_shared>> -> memref<656xf32, #tpu.memory_space<vmem_shared>>
    %dma_wait3A_579 = arith.constant 8528 : i32
    %dma_wait3A_580 = tpu.memref_slice %arg7[%dma_wait3A_579] : memref<10496xf32, #tpu.memory_space<vmem>> -> memref<656xf32, #tpu.memory_space<vmem>>
    %dma_wait3A_581 = tpu.memref_slice %arg9[%add3A_575] : memref<167936xf32, #tpu.memory_space<vmem_shared>> -> memref<656xf32, #tpu.memory_space<vmem_shared>>
    tpu.wait_dma2 semaphore(%arg8 : memref<!tpu.dma_semaphore, #tpu.memory_space<semaphore_mem>>) src(%dma_wait3A_581 : memref<656xf32, #tpu.memory_space<vmem_shared>>) dst(%dma_wait3A_580 : memref<656xf32, #tpu.memory_space<vmem>>)
    %mul3A_582 = arith.constant 656 : i32
    %mul3A_583 = arith.muli %arg1, %mul3A_582 : i32
    %add3A_584 = arith.constant 146944 : i32
    %add3A_585 = arith.addi %add3A_584, %mul3A_583 : i32
    %dma_wait3A_586 = arith.constant 9184 : i32
    %dma_wait3A_587 = tpu.memref_slice %arg7[%dma_wait3A_586] : memref<10496xf32, #tpu.memory_space<vmem>> -> memref<656xf32, #tpu.memory_space<vmem>>
    %dma_wait3A_588 = tpu.memref_slice %arg9[%add3A_585] : memref<167936xf32, #tpu.memory_space<vmem_shared>> -> memref<656xf32, #tpu.memory_space<vmem_shared>>
    %dma_wait3A_589 = arith.constant 9184 : i32
    %dma_wait3A_590 = tpu.memref_slice %arg7[%dma_wait3A_589] : memref<10496xf32, #tpu.memory_space<vmem>> -> memref<656xf32, #tpu.memory_space<vmem>>
    %dma_wait3A_591 = tpu.memref_slice %arg9[%add3A_585] : memref<167936xf32, #tpu.memory_space<vmem_shared>> -> memref<656xf32, #tpu.memory_space<vmem_shared>>
    tpu.wait_dma2 semaphore(%arg8 : memref<!tpu.dma_semaphore, #tpu.memory_space<semaphore_mem>>) src(%dma_wait3A_591 : memref<656xf32, #tpu.memory_space<vmem_shared>>) dst(%dma_wait3A_590 : memref<656xf32, #tpu.memory_space<vmem>>)
    %mul3A_592 = arith.constant 656 : i32
    %mul3A_593 = arith.muli %arg1, %mul3A_592 : i32
    %add3A_594 = arith.constant 157440 : i32
    %add3A_595 = arith.addi %add3A_594, %mul3A_593 : i32
    %dma_wait3A_596 = arith.constant 9840 : i32
    %dma_wait3A_597 = tpu.memref_slice %arg7[%dma_wait3A_596] : memref<10496xf32, #tpu.memory_space<vmem>> -> memref<656xf32, #tpu.memory_space<vmem>>
    %dma_wait3A_598 = tpu.memref_slice %arg9[%add3A_595] : memref<167936xf32, #tpu.memory_space<vmem_shared>> -> memref<656xf32, #tpu.memory_space<vmem_shared>>
    %dma_wait3A_599 = arith.constant 9840 : i32
    %dma_wait3A_600 = tpu.memref_slice %arg7[%dma_wait3A_599] : memref<10496xf32, #tpu.memory_space<vmem>> -> memref<656xf32, #tpu.memory_space<vmem>>
    %dma_wait3A_601 = tpu.memref_slice %arg9[%add3A_595] : memref<167936xf32, #tpu.memory_space<vmem_shared>> -> memref<656xf32, #tpu.memory_space<vmem_shared>>
    tpu.wait_dma2 semaphore(%arg8 : memref<!tpu.dma_semaphore, #tpu.memory_space<semaphore_mem>>) src(%dma_wait3A_601 : memref<656xf32, #tpu.memory_space<vmem_shared>>) dst(%dma_wait3A_600 : memref<656xf32, #tpu.memory_space<vmem>>)
    %scan3A_602 = arith.constant 0 : i32
    %scan3A_603 = arith.constant 0 : i32
    %scan3A_604 = arith.constant 41 : i32
    %scan3A_605 = arith.addi %scan3A_603, %scan3A_604 : i32
    %scan3A_606 = arith.constant 1 : i32
    %scan3A_607 = scf.for %scan3A_618 = %scan3A_603 to %scan3A_605 step %scan3A_606 iter_args(%scan3A_619 = %scan3A_602) -> (i32)  : i32 {
      %mul3A_620 = arith.constant 16 : i32
      %mul3A_621 = arith.muli %scan3A_618, %mul3A_620 : i32
      %get3A = arith.index_cast %mul3A_621 : i32 to index
      %get3A_622 = tpu.vector_load %arg7[%get3A] {strides = array<i32>} : memref<10496xf32, #tpu.memory_space<vmem>>, vector<16xf32>,
      %get3A_623 = vector.shape_cast %get3A_622 : vector<16xf32> to vector<16xf32>
      %mul3A_624 = arith.constant 16 : i32
      %mul3A_625 = arith.muli %scan3A_618, %mul3A_624 : i32
      %add3A_626 = arith.constant 656 : i32
      %add3A_627 = arith.addi %add3A_626, %mul3A_625 : i32
      %get3A_628 = arith.index_cast %add3A_627 : i32 to index
      %get3A_629 = tpu.vector_load %arg7[%get3A_628] {strides = array<i32>} : memref<10496xf32, #tpu.memory_space<vmem>>, vector<16xf32>,
      %get3A_630 = vector.shape_cast %get3A_629 : vector<16xf32> to vector<16xf32>
      %add3A_631 = arith.addf %get3A_623, %get3A_630 : vector<16xf32>
      %mul3A_632 = arith.constant 16 : i32
      %mul3A_633 = arith.muli %scan3A_618, %mul3A_632 : i32
      %add3A_634 = arith.constant 1312 : i32
      %add3A_635 = arith.addi %add3A_634, %mul3A_633 : i32
      %get3A_636 = arith.index_cast %add3A_635 : i32 to index
      %get3A_637 = tpu.vector_load %arg7[%get3A_636] {strides = array<i32>} : memref<10496xf32, #tpu.memory_space<vmem>>, vector<16xf32>,
      %get3A_638 = vector.shape_cast %get3A_637 : vector<16xf32> to vector<16xf32>
      %add3A_639 = arith.addf %add3A_631, %get3A_638 : vector<16xf32>
      %mul3A_640 = arith.constant 16 : i32
      %mul3A_641 = arith.muli %scan3A_618, %mul3A_640 : i32
      %add3A_642 = arith.constant 1968 : i32
      %add3A_643 = arith.addi %add3A_642, %mul3A_641 : i32
      %get3A_644 = arith.index_cast %add3A_643 : i32 to index
      %get3A_645 = tpu.vector_load %arg7[%get3A_644] {strides = array<i32>} : memref<10496xf32, #tpu.memory_space<vmem>>, vector<16xf32>,
      %get3A_646 = vector.shape_cast %get3A_645 : vector<16xf32> to vector<16xf32>
      %add3A_647 = arith.addf %add3A_639, %get3A_646 : vector<16xf32>
      %mul3A_648 = arith.constant 16 : i32
      %mul3A_649 = arith.muli %scan3A_618, %mul3A_648 : i32
      %add3A_650 = arith.constant 2624 : i32
      %add3A_651 = arith.addi %add3A_650, %mul3A_649 : i32
      %get3A_652 = arith.index_cast %add3A_651 : i32 to index
      %get3A_653 = tpu.vector_load %arg7[%get3A_652] {strides = array<i32>} : memref<10496xf32, #tpu.memory_space<vmem>>, vector<16xf32>,
      %get3A_654 = vector.shape_cast %get3A_653 : vector<16xf32> to vector<16xf32>
      %add3A_655 = arith.addf %add3A_647, %get3A_654 : vector<16xf32>
      %mul3A_656 = arith.constant 16 : i32
      %mul3A_657 = arith.muli %scan3A_618, %mul3A_656 : i32
      %add3A_658 = arith.constant 3280 : i32
      %add3A_659 = arith.addi %add3A_658, %mul3A_657 : i32
      %get3A_660 = arith.index_cast %add3A_659 : i32 to index
      %get3A_661 = tpu.vector_load %arg7[%get3A_660] {strides = array<i32>} : memref<10496xf32, #tpu.memory_space<vmem>>, vector<16xf32>,
      %get3A_662 = vector.shape_cast %get3A_661 : vector<16xf32> to vector<16xf32>
      %add3A_663 = arith.addf %add3A_655, %get3A_662 : vector<16xf32>
      %mul3A_664 = arith.constant 16 : i32
      %mul3A_665 = arith.muli %scan3A_618, %mul3A_664 : i32
      %add3A_666 = arith.constant 3936 : i32
      %add3A_667 = arith.addi %add3A_666, %mul3A_665 : i32
      %get3A_668 = arith.index_cast %add3A_667 : i32 to index
      %get3A_669 = tpu.vector_load %arg7[%get3A_668] {strides = array<i32>} : memref<10496xf32, #tpu.memory_space<vmem>>, vector<16xf32>,
      %get3A_670 = vector.shape_cast %get3A_669 : vector<16xf32> to vector<16xf32>
      %add3A_671 = arith.addf %add3A_663, %get3A_670 : vector<16xf32>
      %mul3A_672 = arith.constant 16 : i32
      %mul3A_673 = arith.muli %scan3A_618, %mul3A_672 : i32
      %add3A_674 = arith.constant 4592 : i32
      %add3A_675 = arith.addi %add3A_674, %mul3A_673 : i32
      %get3A_676 = arith.index_cast %add3A_675 : i32 to index
      %get3A_677 = tpu.vector_load %arg7[%get3A_676] {strides = array<i32>} : memref<10496xf32, #tpu.memory_space<vmem>>, vector<16xf32>,
      %get3A_678 = vector.shape_cast %get3A_677 : vector<16xf32> to vector<16xf32>
      %add3A_679 = arith.addf %add3A_671, %get3A_678 : vector<16xf32>
      %mul3A_680 = arith.constant 16 : i32
      %mul3A_681 = arith.muli %scan3A_618, %mul3A_680 : i32
      %add3A_682 = arith.constant 5248 : i32
      %add3A_683 = arith.addi %add3A_682, %mul3A_681 : i32
      %get3A_684 = arith.index_cast %add3A_683 : i32 to index
      %get3A_685 = tpu.vector_load %arg7[%get3A_684] {strides = array<i32>} : memref<10496xf32, #tpu.memory_space<vmem>>, vector<16xf32>,
      %get3A_686 = vector.shape_cast %get3A_685 : vector<16xf32> to vector<16xf32>
      %add3A_687 = arith.addf %add3A_679, %get3A_686 : vector<16xf32>
      %mul3A_688 = arith.constant 16 : i32
      %mul3A_689 = arith.muli %scan3A_618, %mul3A_688 : i32
      %add3A_690 = arith.constant 5904 : i32
      %add3A_691 = arith.addi %add3A_690, %mul3A_689 : i32
      %get3A_692 = arith.index_cast %add3A_691 : i32 to index
      %get3A_693 = tpu.vector_load %arg7[%get3A_692] {strides = array<i32>} : memref<10496xf32, #tpu.memory_space<vmem>>, vector<16xf32>,
      %get3A_694 = vector.shape_cast %get3A_693 : vector<16xf32> to vector<16xf32>
      %add3A_695 = arith.addf %add3A_687, %get3A_694 : vector<16xf32>
      %mul3A_696 = arith.constant 16 : i32
      %mul3A_697 = arith.muli %scan3A_618, %mul3A_696 : i32
      %add3A_698 = arith.constant 6560 : i32
      %add3A_699 = arith.addi %add3A_698, %mul3A_697 : i32
      %get3A_700 = arith.index_cast %add3A_699 : i32 to index
      %get3A_701 = tpu.vector_load %arg7[%get3A_700] {strides = array<i32>} : memref<10496xf32, #tpu.memory_space<vmem>>, vector<16xf32>,
      %get3A_702 = vector.shape_cast %get3A_701 : vector<16xf32> to vector<16xf32>
      %add3A_703 = arith.addf %add3A_695, %get3A_702 : vector<16xf32>
      %mul3A_704 = arith.constant 16 : i32
      %mul3A_705 = arith.muli %scan3A_618, %mul3A_704 : i32
      %add3A_706 = arith.constant 7216 : i32
      %add3A_707 = arith.addi %add3A_706, %mul3A_705 : i32
      %get3A_708 = arith.index_cast %add3A_707 : i32 to index
      %get3A_709 = tpu.vector_load %arg7[%get3A_708] {strides = array<i32>} : memref<10496xf32, #tpu.memory_space<vmem>>, vector<16xf32>,
      %get3A_710 = vector.shape_cast %get3A_709 : vector<16xf32> to vector<16xf32>
      %add3A_711 = arith.addf %add3A_703, %get3A_710 : vector<16xf32>
      %mul3A_712 = arith.constant 16 : i32
      %mul3A_713 = arith.muli %scan3A_618, %mul3A_712 : i32
      %add3A_714 = arith.constant 7872 : i32
      %add3A_715 = arith.addi %add3A_714, %mul3A_713 : i32
      %get3A_716 = arith.index_cast %add3A_715 : i32 to index
      %get3A_717 = tpu.vector_load %arg7[%get3A_716] {strides = array<i32>} : memref<10496xf32, #tpu.memory_space<vmem>>, vector<16xf32>,
      %get3A_718 = vector.shape_cast %get3A_717 : vector<16xf32> to vector<16xf32>
      %add3A_719 = arith.addf %add3A_711, %get3A_718 : vector<16xf32>
      %mul3A_720 = arith.constant 16 : i32
      %mul3A_721 = arith.muli %scan3A_618, %mul3A_720 : i32
      %add3A_722 = arith.constant 8528 : i32
      %add3A_723 = arith.addi %add3A_722, %mul3A_721 : i32
      %get3A_724 = arith.index_cast %add3A_723 : i32 to index
      %get3A_725 = tpu.vector_load %arg7[%get3A_724] {strides = array<i32>} : memref<10496xf32, #tpu.memory_space<vmem>>, vector<16xf32>,
      %get3A_726 = vector.shape_cast %get3A_725 : vector<16xf32> to vector<16xf32>
      %add3A_727 = arith.addf %add3A_719, %get3A_726 : vector<16xf32>
      %mul3A_728 = arith.constant 16 : i32
      %mul3A_729 = arith.muli %scan3A_618, %mul3A_728 : i32
      %add3A_730 = arith.constant 9184 : i32
      %add3A_731 = arith.addi %add3A_730, %mul3A_729 : i32
      %get3A_732 = arith.index_cast %add3A_731 : i32 to index
      %get3A_733 = tpu.vector_load %arg7[%get3A_732] {strides = array<i32>} : memref<10496xf32, #tpu.memory_space<vmem>>, vector<16xf32>,
      %get3A_734 = vector.shape_cast %get3A_733 : vector<16xf32> to vector<16xf32>
      %add3A_735 = arith.addf %add3A_727, %get3A_734 : vector<16xf32>
      %mul3A_736 = arith.constant 16 : i32
      %mul3A_737 = arith.muli %scan3A_618, %mul3A_736 : i32
      %add3A_738 = arith.constant 9840 : i32
      %add3A_739 = arith.addi %add3A_738, %mul3A_737 : i32
      %get3A_740 = arith.index_cast %add3A_739 : i32 to index
      %get3A_741 = tpu.vector_load %arg7[%get3A_740] {strides = array<i32>} : memref<10496xf32, #tpu.memory_space<vmem>>, vector<16xf32>,
      %get3A_742 = vector.shape_cast %get3A_741 : vector<16xf32> to vector<16xf32>
      %add3A_743 = arith.addf %add3A_735, %get3A_742 : vector<16xf32>
      %mul3A_744 = arith.constant 16 : i32
      %mul3A_745 = arith.muli %scan3A_618, %mul3A_744 : i32
      %swap3A = arith.index_cast %mul3A_745 : i32 to index
      %swap3A_746 = tpu.vector_load %arg6[%swap3A] {strides = array<i32>} : memref<656xf32, #tpu.memory_space<vmem>>, vector<16xf32>,
      %swap3A_747 = vector.shape_cast %swap3A_746 : vector<16xf32> to vector<16xf32>
      %swap3A_748 = vector.shape_cast %add3A_743 : vector<16xf32> to vector<16xf32>
      tpu.vector_store %arg6[%swap3A], %swap3A_748 {strides = array<i32>} : memref<656xf32, #tpu.memory_space<vmem>>, vector<16xf32>,
      %scan3A_749 = arith.constant 0 : i32
      scf.yield %scan3A_749 : i32
    }
    %scan3A_608 = arith.constant 41 : i32
    %lt3A_609 = arith.constant 15 : i32
    %lt3A_610 = arith.cmpi slt, %arg1, %lt3A_609 : i32
    %convert_element_type3A_611 = arith.extui %lt3A_610 : i1 to i32
    %cond3A_612 = arith.constant 0 : i32
    %cond3A_613 = arith.cmpi ne, %convert_element_type3A_611, %cond3A_612 : i32
    scf.if %cond3A_613 {
      %mul3A_618 = arith.constant 10240 : i32
      %mul3A_619 = arith.muli %arg0, %mul3A_618 : i32
      %mul3A_620 = arith.constant 656 : i32
      %mul3A_621 = arith.muli %arg1, %mul3A_620 : i32
      %add3A_622 = arith.addi %mul3A_619, %mul3A_621 : i32
      "tpu.region"() ({
        %run_scoped3A = tpu.sem_alloc : memref<!tpu.dma_semaphore, #tpu.memory_space<semaphore_mem>>
        %dma_start3A_623 = tpu.memref_slice %arg3[%add3A_622] : memref<20480xf32, #tpu.memory_space<hbm>> -> memref<656xf32, #tpu.memory_space<hbm>>
        %dma_start3A_624 = tpu.memref_slice %arg3[%add3A_622] : memref<20480xf32, #tpu.memory_space<hbm>> -> memref<656xf32, #tpu.memory_space<hbm>>
        tpu.enqueue_dma source(%arg6 : memref<656xf32, #tpu.memory_space<vmem>>) target(%dma_start3A_624 : memref<656xf32, #tpu.memory_space<hbm>>) target_semaphore(%run_scoped3A : memref<!tpu.dma_semaphore, #tpu.memory_space<semaphore_mem>>)
        %dma_wait3A_625 = tpu.memref_slice %arg3[%add3A_622] : memref<20480xf32, #tpu.memory_space<hbm>> -> memref<656xf32, #tpu.memory_space<hbm>>
        %dma_wait3A_626 = tpu.memref_slice %arg3[%add3A_622] : memref<20480xf32, #tpu.memory_space<hbm>> -> memref<656xf32, #tpu.memory_space<hbm>>
        tpu.wait_dma2 semaphore(%run_scoped3A : memref<!tpu.dma_semaphore, #tpu.memory_space<semaphore_mem>>) src(%arg6 : memref<656xf32, #tpu.memory_space<vmem>>) dst(%dma_wait3A_626 : memref<656xf32, #tpu.memory_space<hbm>>)
        tpu.yield
      }) : () -> ()
    } else {
    }
    %eq3A = arith.constant 15 : i32
    %eq3A_614 = arith.cmpi eq, %arg1, %eq3A : i32
    %convert_element_type3A_615 = arith.extui %eq3A_614 : i1 to i32
    %cond3A_616 = arith.constant 0 : i32
    %cond3A_617 = arith.cmpi ne, %convert_element_type3A_615, %cond3A_616 : i32
    scf.if %cond3A_617 {
      %mul3A_618 = arith.constant 10240 : i32
      %mul3A_619 = arith.muli %arg0, %mul3A_618 : i32
      %add3A_620 = arith.constant 9840 : i32
      %add3A_621 = arith.addi %mul3A_619, %add3A_620 : i32
      "tpu.region"() ({
        %run_scoped3A = tpu.sem_alloc : memref<!tpu.dma_semaphore, #tpu.memory_space<semaphore_mem>>
        %dma_start3A_622 = arith.constant 0 : i32
        %dma_start3A_623 = tpu.memref_slice %arg6[%dma_start3A_622] : memref<656xf32, #tpu.memory_space<vmem>> -> memref<400xf32, #tpu.memory_space<vmem>>
        %dma_start3A_624 = tpu.memref_slice %arg3[%add3A_621] : memref<20480xf32, #tpu.memory_space<hbm>> -> memref<400xf32, #tpu.memory_space<hbm>>
        %dma_start3A_625 = tpu.memref_slice %arg3[%add3A_621] : memref<20480xf32, #tpu.memory_space<hbm>> -> memref<400xf32, #tpu.memory_space<hbm>>
        %dma_start3A_626 = arith.constant 0 : i32
        %dma_start3A_627 = tpu.memref_slice %arg6[%dma_start3A_626] : memref<656xf32, #tpu.memory_space<vmem>> -> memref<400xf32, #tpu.memory_space<vmem>>
        tpu.enqueue_dma source(%dma_start3A_627 : memref<400xf32, #tpu.memory_space<vmem>>) target(%dma_start3A_625 : memref<400xf32, #tpu.memory_space<hbm>>) target_semaphore(%run_scoped3A : memref<!tpu.dma_semaphore, #tpu.memory_space<semaphore_mem>>)
        %dma_wait3A_628 = arith.constant 0 : i32
        %dma_wait3A_629 = tpu.memref_slice %arg6[%dma_wait3A_628] : memref<656xf32, #tpu.memory_space<vmem>> -> memref<400xf32, #tpu.memory_space<vmem>>
        %dma_wait3A_630 = tpu.memref_slice %arg3[%add3A_621] : memref<20480xf32, #tpu.memory_space<hbm>> -> memref<400xf32, #tpu.memory_space<hbm>>
        %dma_wait3A_631 = tpu.memref_slice %arg3[%add3A_621] : memref<20480xf32, #tpu.memory_space<hbm>> -> memref<400xf32, #tpu.memory_space<hbm>>
        %dma_wait3A_632 = arith.constant 0 : i32
        %dma_wait3A_633 = tpu.memref_slice %arg6[%dma_wait3A_632] : memref<656xf32, #tpu.memory_space<vmem>> -> memref<400xf32, #tpu.memory_space<vmem>>
        tpu.wait_dma2 semaphore(%run_scoped3A : memref<!tpu.dma_semaphore, #tpu.memory_space<semaphore_mem>>) src(%dma_wait3A_633 : memref<400xf32, #tpu.memory_space<vmem>>) dst(%dma_wait3A_631 : memref<400xf32, #tpu.memory_space<hbm>>)
        tpu.yield
      }) : () -> ()
    } else {
    }
    return
  }
}

#map = affine_map<(d0, d1) -> (0, 0)>
#map1 = affine_map<(d0, d1) -> (0, 0, 0)>
module attributes {stable_mosaic.version = 14 : i64} {
  func.func @_agg_body(%arg0: i32, %arg1: i32, %arg2: memref<10240x128xf32, #tpu.memory_space<hbm>>, %arg3: memref<5000x128xi32, #tpu.memory_space<hbm>>, %arg4: memref<2x10240x128xf32, #tpu.memory_space<hbm>>, %arg5: memref<128xi32, #tpu.memory_space<vmem>>, %arg6: memref<128xi32, #tpu.memory_space<vmem>>, %arg7: memref<1x128xi32, #tpu.memory_space<vmem>>, %arg8: memref<1x128xi32, #tpu.memory_space<vmem>>, %arg9: memref<128x128xf32, #tpu.memory_space<vmem>>, %arg10: memref<128x128xf32, #tpu.memory_space<vmem>>, %arg11: memref<!tpu.dma_semaphore, #tpu.memory_space<semaphore_mem>>, %arg12: memref<!tpu.dma_semaphore, #tpu.memory_space<semaphore_mem>>, %arg13: memref<!tpu.dma_semaphore, #tpu.memory_space<semaphore_mem>>, %arg14: memref<!tpu.dma_semaphore, #tpu.memory_space<semaphore_mem>>, %arg15: memref<10240x128xf32, #tpu.memory_space<vmem_shared>>) attributes {dimension_semantics = [#tpu.dimension_semantics<core_parallel>, #tpu.dimension_semantics<subcore_parallel>], iteration_bounds = array<i64: 2, 16>, scalar_prefetch = 0 : i64, scratch_operands = 11 : i64, tpu.core_type = #tpu.core_type<sc_vector_subcore>, window_params = [{transform_indices = #map}, {transform_indices = #map}, {transform_indices = #map1}]} {
    %mul3A = arith.constant 2 : i32
    %mul3A_0 = arith.muli %arg1, %mul3A : i32
    %add3A = arith.addi %mul3A_0, %arg0 : i32
    %broadcast_in_dim3A = arith.constant 0.000000e+00 : f32
    %broadcast_in_dim3A_1 = vector.broadcast %broadcast_in_dim3A : f32 to vector<16xf32>
    %scan3A = arith.constant 0 : i32
    %scan3A_2 = arith.constant 0 : i32
    %scan3A_3 = arith.constant 64 : i32
    %scan3A_4 = arith.addi %scan3A_2, %scan3A_3 : i32
    %scan3A_5 = arith.constant 1 : i32
    %scan3A_6 = scf.for %scan3A_914 = %scan3A_2 to %scan3A_4 step %scan3A_5 iter_args(%scan3A_915 = %scan3A) -> (i32)  : i32 {
      %swap3A = arith.index_cast %scan3A_914 : i32 to index
      %swap3A_916 = arith.constant 0 : index
      %swap3A_917 = tpu.vector_load %arg9[%swap3A, %swap3A_916] {strides = array<i32>} : memref<128x128xf32, #tpu.memory_space<vmem>>, vector<1x16xf32>,
      %swap3A_918 = vector.shape_cast %swap3A_917 : vector<1x16xf32> to vector<16xf32>
      %swap3A_919 = vector.shape_cast %broadcast_in_dim3A_1 : vector<16xf32> to vector<1x16xf32>
      tpu.vector_store %arg9[%swap3A, %swap3A_916], %swap3A_919 {strides = array<i32>} : memref<128x128xf32, #tpu.memory_space<vmem>>, vector<1x16xf32>,
      %swap3A_920 = arith.index_cast %scan3A_914 : i32 to index
      %swap3A_921 = arith.constant 16 : index
      %swap3A_922 = tpu.vector_load %arg9[%swap3A_920, %swap3A_921] {strides = array<i32>} : memref<128x128xf32, #tpu.memory_space<vmem>>, vector<1x16xf32>,
      %swap3A_923 = vector.shape_cast %swap3A_922 : vector<1x16xf32> to vector<16xf32>
      %swap3A_924 = vector.shape_cast %broadcast_in_dim3A_1 : vector<16xf32> to vector<1x16xf32>
      tpu.vector_store %arg9[%swap3A_920, %swap3A_921], %swap3A_924 {strides = array<i32>} : memref<128x128xf32, #tpu.memory_space<vmem>>, vector<1x16xf32>,
      %swap3A_925 = arith.index_cast %scan3A_914 : i32 to index
      %swap3A_926 = arith.constant 32 : index
      %swap3A_927 = tpu.vector_load %arg9[%swap3A_925, %swap3A_926] {strides = array<i32>} : memref<128x128xf32, #tpu.memory_space<vmem>>, vector<1x16xf32>,
      %swap3A_928 = vector.shape_cast %swap3A_927 : vector<1x16xf32> to vector<16xf32>
      %swap3A_929 = vector.shape_cast %broadcast_in_dim3A_1 : vector<16xf32> to vector<1x16xf32>
      tpu.vector_store %arg9[%swap3A_925, %swap3A_926], %swap3A_929 {strides = array<i32>} : memref<128x128xf32, #tpu.memory_space<vmem>>, vector<1x16xf32>,
      %swap3A_930 = arith.index_cast %scan3A_914 : i32 to index
      %swap3A_931 = arith.constant 48 : index
      %swap3A_932 = tpu.vector_load %arg9[%swap3A_930, %swap3A_931] {strides = array<i32>} : memref<128x128xf32, #tpu.memory_space<vmem>>, vector<1x16xf32>,
      %swap3A_933 = vector.shape_cast %swap3A_932 : vector<1x16xf32> to vector<16xf32>
      %swap3A_934 = vector.shape_cast %broadcast_in_dim3A_1 : vector<16xf32> to vector<1x16xf32>
      tpu.vector_store %arg9[%swap3A_930, %swap3A_931], %swap3A_934 {strides = array<i32>} : memref<128x128xf32, #tpu.memory_space<vmem>>, vector<1x16xf32>,
      %swap3A_935 = arith.index_cast %scan3A_914 : i32 to index
      %swap3A_936 = arith.constant 64 : index
      %swap3A_937 = tpu.vector_load %arg9[%swap3A_935, %swap3A_936] {strides = array<i32>} : memref<128x128xf32, #tpu.memory_space<vmem>>, vector<1x16xf32>,
      %swap3A_938 = vector.shape_cast %swap3A_937 : vector<1x16xf32> to vector<16xf32>
      %swap3A_939 = vector.shape_cast %broadcast_in_dim3A_1 : vector<16xf32> to vector<1x16xf32>
      tpu.vector_store %arg9[%swap3A_935, %swap3A_936], %swap3A_939 {strides = array<i32>} : memref<128x128xf32, #tpu.memory_space<vmem>>, vector<1x16xf32>,
      %swap3A_940 = arith.index_cast %scan3A_914 : i32 to index
      %swap3A_941 = arith.constant 80 : index
      %swap3A_942 = tpu.vector_load %arg9[%swap3A_940, %swap3A_941] {strides = array<i32>} : memref<128x128xf32, #tpu.memory_space<vmem>>, vector<1x16xf32>,
      %swap3A_943 = vector.shape_cast %swap3A_942 : vector<1x16xf32> to vector<16xf32>
      %swap3A_944 = vector.shape_cast %broadcast_in_dim3A_1 : vector<16xf32> to vector<1x16xf32>
      tpu.vector_store %arg9[%swap3A_940, %swap3A_941], %swap3A_944 {strides = array<i32>} : memref<128x128xf32, #tpu.memory_space<vmem>>, vector<1x16xf32>,
      %swap3A_945 = arith.index_cast %scan3A_914 : i32 to index
      %swap3A_946 = arith.constant 96 : index
      %swap3A_947 = tpu.vector_load %arg9[%swap3A_945, %swap3A_946] {strides = array<i32>} : memref<128x128xf32, #tpu.memory_space<vmem>>, vector<1x16xf32>,
      %swap3A_948 = vector.shape_cast %swap3A_947 : vector<1x16xf32> to vector<16xf32>
      %swap3A_949 = vector.shape_cast %broadcast_in_dim3A_1 : vector<16xf32> to vector<1x16xf32>
      tpu.vector_store %arg9[%swap3A_945, %swap3A_946], %swap3A_949 {strides = array<i32>} : memref<128x128xf32, #tpu.memory_space<vmem>>, vector<1x16xf32>,
      %swap3A_950 = arith.index_cast %scan3A_914 : i32 to index
      %swap3A_951 = arith.constant 112 : index
      %swap3A_952 = tpu.vector_load %arg9[%swap3A_950, %swap3A_951] {strides = array<i32>} : memref<128x128xf32, #tpu.memory_space<vmem>>, vector<1x16xf32>,
      %swap3A_953 = vector.shape_cast %swap3A_952 : vector<1x16xf32> to vector<16xf32>
      %swap3A_954 = vector.shape_cast %broadcast_in_dim3A_1 : vector<16xf32> to vector<1x16xf32>
      tpu.vector_store %arg9[%swap3A_950, %swap3A_951], %swap3A_954 {strides = array<i32>} : memref<128x128xf32, #tpu.memory_space<vmem>>, vector<1x16xf32>,
      %scan3A_955 = arith.constant 0 : i32
      scf.yield %scan3A_955 : i32
    }
    %scan3A_7 = arith.constant 64 : i32
    %mul3A_8 = arith.constant 640 : i32
    %mul3A_9 = arith.muli %arg1, %mul3A_8 : i32
    %add3A_10 = arith.constant 0 : i32
    %add3A_11 = arith.addi %mul3A_9, %add3A_10 : i32
    %dma_start3A = arith.constant 0 : i32
    %dma_start3A_12 = arith.constant 0 : i32
    %dma_start3A_13 = tpu.memref_slice %arg9[%dma_start3A, %dma_start3A_12] : memref<128x128xf32, #tpu.memory_space<vmem>> -> memref<64x128xf32, #tpu.memory_space<vmem>>
    %dma_start3A_14 = arith.constant 0 : i32
    %dma_start3A_15 = tpu.memref_slice %arg15[%add3A_11, %dma_start3A_14] : memref<10240x128xf32, #tpu.memory_space<vmem_shared>> -> memref<64x128xf32, #tpu.memory_space<vmem_shared>>
    %dma_start3A_16 = arith.constant 0 : i32
    %dma_start3A_17 = tpu.memref_slice %arg15[%add3A_11, %dma_start3A_16] : memref<10240x128xf32, #tpu.memory_space<vmem_shared>> -> memref<64x128xf32, #tpu.memory_space<vmem_shared>>
    %dma_start3A_18 = arith.constant 0 : i32
    %dma_start3A_19 = arith.constant 0 : i32
    %dma_start3A_20 = tpu.memref_slice %arg9[%dma_start3A_18, %dma_start3A_19] : memref<128x128xf32, #tpu.memory_space<vmem>> -> memref<64x128xf32, #tpu.memory_space<vmem>>
    tpu.enqueue_dma source(%dma_start3A_20 : memref<64x128xf32, #tpu.memory_space<vmem>>) target(%dma_start3A_17 : memref<64x128xf32, #tpu.memory_space<vmem_shared>>) target_semaphore(%arg11 : memref<!tpu.dma_semaphore, #tpu.memory_space<semaphore_mem>>)
    %mul3A_21 = arith.constant 640 : i32
    %mul3A_22 = arith.muli %arg1, %mul3A_21 : i32
    %add3A_23 = arith.constant 64 : i32
    %add3A_24 = arith.addi %mul3A_22, %add3A_23 : i32
    %dma_start3A_25 = arith.constant 0 : i32
    %dma_start3A_26 = arith.constant 0 : i32
    %dma_start3A_27 = tpu.memref_slice %arg9[%dma_start3A_25, %dma_start3A_26] : memref<128x128xf32, #tpu.memory_space<vmem>> -> memref<64x128xf32, #tpu.memory_space<vmem>>
    %dma_start3A_28 = arith.constant 0 : i32
    %dma_start3A_29 = tpu.memref_slice %arg15[%add3A_24, %dma_start3A_28] : memref<10240x128xf32, #tpu.memory_space<vmem_shared>> -> memref<64x128xf32, #tpu.memory_space<vmem_shared>>
    %dma_start3A_30 = arith.constant 0 : i32
    %dma_start3A_31 = tpu.memref_slice %arg15[%add3A_24, %dma_start3A_30] : memref<10240x128xf32, #tpu.memory_space<vmem_shared>> -> memref<64x128xf32, #tpu.memory_space<vmem_shared>>
    %dma_start3A_32 = arith.constant 0 : i32
    %dma_start3A_33 = arith.constant 0 : i32
    %dma_start3A_34 = tpu.memref_slice %arg9[%dma_start3A_32, %dma_start3A_33] : memref<128x128xf32, #tpu.memory_space<vmem>> -> memref<64x128xf32, #tpu.memory_space<vmem>>
    tpu.enqueue_dma source(%dma_start3A_34 : memref<64x128xf32, #tpu.memory_space<vmem>>) target(%dma_start3A_31 : memref<64x128xf32, #tpu.memory_space<vmem_shared>>) target_semaphore(%arg11 : memref<!tpu.dma_semaphore, #tpu.memory_space<semaphore_mem>>)
    %mul3A_35 = arith.constant 640 : i32
    %mul3A_36 = arith.muli %arg1, %mul3A_35 : i32
    %add3A_37 = arith.constant 128 : i32
    %add3A_38 = arith.addi %mul3A_36, %add3A_37 : i32
    %dma_start3A_39 = arith.constant 0 : i32
    %dma_start3A_40 = arith.constant 0 : i32
    %dma_start3A_41 = tpu.memref_slice %arg9[%dma_start3A_39, %dma_start3A_40] : memref<128x128xf32, #tpu.memory_space<vmem>> -> memref<64x128xf32, #tpu.memory_space<vmem>>
    %dma_start3A_42 = arith.constant 0 : i32
    %dma_start3A_43 = tpu.memref_slice %arg15[%add3A_38, %dma_start3A_42] : memref<10240x128xf32, #tpu.memory_space<vmem_shared>> -> memref<64x128xf32, #tpu.memory_space<vmem_shared>>
    %dma_start3A_44 = arith.constant 0 : i32
    %dma_start3A_45 = tpu.memref_slice %arg15[%add3A_38, %dma_start3A_44] : memref<10240x128xf32, #tpu.memory_space<vmem_shared>> -> memref<64x128xf32, #tpu.memory_space<vmem_shared>>
    %dma_start3A_46 = arith.constant 0 : i32
    %dma_start3A_47 = arith.constant 0 : i32
    %dma_start3A_48 = tpu.memref_slice %arg9[%dma_start3A_46, %dma_start3A_47] : memref<128x128xf32, #tpu.memory_space<vmem>> -> memref<64x128xf32, #tpu.memory_space<vmem>>
    tpu.enqueue_dma source(%dma_start3A_48 : memref<64x128xf32, #tpu.memory_space<vmem>>) target(%dma_start3A_45 : memref<64x128xf32, #tpu.memory_space<vmem_shared>>) target_semaphore(%arg11 : memref<!tpu.dma_semaphore, #tpu.memory_space<semaphore_mem>>)
    %mul3A_49 = arith.constant 640 : i32
    %mul3A_50 = arith.muli %arg1, %mul3A_49 : i32
    %add3A_51 = arith.constant 192 : i32
    %add3A_52 = arith.addi %mul3A_50, %add3A_51 : i32
    %dma_start3A_53 = arith.constant 0 : i32
    %dma_start3A_54 = arith.constant 0 : i32
    %dma_start3A_55 = tpu.memref_slice %arg9[%dma_start3A_53, %dma_start3A_54] : memref<128x128xf32, #tpu.memory_space<vmem>> -> memref<64x128xf32, #tpu.memory_space<vmem>>
    %dma_start3A_56 = arith.constant 0 : i32
    %dma_start3A_57 = tpu.memref_slice %arg15[%add3A_52, %dma_start3A_56] : memref<10240x128xf32, #tpu.memory_space<vmem_shared>> -> memref<64x128xf32, #tpu.memory_space<vmem_shared>>
    %dma_start3A_58 = arith.constant 0 : i32
    %dma_start3A_59 = tpu.memref_slice %arg15[%add3A_52, %dma_start3A_58] : memref<10240x128xf32, #tpu.memory_space<vmem_shared>> -> memref<64x128xf32, #tpu.memory_space<vmem_shared>>
    %dma_start3A_60 = arith.constant 0 : i32
    %dma_start3A_61 = arith.constant 0 : i32
    %dma_start3A_62 = tpu.memref_slice %arg9[%dma_start3A_60, %dma_start3A_61] : memref<128x128xf32, #tpu.memory_space<vmem>> -> memref<64x128xf32, #tpu.memory_space<vmem>>
    tpu.enqueue_dma source(%dma_start3A_62 : memref<64x128xf32, #tpu.memory_space<vmem>>) target(%dma_start3A_59 : memref<64x128xf32, #tpu.memory_space<vmem_shared>>) target_semaphore(%arg11 : memref<!tpu.dma_semaphore, #tpu.memory_space<semaphore_mem>>)
    %mul3A_63 = arith.constant 640 : i32
    %mul3A_64 = arith.muli %arg1, %mul3A_63 : i32
    %add3A_65 = arith.constant 256 : i32
    %add3A_66 = arith.addi %mul3A_64, %add3A_65 : i32
    %dma_start3A_67 = arith.constant 0 : i32
    %dma_start3A_68 = arith.constant 0 : i32
    %dma_start3A_69 = tpu.memref_slice %arg9[%dma_start3A_67, %dma_start3A_68] : memref<128x128xf32, #tpu.memory_space<vmem>> -> memref<64x128xf32, #tpu.memory_space<vmem>>
    %dma_start3A_70 = arith.constant 0 : i32
    %dma_start3A_71 = tpu.memref_slice %arg15[%add3A_66, %dma_start3A_70] : memref<10240x128xf32, #tpu.memory_space<vmem_shared>> -> memref<64x128xf32, #tpu.memory_space<vmem_shared>>
    %dma_start3A_72 = arith.constant 0 : i32
    %dma_start3A_73 = tpu.memref_slice %arg15[%add3A_66, %dma_start3A_72] : memref<10240x128xf32, #tpu.memory_space<vmem_shared>> -> memref<64x128xf32, #tpu.memory_space<vmem_shared>>
    %dma_start3A_74 = arith.constant 0 : i32
    %dma_start3A_75 = arith.constant 0 : i32
    %dma_start3A_76 = tpu.memref_slice %arg9[%dma_start3A_74, %dma_start3A_75] : memref<128x128xf32, #tpu.memory_space<vmem>> -> memref<64x128xf32, #tpu.memory_space<vmem>>
    tpu.enqueue_dma source(%dma_start3A_76 : memref<64x128xf32, #tpu.memory_space<vmem>>) target(%dma_start3A_73 : memref<64x128xf32, #tpu.memory_space<vmem_shared>>) target_semaphore(%arg11 : memref<!tpu.dma_semaphore, #tpu.memory_space<semaphore_mem>>)
    %mul3A_77 = arith.constant 640 : i32
    %mul3A_78 = arith.muli %arg1, %mul3A_77 : i32
    %add3A_79 = arith.constant 320 : i32
    %add3A_80 = arith.addi %mul3A_78, %add3A_79 : i32
    %dma_start3A_81 = arith.constant 0 : i32
    %dma_start3A_82 = arith.constant 0 : i32
    %dma_start3A_83 = tpu.memref_slice %arg9[%dma_start3A_81, %dma_start3A_82] : memref<128x128xf32, #tpu.memory_space<vmem>> -> memref<64x128xf32, #tpu.memory_space<vmem>>
    %dma_start3A_84 = arith.constant 0 : i32
    %dma_start3A_85 = tpu.memref_slice %arg15[%add3A_80, %dma_start3A_84] : memref<10240x128xf32, #tpu.memory_space<vmem_shared>> -> memref<64x128xf32, #tpu.memory_space<vmem_shared>>
    %dma_start3A_86 = arith.constant 0 : i32
    %dma_start3A_87 = tpu.memref_slice %arg15[%add3A_80, %dma_start3A_86] : memref<10240x128xf32, #tpu.memory_space<vmem_shared>> -> memref<64x128xf32, #tpu.memory_space<vmem_shared>>
    %dma_start3A_88 = arith.constant 0 : i32
    %dma_start3A_89 = arith.constant 0 : i32
    %dma_start3A_90 = tpu.memref_slice %arg9[%dma_start3A_88, %dma_start3A_89] : memref<128x128xf32, #tpu.memory_space<vmem>> -> memref<64x128xf32, #tpu.memory_space<vmem>>
    tpu.enqueue_dma source(%dma_start3A_90 : memref<64x128xf32, #tpu.memory_space<vmem>>) target(%dma_start3A_87 : memref<64x128xf32, #tpu.memory_space<vmem_shared>>) target_semaphore(%arg11 : memref<!tpu.dma_semaphore, #tpu.memory_space<semaphore_mem>>)
    %mul3A_91 = arith.constant 640 : i32
    %mul3A_92 = arith.muli %arg1, %mul3A_91 : i32
    %add3A_93 = arith.constant 384 : i32
    %add3A_94 = arith.addi %mul3A_92, %add3A_93 : i32
    %dma_start3A_95 = arith.constant 0 : i32
    %dma_start3A_96 = arith.constant 0 : i32
    %dma_start3A_97 = tpu.memref_slice %arg9[%dma_start3A_95, %dma_start3A_96] : memref<128x128xf32, #tpu.memory_space<vmem>> -> memref<64x128xf32, #tpu.memory_space<vmem>>
    %dma_start3A_98 = arith.constant 0 : i32
    %dma_start3A_99 = tpu.memref_slice %arg15[%add3A_94, %dma_start3A_98] : memref<10240x128xf32, #tpu.memory_space<vmem_shared>> -> memref<64x128xf32, #tpu.memory_space<vmem_shared>>
    %dma_start3A_100 = arith.constant 0 : i32
    %dma_start3A_101 = tpu.memref_slice %arg15[%add3A_94, %dma_start3A_100] : memref<10240x128xf32, #tpu.memory_space<vmem_shared>> -> memref<64x128xf32, #tpu.memory_space<vmem_shared>>
    %dma_start3A_102 = arith.constant 0 : i32
    %dma_start3A_103 = arith.constant 0 : i32
    %dma_start3A_104 = tpu.memref_slice %arg9[%dma_start3A_102, %dma_start3A_103] : memref<128x128xf32, #tpu.memory_space<vmem>> -> memref<64x128xf32, #tpu.memory_space<vmem>>
    tpu.enqueue_dma source(%dma_start3A_104 : memref<64x128xf32, #tpu.memory_space<vmem>>) target(%dma_start3A_101 : memref<64x128xf32, #tpu.memory_space<vmem_shared>>) target_semaphore(%arg11 : memref<!tpu.dma_semaphore, #tpu.memory_space<semaphore_mem>>)
    %mul3A_105 = arith.constant 640 : i32
    %mul3A_106 = arith.muli %arg1, %mul3A_105 : i32
    %add3A_107 = arith.constant 448 : i32
    %add3A_108 = arith.addi %mul3A_106, %add3A_107 : i32
    %dma_start3A_109 = arith.constant 0 : i32
    %dma_start3A_110 = arith.constant 0 : i32
    %dma_start3A_111 = tpu.memref_slice %arg9[%dma_start3A_109, %dma_start3A_110] : memref<128x128xf32, #tpu.memory_space<vmem>> -> memref<64x128xf32, #tpu.memory_space<vmem>>
    %dma_start3A_112 = arith.constant 0 : i32
    %dma_start3A_113 = tpu.memref_slice %arg15[%add3A_108, %dma_start3A_112] : memref<10240x128xf32, #tpu.memory_space<vmem_shared>> -> memref<64x128xf32, #tpu.memory_space<vmem_shared>>
    %dma_start3A_114 = arith.constant 0 : i32
    %dma_start3A_115 = tpu.memref_slice %arg15[%add3A_108, %dma_start3A_114] : memref<10240x128xf32, #tpu.memory_space<vmem_shared>> -> memref<64x128xf32, #tpu.memory_space<vmem_shared>>
    %dma_start3A_116 = arith.constant 0 : i32
    %dma_start3A_117 = arith.constant 0 : i32
    %dma_start3A_118 = tpu.memref_slice %arg9[%dma_start3A_116, %dma_start3A_117] : memref<128x128xf32, #tpu.memory_space<vmem>> -> memref<64x128xf32, #tpu.memory_space<vmem>>
    tpu.enqueue_dma source(%dma_start3A_118 : memref<64x128xf32, #tpu.memory_space<vmem>>) target(%dma_start3A_115 : memref<64x128xf32, #tpu.memory_space<vmem_shared>>) target_semaphore(%arg11 : memref<!tpu.dma_semaphore, #tpu.memory_space<semaphore_mem>>)
    %mul3A_119 = arith.constant 640 : i32
    %mul3A_120 = arith.muli %arg1, %mul3A_119 : i32
    %add3A_121 = arith.constant 512 : i32
    %add3A_122 = arith.addi %mul3A_120, %add3A_121 : i32
    %dma_start3A_123 = arith.constant 0 : i32
    %dma_start3A_124 = arith.constant 0 : i32
    %dma_start3A_125 = tpu.memref_slice %arg9[%dma_start3A_123, %dma_start3A_124] : memref<128x128xf32, #tpu.memory_space<vmem>> -> memref<64x128xf32, #tpu.memory_space<vmem>>
    %dma_start3A_126 = arith.constant 0 : i32
    %dma_start3A_127 = tpu.memref_slice %arg15[%add3A_122, %dma_start3A_126] : memref<10240x128xf32, #tpu.memory_space<vmem_shared>> -> memref<64x128xf32, #tpu.memory_space<vmem_shared>>
    %dma_start3A_128 = arith.constant 0 : i32
    %dma_start3A_129 = tpu.memref_slice %arg15[%add3A_122, %dma_start3A_128] : memref<10240x128xf32, #tpu.memory_space<vmem_shared>> -> memref<64x128xf32, #tpu.memory_space<vmem_shared>>
    %dma_start3A_130 = arith.constant 0 : i32
    %dma_start3A_131 = arith.constant 0 : i32
    %dma_start3A_132 = tpu.memref_slice %arg9[%dma_start3A_130, %dma_start3A_131] : memref<128x128xf32, #tpu.memory_space<vmem>> -> memref<64x128xf32, #tpu.memory_space<vmem>>
    tpu.enqueue_dma source(%dma_start3A_132 : memref<64x128xf32, #tpu.memory_space<vmem>>) target(%dma_start3A_129 : memref<64x128xf32, #tpu.memory_space<vmem_shared>>) target_semaphore(%arg11 : memref<!tpu.dma_semaphore, #tpu.memory_space<semaphore_mem>>)
    %mul3A_133 = arith.constant 640 : i32
    %mul3A_134 = arith.muli %arg1, %mul3A_133 : i32
    %add3A_135 = arith.constant 576 : i32
    %add3A_136 = arith.addi %mul3A_134, %add3A_135 : i32
    %dma_start3A_137 = arith.constant 0 : i32
    %dma_start3A_138 = arith.constant 0 : i32
    %dma_start3A_139 = tpu.memref_slice %arg9[%dma_start3A_137, %dma_start3A_138] : memref<128x128xf32, #tpu.memory_space<vmem>> -> memref<64x128xf32, #tpu.memory_space<vmem>>
    %dma_start3A_140 = arith.constant 0 : i32
    %dma_start3A_141 = tpu.memref_slice %arg15[%add3A_136, %dma_start3A_140] : memref<10240x128xf32, #tpu.memory_space<vmem_shared>> -> memref<64x128xf32, #tpu.memory_space<vmem_shared>>
    %dma_start3A_142 = arith.constant 0 : i32
    %dma_start3A_143 = tpu.memref_slice %arg15[%add3A_136, %dma_start3A_142] : memref<10240x128xf32, #tpu.memory_space<vmem_shared>> -> memref<64x128xf32, #tpu.memory_space<vmem_shared>>
    %dma_start3A_144 = arith.constant 0 : i32
    %dma_start3A_145 = arith.constant 0 : i32
    %dma_start3A_146 = tpu.memref_slice %arg9[%dma_start3A_144, %dma_start3A_145] : memref<128x128xf32, #tpu.memory_space<vmem>> -> memref<64x128xf32, #tpu.memory_space<vmem>>
    tpu.enqueue_dma source(%dma_start3A_146 : memref<64x128xf32, #tpu.memory_space<vmem>>) target(%dma_start3A_143 : memref<64x128xf32, #tpu.memory_space<vmem_shared>>) target_semaphore(%arg11 : memref<!tpu.dma_semaphore, #tpu.memory_space<semaphore_mem>>)
    %mul3A_147 = arith.constant 640 : i32
    %mul3A_148 = arith.muli %arg1, %mul3A_147 : i32
    %add3A_149 = arith.constant 0 : i32
    %add3A_150 = arith.addi %mul3A_148, %add3A_149 : i32
    %dma_wait3A = arith.constant 0 : i32
    %dma_wait3A_151 = arith.constant 0 : i32
    %dma_wait3A_152 = tpu.memref_slice %arg9[%dma_wait3A, %dma_wait3A_151] : memref<128x128xf32, #tpu.memory_space<vmem>> -> memref<64x128xf32, #tpu.memory_space<vmem>>
    %dma_wait3A_153 = arith.constant 0 : i32
    %dma_wait3A_154 = tpu.memref_slice %arg15[%add3A_150, %dma_wait3A_153] : memref<10240x128xf32, #tpu.memory_space<vmem_shared>> -> memref<64x128xf32, #tpu.memory_space<vmem_shared>>
    %dma_wait3A_155 = arith.constant 0 : i32
    %dma_wait3A_156 = tpu.memref_slice %arg15[%add3A_150, %dma_wait3A_155] : memref<10240x128xf32, #tpu.memory_space<vmem_shared>> -> memref<64x128xf32, #tpu.memory_space<vmem_shared>>
    %dma_wait3A_157 = arith.constant 0 : i32
    %dma_wait3A_158 = arith.constant 0 : i32
    %dma_wait3A_159 = tpu.memref_slice %arg9[%dma_wait3A_157, %dma_wait3A_158] : memref<128x128xf32, #tpu.memory_space<vmem>> -> memref<64x128xf32, #tpu.memory_space<vmem>>
    tpu.wait_dma2 semaphore(%arg11 : memref<!tpu.dma_semaphore, #tpu.memory_space<semaphore_mem>>) src(%dma_wait3A_159 : memref<64x128xf32, #tpu.memory_space<vmem>>) dst(%dma_wait3A_156 : memref<64x128xf32, #tpu.memory_space<vmem_shared>>)
    %mul3A_160 = arith.constant 640 : i32
    %mul3A_161 = arith.muli %arg1, %mul3A_160 : i32
    %add3A_162 = arith.constant 64 : i32
    %add3A_163 = arith.addi %mul3A_161, %add3A_162 : i32
    %dma_wait3A_164 = arith.constant 0 : i32
    %dma_wait3A_165 = arith.constant 0 : i32
    %dma_wait3A_166 = tpu.memref_slice %arg9[%dma_wait3A_164, %dma_wait3A_165] : memref<128x128xf32, #tpu.memory_space<vmem>> -> memref<64x128xf32, #tpu.memory_space<vmem>>
    %dma_wait3A_167 = arith.constant 0 : i32
    %dma_wait3A_168 = tpu.memref_slice %arg15[%add3A_163, %dma_wait3A_167] : memref<10240x128xf32, #tpu.memory_space<vmem_shared>> -> memref<64x128xf32, #tpu.memory_space<vmem_shared>>
    %dma_wait3A_169 = arith.constant 0 : i32
    %dma_wait3A_170 = tpu.memref_slice %arg15[%add3A_163, %dma_wait3A_169] : memref<10240x128xf32, #tpu.memory_space<vmem_shared>> -> memref<64x128xf32, #tpu.memory_space<vmem_shared>>
    %dma_wait3A_171 = arith.constant 0 : i32
    %dma_wait3A_172 = arith.constant 0 : i32
    %dma_wait3A_173 = tpu.memref_slice %arg9[%dma_wait3A_171, %dma_wait3A_172] : memref<128x128xf32, #tpu.memory_space<vmem>> -> memref<64x128xf32, #tpu.memory_space<vmem>>
    tpu.wait_dma2 semaphore(%arg11 : memref<!tpu.dma_semaphore, #tpu.memory_space<semaphore_mem>>) src(%dma_wait3A_173 : memref<64x128xf32, #tpu.memory_space<vmem>>) dst(%dma_wait3A_170 : memref<64x128xf32, #tpu.memory_space<vmem_shared>>)
    %mul3A_174 = arith.constant 640 : i32
    %mul3A_175 = arith.muli %arg1, %mul3A_174 : i32
    %add3A_176 = arith.constant 128 : i32
    %add3A_177 = arith.addi %mul3A_175, %add3A_176 : i32
    %dma_wait3A_178 = arith.constant 0 : i32
    %dma_wait3A_179 = arith.constant 0 : i32
    %dma_wait3A_180 = tpu.memref_slice %arg9[%dma_wait3A_178, %dma_wait3A_179] : memref<128x128xf32, #tpu.memory_space<vmem>> -> memref<64x128xf32, #tpu.memory_space<vmem>>
    %dma_wait3A_181 = arith.constant 0 : i32
    %dma_wait3A_182 = tpu.memref_slice %arg15[%add3A_177, %dma_wait3A_181] : memref<10240x128xf32, #tpu.memory_space<vmem_shared>> -> memref<64x128xf32, #tpu.memory_space<vmem_shared>>
    %dma_wait3A_183 = arith.constant 0 : i32
    %dma_wait3A_184 = tpu.memref_slice %arg15[%add3A_177, %dma_wait3A_183] : memref<10240x128xf32, #tpu.memory_space<vmem_shared>> -> memref<64x128xf32, #tpu.memory_space<vmem_shared>>
    %dma_wait3A_185 = arith.constant 0 : i32
    %dma_wait3A_186 = arith.constant 0 : i32
    %dma_wait3A_187 = tpu.memref_slice %arg9[%dma_wait3A_185, %dma_wait3A_186] : memref<128x128xf32, #tpu.memory_space<vmem>> -> memref<64x128xf32, #tpu.memory_space<vmem>>
    tpu.wait_dma2 semaphore(%arg11 : memref<!tpu.dma_semaphore, #tpu.memory_space<semaphore_mem>>) src(%dma_wait3A_187 : memref<64x128xf32, #tpu.memory_space<vmem>>) dst(%dma_wait3A_184 : memref<64x128xf32, #tpu.memory_space<vmem_shared>>)
    %mul3A_188 = arith.constant 640 : i32
    %mul3A_189 = arith.muli %arg1, %mul3A_188 : i32
    %add3A_190 = arith.constant 192 : i32
    %add3A_191 = arith.addi %mul3A_189, %add3A_190 : i32
    %dma_wait3A_192 = arith.constant 0 : i32
    %dma_wait3A_193 = arith.constant 0 : i32
    %dma_wait3A_194 = tpu.memref_slice %arg9[%dma_wait3A_192, %dma_wait3A_193] : memref<128x128xf32, #tpu.memory_space<vmem>> -> memref<64x128xf32, #tpu.memory_space<vmem>>
    %dma_wait3A_195 = arith.constant 0 : i32
    %dma_wait3A_196 = tpu.memref_slice %arg15[%add3A_191, %dma_wait3A_195] : memref<10240x128xf32, #tpu.memory_space<vmem_shared>> -> memref<64x128xf32, #tpu.memory_space<vmem_shared>>
    %dma_wait3A_197 = arith.constant 0 : i32
    %dma_wait3A_198 = tpu.memref_slice %arg15[%add3A_191, %dma_wait3A_197] : memref<10240x128xf32, #tpu.memory_space<vmem_shared>> -> memref<64x128xf32, #tpu.memory_space<vmem_shared>>
    %dma_wait3A_199 = arith.constant 0 : i32
    %dma_wait3A_200 = arith.constant 0 : i32
    %dma_wait3A_201 = tpu.memref_slice %arg9[%dma_wait3A_199, %dma_wait3A_200] : memref<128x128xf32, #tpu.memory_space<vmem>> -> memref<64x128xf32, #tpu.memory_space<vmem>>
    tpu.wait_dma2 semaphore(%arg11 : memref<!tpu.dma_semaphore, #tpu.memory_space<semaphore_mem>>) src(%dma_wait3A_201 : memref<64x128xf32, #tpu.memory_space<vmem>>) dst(%dma_wait3A_198 : memref<64x128xf32, #tpu.memory_space<vmem_shared>>)
    %mul3A_202 = arith.constant 640 : i32
    %mul3A_203 = arith.muli %arg1, %mul3A_202 : i32
    %add3A_204 = arith.constant 256 : i32
    %add3A_205 = arith.addi %mul3A_203, %add3A_204 : i32
    %dma_wait3A_206 = arith.constant 0 : i32
    %dma_wait3A_207 = arith.constant 0 : i32
    %dma_wait3A_208 = tpu.memref_slice %arg9[%dma_wait3A_206, %dma_wait3A_207] : memref<128x128xf32, #tpu.memory_space<vmem>> -> memref<64x128xf32, #tpu.memory_space<vmem>>
    %dma_wait3A_209 = arith.constant 0 : i32
    %dma_wait3A_210 = tpu.memref_slice %arg15[%add3A_205, %dma_wait3A_209] : memref<10240x128xf32, #tpu.memory_space<vmem_shared>> -> memref<64x128xf32, #tpu.memory_space<vmem_shared>>
    %dma_wait3A_211 = arith.constant 0 : i32
    %dma_wait3A_212 = tpu.memref_slice %arg15[%add3A_205, %dma_wait3A_211] : memref<10240x128xf32, #tpu.memory_space<vmem_shared>> -> memref<64x128xf32, #tpu.memory_space<vmem_shared>>
    %dma_wait3A_213 = arith.constant 0 : i32
    %dma_wait3A_214 = arith.constant 0 : i32
    %dma_wait3A_215 = tpu.memref_slice %arg9[%dma_wait3A_213, %dma_wait3A_214] : memref<128x128xf32, #tpu.memory_space<vmem>> -> memref<64x128xf32, #tpu.memory_space<vmem>>
    tpu.wait_dma2 semaphore(%arg11 : memref<!tpu.dma_semaphore, #tpu.memory_space<semaphore_mem>>) src(%dma_wait3A_215 : memref<64x128xf32, #tpu.memory_space<vmem>>) dst(%dma_wait3A_212 : memref<64x128xf32, #tpu.memory_space<vmem_shared>>)
    %mul3A_216 = arith.constant 640 : i32
    %mul3A_217 = arith.muli %arg1, %mul3A_216 : i32
    %add3A_218 = arith.constant 320 : i32
    %add3A_219 = arith.addi %mul3A_217, %add3A_218 : i32
    %dma_wait3A_220 = arith.constant 0 : i32
    %dma_wait3A_221 = arith.constant 0 : i32
    %dma_wait3A_222 = tpu.memref_slice %arg9[%dma_wait3A_220, %dma_wait3A_221] : memref<128x128xf32, #tpu.memory_space<vmem>> -> memref<64x128xf32, #tpu.memory_space<vmem>>
    %dma_wait3A_223 = arith.constant 0 : i32
    %dma_wait3A_224 = tpu.memref_slice %arg15[%add3A_219, %dma_wait3A_223] : memref<10240x128xf32, #tpu.memory_space<vmem_shared>> -> memref<64x128xf32, #tpu.memory_space<vmem_shared>>
    %dma_wait3A_225 = arith.constant 0 : i32
    %dma_wait3A_226 = tpu.memref_slice %arg15[%add3A_219, %dma_wait3A_225] : memref<10240x128xf32, #tpu.memory_space<vmem_shared>> -> memref<64x128xf32, #tpu.memory_space<vmem_shared>>
    %dma_wait3A_227 = arith.constant 0 : i32
    %dma_wait3A_228 = arith.constant 0 : i32
    %dma_wait3A_229 = tpu.memref_slice %arg9[%dma_wait3A_227, %dma_wait3A_228] : memref<128x128xf32, #tpu.memory_space<vmem>> -> memref<64x128xf32, #tpu.memory_space<vmem>>
    tpu.wait_dma2 semaphore(%arg11 : memref<!tpu.dma_semaphore, #tpu.memory_space<semaphore_mem>>) src(%dma_wait3A_229 : memref<64x128xf32, #tpu.memory_space<vmem>>) dst(%dma_wait3A_226 : memref<64x128xf32, #tpu.memory_space<vmem_shared>>)
    %mul3A_230 = arith.constant 640 : i32
    %mul3A_231 = arith.muli %arg1, %mul3A_230 : i32
    %add3A_232 = arith.constant 384 : i32
    %add3A_233 = arith.addi %mul3A_231, %add3A_232 : i32
    %dma_wait3A_234 = arith.constant 0 : i32
    %dma_wait3A_235 = arith.constant 0 : i32
    %dma_wait3A_236 = tpu.memref_slice %arg9[%dma_wait3A_234, %dma_wait3A_235] : memref<128x128xf32, #tpu.memory_space<vmem>> -> memref<64x128xf32, #tpu.memory_space<vmem>>
    %dma_wait3A_237 = arith.constant 0 : i32
    %dma_wait3A_238 = tpu.memref_slice %arg15[%add3A_233, %dma_wait3A_237] : memref<10240x128xf32, #tpu.memory_space<vmem_shared>> -> memref<64x128xf32, #tpu.memory_space<vmem_shared>>
    %dma_wait3A_239 = arith.constant 0 : i32
    %dma_wait3A_240 = tpu.memref_slice %arg15[%add3A_233, %dma_wait3A_239] : memref<10240x128xf32, #tpu.memory_space<vmem_shared>> -> memref<64x128xf32, #tpu.memory_space<vmem_shared>>
    %dma_wait3A_241 = arith.constant 0 : i32
    %dma_wait3A_242 = arith.constant 0 : i32
    %dma_wait3A_243 = tpu.memref_slice %arg9[%dma_wait3A_241, %dma_wait3A_242] : memref<128x128xf32, #tpu.memory_space<vmem>> -> memref<64x128xf32, #tpu.memory_space<vmem>>
    tpu.wait_dma2 semaphore(%arg11 : memref<!tpu.dma_semaphore, #tpu.memory_space<semaphore_mem>>) src(%dma_wait3A_243 : memref<64x128xf32, #tpu.memory_space<vmem>>) dst(%dma_wait3A_240 : memref<64x128xf32, #tpu.memory_space<vmem_shared>>)
    %mul3A_244 = arith.constant 640 : i32
    %mul3A_245 = arith.muli %arg1, %mul3A_244 : i32
    %add3A_246 = arith.constant 448 : i32
    %add3A_247 = arith.addi %mul3A_245, %add3A_246 : i32
    %dma_wait3A_248 = arith.constant 0 : i32
    %dma_wait3A_249 = arith.constant 0 : i32
    %dma_wait3A_250 = tpu.memref_slice %arg9[%dma_wait3A_248, %dma_wait3A_249] : memref<128x128xf32, #tpu.memory_space<vmem>> -> memref<64x128xf32, #tpu.memory_space<vmem>>
    %dma_wait3A_251 = arith.constant 0 : i32
    %dma_wait3A_252 = tpu.memref_slice %arg15[%add3A_247, %dma_wait3A_251] : memref<10240x128xf32, #tpu.memory_space<vmem_shared>> -> memref<64x128xf32, #tpu.memory_space<vmem_shared>>
    %dma_wait3A_253 = arith.constant 0 : i32
    %dma_wait3A_254 = tpu.memref_slice %arg15[%add3A_247, %dma_wait3A_253] : memref<10240x128xf32, #tpu.memory_space<vmem_shared>> -> memref<64x128xf32, #tpu.memory_space<vmem_shared>>
    %dma_wait3A_255 = arith.constant 0 : i32
    %dma_wait3A_256 = arith.constant 0 : i32
    %dma_wait3A_257 = tpu.memref_slice %arg9[%dma_wait3A_255, %dma_wait3A_256] : memref<128x128xf32, #tpu.memory_space<vmem>> -> memref<64x128xf32, #tpu.memory_space<vmem>>
    tpu.wait_dma2 semaphore(%arg11 : memref<!tpu.dma_semaphore, #tpu.memory_space<semaphore_mem>>) src(%dma_wait3A_257 : memref<64x128xf32, #tpu.memory_space<vmem>>) dst(%dma_wait3A_254 : memref<64x128xf32, #tpu.memory_space<vmem_shared>>)
    %mul3A_258 = arith.constant 640 : i32
    %mul3A_259 = arith.muli %arg1, %mul3A_258 : i32
    %add3A_260 = arith.constant 512 : i32
    %add3A_261 = arith.addi %mul3A_259, %add3A_260 : i32
    %dma_wait3A_262 = arith.constant 0 : i32
    %dma_wait3A_263 = arith.constant 0 : i32
    %dma_wait3A_264 = tpu.memref_slice %arg9[%dma_wait3A_262, %dma_wait3A_263] : memref<128x128xf32, #tpu.memory_space<vmem>> -> memref<64x128xf32, #tpu.memory_space<vmem>>
    %dma_wait3A_265 = arith.constant 0 : i32
    %dma_wait3A_266 = tpu.memref_slice %arg15[%add3A_261, %dma_wait3A_265] : memref<10240x128xf32, #tpu.memory_space<vmem_shared>> -> memref<64x128xf32, #tpu.memory_space<vmem_shared>>
    %dma_wait3A_267 = arith.constant 0 : i32
    %dma_wait3A_268 = tpu.memref_slice %arg15[%add3A_261, %dma_wait3A_267] : memref<10240x128xf32, #tpu.memory_space<vmem_shared>> -> memref<64x128xf32, #tpu.memory_space<vmem_shared>>
    %dma_wait3A_269 = arith.constant 0 : i32
    %dma_wait3A_270 = arith.constant 0 : i32
    %dma_wait3A_271 = tpu.memref_slice %arg9[%dma_wait3A_269, %dma_wait3A_270] : memref<128x128xf32, #tpu.memory_space<vmem>> -> memref<64x128xf32, #tpu.memory_space<vmem>>
    tpu.wait_dma2 semaphore(%arg11 : memref<!tpu.dma_semaphore, #tpu.memory_space<semaphore_mem>>) src(%dma_wait3A_271 : memref<64x128xf32, #tpu.memory_space<vmem>>) dst(%dma_wait3A_268 : memref<64x128xf32, #tpu.memory_space<vmem_shared>>)
    %mul3A_272 = arith.constant 640 : i32
    %mul3A_273 = arith.muli %arg1, %mul3A_272 : i32
    %add3A_274 = arith.constant 576 : i32
    %add3A_275 = arith.addi %mul3A_273, %add3A_274 : i32
    %dma_wait3A_276 = arith.constant 0 : i32
    %dma_wait3A_277 = arith.constant 0 : i32
    %dma_wait3A_278 = tpu.memref_slice %arg9[%dma_wait3A_276, %dma_wait3A_277] : memref<128x128xf32, #tpu.memory_space<vmem>> -> memref<64x128xf32, #tpu.memory_space<vmem>>
    %dma_wait3A_279 = arith.constant 0 : i32
    %dma_wait3A_280 = tpu.memref_slice %arg15[%add3A_275, %dma_wait3A_279] : memref<10240x128xf32, #tpu.memory_space<vmem_shared>> -> memref<64x128xf32, #tpu.memory_space<vmem_shared>>
    %dma_wait3A_281 = arith.constant 0 : i32
    %dma_wait3A_282 = tpu.memref_slice %arg15[%add3A_275, %dma_wait3A_281] : memref<10240x128xf32, #tpu.memory_space<vmem_shared>> -> memref<64x128xf32, #tpu.memory_space<vmem_shared>>
    %dma_wait3A_283 = arith.constant 0 : i32
    %dma_wait3A_284 = arith.constant 0 : i32
    %dma_wait3A_285 = tpu.memref_slice %arg9[%dma_wait3A_283, %dma_wait3A_284] : memref<128x128xf32, #tpu.memory_space<vmem>> -> memref<64x128xf32, #tpu.memory_space<vmem>>
    tpu.wait_dma2 semaphore(%arg11 : memref<!tpu.dma_semaphore, #tpu.memory_space<semaphore_mem>>) src(%dma_wait3A_285 : memref<64x128xf32, #tpu.memory_space<vmem>>) dst(%dma_wait3A_282 : memref<64x128xf32, #tpu.memory_space<vmem_shared>>)
    %barrier3A = arith.constant 0 : index
    tpu.barrier barrier_id(%barrier3A)
    %mul3A_286 = arith.constant 78 : i32
    %mul3A_287 = arith.muli %add3A, %mul3A_286 : i32
    %add3A_288 = arith.constant 0 : i32
    %add3A_289 = arith.addi %mul3A_287, %add3A_288 : i32
    "tpu.region"() ({
      %run_scoped3A_914 = tpu.sem_alloc : memref<!tpu.dma_semaphore, #tpu.memory_space<semaphore_mem>>
      %dma_start3A_915 = arith.constant 0 : i32
      %dma_start3A_916 = tpu.memref_slice %arg3[%add3A_289, %dma_start3A_915] : memref<5000x128xi32, #tpu.memory_space<hbm>> -> memref<1x128xi32, #tpu.memory_space<hbm>>
      %dma_start3A_917 = tpu.memref_squeeze %dma_start3A_916 : memref<1x128xi32, #tpu.memory_space<hbm>> -> memref<128xi32, #tpu.memory_space<hbm>>
      %dma_start3A_918 = arith.constant 0 : i32
      %dma_start3A_919 = tpu.memref_slice %arg3[%add3A_289, %dma_start3A_918] : memref<5000x128xi32, #tpu.memory_space<hbm>> -> memref<1x128xi32, #tpu.memory_space<hbm>>
      %dma_start3A_920 = tpu.memref_squeeze %dma_start3A_919 : memref<1x128xi32, #tpu.memory_space<hbm>> -> memref<128xi32, #tpu.memory_space<hbm>>
      tpu.enqueue_dma source(%dma_start3A_920 : memref<128xi32, #tpu.memory_space<hbm>>) target(%arg5 : memref<128xi32, #tpu.memory_space<vmem>>) target_semaphore(%run_scoped3A_914 : memref<!tpu.dma_semaphore, #tpu.memory_space<semaphore_mem>>)
      %dma_wait3A_921 = arith.constant 0 : i32
      %dma_wait3A_922 = tpu.memref_slice %arg3[%add3A_289, %dma_wait3A_921] : memref<5000x128xi32, #tpu.memory_space<hbm>> -> memref<1x128xi32, #tpu.memory_space<hbm>>
      %dma_wait3A_923 = tpu.memref_squeeze %dma_wait3A_922 : memref<1x128xi32, #tpu.memory_space<hbm>> -> memref<128xi32, #tpu.memory_space<hbm>>
      %dma_wait3A_924 = arith.constant 0 : i32
      %dma_wait3A_925 = tpu.memref_slice %arg3[%add3A_289, %dma_wait3A_924] : memref<5000x128xi32, #tpu.memory_space<hbm>> -> memref<1x128xi32, #tpu.memory_space<hbm>>
      %dma_wait3A_926 = tpu.memref_squeeze %dma_wait3A_925 : memref<1x128xi32, #tpu.memory_space<hbm>> -> memref<128xi32, #tpu.memory_space<hbm>>
      tpu.wait_dma2 semaphore(%run_scoped3A_914 : memref<!tpu.dma_semaphore, #tpu.memory_space<semaphore_mem>>) src(%dma_wait3A_926 : memref<128xi32, #tpu.memory_space<hbm>>) dst(%arg5 : memref<128xi32, #tpu.memory_space<vmem>>)
      tpu.yield
    }) : () -> ()
    %add3A_290 = arith.constant 2500 : i32
    %add3A_291 = arith.addi %add3A_290, %mul3A_287 : i32
    %add3A_292 = arith.constant 0 : i32
    %add3A_293 = arith.addi %add3A_291, %add3A_292 : i32
    %run_scoped3A = arith.constant 0 : i32
    "tpu.region"() ({
      %run_scoped3A_914 = tpu.sem_alloc : memref<!tpu.dma_semaphore, #tpu.memory_space<semaphore_mem>>
      %dma_start3A_915 = arith.constant 0 : i32
      %dma_start3A_916 = tpu.memref_slice %arg7[%run_scoped3A, %dma_start3A_915] : memref<1x128xi32, #tpu.memory_space<vmem>> -> memref<1x128xi32, #tpu.memory_space<vmem>>
      %dma_start3A_917 = tpu.memref_squeeze %dma_start3A_916 : memref<1x128xi32, #tpu.memory_space<vmem>> -> memref<128xi32, #tpu.memory_space<vmem>>
      %dma_start3A_918 = arith.constant 0 : i32
      %dma_start3A_919 = tpu.memref_slice %arg3[%add3A_293, %dma_start3A_918] : memref<5000x128xi32, #tpu.memory_space<hbm>> -> memref<1x128xi32, #tpu.memory_space<hbm>>
      %dma_start3A_920 = tpu.memref_squeeze %dma_start3A_919 : memref<1x128xi32, #tpu.memory_space<hbm>> -> memref<128xi32, #tpu.memory_space<hbm>>
      %dma_start3A_921 = arith.constant 0 : i32
      %dma_start3A_922 = tpu.memref_slice %arg7[%run_scoped3A, %dma_start3A_921] : memref<1x128xi32, #tpu.memory_space<vmem>> -> memref<1x128xi32, #tpu.memory_space<vmem>>
      %dma_start3A_923 = tpu.memref_squeeze %dma_start3A_922 : memref<1x128xi32, #tpu.memory_space<vmem>> -> memref<128xi32, #tpu.memory_space<vmem>>
      %dma_start3A_924 = arith.constant 0 : i32
      %dma_start3A_925 = tpu.memref_slice %arg3[%add3A_293, %dma_start3A_924] : memref<5000x128xi32, #tpu.memory_space<hbm>> -> memref<1x128xi32, #tpu.memory_space<hbm>>
      %dma_start3A_926 = tpu.memref_squeeze %dma_start3A_925 : memref<1x128xi32, #tpu.memory_space<hbm>> -> memref<128xi32, #tpu.memory_space<hbm>>
      tpu.enqueue_dma source(%dma_start3A_926 : memref<128xi32, #tpu.memory_space<hbm>>) target(%dma_start3A_923 : memref<128xi32, #tpu.memory_space<vmem>>) target_semaphore(%run_scoped3A_914 : memref<!tpu.dma_semaphore, #tpu.memory_space<semaphore_mem>>)
      %dma_wait3A_927 = arith.constant 0 : i32
      %dma_wait3A_928 = tpu.memref_slice %arg7[%run_scoped3A, %dma_wait3A_927] : memref<1x128xi32, #tpu.memory_space<vmem>> -> memref<1x128xi32, #tpu.memory_space<vmem>>
      %dma_wait3A_929 = tpu.memref_squeeze %dma_wait3A_928 : memref<1x128xi32, #tpu.memory_space<vmem>> -> memref<128xi32, #tpu.memory_space<vmem>>
      %dma_wait3A_930 = arith.constant 0 : i32
      %dma_wait3A_931 = tpu.memref_slice %arg3[%add3A_293, %dma_wait3A_930] : memref<5000x128xi32, #tpu.memory_space<hbm>> -> memref<1x128xi32, #tpu.memory_space<hbm>>
      %dma_wait3A_932 = tpu.memref_squeeze %dma_wait3A_931 : memref<1x128xi32, #tpu.memory_space<hbm>> -> memref<128xi32, #tpu.memory_space<hbm>>
      %dma_wait3A_933 = arith.constant 0 : i32
      %dma_wait3A_934 = tpu.memref_slice %arg7[%run_scoped3A, %dma_wait3A_933] : memref<1x128xi32, #tpu.memory_space<vmem>> -> memref<1x128xi32, #tpu.memory_space<vmem>>
      %dma_wait3A_935 = tpu.memref_squeeze %dma_wait3A_934 : memref<1x128xi32, #tpu.memory_space<vmem>> -> memref<128xi32, #tpu.memory_space<vmem>>
      %dma_wait3A_936 = arith.constant 0 : i32
      %dma_wait3A_937 = tpu.memref_slice %arg3[%add3A_293, %dma_wait3A_936] : memref<5000x128xi32, #tpu.memory_space<hbm>> -> memref<1x128xi32, #tpu.memory_space<hbm>>
      %dma_wait3A_938 = tpu.memref_squeeze %dma_wait3A_937 : memref<1x128xi32, #tpu.memory_space<hbm>> -> memref<128xi32, #tpu.memory_space<hbm>>
      tpu.wait_dma2 semaphore(%run_scoped3A_914 : memref<!tpu.dma_semaphore, #tpu.memory_space<semaphore_mem>>) src(%dma_wait3A_938 : memref<128xi32, #tpu.memory_space<hbm>>) dst(%dma_wait3A_935 : memref<128xi32, #tpu.memory_space<vmem>>)
      tpu.yield
    }) : () -> ()
    %dma_start3A_294 = arith.constant 0 : i32
    %dma_start3A_295 = arith.constant 0 : i32
    %dma_start3A_296 = tpu.memref_slice %arg2[%dma_start3A_294, %dma_start3A_295] : memref<10240x128xf32, #tpu.memory_space<hbm>> -> memref<10240x128xf32, #tpu.memory_space<hbm>>
    tpu.enqueue_indirect_dma source(%dma_start3A_296 : memref<10240x128xf32, #tpu.memory_space<hbm>>) target(%arg9 : memref<128x128xf32, #tpu.memory_space<vmem>>) offsets(%arg5 : memref<128xi32, #tpu.memory_space<vmem>>) semaphore(%arg11 : memref<!tpu.dma_semaphore, #tpu.memory_space<semaphore_mem>>)
    %scan3A_297 = arith.constant 0 : i32
    %scan3A_298 = arith.constant 0 : i32
    %scan3A_299 = arith.constant 39 : i32
    %scan3A_300 = arith.addi %scan3A_298, %scan3A_299 : i32
    %scan3A_301 = arith.constant 1 : i32
    %scan3A_302 = scf.for %scan3A_914 = %scan3A_298 to %scan3A_300 step %scan3A_301 iter_args(%scan3A_915 = %scan3A_297) -> (i32)  : i32 {
      %mul3A_916 = arith.constant 2 : i32
      %mul3A_917 = arith.muli %mul3A_916, %scan3A_914 : i32
      %add3A_918 = arith.constant 1 : i32
      %add3A_919 = arith.addi %mul3A_917, %add3A_918 : i32
      %add3A_920 = arith.addi %mul3A_287, %add3A_919 : i32
      "tpu.region"() ({
        %run_scoped3A_974 = tpu.sem_alloc : memref<!tpu.dma_semaphore, #tpu.memory_space<semaphore_mem>>
        %dma_start3A_975 = arith.constant 0 : i32
        %dma_start3A_976 = tpu.memref_slice %arg3[%add3A_920, %dma_start3A_975] : memref<5000x128xi32, #tpu.memory_space<hbm>> -> memref<1x128xi32, #tpu.memory_space<hbm>>
        %dma_start3A_977 = tpu.memref_squeeze %dma_start3A_976 : memref<1x128xi32, #tpu.memory_space<hbm>> -> memref<128xi32, #tpu.memory_space<hbm>>
        %dma_start3A_978 = arith.constant 0 : i32
        %dma_start3A_979 = tpu.memref_slice %arg3[%add3A_920, %dma_start3A_978] : memref<5000x128xi32, #tpu.memory_space<hbm>> -> memref<1x128xi32, #tpu.memory_space<hbm>>
        %dma_start3A_980 = tpu.memref_squeeze %dma_start3A_979 : memref<1x128xi32, #tpu.memory_space<hbm>> -> memref<128xi32, #tpu.memory_space<hbm>>
        tpu.enqueue_dma source(%dma_start3A_980 : memref<128xi32, #tpu.memory_space<hbm>>) target(%arg6 : memref<128xi32, #tpu.memory_space<vmem>>) target_semaphore(%run_scoped3A_974 : memref<!tpu.dma_semaphore, #tpu.memory_space<semaphore_mem>>)
        %dma_wait3A_981 = arith.constant 0 : i32
        %dma_wait3A_982 = tpu.memref_slice %arg3[%add3A_920, %dma_wait3A_981] : memref<5000x128xi32, #tpu.memory_space<hbm>> -> memref<1x128xi32, #tpu.memory_space<hbm>>
        %dma_wait3A_983 = tpu.memref_squeeze %dma_wait3A_982 : memref<1x128xi32, #tpu.memory_space<hbm>> -> memref<128xi32, #tpu.memory_space<hbm>>
        %dma_wait3A_984 = arith.constant 0 : i32
        %dma_wait3A_985 = tpu.memref_slice %arg3[%add3A_920, %dma_wait3A_984] : memref<5000x128xi32, #tpu.memory_space<hbm>> -> memref<1x128xi32, #tpu.memory_space<hbm>>
        %dma_wait3A_986 = tpu.memref_squeeze %dma_wait3A_985 : memref<1x128xi32, #tpu.memory_space<hbm>> -> memref<128xi32, #tpu.memory_space<hbm>>
        tpu.wait_dma2 semaphore(%run_scoped3A_974 : memref<!tpu.dma_semaphore, #tpu.memory_space<semaphore_mem>>) src(%dma_wait3A_986 : memref<128xi32, #tpu.memory_space<hbm>>) dst(%arg6 : memref<128xi32, #tpu.memory_space<vmem>>)
        tpu.yield
      }) : () -> ()
      %dma_wait3A_921 = arith.constant 0 : i32
      %dma_wait3A_922 = arith.constant 0 : i32
      %dma_wait3A_923 = tpu.memref_slice %arg2[%dma_wait3A_921, %dma_wait3A_922] : memref<10240x128xf32, #tpu.memory_space<hbm>> -> memref<10240x128xf32, #tpu.memory_space<hbm>>
      tpu.wait_indirect_dma semaphore(%arg11 : memref<!tpu.dma_semaphore, #tpu.memory_space<semaphore_mem>>) src(%dma_wait3A_923 : memref<10240x128xf32, #tpu.memory_space<hbm>>) dst(%arg9 : memref<128x128xf32, #tpu.memory_space<vmem>>)
      %gt3A = arith.constant 0 : i32
      %gt3A_924 = arith.cmpi sgt, %scan3A_914, %gt3A : i32
      %convert_element_type3A_925 = arith.extui %gt3A_924 : i1 to i32
      %cond3A_926 = arith.constant 0 : i32
      %cond3A_927 = arith.cmpi ne, %convert_element_type3A_925, %cond3A_926 : i32
      scf.if %cond3A_927 {
        %dma_wait3A_974 = arith.constant 0 : i32
        %dma_wait3A_975 = arith.constant 0 : i32
        %dma_wait3A_976 = tpu.memref_slice %arg8[%dma_wait3A_974, %dma_wait3A_975] : memref<1x128xi32, #tpu.memory_space<vmem>> -> memref<1x128xi32, #tpu.memory_space<vmem>>
        %dma_wait3A_977 = tpu.memref_squeeze %dma_wait3A_976 : memref<1x128xi32, #tpu.memory_space<vmem>> -> memref<128xi32, #tpu.memory_space<vmem>>
        %dma_wait3A_978 = arith.constant 0 : i32
        %dma_wait3A_979 = arith.constant 0 : i32
        %dma_wait3A_980 = tpu.memref_slice %arg15[%dma_wait3A_978, %dma_wait3A_979] : memref<10240x128xf32, #tpu.memory_space<vmem_shared>> -> memref<10240x128xf32, #tpu.memory_space<vmem_shared>>
        tpu.wait_indirect_dma semaphore(%arg14 : memref<!tpu.dma_semaphore, #tpu.memory_space<semaphore_mem>>) src(%arg10 : memref<128x128xf32, #tpu.memory_space<vmem>>) dst(%dma_wait3A_980 : memref<10240x128xf32, #tpu.memory_space<vmem_shared>>)
      } else {
      }
      %dma_start3A_928 = arith.constant 0 : i32
      %dma_start3A_929 = arith.constant 0 : i32
      %dma_start3A_930 = tpu.memref_slice %arg2[%dma_start3A_928, %dma_start3A_929] : memref<10240x128xf32, #tpu.memory_space<hbm>> -> memref<10240x128xf32, #tpu.memory_space<hbm>>
      tpu.enqueue_indirect_dma source(%dma_start3A_930 : memref<10240x128xf32, #tpu.memory_space<hbm>>) target(%arg10 : memref<128x128xf32, #tpu.memory_space<vmem>>) offsets(%arg6 : memref<128xi32, #tpu.memory_space<vmem>>) semaphore(%arg12 : memref<!tpu.dma_semaphore, #tpu.memory_space<semaphore_mem>>)
      %add3A_931 = arith.constant 2500 : i32
      %add3A_932 = arith.addi %add3A_931, %mul3A_287 : i32
      %add3A_933 = arith.addi %add3A_932, %add3A_919 : i32
      %run_scoped3A_934 = arith.constant 0 : i32
      "tpu.region"() ({
        %run_scoped3A_974 = tpu.sem_alloc : memref<!tpu.dma_semaphore, #tpu.memory_space<semaphore_mem>>
        %dma_start3A_975 = arith.constant 0 : i32
        %dma_start3A_976 = tpu.memref_slice %arg8[%run_scoped3A_934, %dma_start3A_975] : memref<1x128xi32, #tpu.memory_space<vmem>> -> memref<1x128xi32, #tpu.memory_space<vmem>>
        %dma_start3A_977 = tpu.memref_squeeze %dma_start3A_976 : memref<1x128xi32, #tpu.memory_space<vmem>> -> memref<128xi32, #tpu.memory_space<vmem>>
        %dma_start3A_978 = arith.constant 0 : i32
        %dma_start3A_979 = tpu.memref_slice %arg3[%add3A_933, %dma_start3A_978] : memref<5000x128xi32, #tpu.memory_space<hbm>> -> memref<1x128xi32, #tpu.memory_space<hbm>>
        %dma_start3A_980 = tpu.memref_squeeze %dma_start3A_979 : memref<1x128xi32, #tpu.memory_space<hbm>> -> memref<128xi32, #tpu.memory_space<hbm>>
        %dma_start3A_981 = arith.constant 0 : i32
        %dma_start3A_982 = tpu.memref_slice %arg8[%run_scoped3A_934, %dma_start3A_981] : memref<1x128xi32, #tpu.memory_space<vmem>> -> memref<1x128xi32, #tpu.memory_space<vmem>>
        %dma_start3A_983 = tpu.memref_squeeze %dma_start3A_982 : memref<1x128xi32, #tpu.memory_space<vmem>> -> memref<128xi32, #tpu.memory_space<vmem>>
        %dma_start3A_984 = arith.constant 0 : i32
        %dma_start3A_985 = tpu.memref_slice %arg3[%add3A_933, %dma_start3A_984] : memref<5000x128xi32, #tpu.memory_space<hbm>> -> memref<1x128xi32, #tpu.memory_space<hbm>>
        %dma_start3A_986 = tpu.memref_squeeze %dma_start3A_985 : memref<1x128xi32, #tpu.memory_space<hbm>> -> memref<128xi32, #tpu.memory_space<hbm>>
        tpu.enqueue_dma source(%dma_start3A_986 : memref<128xi32, #tpu.memory_space<hbm>>) target(%dma_start3A_983 : memref<128xi32, #tpu.memory_space<vmem>>) target_semaphore(%run_scoped3A_974 : memref<!tpu.dma_semaphore, #tpu.memory_space<semaphore_mem>>)
        %dma_wait3A_987 = arith.constant 0 : i32
        %dma_wait3A_988 = tpu.memref_slice %arg8[%run_scoped3A_934, %dma_wait3A_987] : memref<1x128xi32, #tpu.memory_space<vmem>> -> memref<1x128xi32, #tpu.memory_space<vmem>>
        %dma_wait3A_989 = tpu.memref_squeeze %dma_wait3A_988 : memref<1x128xi32, #tpu.memory_space<vmem>> -> memref<128xi32, #tpu.memory_space<vmem>>
        %dma_wait3A_990 = arith.constant 0 : i32
        %dma_wait3A_991 = tpu.memref_slice %arg3[%add3A_933, %dma_wait3A_990] : memref<5000x128xi32, #tpu.memory_space<hbm>> -> memref<1x128xi32, #tpu.memory_space<hbm>>
        %dma_wait3A_992 = tpu.memref_squeeze %dma_wait3A_991 : memref<1x128xi32, #tpu.memory_space<hbm>> -> memref<128xi32, #tpu.memory_space<hbm>>
        %dma_wait3A_993 = arith.constant 0 : i32
        %dma_wait3A_994 = tpu.memref_slice %arg8[%run_scoped3A_934, %dma_wait3A_993] : memref<1x128xi32, #tpu.memory_space<vmem>> -> memref<1x128xi32, #tpu.memory_space<vmem>>
        %dma_wait3A_995 = tpu.memref_squeeze %dma_wait3A_994 : memref<1x128xi32, #tpu.memory_space<vmem>> -> memref<128xi32, #tpu.memory_space<vmem>>
        %dma_wait3A_996 = arith.constant 0 : i32
        %dma_wait3A_997 = tpu.memref_slice %arg3[%add3A_933, %dma_wait3A_996] : memref<5000x128xi32, #tpu.memory_space<hbm>> -> memref<1x128xi32, #tpu.memory_space<hbm>>
        %dma_wait3A_998 = tpu.memref_squeeze %dma_wait3A_997 : memref<1x128xi32, #tpu.memory_space<hbm>> -> memref<128xi32, #tpu.memory_space<hbm>>
        tpu.wait_dma2 semaphore(%run_scoped3A_974 : memref<!tpu.dma_semaphore, #tpu.memory_space<semaphore_mem>>) src(%dma_wait3A_998 : memref<128xi32, #tpu.memory_space<hbm>>) dst(%dma_wait3A_995 : memref<128xi32, #tpu.memory_space<vmem>>)
        tpu.yield
      }) : () -> ()
      %dma_start3A_935 = arith.constant 0 : i32
      %dma_start3A_936 = arith.constant 0 : i32
      %dma_start3A_937 = tpu.memref_slice %arg7[%dma_start3A_935, %dma_start3A_936] : memref<1x128xi32, #tpu.memory_space<vmem>> -> memref<1x128xi32, #tpu.memory_space<vmem>>
      %dma_start3A_938 = tpu.memref_squeeze %dma_start3A_937 : memref<1x128xi32, #tpu.memory_space<vmem>> -> memref<128xi32, #tpu.memory_space<vmem>>
      %dma_start3A_939 = arith.constant 0 : i32
      %dma_start3A_940 = arith.constant 0 : i32
      %dma_start3A_941 = tpu.memref_slice %arg15[%dma_start3A_939, %dma_start3A_940] : memref<10240x128xf32, #tpu.memory_space<vmem_shared>> -> memref<10240x128xf32, #tpu.memory_space<vmem_shared>>
      tpu.enqueue_indirect_dma source(%arg9 : memref<128x128xf32, #tpu.memory_space<vmem>>) target(%dma_start3A_941 : memref<10240x128xf32, #tpu.memory_space<vmem_shared>>) offsets(%dma_start3A_938 : memref<128xi32, #tpu.memory_space<vmem>>) semaphore(%arg13 : memref<!tpu.dma_semaphore, #tpu.memory_space<semaphore_mem>>) {add = true}
      %add3A_942 = arith.constant 2 : i32
      %add3A_943 = arith.addi %mul3A_917, %add3A_942 : i32
      %lt3A_944 = arith.constant 78 : i32
      %lt3A_945 = arith.cmpi slt, %add3A_943, %lt3A_944 : i32
      %convert_element_type3A_946 = arith.extui %lt3A_945 : i1 to i32
      %cond3A_947 = arith.constant 0 : i32
      %cond3A_948 = arith.cmpi ne, %convert_element_type3A_946, %cond3A_947 : i32
      scf.if %cond3A_948 {
        %add3A_974 = arith.constant 2 : i32
        %add3A_975 = arith.addi %mul3A_917, %add3A_974 : i32
        %add3A_976 = arith.addi %mul3A_287, %add3A_975 : i32
        "tpu.region"() ({
          %run_scoped3A_977 = tpu.sem_alloc : memref<!tpu.dma_semaphore, #tpu.memory_space<semaphore_mem>>
          %dma_start3A_978 = arith.constant 0 : i32
          %dma_start3A_979 = tpu.memref_slice %arg3[%add3A_976, %dma_start3A_978] : memref<5000x128xi32, #tpu.memory_space<hbm>> -> memref<1x128xi32, #tpu.memory_space<hbm>>
          %dma_start3A_980 = tpu.memref_squeeze %dma_start3A_979 : memref<1x128xi32, #tpu.memory_space<hbm>> -> memref<128xi32, #tpu.memory_space<hbm>>
          %dma_start3A_981 = arith.constant 0 : i32
          %dma_start3A_982 = tpu.memref_slice %arg3[%add3A_976, %dma_start3A_981] : memref<5000x128xi32, #tpu.memory_space<hbm>> -> memref<1x128xi32, #tpu.memory_space<hbm>>
          %dma_start3A_983 = tpu.memref_squeeze %dma_start3A_982 : memref<1x128xi32, #tpu.memory_space<hbm>> -> memref<128xi32, #tpu.memory_space<hbm>>
          tpu.enqueue_dma source(%dma_start3A_983 : memref<128xi32, #tpu.memory_space<hbm>>) target(%arg5 : memref<128xi32, #tpu.memory_space<vmem>>) target_semaphore(%run_scoped3A_977 : memref<!tpu.dma_semaphore, #tpu.memory_space<semaphore_mem>>)
          %dma_wait3A_984 = arith.constant 0 : i32
          %dma_wait3A_985 = tpu.memref_slice %arg3[%add3A_976, %dma_wait3A_984] : memref<5000x128xi32, #tpu.memory_space<hbm>> -> memref<1x128xi32, #tpu.memory_space<hbm>>
          %dma_wait3A_986 = tpu.memref_squeeze %dma_wait3A_985 : memref<1x128xi32, #tpu.memory_space<hbm>> -> memref<128xi32, #tpu.memory_space<hbm>>
          %dma_wait3A_987 = arith.constant 0 : i32
          %dma_wait3A_988 = tpu.memref_slice %arg3[%add3A_976, %dma_wait3A_987] : memref<5000x128xi32, #tpu.memory_space<hbm>> -> memref<1x128xi32, #tpu.memory_space<hbm>>
          %dma_wait3A_989 = tpu.memref_squeeze %dma_wait3A_988 : memref<1x128xi32, #tpu.memory_space<hbm>> -> memref<128xi32, #tpu.memory_space<hbm>>
          tpu.wait_dma2 semaphore(%run_scoped3A_977 : memref<!tpu.dma_semaphore, #tpu.memory_space<semaphore_mem>>) src(%dma_wait3A_989 : memref<128xi32, #tpu.memory_space<hbm>>) dst(%arg5 : memref<128xi32, #tpu.memory_space<vmem>>)
          tpu.yield
        }) : () -> ()
      } else {
      }
      %dma_wait3A_949 = arith.constant 0 : i32
      %dma_wait3A_950 = arith.constant 0 : i32
      %dma_wait3A_951 = tpu.memref_slice %arg2[%dma_wait3A_949, %dma_wait3A_950] : memref<10240x128xf32, #tpu.memory_space<hbm>> -> memref<10240x128xf32, #tpu.memory_space<hbm>>
      tpu.wait_indirect_dma semaphore(%arg12 : memref<!tpu.dma_semaphore, #tpu.memory_space<semaphore_mem>>) src(%dma_wait3A_951 : memref<10240x128xf32, #tpu.memory_space<hbm>>) dst(%arg10 : memref<128x128xf32, #tpu.memory_space<vmem>>)
      %dma_wait3A_952 = arith.constant 0 : i32
      %dma_wait3A_953 = arith.constant 0 : i32
      %dma_wait3A_954 = tpu.memref_slice %arg7[%dma_wait3A_952, %dma_wait3A_953] : memref<1x128xi32, #tpu.memory_space<vmem>> -> memref<1x128xi32, #tpu.memory_space<vmem>>
      %dma_wait3A_955 = tpu.memref_squeeze %dma_wait3A_954 : memref<1x128xi32, #tpu.memory_space<vmem>> -> memref<128xi32, #tpu.memory_space<vmem>>
      %dma_wait3A_956 = arith.constant 0 : i32
      %dma_wait3A_957 = arith.constant 0 : i32
      %dma_wait3A_958 = tpu.memref_slice %arg15[%dma_wait3A_956, %dma_wait3A_957] : memref<10240x128xf32, #tpu.memory_space<vmem_shared>> -> memref<10240x128xf32, #tpu.memory_space<vmem_shared>>
      tpu.wait_indirect_dma semaphore(%arg13 : memref<!tpu.dma_semaphore, #tpu.memory_space<semaphore_mem>>) src(%arg9 : memref<128x128xf32, #tpu.memory_space<vmem>>) dst(%dma_wait3A_958 : memref<10240x128xf32, #tpu.memory_space<vmem_shared>>)
      %add3A_959 = arith.constant 2 : i32
      %add3A_960 = arith.addi %mul3A_917, %add3A_959 : i32
      %lt3A_961 = arith.constant 78 : i32
      %lt3A_962 = arith.cmpi slt, %add3A_960, %lt3A_961 : i32
      %convert_element_type3A_963 = arith.extui %lt3A_962 : i1 to i32
      %cond3A_964 = arith.constant 0 : i32
      %cond3A_965 = arith.cmpi ne, %convert_element_type3A_963, %cond3A_964 : i32
      scf.if %cond3A_965 {
        %dma_start3A_974 = arith.constant 0 : i32
        %dma_start3A_975 = arith.constant 0 : i32
        %dma_start3A_976 = tpu.memref_slice %arg2[%dma_start3A_974, %dma_start3A_975] : memref<10240x128xf32, #tpu.memory_space<hbm>> -> memref<10240x128xf32, #tpu.memory_space<hbm>>
        tpu.enqueue_indirect_dma source(%dma_start3A_976 : memref<10240x128xf32, #tpu.memory_space<hbm>>) target(%arg9 : memref<128x128xf32, #tpu.memory_space<vmem>>) offsets(%arg5 : memref<128xi32, #tpu.memory_space<vmem>>) semaphore(%arg11 : memref<!tpu.dma_semaphore, #tpu.memory_space<semaphore_mem>>)
        %add3A_977 = arith.constant 2 : i32
        %add3A_978 = arith.addi %mul3A_917, %add3A_977 : i32
        %add3A_979 = arith.constant 2500 : i32
        %add3A_980 = arith.addi %add3A_979, %mul3A_287 : i32
        %add3A_981 = arith.addi %add3A_980, %add3A_978 : i32
        %run_scoped3A_982 = arith.constant 0 : i32
        "tpu.region"() ({
          %run_scoped3A_983 = tpu.sem_alloc : memref<!tpu.dma_semaphore, #tpu.memory_space<semaphore_mem>>
          %dma_start3A_984 = arith.constant 0 : i32
          %dma_start3A_985 = tpu.memref_slice %arg7[%run_scoped3A_982, %dma_start3A_984] : memref<1x128xi32, #tpu.memory_space<vmem>> -> memref<1x128xi32, #tpu.memory_space<vmem>>
          %dma_start3A_986 = tpu.memref_squeeze %dma_start3A_985 : memref<1x128xi32, #tpu.memory_space<vmem>> -> memref<128xi32, #tpu.memory_space<vmem>>
          %dma_start3A_987 = arith.constant 0 : i32
          %dma_start3A_988 = tpu.memref_slice %arg3[%add3A_981, %dma_start3A_987] : memref<5000x128xi32, #tpu.memory_space<hbm>> -> memref<1x128xi32, #tpu.memory_space<hbm>>
          %dma_start3A_989 = tpu.memref_squeeze %dma_start3A_988 : memref<1x128xi32, #tpu.memory_space<hbm>> -> memref<128xi32, #tpu.memory_space<hbm>>
          %dma_start3A_990 = arith.constant 0 : i32
          %dma_start3A_991 = tpu.memref_slice %arg7[%run_scoped3A_982, %dma_start3A_990] : memref<1x128xi32, #tpu.memory_space<vmem>> -> memref<1x128xi32, #tpu.memory_space<vmem>>
          %dma_start3A_992 = tpu.memref_squeeze %dma_start3A_991 : memref<1x128xi32, #tpu.memory_space<vmem>> -> memref<128xi32, #tpu.memory_space<vmem>>
          %dma_start3A_993 = arith.constant 0 : i32
          %dma_start3A_994 = tpu.memref_slice %arg3[%add3A_981, %dma_start3A_993] : memref<5000x128xi32, #tpu.memory_space<hbm>> -> memref<1x128xi32, #tpu.memory_space<hbm>>
          %dma_start3A_995 = tpu.memref_squeeze %dma_start3A_994 : memref<1x128xi32, #tpu.memory_space<hbm>> -> memref<128xi32, #tpu.memory_space<hbm>>
          tpu.enqueue_dma source(%dma_start3A_995 : memref<128xi32, #tpu.memory_space<hbm>>) target(%dma_start3A_992 : memref<128xi32, #tpu.memory_space<vmem>>) target_semaphore(%run_scoped3A_983 : memref<!tpu.dma_semaphore, #tpu.memory_space<semaphore_mem>>)
          %dma_wait3A_996 = arith.constant 0 : i32
          %dma_wait3A_997 = tpu.memref_slice %arg7[%run_scoped3A_982, %dma_wait3A_996] : memref<1x128xi32, #tpu.memory_space<vmem>> -> memref<1x128xi32, #tpu.memory_space<vmem>>
          %dma_wait3A_998 = tpu.memref_squeeze %dma_wait3A_997 : memref<1x128xi32, #tpu.memory_space<vmem>> -> memref<128xi32, #tpu.memory_space<vmem>>
          %dma_wait3A_999 = arith.constant 0 : i32
          %dma_wait3A_1000 = tpu.memref_slice %arg3[%add3A_981, %dma_wait3A_999] : memref<5000x128xi32, #tpu.memory_space<hbm>> -> memref<1x128xi32, #tpu.memory_space<hbm>>
          %dma_wait3A_1001 = tpu.memref_squeeze %dma_wait3A_1000 : memref<1x128xi32, #tpu.memory_space<hbm>> -> memref<128xi32, #tpu.memory_space<hbm>>
          %dma_wait3A_1002 = arith.constant 0 : i32
          %dma_wait3A_1003 = tpu.memref_slice %arg7[%run_scoped3A_982, %dma_wait3A_1002] : memref<1x128xi32, #tpu.memory_space<vmem>> -> memref<1x128xi32, #tpu.memory_space<vmem>>
          %dma_wait3A_1004 = tpu.memref_squeeze %dma_wait3A_1003 : memref<1x128xi32, #tpu.memory_space<vmem>> -> memref<128xi32, #tpu.memory_space<vmem>>
          %dma_wait3A_1005 = arith.constant 0 : i32
          %dma_wait3A_1006 = tpu.memref_slice %arg3[%add3A_981, %dma_wait3A_1005] : memref<5000x128xi32, #tpu.memory_space<hbm>> -> memref<1x128xi32, #tpu.memory_space<hbm>>
          %dma_wait3A_1007 = tpu.memref_squeeze %dma_wait3A_1006 : memref<1x128xi32, #tpu.memory_space<hbm>> -> memref<128xi32, #tpu.memory_space<hbm>>
          tpu.wait_dma2 semaphore(%run_scoped3A_983 : memref<!tpu.dma_semaphore, #tpu.memory_space<semaphore_mem>>) src(%dma_wait3A_1007 : memref<128xi32, #tpu.memory_space<hbm>>) dst(%dma_wait3A_1004 : memref<128xi32, #tpu.memory_space<vmem>>)
          tpu.yield
        }) : () -> ()
      } else {
      }
      %dma_start3A_966 = arith.constant 0 : i32
      %dma_start3A_967 = arith.constant 0 : i32
      %dma_start3A_968 = tpu.memref_slice %arg8[%dma_start3A_966, %dma_start3A_967] : memref<1x128xi32, #tpu.memory_space<vmem>> -> memref<1x128xi32, #tpu.memory_space<vmem>>
      %dma_start3A_969 = tpu.memref_squeeze %dma_start3A_968 : memref<1x128xi32, #tpu.memory_space<vmem>> -> memref<128xi32, #tpu.memory_space<vmem>>
      %dma_start3A_970 = arith.constant 0 : i32
      %dma_start3A_971 = arith.constant 0 : i32
      %dma_start3A_972 = tpu.memref_slice %arg15[%dma_start3A_970, %dma_start3A_971] : memref<10240x128xf32, #tpu.memory_space<vmem_shared>> -> memref<10240x128xf32, #tpu.memory_space<vmem_shared>>
      tpu.enqueue_indirect_dma source(%arg10 : memref<128x128xf32, #tpu.memory_space<vmem>>) target(%dma_start3A_972 : memref<10240x128xf32, #tpu.memory_space<vmem_shared>>) offsets(%dma_start3A_969 : memref<128xi32, #tpu.memory_space<vmem>>) semaphore(%arg14 : memref<!tpu.dma_semaphore, #tpu.memory_space<semaphore_mem>>) {add = true}
      %scan3A_973 = arith.constant 0 : i32
      scf.yield %scan3A_973 : i32
    }
    %scan3A_303 = arith.constant 39 : i32
    %dma_wait3A_304 = arith.constant 0 : i32
    %dma_wait3A_305 = arith.constant 0 : i32
    %dma_wait3A_306 = tpu.memref_slice %arg8[%dma_wait3A_304, %dma_wait3A_305] : memref<1x128xi32, #tpu.memory_space<vmem>> -> memref<1x128xi32, #tpu.memory_space<vmem>>
    %dma_wait3A_307 = tpu.memref_squeeze %dma_wait3A_306 : memref<1x128xi32, #tpu.memory_space<vmem>> -> memref<128xi32, #tpu.memory_space<vmem>>
    %dma_wait3A_308 = arith.constant 0 : i32
    %dma_wait3A_309 = arith.constant 0 : i32
    %dma_wait3A_310 = tpu.memref_slice %arg15[%dma_wait3A_308, %dma_wait3A_309] : memref<10240x128xf32, #tpu.memory_space<vmem_shared>> -> memref<10240x128xf32, #tpu.memory_space<vmem_shared>>
    tpu.wait_indirect_dma semaphore(%arg14 : memref<!tpu.dma_semaphore, #tpu.memory_space<semaphore_mem>>) src(%arg10 : memref<128x128xf32, #tpu.memory_space<vmem>>) dst(%dma_wait3A_310 : memref<10240x128xf32, #tpu.memory_space<vmem_shared>>)
    %lt3A = arith.constant 4 : i32
    %lt3A_311 = arith.cmpi slt, %add3A, %lt3A : i32
    %convert_element_type3A = arith.extui %lt3A_311 : i1 to i32
    %cond3A = arith.constant 0 : i32
    %cond3A_312 = arith.cmpi ne, %convert_element_type3A, %cond3A : i32
    scf.if %cond3A_312 {
      %add3A_914 = arith.constant 2496 : i32
      %add3A_915 = arith.addi %add3A_914, %add3A : i32
      "tpu.region"() ({
        %run_scoped3A_920 = tpu.sem_alloc : memref<!tpu.dma_semaphore, #tpu.memory_space<semaphore_mem>>
        %dma_start3A_921 = arith.constant 0 : i32
        %dma_start3A_922 = tpu.memref_slice %arg3[%add3A_915, %dma_start3A_921] : memref<5000x128xi32, #tpu.memory_space<hbm>> -> memref<1x128xi32, #tpu.memory_space<hbm>>
        %dma_start3A_923 = tpu.memref_squeeze %dma_start3A_922 : memref<1x128xi32, #tpu.memory_space<hbm>> -> memref<128xi32, #tpu.memory_space<hbm>>
        %dma_start3A_924 = arith.constant 0 : i32
        %dma_start3A_925 = tpu.memref_slice %arg3[%add3A_915, %dma_start3A_924] : memref<5000x128xi32, #tpu.memory_space<hbm>> -> memref<1x128xi32, #tpu.memory_space<hbm>>
        %dma_start3A_926 = tpu.memref_squeeze %dma_start3A_925 : memref<1x128xi32, #tpu.memory_space<hbm>> -> memref<128xi32, #tpu.memory_space<hbm>>
        tpu.enqueue_dma source(%dma_start3A_926 : memref<128xi32, #tpu.memory_space<hbm>>) target(%arg5 : memref<128xi32, #tpu.memory_space<vmem>>) target_semaphore(%run_scoped3A_920 : memref<!tpu.dma_semaphore, #tpu.memory_space<semaphore_mem>>)
        %dma_wait3A_927 = arith.constant 0 : i32
        %dma_wait3A_928 = tpu.memref_slice %arg3[%add3A_915, %dma_wait3A_927] : memref<5000x128xi32, #tpu.memory_space<hbm>> -> memref<1x128xi32, #tpu.memory_space<hbm>>
        %dma_wait3A_929 = tpu.memref_squeeze %dma_wait3A_928 : memref<1x128xi32, #tpu.memory_space<hbm>> -> memref<128xi32, #tpu.memory_space<hbm>>
        %dma_wait3A_930 = arith.constant 0 : i32
        %dma_wait3A_931 = tpu.memref_slice %arg3[%add3A_915, %dma_wait3A_930] : memref<5000x128xi32, #tpu.memory_space<hbm>> -> memref<1x128xi32, #tpu.memory_space<hbm>>
        %dma_wait3A_932 = tpu.memref_squeeze %dma_wait3A_931 : memref<1x128xi32, #tpu.memory_space<hbm>> -> memref<128xi32, #tpu.memory_space<hbm>>
        tpu.wait_dma2 semaphore(%run_scoped3A_920 : memref<!tpu.dma_semaphore, #tpu.memory_space<semaphore_mem>>) src(%dma_wait3A_932 : memref<128xi32, #tpu.memory_space<hbm>>) dst(%arg5 : memref<128xi32, #tpu.memory_space<vmem>>)
        tpu.yield
      }) : () -> ()
      %add3A_916 = arith.constant 2500 : i32
      %add3A_917 = arith.addi %add3A_916, %add3A_915 : i32
      %run_scoped3A_918 = arith.constant 0 : i32
      "tpu.region"() ({
        %run_scoped3A_920 = tpu.sem_alloc : memref<!tpu.dma_semaphore, #tpu.memory_space<semaphore_mem>>
        %dma_start3A_921 = arith.constant 0 : i32
        %dma_start3A_922 = tpu.memref_slice %arg7[%run_scoped3A_918, %dma_start3A_921] : memref<1x128xi32, #tpu.memory_space<vmem>> -> memref<1x128xi32, #tpu.memory_space<vmem>>
        %dma_start3A_923 = tpu.memref_squeeze %dma_start3A_922 : memref<1x128xi32, #tpu.memory_space<vmem>> -> memref<128xi32, #tpu.memory_space<vmem>>
        %dma_start3A_924 = arith.constant 0 : i32
        %dma_start3A_925 = tpu.memref_slice %arg3[%add3A_917, %dma_start3A_924] : memref<5000x128xi32, #tpu.memory_space<hbm>> -> memref<1x128xi32, #tpu.memory_space<hbm>>
        %dma_start3A_926 = tpu.memref_squeeze %dma_start3A_925 : memref<1x128xi32, #tpu.memory_space<hbm>> -> memref<128xi32, #tpu.memory_space<hbm>>
        %dma_start3A_927 = arith.constant 0 : i32
        %dma_start3A_928 = tpu.memref_slice %arg7[%run_scoped3A_918, %dma_start3A_927] : memref<1x128xi32, #tpu.memory_space<vmem>> -> memref<1x128xi32, #tpu.memory_space<vmem>>
        %dma_start3A_929 = tpu.memref_squeeze %dma_start3A_928 : memref<1x128xi32, #tpu.memory_space<vmem>> -> memref<128xi32, #tpu.memory_space<vmem>>
        %dma_start3A_930 = arith.constant 0 : i32
        %dma_start3A_931 = tpu.memref_slice %arg3[%add3A_917, %dma_start3A_930] : memref<5000x128xi32, #tpu.memory_space<hbm>> -> memref<1x128xi32, #tpu.memory_space<hbm>>
        %dma_start3A_932 = tpu.memref_squeeze %dma_start3A_931 : memref<1x128xi32, #tpu.memory_space<hbm>> -> memref<128xi32, #tpu.memory_space<hbm>>
        tpu.enqueue_dma source(%dma_start3A_932 : memref<128xi32, #tpu.memory_space<hbm>>) target(%dma_start3A_929 : memref<128xi32, #tpu.memory_space<vmem>>) target_semaphore(%run_scoped3A_920 : memref<!tpu.dma_semaphore, #tpu.memory_space<semaphore_mem>>)
        %dma_wait3A_933 = arith.constant 0 : i32
        %dma_wait3A_934 = tpu.memref_slice %arg7[%run_scoped3A_918, %dma_wait3A_933] : memref<1x128xi32, #tpu.memory_space<vmem>> -> memref<1x128xi32, #tpu.memory_space<vmem>>
        %dma_wait3A_935 = tpu.memref_squeeze %dma_wait3A_934 : memref<1x128xi32, #tpu.memory_space<vmem>> -> memref<128xi32, #tpu.memory_space<vmem>>
        %dma_wait3A_936 = arith.constant 0 : i32
        %dma_wait3A_937 = tpu.memref_slice %arg3[%add3A_917, %dma_wait3A_936] : memref<5000x128xi32, #tpu.memory_space<hbm>> -> memref<1x128xi32, #tpu.memory_space<hbm>>
        %dma_wait3A_938 = tpu.memref_squeeze %dma_wait3A_937 : memref<1x128xi32, #tpu.memory_space<hbm>> -> memref<128xi32, #tpu.memory_space<hbm>>
        %dma_wait3A_939 = arith.constant 0 : i32
        %dma_wait3A_940 = tpu.memref_slice %arg7[%run_scoped3A_918, %dma_wait3A_939] : memref<1x128xi32, #tpu.memory_space<vmem>> -> memref<1x128xi32, #tpu.memory_space<vmem>>
        %dma_wait3A_941 = tpu.memref_squeeze %dma_wait3A_940 : memref<1x128xi32, #tpu.memory_space<vmem>> -> memref<128xi32, #tpu.memory_space<vmem>>
        %dma_wait3A_942 = arith.constant 0 : i32
        %dma_wait3A_943 = tpu.memref_slice %arg3[%add3A_917, %dma_wait3A_942] : memref<5000x128xi32, #tpu.memory_space<hbm>> -> memref<1x128xi32, #tpu.memory_space<hbm>>
        %dma_wait3A_944 = tpu.memref_squeeze %dma_wait3A_943 : memref<1x128xi32, #tpu.memory_space<hbm>> -> memref<128xi32, #tpu.memory_space<hbm>>
        tpu.wait_dma2 semaphore(%run_scoped3A_920 : memref<!tpu.dma_semaphore, #tpu.memory_space<semaphore_mem>>) src(%dma_wait3A_944 : memref<128xi32, #tpu.memory_space<hbm>>) dst(%dma_wait3A_941 : memref<128xi32, #tpu.memory_space<vmem>>)
        tpu.yield
      }) : () -> ()
      "tpu.region"() ({
        %run_scoped3A_920 = tpu.sem_alloc : memref<!tpu.dma_semaphore, #tpu.memory_space<semaphore_mem>>
        %dma_start3A_921 = arith.constant 0 : i32
        %dma_start3A_922 = arith.constant 0 : i32
        %dma_start3A_923 = tpu.memref_slice %arg2[%dma_start3A_921, %dma_start3A_922] : memref<10240x128xf32, #tpu.memory_space<hbm>> -> memref<10240x128xf32, #tpu.memory_space<hbm>>
        tpu.enqueue_indirect_dma source(%dma_start3A_923 : memref<10240x128xf32, #tpu.memory_space<hbm>>) target(%arg9 : memref<128x128xf32, #tpu.memory_space<vmem>>) offsets(%arg5 : memref<128xi32, #tpu.memory_space<vmem>>) semaphore(%run_scoped3A_920 : memref<!tpu.dma_semaphore, #tpu.memory_space<semaphore_mem>>)
        %dma_wait3A_924 = arith.constant 0 : i32
        %dma_wait3A_925 = arith.constant 0 : i32
        %dma_wait3A_926 = tpu.memref_slice %arg2[%dma_wait3A_924, %dma_wait3A_925] : memref<10240x128xf32, #tpu.memory_space<hbm>> -> memref<10240x128xf32, #tpu.memory_space<hbm>>
        tpu.wait_indirect_dma semaphore(%run_scoped3A_920 : memref<!tpu.dma_semaphore, #tpu.memory_space<semaphore_mem>>) src(%dma_wait3A_926 : memref<10240x128xf32, #tpu.memory_space<hbm>>) dst(%arg9 : memref<128x128xf32, #tpu.memory_space<vmem>>)
        tpu.yield
      }) : () -> ()
      %run_scoped3A_919 = arith.constant 0 : i32
      "tpu.region"() ({
        %run_scoped3A_920 = tpu.sem_alloc : memref<!tpu.dma_semaphore, #tpu.memory_space<semaphore_mem>>
        %dma_start3A_921 = arith.constant 0 : i32
        %dma_start3A_922 = tpu.memref_slice %arg7[%run_scoped3A_919, %dma_start3A_921] : memref<1x128xi32, #tpu.memory_space<vmem>> -> memref<1x128xi32, #tpu.memory_space<vmem>>
        %dma_start3A_923 = tpu.memref_squeeze %dma_start3A_922 : memref<1x128xi32, #tpu.memory_space<vmem>> -> memref<128xi32, #tpu.memory_space<vmem>>
        %dma_start3A_924 = arith.constant 0 : i32
        %dma_start3A_925 = arith.constant 0 : i32
        %dma_start3A_926 = tpu.memref_slice %arg15[%dma_start3A_924, %dma_start3A_925] : memref<10240x128xf32, #tpu.memory_space<vmem_shared>> -> memref<10240x128xf32, #tpu.memory_space<vmem_shared>>
        tpu.enqueue_indirect_dma source(%arg9 : memref<128x128xf32, #tpu.memory_space<vmem>>) target(%dma_start3A_926 : memref<10240x128xf32, #tpu.memory_space<vmem_shared>>) offsets(%dma_start3A_923 : memref<128xi32, #tpu.memory_space<vmem>>) semaphore(%run_scoped3A_920 : memref<!tpu.dma_semaphore, #tpu.memory_space<semaphore_mem>>) {add = true}
        %dma_wait3A_927 = arith.constant 0 : i32
        %dma_wait3A_928 = tpu.memref_slice %arg7[%run_scoped3A_919, %dma_wait3A_927] : memref<1x128xi32, #tpu.memory_space<vmem>> -> memref<1x128xi32, #tpu.memory_space<vmem>>
        %dma_wait3A_929 = tpu.memref_squeeze %dma_wait3A_928 : memref<1x128xi32, #tpu.memory_space<vmem>> -> memref<128xi32, #tpu.memory_space<vmem>>
        %dma_wait3A_930 = arith.constant 0 : i32
        %dma_wait3A_931 = arith.constant 0 : i32
        %dma_wait3A_932 = tpu.memref_slice %arg15[%dma_wait3A_930, %dma_wait3A_931] : memref<10240x128xf32, #tpu.memory_space<vmem_shared>> -> memref<10240x128xf32, #tpu.memory_space<vmem_shared>>
        tpu.wait_indirect_dma semaphore(%run_scoped3A_920 : memref<!tpu.dma_semaphore, #tpu.memory_space<semaphore_mem>>) src(%arg9 : memref<128x128xf32, #tpu.memory_space<vmem>>) dst(%dma_wait3A_932 : memref<10240x128xf32, #tpu.memory_space<vmem_shared>>)
        tpu.yield
      }) : () -> ()
    } else {
    }
    %barrier3A_313 = arith.constant 0 : index
    tpu.barrier barrier_id(%barrier3A_313)
    %mul3A_314 = arith.constant 640 : i32
    %mul3A_315 = arith.muli %arg1, %mul3A_314 : i32
    %add3A_316 = arith.constant 0 : i32
    %add3A_317 = arith.addi %mul3A_315, %add3A_316 : i32
    %dma_start3A_318 = arith.constant 0 : i32
    %dma_start3A_319 = arith.constant 0 : i32
    %dma_start3A_320 = tpu.memref_slice %arg9[%dma_start3A_318, %dma_start3A_319] : memref<128x128xf32, #tpu.memory_space<vmem>> -> memref<64x128xf32, #tpu.memory_space<vmem>>
    %dma_start3A_321 = arith.constant 0 : i32
    %dma_start3A_322 = tpu.memref_slice %arg15[%add3A_317, %dma_start3A_321] : memref<10240x128xf32, #tpu.memory_space<vmem_shared>> -> memref<64x128xf32, #tpu.memory_space<vmem_shared>>
    %dma_start3A_323 = arith.constant 0 : i32
    %dma_start3A_324 = arith.constant 0 : i32
    %dma_start3A_325 = tpu.memref_slice %arg9[%dma_start3A_323, %dma_start3A_324] : memref<128x128xf32, #tpu.memory_space<vmem>> -> memref<64x128xf32, #tpu.memory_space<vmem>>
    %dma_start3A_326 = arith.constant 0 : i32
    %dma_start3A_327 = tpu.memref_slice %arg15[%add3A_317, %dma_start3A_326] : memref<10240x128xf32, #tpu.memory_space<vmem_shared>> -> memref<64x128xf32, #tpu.memory_space<vmem_shared>>
    tpu.enqueue_dma source(%dma_start3A_327 : memref<64x128xf32, #tpu.memory_space<vmem_shared>>) target(%dma_start3A_325 : memref<64x128xf32, #tpu.memory_space<vmem>>) target_semaphore(%arg11 : memref<!tpu.dma_semaphore, #tpu.memory_space<semaphore_mem>>)
    %mul3A_328 = arith.constant 640 : i32
    %mul3A_329 = arith.muli %arg1, %mul3A_328 : i32
    %add3A_330 = arith.constant 64 : i32
    %add3A_331 = arith.addi %mul3A_329, %add3A_330 : i32
    %dma_start3A_332 = arith.constant 0 : i32
    %dma_start3A_333 = arith.constant 0 : i32
    %dma_start3A_334 = tpu.memref_slice %arg10[%dma_start3A_332, %dma_start3A_333] : memref<128x128xf32, #tpu.memory_space<vmem>> -> memref<64x128xf32, #tpu.memory_space<vmem>>
    %dma_start3A_335 = arith.constant 0 : i32
    %dma_start3A_336 = tpu.memref_slice %arg15[%add3A_331, %dma_start3A_335] : memref<10240x128xf32, #tpu.memory_space<vmem_shared>> -> memref<64x128xf32, #tpu.memory_space<vmem_shared>>
    %dma_start3A_337 = arith.constant 0 : i32
    %dma_start3A_338 = arith.constant 0 : i32
    %dma_start3A_339 = tpu.memref_slice %arg10[%dma_start3A_337, %dma_start3A_338] : memref<128x128xf32, #tpu.memory_space<vmem>> -> memref<64x128xf32, #tpu.memory_space<vmem>>
    %dma_start3A_340 = arith.constant 0 : i32
    %dma_start3A_341 = tpu.memref_slice %arg15[%add3A_331, %dma_start3A_340] : memref<10240x128xf32, #tpu.memory_space<vmem_shared>> -> memref<64x128xf32, #tpu.memory_space<vmem_shared>>
    tpu.enqueue_dma source(%dma_start3A_341 : memref<64x128xf32, #tpu.memory_space<vmem_shared>>) target(%dma_start3A_339 : memref<64x128xf32, #tpu.memory_space<vmem>>) target_semaphore(%arg12 : memref<!tpu.dma_semaphore, #tpu.memory_space<semaphore_mem>>)
    %mul3A_342 = arith.constant 640 : i32
    %mul3A_343 = arith.muli %arg1, %mul3A_342 : i32
    %add3A_344 = arith.constant 0 : i32
    %add3A_345 = arith.addi %mul3A_343, %add3A_344 : i32
    %dma_wait3A_346 = arith.constant 0 : i32
    %dma_wait3A_347 = arith.constant 0 : i32
    %dma_wait3A_348 = tpu.memref_slice %arg9[%dma_wait3A_346, %dma_wait3A_347] : memref<128x128xf32, #tpu.memory_space<vmem>> -> memref<64x128xf32, #tpu.memory_space<vmem>>
    %dma_wait3A_349 = arith.constant 0 : i32
    %dma_wait3A_350 = tpu.memref_slice %arg15[%add3A_345, %dma_wait3A_349] : memref<10240x128xf32, #tpu.memory_space<vmem_shared>> -> memref<64x128xf32, #tpu.memory_space<vmem_shared>>
    %dma_wait3A_351 = arith.constant 0 : i32
    %dma_wait3A_352 = arith.constant 0 : i32
    %dma_wait3A_353 = tpu.memref_slice %arg9[%dma_wait3A_351, %dma_wait3A_352] : memref<128x128xf32, #tpu.memory_space<vmem>> -> memref<64x128xf32, #tpu.memory_space<vmem>>
    %dma_wait3A_354 = arith.constant 0 : i32
    %dma_wait3A_355 = tpu.memref_slice %arg15[%add3A_345, %dma_wait3A_354] : memref<10240x128xf32, #tpu.memory_space<vmem_shared>> -> memref<64x128xf32, #tpu.memory_space<vmem_shared>>
    tpu.wait_dma2 semaphore(%arg11 : memref<!tpu.dma_semaphore, #tpu.memory_space<semaphore_mem>>) src(%dma_wait3A_355 : memref<64x128xf32, #tpu.memory_space<vmem_shared>>) dst(%dma_wait3A_353 : memref<64x128xf32, #tpu.memory_space<vmem>>)
    %mul3A_356 = arith.constant 640 : i32
    %mul3A_357 = arith.muli %arg1, %mul3A_356 : i32
    %add3A_358 = arith.constant 0 : i32
    %add3A_359 = arith.addi %mul3A_357, %add3A_358 : i32
    %dma_start3A_360 = arith.constant 0 : i32
    %dma_start3A_361 = arith.constant 0 : i32
    %dma_start3A_362 = tpu.memref_slice %arg9[%dma_start3A_360, %dma_start3A_361] : memref<128x128xf32, #tpu.memory_space<vmem>> -> memref<64x128xf32, #tpu.memory_space<vmem>>
    %dma_start3A_363 = arith.constant 0 : i32
    %dma_start3A_364 = tpu.memref_slice %arg4[%arg0, %add3A_359, %dma_start3A_363] : memref<2x10240x128xf32, #tpu.memory_space<hbm>> -> memref<1x64x128xf32, #tpu.memory_space<hbm>>
    %dma_start3A_365 = tpu.memref_squeeze %dma_start3A_364 : memref<1x64x128xf32, #tpu.memory_space<hbm>> -> memref<64x128xf32, #tpu.memory_space<hbm>>
    %dma_start3A_366 = arith.constant 0 : i32
    %dma_start3A_367 = tpu.memref_slice %arg4[%arg0, %add3A_359, %dma_start3A_366] : memref<2x10240x128xf32, #tpu.memory_space<hbm>> -> memref<1x64x128xf32, #tpu.memory_space<hbm>>
    %dma_start3A_368 = tpu.memref_squeeze %dma_start3A_367 : memref<1x64x128xf32, #tpu.memory_space<hbm>> -> memref<64x128xf32, #tpu.memory_space<hbm>>
    %dma_start3A_369 = arith.constant 0 : i32
    %dma_start3A_370 = arith.constant 0 : i32
    %dma_start3A_371 = tpu.memref_slice %arg9[%dma_start3A_369, %dma_start3A_370] : memref<128x128xf32, #tpu.memory_space<vmem>> -> memref<64x128xf32, #tpu.memory_space<vmem>>
    tpu.enqueue_dma source(%dma_start3A_371 : memref<64x128xf32, #tpu.memory_space<vmem>>) target(%dma_start3A_368 : memref<64x128xf32, #tpu.memory_space<hbm>>) target_semaphore(%arg13 : memref<!tpu.dma_semaphore, #tpu.memory_space<semaphore_mem>>)
    %mul3A_372 = arith.constant 640 : i32
    %mul3A_373 = arith.muli %arg1, %mul3A_372 : i32
    %add3A_374 = arith.constant 0 : i32
    %add3A_375 = arith.addi %mul3A_373, %add3A_374 : i32
    %dma_wait3A_376 = arith.constant 0 : i32
    %dma_wait3A_377 = arith.constant 0 : i32
    %dma_wait3A_378 = tpu.memref_slice %arg9[%dma_wait3A_376, %dma_wait3A_377] : memref<128x128xf32, #tpu.memory_space<vmem>> -> memref<64x128xf32, #tpu.memory_space<vmem>>
    %dma_wait3A_379 = arith.constant 0 : i32
    %dma_wait3A_380 = tpu.memref_slice %arg4[%arg0, %add3A_375, %dma_wait3A_379] : memref<2x10240x128xf32, #tpu.memory_space<hbm>> -> memref<1x64x128xf32, #tpu.memory_space<hbm>>
    %dma_wait3A_381 = tpu.memref_squeeze %dma_wait3A_380 : memref<1x64x128xf32, #tpu.memory_space<hbm>> -> memref<64x128xf32, #tpu.memory_space<hbm>>
    %dma_wait3A_382 = arith.constant 0 : i32
    %dma_wait3A_383 = tpu.memref_slice %arg4[%arg0, %add3A_375, %dma_wait3A_382] : memref<2x10240x128xf32, #tpu.memory_space<hbm>> -> memref<1x64x128xf32, #tpu.memory_space<hbm>>
    %dma_wait3A_384 = tpu.memref_squeeze %dma_wait3A_383 : memref<1x64x128xf32, #tpu.memory_space<hbm>> -> memref<64x128xf32, #tpu.memory_space<hbm>>
    %dma_wait3A_385 = arith.constant 0 : i32
    %dma_wait3A_386 = arith.constant 0 : i32
    %dma_wait3A_387 = tpu.memref_slice %arg9[%dma_wait3A_385, %dma_wait3A_386] : memref<128x128xf32, #tpu.memory_space<vmem>> -> memref<64x128xf32, #tpu.memory_space<vmem>>
    tpu.wait_dma2 semaphore(%arg13 : memref<!tpu.dma_semaphore, #tpu.memory_space<semaphore_mem>>) src(%dma_wait3A_387 : memref<64x128xf32, #tpu.memory_space<vmem>>) dst(%dma_wait3A_384 : memref<64x128xf32, #tpu.memory_space<hbm>>)
    %mul3A_388 = arith.constant 640 : i32
    %mul3A_389 = arith.muli %arg1, %mul3A_388 : i32
    %add3A_390 = arith.constant 128 : i32
    %add3A_391 = arith.addi %mul3A_389, %add3A_390 : i32
    %dma_start3A_392 = arith.constant 0 : i32
    %dma_start3A_393 = arith.constant 0 : i32
    %dma_start3A_394 = tpu.memref_slice %arg9[%dma_start3A_392, %dma_start3A_393] : memref<128x128xf32, #tpu.memory_space<vmem>> -> memref<64x128xf32, #tpu.memory_space<vmem>>
    %dma_start3A_395 = arith.constant 0 : i32
    %dma_start3A_396 = tpu.memref_slice %arg15[%add3A_391, %dma_start3A_395] : memref<10240x128xf32, #tpu.memory_space<vmem_shared>> -> memref<64x128xf32, #tpu.memory_space<vmem_shared>>
    %dma_start3A_397 = arith.constant 0 : i32
    %dma_start3A_398 = arith.constant 0 : i32
    %dma_start3A_399 = tpu.memref_slice %arg9[%dma_start3A_397, %dma_start3A_398] : memref<128x128xf32, #tpu.memory_space<vmem>> -> memref<64x128xf32, #tpu.memory_space<vmem>>
    %dma_start3A_400 = arith.constant 0 : i32
    %dma_start3A_401 = tpu.memref_slice %arg15[%add3A_391, %dma_start3A_400] : memref<10240x128xf32, #tpu.memory_space<vmem_shared>> -> memref<64x128xf32, #tpu.memory_space<vmem_shared>>
    tpu.enqueue_dma source(%dma_start3A_401 : memref<64x128xf32, #tpu.memory_space<vmem_shared>>) target(%dma_start3A_399 : memref<64x128xf32, #tpu.memory_space<vmem>>) target_semaphore(%arg11 : memref<!tpu.dma_semaphore, #tpu.memory_space<semaphore_mem>>)
    %mul3A_402 = arith.constant 640 : i32
    %mul3A_403 = arith.muli %arg1, %mul3A_402 : i32
    %add3A_404 = arith.constant 64 : i32
    %add3A_405 = arith.addi %mul3A_403, %add3A_404 : i32
    %dma_wait3A_406 = arith.constant 0 : i32
    %dma_wait3A_407 = arith.constant 0 : i32
    %dma_wait3A_408 = tpu.memref_slice %arg10[%dma_wait3A_406, %dma_wait3A_407] : memref<128x128xf32, #tpu.memory_space<vmem>> -> memref<64x128xf32, #tpu.memory_space<vmem>>
    %dma_wait3A_409 = arith.constant 0 : i32
    %dma_wait3A_410 = tpu.memref_slice %arg15[%add3A_405, %dma_wait3A_409] : memref<10240x128xf32, #tpu.memory_space<vmem_shared>> -> memref<64x128xf32, #tpu.memory_space<vmem_shared>>
    %dma_wait3A_411 = arith.constant 0 : i32
    %dma_wait3A_412 = arith.constant 0 : i32
    %dma_wait3A_413 = tpu.memref_slice %arg10[%dma_wait3A_411, %dma_wait3A_412] : memref<128x128xf32, #tpu.memory_space<vmem>> -> memref<64x128xf32, #tpu.memory_space<vmem>>
    %dma_wait3A_414 = arith.constant 0 : i32
    %dma_wait3A_415 = tpu.memref_slice %arg15[%add3A_405, %dma_wait3A_414] : memref<10240x128xf32, #tpu.memory_space<vmem_shared>> -> memref<64x128xf32, #tpu.memory_space<vmem_shared>>
    tpu.wait_dma2 semaphore(%arg12 : memref<!tpu.dma_semaphore, #tpu.memory_space<semaphore_mem>>) src(%dma_wait3A_415 : memref<64x128xf32, #tpu.memory_space<vmem_shared>>) dst(%dma_wait3A_413 : memref<64x128xf32, #tpu.memory_space<vmem>>)
    %mul3A_416 = arith.constant 640 : i32
    %mul3A_417 = arith.muli %arg1, %mul3A_416 : i32
    %add3A_418 = arith.constant 64 : i32
    %add3A_419 = arith.addi %mul3A_417, %add3A_418 : i32
    %dma_start3A_420 = arith.constant 0 : i32
    %dma_start3A_421 = arith.constant 0 : i32
    %dma_start3A_422 = tpu.memref_slice %arg10[%dma_start3A_420, %dma_start3A_421] : memref<128x128xf32, #tpu.memory_space<vmem>> -> memref<64x128xf32, #tpu.memory_space<vmem>>
    %dma_start3A_423 = arith.constant 0 : i32
    %dma_start3A_424 = tpu.memref_slice %arg4[%arg0, %add3A_419, %dma_start3A_423] : memref<2x10240x128xf32, #tpu.memory_space<hbm>> -> memref<1x64x128xf32, #tpu.memory_space<hbm>>
    %dma_start3A_425 = tpu.memref_squeeze %dma_start3A_424 : memref<1x64x128xf32, #tpu.memory_space<hbm>> -> memref<64x128xf32, #tpu.memory_space<hbm>>
    %dma_start3A_426 = arith.constant 0 : i32
    %dma_start3A_427 = tpu.memref_slice %arg4[%arg0, %add3A_419, %dma_start3A_426] : memref<2x10240x128xf32, #tpu.memory_space<hbm>> -> memref<1x64x128xf32, #tpu.memory_space<hbm>>
    %dma_start3A_428 = tpu.memref_squeeze %dma_start3A_427 : memref<1x64x128xf32, #tpu.memory_space<hbm>> -> memref<64x128xf32, #tpu.memory_space<hbm>>
    %dma_start3A_429 = arith.constant 0 : i32
    %dma_start3A_430 = arith.constant 0 : i32
    %dma_start3A_431 = tpu.memref_slice %arg10[%dma_start3A_429, %dma_start3A_430] : memref<128x128xf32, #tpu.memory_space<vmem>> -> memref<64x128xf32, #tpu.memory_space<vmem>>
    tpu.enqueue_dma source(%dma_start3A_431 : memref<64x128xf32, #tpu.memory_space<vmem>>) target(%dma_start3A_428 : memref<64x128xf32, #tpu.memory_space<hbm>>) target_semaphore(%arg14 : memref<!tpu.dma_semaphore, #tpu.memory_space<semaphore_mem>>)
    %mul3A_432 = arith.constant 640 : i32
    %mul3A_433 = arith.muli %arg1, %mul3A_432 : i32
    %add3A_434 = arith.constant 64 : i32
    %add3A_435 = arith.addi %mul3A_433, %add3A_434 : i32
    %dma_wait3A_436 = arith.constant 0 : i32
    %dma_wait3A_437 = arith.constant 0 : i32
    %dma_wait3A_438 = tpu.memref_slice %arg10[%dma_wait3A_436, %dma_wait3A_437] : memref<128x128xf32, #tpu.memory_space<vmem>> -> memref<64x128xf32, #tpu.memory_space<vmem>>
    %dma_wait3A_439 = arith.constant 0 : i32
    %dma_wait3A_440 = tpu.memref_slice %arg4[%arg0, %add3A_435, %dma_wait3A_439] : memref<2x10240x128xf32, #tpu.memory_space<hbm>> -> memref<1x64x128xf32, #tpu.memory_space<hbm>>
    %dma_wait3A_441 = tpu.memref_squeeze %dma_wait3A_440 : memref<1x64x128xf32, #tpu.memory_space<hbm>> -> memref<64x128xf32, #tpu.memory_space<hbm>>
    %dma_wait3A_442 = arith.constant 0 : i32
    %dma_wait3A_443 = tpu.memref_slice %arg4[%arg0, %add3A_435, %dma_wait3A_442] : memref<2x10240x128xf32, #tpu.memory_space<hbm>> -> memref<1x64x128xf32, #tpu.memory_space<hbm>>
    %dma_wait3A_444 = tpu.memref_squeeze %dma_wait3A_443 : memref<1x64x128xf32, #tpu.memory_space<hbm>> -> memref<64x128xf32, #tpu.memory_space<hbm>>
    %dma_wait3A_445 = arith.constant 0 : i32
    %dma_wait3A_446 = arith.constant 0 : i32
    %dma_wait3A_447 = tpu.memref_slice %arg10[%dma_wait3A_445, %dma_wait3A_446] : memref<128x128xf32, #tpu.memory_space<vmem>> -> memref<64x128xf32, #tpu.memory_space<vmem>>
    tpu.wait_dma2 semaphore(%arg14 : memref<!tpu.dma_semaphore, #tpu.memory_space<semaphore_mem>>) src(%dma_wait3A_447 : memref<64x128xf32, #tpu.memory_space<vmem>>) dst(%dma_wait3A_444 : memref<64x128xf32, #tpu.memory_space<hbm>>)
    %mul3A_448 = arith.constant 640 : i32
    %mul3A_449 = arith.muli %arg1, %mul3A_448 : i32
    %add3A_450 = arith.constant 192 : i32
    %add3A_451 = arith.addi %mul3A_449, %add3A_450 : i32
    %dma_start3A_452 = arith.constant 0 : i32
    %dma_start3A_453 = arith.constant 0 : i32
    %dma_start3A_454 = tpu.memref_slice %arg10[%dma_start3A_452, %dma_start3A_453] : memref<128x128xf32, #tpu.memory_space<vmem>> -> memref<64x128xf32, #tpu.memory_space<vmem>>
    %dma_start3A_455 = arith.constant 0 : i32
    %dma_start3A_456 = tpu.memref_slice %arg15[%add3A_451, %dma_start3A_455] : memref<10240x128xf32, #tpu.memory_space<vmem_shared>> -> memref<64x128xf32, #tpu.memory_space<vmem_shared>>
    %dma_start3A_457 = arith.constant 0 : i32
    %dma_start3A_458 = arith.constant 0 : i32
    %dma_start3A_459 = tpu.memref_slice %arg10[%dma_start3A_457, %dma_start3A_458] : memref<128x128xf32, #tpu.memory_space<vmem>> -> memref<64x128xf32, #tpu.memory_space<vmem>>
    %dma_start3A_460 = arith.constant 0 : i32
    %dma_start3A_461 = tpu.memref_slice %arg15[%add3A_451, %dma_start3A_460] : memref<10240x128xf32, #tpu.memory_space<vmem_shared>> -> memref<64x128xf32, #tpu.memory_space<vmem_shared>>
    tpu.enqueue_dma source(%dma_start3A_461 : memref<64x128xf32, #tpu.memory_space<vmem_shared>>) target(%dma_start3A_459 : memref<64x128xf32, #tpu.memory_space<vmem>>) target_semaphore(%arg12 : memref<!tpu.dma_semaphore, #tpu.memory_space<semaphore_mem>>)
    %mul3A_462 = arith.constant 640 : i32
    %mul3A_463 = arith.muli %arg1, %mul3A_462 : i32
    %add3A_464 = arith.constant 128 : i32
    %add3A_465 = arith.addi %mul3A_463, %add3A_464 : i32
    %dma_wait3A_466 = arith.constant 0 : i32
    %dma_wait3A_467 = arith.constant 0 : i32
    %dma_wait3A_468 = tpu.memref_slice %arg9[%dma_wait3A_466, %dma_wait3A_467] : memref<128x128xf32, #tpu.memory_space<vmem>> -> memref<64x128xf32, #tpu.memory_space<vmem>>
    %dma_wait3A_469 = arith.constant 0 : i32
    %dma_wait3A_470 = tpu.memref_slice %arg15[%add3A_465, %dma_wait3A_469] : memref<10240x128xf32, #tpu.memory_space<vmem_shared>> -> memref<64x128xf32, #tpu.memory_space<vmem_shared>>
    %dma_wait3A_471 = arith.constant 0 : i32
    %dma_wait3A_472 = arith.constant 0 : i32
    %dma_wait3A_473 = tpu.memref_slice %arg9[%dma_wait3A_471, %dma_wait3A_472] : memref<128x128xf32, #tpu.memory_space<vmem>> -> memref<64x128xf32, #tpu.memory_space<vmem>>
    %dma_wait3A_474 = arith.constant 0 : i32
    %dma_wait3A_475 = tpu.memref_slice %arg15[%add3A_465, %dma_wait3A_474] : memref<10240x128xf32, #tpu.memory_space<vmem_shared>> -> memref<64x128xf32, #tpu.memory_space<vmem_shared>>
    tpu.wait_dma2 semaphore(%arg11 : memref<!tpu.dma_semaphore, #tpu.memory_space<semaphore_mem>>) src(%dma_wait3A_475 : memref<64x128xf32, #tpu.memory_space<vmem_shared>>) dst(%dma_wait3A_473 : memref<64x128xf32, #tpu.memory_space<vmem>>)
    %mul3A_476 = arith.constant 640 : i32
    %mul3A_477 = arith.muli %arg1, %mul3A_476 : i32
    %add3A_478 = arith.constant 128 : i32
    %add3A_479 = arith.addi %mul3A_477, %add3A_478 : i32
    %dma_start3A_480 = arith.constant 0 : i32
    %dma_start3A_481 = arith.constant 0 : i32
    %dma_start3A_482 = tpu.memref_slice %arg9[%dma_start3A_480, %dma_start3A_481] : memref<128x128xf32, #tpu.memory_space<vmem>> -> memref<64x128xf32, #tpu.memory_space<vmem>>
    %dma_start3A_483 = arith.constant 0 : i32
    %dma_start3A_484 = tpu.memref_slice %arg4[%arg0, %add3A_479, %dma_start3A_483] : memref<2x10240x128xf32, #tpu.memory_space<hbm>> -> memref<1x64x128xf32, #tpu.memory_space<hbm>>
    %dma_start3A_485 = tpu.memref_squeeze %dma_start3A_484 : memref<1x64x128xf32, #tpu.memory_space<hbm>> -> memref<64x128xf32, #tpu.memory_space<hbm>>
    %dma_start3A_486 = arith.constant 0 : i32
    %dma_start3A_487 = tpu.memref_slice %arg4[%arg0, %add3A_479, %dma_start3A_486] : memref<2x10240x128xf32, #tpu.memory_space<hbm>> -> memref<1x64x128xf32, #tpu.memory_space<hbm>>
    %dma_start3A_488 = tpu.memref_squeeze %dma_start3A_487 : memref<1x64x128xf32, #tpu.memory_space<hbm>> -> memref<64x128xf32, #tpu.memory_space<hbm>>
    %dma_start3A_489 = arith.constant 0 : i32
    %dma_start3A_490 = arith.constant 0 : i32
    %dma_start3A_491 = tpu.memref_slice %arg9[%dma_start3A_489, %dma_start3A_490] : memref<128x128xf32, #tpu.memory_space<vmem>> -> memref<64x128xf32, #tpu.memory_space<vmem>>
    tpu.enqueue_dma source(%dma_start3A_491 : memref<64x128xf32, #tpu.memory_space<vmem>>) target(%dma_start3A_488 : memref<64x128xf32, #tpu.memory_space<hbm>>) target_semaphore(%arg13 : memref<!tpu.dma_semaphore, #tpu.memory_space<semaphore_mem>>)
    %mul3A_492 = arith.constant 640 : i32
    %mul3A_493 = arith.muli %arg1, %mul3A_492 : i32
    %add3A_494 = arith.constant 128 : i32
    %add3A_495 = arith.addi %mul3A_493, %add3A_494 : i32
    %dma_wait3A_496 = arith.constant 0 : i32
    %dma_wait3A_497 = arith.constant 0 : i32
    %dma_wait3A_498 = tpu.memref_slice %arg9[%dma_wait3A_496, %dma_wait3A_497] : memref<128x128xf32, #tpu.memory_space<vmem>> -> memref<64x128xf32, #tpu.memory_space<vmem>>
    %dma_wait3A_499 = arith.constant 0 : i32
    %dma_wait3A_500 = tpu.memref_slice %arg4[%arg0, %add3A_495, %dma_wait3A_499] : memref<2x10240x128xf32, #tpu.memory_space<hbm>> -> memref<1x64x128xf32, #tpu.memory_space<hbm>>
    %dma_wait3A_501 = tpu.memref_squeeze %dma_wait3A_500 : memref<1x64x128xf32, #tpu.memory_space<hbm>> -> memref<64x128xf32, #tpu.memory_space<hbm>>
    %dma_wait3A_502 = arith.constant 0 : i32
    %dma_wait3A_503 = tpu.memref_slice %arg4[%arg0, %add3A_495, %dma_wait3A_502] : memref<2x10240x128xf32, #tpu.memory_space<hbm>> -> memref<1x64x128xf32, #tpu.memory_space<hbm>>
    %dma_wait3A_504 = tpu.memref_squeeze %dma_wait3A_503 : memref<1x64x128xf32, #tpu.memory_space<hbm>> -> memref<64x128xf32, #tpu.memory_space<hbm>>
    %dma_wait3A_505 = arith.constant 0 : i32
    %dma_wait3A_506 = arith.constant 0 : i32
    %dma_wait3A_507 = tpu.memref_slice %arg9[%dma_wait3A_505, %dma_wait3A_506] : memref<128x128xf32, #tpu.memory_space<vmem>> -> memref<64x128xf32, #tpu.memory_space<vmem>>
    tpu.wait_dma2 semaphore(%arg13 : memref<!tpu.dma_semaphore, #tpu.memory_space<semaphore_mem>>) src(%dma_wait3A_507 : memref<64x128xf32, #tpu.memory_space<vmem>>) dst(%dma_wait3A_504 : memref<64x128xf32, #tpu.memory_space<hbm>>)
    %mul3A_508 = arith.constant 640 : i32
    %mul3A_509 = arith.muli %arg1, %mul3A_508 : i32
    %add3A_510 = arith.constant 256 : i32
    %add3A_511 = arith.addi %mul3A_509, %add3A_510 : i32
    %dma_start3A_512 = arith.constant 0 : i32
    %dma_start3A_513 = arith.constant 0 : i32
    %dma_start3A_514 = tpu.memref_slice %arg9[%dma_start3A_512, %dma_start3A_513] : memref<128x128xf32, #tpu.memory_space<vmem>> -> memref<64x128xf32, #tpu.memory_space<vmem>>
    %dma_start3A_515 = arith.constant 0 : i32
    %dma_start3A_516 = tpu.memref_slice %arg15[%add3A_511, %dma_start3A_515] : memref<10240x128xf32, #tpu.memory_space<vmem_shared>> -> memref<64x128xf32, #tpu.memory_space<vmem_shared>>
    %dma_start3A_517 = arith.constant 0 : i32
    %dma_start3A_518 = arith.constant 0 : i32
    %dma_start3A_519 = tpu.memref_slice %arg9[%dma_start3A_517, %dma_start3A_518] : memref<128x128xf32, #tpu.memory_space<vmem>> -> memref<64x128xf32, #tpu.memory_space<vmem>>
    %dma_start3A_520 = arith.constant 0 : i32
    %dma_start3A_521 = tpu.memref_slice %arg15[%add3A_511, %dma_start3A_520] : memref<10240x128xf32, #tpu.memory_space<vmem_shared>> -> memref<64x128xf32, #tpu.memory_space<vmem_shared>>
    tpu.enqueue_dma source(%dma_start3A_521 : memref<64x128xf32, #tpu.memory_space<vmem_shared>>) target(%dma_start3A_519 : memref<64x128xf32, #tpu.memory_space<vmem>>) target_semaphore(%arg11 : memref<!tpu.dma_semaphore, #tpu.memory_space<semaphore_mem>>)
    %mul3A_522 = arith.constant 640 : i32
    %mul3A_523 = arith.muli %arg1, %mul3A_522 : i32
    %add3A_524 = arith.constant 192 : i32
    %add3A_525 = arith.addi %mul3A_523, %add3A_524 : i32
    %dma_wait3A_526 = arith.constant 0 : i32
    %dma_wait3A_527 = arith.constant 0 : i32
    %dma_wait3A_528 = tpu.memref_slice %arg10[%dma_wait3A_526, %dma_wait3A_527] : memref<128x128xf32, #tpu.memory_space<vmem>> -> memref<64x128xf32, #tpu.memory_space<vmem>>
    %dma_wait3A_529 = arith.constant 0 : i32
    %dma_wait3A_530 = tpu.memref_slice %arg15[%add3A_525, %dma_wait3A_529] : memref<10240x128xf32, #tpu.memory_space<vmem_shared>> -> memref<64x128xf32, #tpu.memory_space<vmem_shared>>
    %dma_wait3A_531 = arith.constant 0 : i32
    %dma_wait3A_532 = arith.constant 0 : i32
    %dma_wait3A_533 = tpu.memref_slice %arg10[%dma_wait3A_531, %dma_wait3A_532] : memref<128x128xf32, #tpu.memory_space<vmem>> -> memref<64x128xf32, #tpu.memory_space<vmem>>
    %dma_wait3A_534 = arith.constant 0 : i32
    %dma_wait3A_535 = tpu.memref_slice %arg15[%add3A_525, %dma_wait3A_534] : memref<10240x128xf32, #tpu.memory_space<vmem_shared>> -> memref<64x128xf32, #tpu.memory_space<vmem_shared>>
    tpu.wait_dma2 semaphore(%arg12 : memref<!tpu.dma_semaphore, #tpu.memory_space<semaphore_mem>>) src(%dma_wait3A_535 : memref<64x128xf32, #tpu.memory_space<vmem_shared>>) dst(%dma_wait3A_533 : memref<64x128xf32, #tpu.memory_space<vmem>>)
    %mul3A_536 = arith.constant 640 : i32
    %mul3A_537 = arith.muli %arg1, %mul3A_536 : i32
    %add3A_538 = arith.constant 192 : i32
    %add3A_539 = arith.addi %mul3A_537, %add3A_538 : i32
    %dma_start3A_540 = arith.constant 0 : i32
    %dma_start3A_541 = arith.constant 0 : i32
    %dma_start3A_542 = tpu.memref_slice %arg10[%dma_start3A_540, %dma_start3A_541] : memref<128x128xf32, #tpu.memory_space<vmem>> -> memref<64x128xf32, #tpu.memory_space<vmem>>
    %dma_start3A_543 = arith.constant 0 : i32
    %dma_start3A_544 = tpu.memref_slice %arg4[%arg0, %add3A_539, %dma_start3A_543] : memref<2x10240x128xf32, #tpu.memory_space<hbm>> -> memref<1x64x128xf32, #tpu.memory_space<hbm>>
    %dma_start3A_545 = tpu.memref_squeeze %dma_start3A_544 : memref<1x64x128xf32, #tpu.memory_space<hbm>> -> memref<64x128xf32, #tpu.memory_space<hbm>>
    %dma_start3A_546 = arith.constant 0 : i32
    %dma_start3A_547 = tpu.memref_slice %arg4[%arg0, %add3A_539, %dma_start3A_546] : memref<2x10240x128xf32, #tpu.memory_space<hbm>> -> memref<1x64x128xf32, #tpu.memory_space<hbm>>
    %dma_start3A_548 = tpu.memref_squeeze %dma_start3A_547 : memref<1x64x128xf32, #tpu.memory_space<hbm>> -> memref<64x128xf32, #tpu.memory_space<hbm>>
    %dma_start3A_549 = arith.constant 0 : i32
    %dma_start3A_550 = arith.constant 0 : i32
    %dma_start3A_551 = tpu.memref_slice %arg10[%dma_start3A_549, %dma_start3A_550] : memref<128x128xf32, #tpu.memory_space<vmem>> -> memref<64x128xf32, #tpu.memory_space<vmem>>
    tpu.enqueue_dma source(%dma_start3A_551 : memref<64x128xf32, #tpu.memory_space<vmem>>) target(%dma_start3A_548 : memref<64x128xf32, #tpu.memory_space<hbm>>) target_semaphore(%arg14 : memref<!tpu.dma_semaphore, #tpu.memory_space<semaphore_mem>>)
    %mul3A_552 = arith.constant 640 : i32
    %mul3A_553 = arith.muli %arg1, %mul3A_552 : i32
    %add3A_554 = arith.constant 192 : i32
    %add3A_555 = arith.addi %mul3A_553, %add3A_554 : i32
    %dma_wait3A_556 = arith.constant 0 : i32
    %dma_wait3A_557 = arith.constant 0 : i32
    %dma_wait3A_558 = tpu.memref_slice %arg10[%dma_wait3A_556, %dma_wait3A_557] : memref<128x128xf32, #tpu.memory_space<vmem>> -> memref<64x128xf32, #tpu.memory_space<vmem>>
    %dma_wait3A_559 = arith.constant 0 : i32
    %dma_wait3A_560 = tpu.memref_slice %arg4[%arg0, %add3A_555, %dma_wait3A_559] : memref<2x10240x128xf32, #tpu.memory_space<hbm>> -> memref<1x64x128xf32, #tpu.memory_space<hbm>>
    %dma_wait3A_561 = tpu.memref_squeeze %dma_wait3A_560 : memref<1x64x128xf32, #tpu.memory_space<hbm>> -> memref<64x128xf32, #tpu.memory_space<hbm>>
    %dma_wait3A_562 = arith.constant 0 : i32
    %dma_wait3A_563 = tpu.memref_slice %arg4[%arg0, %add3A_555, %dma_wait3A_562] : memref<2x10240x128xf32, #tpu.memory_space<hbm>> -> memref<1x64x128xf32, #tpu.memory_space<hbm>>
    %dma_wait3A_564 = tpu.memref_squeeze %dma_wait3A_563 : memref<1x64x128xf32, #tpu.memory_space<hbm>> -> memref<64x128xf32, #tpu.memory_space<hbm>>
    %dma_wait3A_565 = arith.constant 0 : i32
    %dma_wait3A_566 = arith.constant 0 : i32
    %dma_wait3A_567 = tpu.memref_slice %arg10[%dma_wait3A_565, %dma_wait3A_566] : memref<128x128xf32, #tpu.memory_space<vmem>> -> memref<64x128xf32, #tpu.memory_space<vmem>>
    tpu.wait_dma2 semaphore(%arg14 : memref<!tpu.dma_semaphore, #tpu.memory_space<semaphore_mem>>) src(%dma_wait3A_567 : memref<64x128xf32, #tpu.memory_space<vmem>>) dst(%dma_wait3A_564 : memref<64x128xf32, #tpu.memory_space<hbm>>)
    %mul3A_568 = arith.constant 640 : i32
    %mul3A_569 = arith.muli %arg1, %mul3A_568 : i32
    %add3A_570 = arith.constant 320 : i32
    %add3A_571 = arith.addi %mul3A_569, %add3A_570 : i32
    %dma_start3A_572 = arith.constant 0 : i32
    %dma_start3A_573 = arith.constant 0 : i32
    %dma_start3A_574 = tpu.memref_slice %arg10[%dma_start3A_572, %dma_start3A_573] : memref<128x128xf32, #tpu.memory_space<vmem>> -> memref<64x128xf32, #tpu.memory_space<vmem>>
    %dma_start3A_575 = arith.constant 0 : i32
    %dma_start3A_576 = tpu.memref_slice %arg15[%add3A_571, %dma_start3A_575] : memref<10240x128xf32, #tpu.memory_space<vmem_shared>> -> memref<64x128xf32, #tpu.memory_space<vmem_shared>>
    %dma_start3A_577 = arith.constant 0 : i32
    %dma_start3A_578 = arith.constant 0 : i32
    %dma_start3A_579 = tpu.memref_slice %arg10[%dma_start3A_577, %dma_start3A_578] : memref<128x128xf32, #tpu.memory_space<vmem>> -> memref<64x128xf32, #tpu.memory_space<vmem>>
    %dma_start3A_580 = arith.constant 0 : i32
    %dma_start3A_581 = tpu.memref_slice %arg15[%add3A_571, %dma_start3A_580] : memref<10240x128xf32, #tpu.memory_space<vmem_shared>> -> memref<64x128xf32, #tpu.memory_space<vmem_shared>>
    tpu.enqueue_dma source(%dma_start3A_581 : memref<64x128xf32, #tpu.memory_space<vmem_shared>>) target(%dma_start3A_579 : memref<64x128xf32, #tpu.memory_space<vmem>>) target_semaphore(%arg12 : memref<!tpu.dma_semaphore, #tpu.memory_space<semaphore_mem>>)
    %mul3A_582 = arith.constant 640 : i32
    %mul3A_583 = arith.muli %arg1, %mul3A_582 : i32
    %add3A_584 = arith.constant 256 : i32
    %add3A_585 = arith.addi %mul3A_583, %add3A_584 : i32
    %dma_wait3A_586 = arith.constant 0 : i32
    %dma_wait3A_587 = arith.constant 0 : i32
    %dma_wait3A_588 = tpu.memref_slice %arg9[%dma_wait3A_586, %dma_wait3A_587] : memref<128x128xf32, #tpu.memory_space<vmem>> -> memref<64x128xf32, #tpu.memory_space<vmem>>
    %dma_wait3A_589 = arith.constant 0 : i32
    %dma_wait3A_590 = tpu.memref_slice %arg15[%add3A_585, %dma_wait3A_589] : memref<10240x128xf32, #tpu.memory_space<vmem_shared>> -> memref<64x128xf32, #tpu.memory_space<vmem_shared>>
    %dma_wait3A_591 = arith.constant 0 : i32
    %dma_wait3A_592 = arith.constant 0 : i32
    %dma_wait3A_593 = tpu.memref_slice %arg9[%dma_wait3A_591, %dma_wait3A_592] : memref<128x128xf32, #tpu.memory_space<vmem>> -> memref<64x128xf32, #tpu.memory_space<vmem>>
    %dma_wait3A_594 = arith.constant 0 : i32
    %dma_wait3A_595 = tpu.memref_slice %arg15[%add3A_585, %dma_wait3A_594] : memref<10240x128xf32, #tpu.memory_space<vmem_shared>> -> memref<64x128xf32, #tpu.memory_space<vmem_shared>>
    tpu.wait_dma2 semaphore(%arg11 : memref<!tpu.dma_semaphore, #tpu.memory_space<semaphore_mem>>) src(%dma_wait3A_595 : memref<64x128xf32, #tpu.memory_space<vmem_shared>>) dst(%dma_wait3A_593 : memref<64x128xf32, #tpu.memory_space<vmem>>)
    %mul3A_596 = arith.constant 640 : i32
    %mul3A_597 = arith.muli %arg1, %mul3A_596 : i32
    %add3A_598 = arith.constant 256 : i32
    %add3A_599 = arith.addi %mul3A_597, %add3A_598 : i32
    %dma_start3A_600 = arith.constant 0 : i32
    %dma_start3A_601 = arith.constant 0 : i32
    %dma_start3A_602 = tpu.memref_slice %arg9[%dma_start3A_600, %dma_start3A_601] : memref<128x128xf32, #tpu.memory_space<vmem>> -> memref<64x128xf32, #tpu.memory_space<vmem>>
    %dma_start3A_603 = arith.constant 0 : i32
    %dma_start3A_604 = tpu.memref_slice %arg4[%arg0, %add3A_599, %dma_start3A_603] : memref<2x10240x128xf32, #tpu.memory_space<hbm>> -> memref<1x64x128xf32, #tpu.memory_space<hbm>>
    %dma_start3A_605 = tpu.memref_squeeze %dma_start3A_604 : memref<1x64x128xf32, #tpu.memory_space<hbm>> -> memref<64x128xf32, #tpu.memory_space<hbm>>
    %dma_start3A_606 = arith.constant 0 : i32
    %dma_start3A_607 = tpu.memref_slice %arg4[%arg0, %add3A_599, %dma_start3A_606] : memref<2x10240x128xf32, #tpu.memory_space<hbm>> -> memref<1x64x128xf32, #tpu.memory_space<hbm>>
    %dma_start3A_608 = tpu.memref_squeeze %dma_start3A_607 : memref<1x64x128xf32, #tpu.memory_space<hbm>> -> memref<64x128xf32, #tpu.memory_space<hbm>>
    %dma_start3A_609 = arith.constant 0 : i32
    %dma_start3A_610 = arith.constant 0 : i32
    %dma_start3A_611 = tpu.memref_slice %arg9[%dma_start3A_609, %dma_start3A_610] : memref<128x128xf32, #tpu.memory_space<vmem>> -> memref<64x128xf32, #tpu.memory_space<vmem>>
    tpu.enqueue_dma source(%dma_start3A_611 : memref<64x128xf32, #tpu.memory_space<vmem>>) target(%dma_start3A_608 : memref<64x128xf32, #tpu.memory_space<hbm>>) target_semaphore(%arg13 : memref<!tpu.dma_semaphore, #tpu.memory_space<semaphore_mem>>)
    %mul3A_612 = arith.constant 640 : i32
    %mul3A_613 = arith.muli %arg1, %mul3A_612 : i32
    %add3A_614 = arith.constant 256 : i32
    %add3A_615 = arith.addi %mul3A_613, %add3A_614 : i32
    %dma_wait3A_616 = arith.constant 0 : i32
    %dma_wait3A_617 = arith.constant 0 : i32
    %dma_wait3A_618 = tpu.memref_slice %arg9[%dma_wait3A_616, %dma_wait3A_617] : memref<128x128xf32, #tpu.memory_space<vmem>> -> memref<64x128xf32, #tpu.memory_space<vmem>>
    %dma_wait3A_619 = arith.constant 0 : i32
    %dma_wait3A_620 = tpu.memref_slice %arg4[%arg0, %add3A_615, %dma_wait3A_619] : memref<2x10240x128xf32, #tpu.memory_space<hbm>> -> memref<1x64x128xf32, #tpu.memory_space<hbm>>
    %dma_wait3A_621 = tpu.memref_squeeze %dma_wait3A_620 : memref<1x64x128xf32, #tpu.memory_space<hbm>> -> memref<64x128xf32, #tpu.memory_space<hbm>>
    %dma_wait3A_622 = arith.constant 0 : i32
    %dma_wait3A_623 = tpu.memref_slice %arg4[%arg0, %add3A_615, %dma_wait3A_622] : memref<2x10240x128xf32, #tpu.memory_space<hbm>> -> memref<1x64x128xf32, #tpu.memory_space<hbm>>
    %dma_wait3A_624 = tpu.memref_squeeze %dma_wait3A_623 : memref<1x64x128xf32, #tpu.memory_space<hbm>> -> memref<64x128xf32, #tpu.memory_space<hbm>>
    %dma_wait3A_625 = arith.constant 0 : i32
    %dma_wait3A_626 = arith.constant 0 : i32
    %dma_wait3A_627 = tpu.memref_slice %arg9[%dma_wait3A_625, %dma_wait3A_626] : memref<128x128xf32, #tpu.memory_space<vmem>> -> memref<64x128xf32, #tpu.memory_space<vmem>>
    tpu.wait_dma2 semaphore(%arg13 : memref<!tpu.dma_semaphore, #tpu.memory_space<semaphore_mem>>) src(%dma_wait3A_627 : memref<64x128xf32, #tpu.memory_space<vmem>>) dst(%dma_wait3A_624 : memref<64x128xf32, #tpu.memory_space<hbm>>)
    %mul3A_628 = arith.constant 640 : i32
    %mul3A_629 = arith.muli %arg1, %mul3A_628 : i32
    %add3A_630 = arith.constant 384 : i32
    %add3A_631 = arith.addi %mul3A_629, %add3A_630 : i32
    %dma_start3A_632 = arith.constant 0 : i32
    %dma_start3A_633 = arith.constant 0 : i32
    %dma_start3A_634 = tpu.memref_slice %arg9[%dma_start3A_632, %dma_start3A_633] : memref<128x128xf32, #tpu.memory_space<vmem>> -> memref<64x128xf32, #tpu.memory_space<vmem>>
    %dma_start3A_635 = arith.constant 0 : i32
    %dma_start3A_636 = tpu.memref_slice %arg15[%add3A_631, %dma_start3A_635] : memref<10240x128xf32, #tpu.memory_space<vmem_shared>> -> memref<64x128xf32, #tpu.memory_space<vmem_shared>>
    %dma_start3A_637 = arith.constant 0 : i32
    %dma_start3A_638 = arith.constant 0 : i32
    %dma_start3A_639 = tpu.memref_slice %arg9[%dma_start3A_637, %dma_start3A_638] : memref<128x128xf32, #tpu.memory_space<vmem>> -> memref<64x128xf32, #tpu.memory_space<vmem>>
    %dma_start3A_640 = arith.constant 0 : i32
    %dma_start3A_641 = tpu.memref_slice %arg15[%add3A_631, %dma_start3A_640] : memref<10240x128xf32, #tpu.memory_space<vmem_shared>> -> memref<64x128xf32, #tpu.memory_space<vmem_shared>>
    tpu.enqueue_dma source(%dma_start3A_641 : memref<64x128xf32, #tpu.memory_space<vmem_shared>>) target(%dma_start3A_639 : memref<64x128xf32, #tpu.memory_space<vmem>>) target_semaphore(%arg11 : memref<!tpu.dma_semaphore, #tpu.memory_space<semaphore_mem>>)
    %mul3A_642 = arith.constant 640 : i32
    %mul3A_643 = arith.muli %arg1, %mul3A_642 : i32
    %add3A_644 = arith.constant 320 : i32
    %add3A_645 = arith.addi %mul3A_643, %add3A_644 : i32
    %dma_wait3A_646 = arith.constant 0 : i32
    %dma_wait3A_647 = arith.constant 0 : i32
    %dma_wait3A_648 = tpu.memref_slice %arg10[%dma_wait3A_646, %dma_wait3A_647] : memref<128x128xf32, #tpu.memory_space<vmem>> -> memref<64x128xf32, #tpu.memory_space<vmem>>
    %dma_wait3A_649 = arith.constant 0 : i32
    %dma_wait3A_650 = tpu.memref_slice %arg15[%add3A_645, %dma_wait3A_649] : memref<10240x128xf32, #tpu.memory_space<vmem_shared>> -> memref<64x128xf32, #tpu.memory_space<vmem_shared>>
    %dma_wait3A_651 = arith.constant 0 : i32
    %dma_wait3A_652 = arith.constant 0 : i32
    %dma_wait3A_653 = tpu.memref_slice %arg10[%dma_wait3A_651, %dma_wait3A_652] : memref<128x128xf32, #tpu.memory_space<vmem>> -> memref<64x128xf32, #tpu.memory_space<vmem>>
    %dma_wait3A_654 = arith.constant 0 : i32
    %dma_wait3A_655 = tpu.memref_slice %arg15[%add3A_645, %dma_wait3A_654] : memref<10240x128xf32, #tpu.memory_space<vmem_shared>> -> memref<64x128xf32, #tpu.memory_space<vmem_shared>>
    tpu.wait_dma2 semaphore(%arg12 : memref<!tpu.dma_semaphore, #tpu.memory_space<semaphore_mem>>) src(%dma_wait3A_655 : memref<64x128xf32, #tpu.memory_space<vmem_shared>>) dst(%dma_wait3A_653 : memref<64x128xf32, #tpu.memory_space<vmem>>)
    %mul3A_656 = arith.constant 640 : i32
    %mul3A_657 = arith.muli %arg1, %mul3A_656 : i32
    %add3A_658 = arith.constant 320 : i32
    %add3A_659 = arith.addi %mul3A_657, %add3A_658 : i32
    %dma_start3A_660 = arith.constant 0 : i32
    %dma_start3A_661 = arith.constant 0 : i32
    %dma_start3A_662 = tpu.memref_slice %arg10[%dma_start3A_660, %dma_start3A_661] : memref<128x128xf32, #tpu.memory_space<vmem>> -> memref<64x128xf32, #tpu.memory_space<vmem>>
    %dma_start3A_663 = arith.constant 0 : i32
    %dma_start3A_664 = tpu.memref_slice %arg4[%arg0, %add3A_659, %dma_start3A_663] : memref<2x10240x128xf32, #tpu.memory_space<hbm>> -> memref<1x64x128xf32, #tpu.memory_space<hbm>>
    %dma_start3A_665 = tpu.memref_squeeze %dma_start3A_664 : memref<1x64x128xf32, #tpu.memory_space<hbm>> -> memref<64x128xf32, #tpu.memory_space<hbm>>
    %dma_start3A_666 = arith.constant 0 : i32
    %dma_start3A_667 = tpu.memref_slice %arg4[%arg0, %add3A_659, %dma_start3A_666] : memref<2x10240x128xf32, #tpu.memory_space<hbm>> -> memref<1x64x128xf32, #tpu.memory_space<hbm>>
    %dma_start3A_668 = tpu.memref_squeeze %dma_start3A_667 : memref<1x64x128xf32, #tpu.memory_space<hbm>> -> memref<64x128xf32, #tpu.memory_space<hbm>>
    %dma_start3A_669 = arith.constant 0 : i32
    %dma_start3A_670 = arith.constant 0 : i32
    %dma_start3A_671 = tpu.memref_slice %arg10[%dma_start3A_669, %dma_start3A_670] : memref<128x128xf32, #tpu.memory_space<vmem>> -> memref<64x128xf32, #tpu.memory_space<vmem>>
    tpu.enqueue_dma source(%dma_start3A_671 : memref<64x128xf32, #tpu.memory_space<vmem>>) target(%dma_start3A_668 : memref<64x128xf32, #tpu.memory_space<hbm>>) target_semaphore(%arg14 : memref<!tpu.dma_semaphore, #tpu.memory_space<semaphore_mem>>)
    %mul3A_672 = arith.constant 640 : i32
    %mul3A_673 = arith.muli %arg1, %mul3A_672 : i32
    %add3A_674 = arith.constant 320 : i32
    %add3A_675 = arith.addi %mul3A_673, %add3A_674 : i32
    %dma_wait3A_676 = arith.constant 0 : i32
    %dma_wait3A_677 = arith.constant 0 : i32
    %dma_wait3A_678 = tpu.memref_slice %arg10[%dma_wait3A_676, %dma_wait3A_677] : memref<128x128xf32, #tpu.memory_space<vmem>> -> memref<64x128xf32, #tpu.memory_space<vmem>>
    %dma_wait3A_679 = arith.constant 0 : i32
    %dma_wait3A_680 = tpu.memref_slice %arg4[%arg0, %add3A_675, %dma_wait3A_679] : memref<2x10240x128xf32, #tpu.memory_space<hbm>> -> memref<1x64x128xf32, #tpu.memory_space<hbm>>
    %dma_wait3A_681 = tpu.memref_squeeze %dma_wait3A_680 : memref<1x64x128xf32, #tpu.memory_space<hbm>> -> memref<64x128xf32, #tpu.memory_space<hbm>>
    %dma_wait3A_682 = arith.constant 0 : i32
    %dma_wait3A_683 = tpu.memref_slice %arg4[%arg0, %add3A_675, %dma_wait3A_682] : memref<2x10240x128xf32, #tpu.memory_space<hbm>> -> memref<1x64x128xf32, #tpu.memory_space<hbm>>
    %dma_wait3A_684 = tpu.memref_squeeze %dma_wait3A_683 : memref<1x64x128xf32, #tpu.memory_space<hbm>> -> memref<64x128xf32, #tpu.memory_space<hbm>>
    %dma_wait3A_685 = arith.constant 0 : i32
    %dma_wait3A_686 = arith.constant 0 : i32
    %dma_wait3A_687 = tpu.memref_slice %arg10[%dma_wait3A_685, %dma_wait3A_686] : memref<128x128xf32, #tpu.memory_space<vmem>> -> memref<64x128xf32, #tpu.memory_space<vmem>>
    tpu.wait_dma2 semaphore(%arg14 : memref<!tpu.dma_semaphore, #tpu.memory_space<semaphore_mem>>) src(%dma_wait3A_687 : memref<64x128xf32, #tpu.memory_space<vmem>>) dst(%dma_wait3A_684 : memref<64x128xf32, #tpu.memory_space<hbm>>)
    %mul3A_688 = arith.constant 640 : i32
    %mul3A_689 = arith.muli %arg1, %mul3A_688 : i32
    %add3A_690 = arith.constant 448 : i32
    %add3A_691 = arith.addi %mul3A_689, %add3A_690 : i32
    %dma_start3A_692 = arith.constant 0 : i32
    %dma_start3A_693 = arith.constant 0 : i32
    %dma_start3A_694 = tpu.memref_slice %arg10[%dma_start3A_692, %dma_start3A_693] : memref<128x128xf32, #tpu.memory_space<vmem>> -> memref<64x128xf32, #tpu.memory_space<vmem>>
    %dma_start3A_695 = arith.constant 0 : i32
    %dma_start3A_696 = tpu.memref_slice %arg15[%add3A_691, %dma_start3A_695] : memref<10240x128xf32, #tpu.memory_space<vmem_shared>> -> memref<64x128xf32, #tpu.memory_space<vmem_shared>>
    %dma_start3A_697 = arith.constant 0 : i32
    %dma_start3A_698 = arith.constant 0 : i32
    %dma_start3A_699 = tpu.memref_slice %arg10[%dma_start3A_697, %dma_start3A_698] : memref<128x128xf32, #tpu.memory_space<vmem>> -> memref<64x128xf32, #tpu.memory_space<vmem>>
    %dma_start3A_700 = arith.constant 0 : i32
    %dma_start3A_701 = tpu.memref_slice %arg15[%add3A_691, %dma_start3A_700] : memref<10240x128xf32, #tpu.memory_space<vmem_shared>> -> memref<64x128xf32, #tpu.memory_space<vmem_shared>>
    tpu.enqueue_dma source(%dma_start3A_701 : memref<64x128xf32, #tpu.memory_space<vmem_shared>>) target(%dma_start3A_699 : memref<64x128xf32, #tpu.memory_space<vmem>>) target_semaphore(%arg12 : memref<!tpu.dma_semaphore, #tpu.memory_space<semaphore_mem>>)
    %mul3A_702 = arith.constant 640 : i32
    %mul3A_703 = arith.muli %arg1, %mul3A_702 : i32
    %add3A_704 = arith.constant 384 : i32
    %add3A_705 = arith.addi %mul3A_703, %add3A_704 : i32
    %dma_wait3A_706 = arith.constant 0 : i32
    %dma_wait3A_707 = arith.constant 0 : i32
    %dma_wait3A_708 = tpu.memref_slice %arg9[%dma_wait3A_706, %dma_wait3A_707] : memref<128x128xf32, #tpu.memory_space<vmem>> -> memref<64x128xf32, #tpu.memory_space<vmem>>
    %dma_wait3A_709 = arith.constant 0 : i32
    %dma_wait3A_710 = tpu.memref_slice %arg15[%add3A_705, %dma_wait3A_709] : memref<10240x128xf32, #tpu.memory_space<vmem_shared>> -> memref<64x128xf32, #tpu.memory_space<vmem_shared>>
    %dma_wait3A_711 = arith.constant 0 : i32
    %dma_wait3A_712 = arith.constant 0 : i32
    %dma_wait3A_713 = tpu.memref_slice %arg9[%dma_wait3A_711, %dma_wait3A_712] : memref<128x128xf32, #tpu.memory_space<vmem>> -> memref<64x128xf32, #tpu.memory_space<vmem>>
    %dma_wait3A_714 = arith.constant 0 : i32
    %dma_wait3A_715 = tpu.memref_slice %arg15[%add3A_705, %dma_wait3A_714] : memref<10240x128xf32, #tpu.memory_space<vmem_shared>> -> memref<64x128xf32, #tpu.memory_space<vmem_shared>>
    tpu.wait_dma2 semaphore(%arg11 : memref<!tpu.dma_semaphore, #tpu.memory_space<semaphore_mem>>) src(%dma_wait3A_715 : memref<64x128xf32, #tpu.memory_space<vmem_shared>>) dst(%dma_wait3A_713 : memref<64x128xf32, #tpu.memory_space<vmem>>)
    %mul3A_716 = arith.constant 640 : i32
    %mul3A_717 = arith.muli %arg1, %mul3A_716 : i32
    %add3A_718 = arith.constant 384 : i32
    %add3A_719 = arith.addi %mul3A_717, %add3A_718 : i32
    %dma_start3A_720 = arith.constant 0 : i32
    %dma_start3A_721 = arith.constant 0 : i32
    %dma_start3A_722 = tpu.memref_slice %arg9[%dma_start3A_720, %dma_start3A_721] : memref<128x128xf32, #tpu.memory_space<vmem>> -> memref<64x128xf32, #tpu.memory_space<vmem>>
    %dma_start3A_723 = arith.constant 0 : i32
    %dma_start3A_724 = tpu.memref_slice %arg4[%arg0, %add3A_719, %dma_start3A_723] : memref<2x10240x128xf32, #tpu.memory_space<hbm>> -> memref<1x64x128xf32, #tpu.memory_space<hbm>>
    %dma_start3A_725 = tpu.memref_squeeze %dma_start3A_724 : memref<1x64x128xf32, #tpu.memory_space<hbm>> -> memref<64x128xf32, #tpu.memory_space<hbm>>
    %dma_start3A_726 = arith.constant 0 : i32
    %dma_start3A_727 = tpu.memref_slice %arg4[%arg0, %add3A_719, %dma_start3A_726] : memref<2x10240x128xf32, #tpu.memory_space<hbm>> -> memref<1x64x128xf32, #tpu.memory_space<hbm>>
    %dma_start3A_728 = tpu.memref_squeeze %dma_start3A_727 : memref<1x64x128xf32, #tpu.memory_space<hbm>> -> memref<64x128xf32, #tpu.memory_space<hbm>>
    %dma_start3A_729 = arith.constant 0 : i32
    %dma_start3A_730 = arith.constant 0 : i32
    %dma_start3A_731 = tpu.memref_slice %arg9[%dma_start3A_729, %dma_start3A_730] : memref<128x128xf32, #tpu.memory_space<vmem>> -> memref<64x128xf32, #tpu.memory_space<vmem>>
    tpu.enqueue_dma source(%dma_start3A_731 : memref<64x128xf32, #tpu.memory_space<vmem>>) target(%dma_start3A_728 : memref<64x128xf32, #tpu.memory_space<hbm>>) target_semaphore(%arg13 : memref<!tpu.dma_semaphore, #tpu.memory_space<semaphore_mem>>)
    %mul3A_732 = arith.constant 640 : i32
    %mul3A_733 = arith.muli %arg1, %mul3A_732 : i32
    %add3A_734 = arith.constant 384 : i32
    %add3A_735 = arith.addi %mul3A_733, %add3A_734 : i32
    %dma_wait3A_736 = arith.constant 0 : i32
    %dma_wait3A_737 = arith.constant 0 : i32
    %dma_wait3A_738 = tpu.memref_slice %arg9[%dma_wait3A_736, %dma_wait3A_737] : memref<128x128xf32, #tpu.memory_space<vmem>> -> memref<64x128xf32, #tpu.memory_space<vmem>>
    %dma_wait3A_739 = arith.constant 0 : i32
    %dma_wait3A_740 = tpu.memref_slice %arg4[%arg0, %add3A_735, %dma_wait3A_739] : memref<2x10240x128xf32, #tpu.memory_space<hbm>> -> memref<1x64x128xf32, #tpu.memory_space<hbm>>
    %dma_wait3A_741 = tpu.memref_squeeze %dma_wait3A_740 : memref<1x64x128xf32, #tpu.memory_space<hbm>> -> memref<64x128xf32, #tpu.memory_space<hbm>>
    %dma_wait3A_742 = arith.constant 0 : i32
    %dma_wait3A_743 = tpu.memref_slice %arg4[%arg0, %add3A_735, %dma_wait3A_742] : memref<2x10240x128xf32, #tpu.memory_space<hbm>> -> memref<1x64x128xf32, #tpu.memory_space<hbm>>
    %dma_wait3A_744 = tpu.memref_squeeze %dma_wait3A_743 : memref<1x64x128xf32, #tpu.memory_space<hbm>> -> memref<64x128xf32, #tpu.memory_space<hbm>>
    %dma_wait3A_745 = arith.constant 0 : i32
    %dma_wait3A_746 = arith.constant 0 : i32
    %dma_wait3A_747 = tpu.memref_slice %arg9[%dma_wait3A_745, %dma_wait3A_746] : memref<128x128xf32, #tpu.memory_space<vmem>> -> memref<64x128xf32, #tpu.memory_space<vmem>>
    tpu.wait_dma2 semaphore(%arg13 : memref<!tpu.dma_semaphore, #tpu.memory_space<semaphore_mem>>) src(%dma_wait3A_747 : memref<64x128xf32, #tpu.memory_space<vmem>>) dst(%dma_wait3A_744 : memref<64x128xf32, #tpu.memory_space<hbm>>)
    %mul3A_748 = arith.constant 640 : i32
    %mul3A_749 = arith.muli %arg1, %mul3A_748 : i32
    %add3A_750 = arith.constant 512 : i32
    %add3A_751 = arith.addi %mul3A_749, %add3A_750 : i32
    %dma_start3A_752 = arith.constant 0 : i32
    %dma_start3A_753 = arith.constant 0 : i32
    %dma_start3A_754 = tpu.memref_slice %arg9[%dma_start3A_752, %dma_start3A_753] : memref<128x128xf32, #tpu.memory_space<vmem>> -> memref<64x128xf32, #tpu.memory_space<vmem>>
    %dma_start3A_755 = arith.constant 0 : i32
    %dma_start3A_756 = tpu.memref_slice %arg15[%add3A_751, %dma_start3A_755] : memref<10240x128xf32, #tpu.memory_space<vmem_shared>> -> memref<64x128xf32, #tpu.memory_space<vmem_shared>>
    %dma_start3A_757 = arith.constant 0 : i32
    %dma_start3A_758 = arith.constant 0 : i32
    %dma_start3A_759 = tpu.memref_slice %arg9[%dma_start3A_757, %dma_start3A_758] : memref<128x128xf32, #tpu.memory_space<vmem>> -> memref<64x128xf32, #tpu.memory_space<vmem>>
    %dma_start3A_760 = arith.constant 0 : i32
    %dma_start3A_761 = tpu.memref_slice %arg15[%add3A_751, %dma_start3A_760] : memref<10240x128xf32, #tpu.memory_space<vmem_shared>> -> memref<64x128xf32, #tpu.memory_space<vmem_shared>>
    tpu.enqueue_dma source(%dma_start3A_761 : memref<64x128xf32, #tpu.memory_space<vmem_shared>>) target(%dma_start3A_759 : memref<64x128xf32, #tpu.memory_space<vmem>>) target_semaphore(%arg11 : memref<!tpu.dma_semaphore, #tpu.memory_space<semaphore_mem>>)
    %mul3A_762 = arith.constant 640 : i32
    %mul3A_763 = arith.muli %arg1, %mul3A_762 : i32
    %add3A_764 = arith.constant 448 : i32
    %add3A_765 = arith.addi %mul3A_763, %add3A_764 : i32
    %dma_wait3A_766 = arith.constant 0 : i32
    %dma_wait3A_767 = arith.constant 0 : i32
    %dma_wait3A_768 = tpu.memref_slice %arg10[%dma_wait3A_766, %dma_wait3A_767] : memref<128x128xf32, #tpu.memory_space<vmem>> -> memref<64x128xf32, #tpu.memory_space<vmem>>
    %dma_wait3A_769 = arith.constant 0 : i32
    %dma_wait3A_770 = tpu.memref_slice %arg15[%add3A_765, %dma_wait3A_769] : memref<10240x128xf32, #tpu.memory_space<vmem_shared>> -> memref<64x128xf32, #tpu.memory_space<vmem_shared>>
    %dma_wait3A_771 = arith.constant 0 : i32
    %dma_wait3A_772 = arith.constant 0 : i32
    %dma_wait3A_773 = tpu.memref_slice %arg10[%dma_wait3A_771, %dma_wait3A_772] : memref<128x128xf32, #tpu.memory_space<vmem>> -> memref<64x128xf32, #tpu.memory_space<vmem>>
    %dma_wait3A_774 = arith.constant 0 : i32
    %dma_wait3A_775 = tpu.memref_slice %arg15[%add3A_765, %dma_wait3A_774] : memref<10240x128xf32, #tpu.memory_space<vmem_shared>> -> memref<64x128xf32, #tpu.memory_space<vmem_shared>>
    tpu.wait_dma2 semaphore(%arg12 : memref<!tpu.dma_semaphore, #tpu.memory_space<semaphore_mem>>) src(%dma_wait3A_775 : memref<64x128xf32, #tpu.memory_space<vmem_shared>>) dst(%dma_wait3A_773 : memref<64x128xf32, #tpu.memory_space<vmem>>)
    %mul3A_776 = arith.constant 640 : i32
    %mul3A_777 = arith.muli %arg1, %mul3A_776 : i32
    %add3A_778 = arith.constant 448 : i32
    %add3A_779 = arith.addi %mul3A_777, %add3A_778 : i32
    %dma_start3A_780 = arith.constant 0 : i32
    %dma_start3A_781 = arith.constant 0 : i32
    %dma_start3A_782 = tpu.memref_slice %arg10[%dma_start3A_780, %dma_start3A_781] : memref<128x128xf32, #tpu.memory_space<vmem>> -> memref<64x128xf32, #tpu.memory_space<vmem>>
    %dma_start3A_783 = arith.constant 0 : i32
    %dma_start3A_784 = tpu.memref_slice %arg4[%arg0, %add3A_779, %dma_start3A_783] : memref<2x10240x128xf32, #tpu.memory_space<hbm>> -> memref<1x64x128xf32, #tpu.memory_space<hbm>>
    %dma_start3A_785 = tpu.memref_squeeze %dma_start3A_784 : memref<1x64x128xf32, #tpu.memory_space<hbm>> -> memref<64x128xf32, #tpu.memory_space<hbm>>
    %dma_start3A_786 = arith.constant 0 : i32
    %dma_start3A_787 = tpu.memref_slice %arg4[%arg0, %add3A_779, %dma_start3A_786] : memref<2x10240x128xf32, #tpu.memory_space<hbm>> -> memref<1x64x128xf32, #tpu.memory_space<hbm>>
    %dma_start3A_788 = tpu.memref_squeeze %dma_start3A_787 : memref<1x64x128xf32, #tpu.memory_space<hbm>> -> memref<64x128xf32, #tpu.memory_space<hbm>>
    %dma_start3A_789 = arith.constant 0 : i32
    %dma_start3A_790 = arith.constant 0 : i32
    %dma_start3A_791 = tpu.memref_slice %arg10[%dma_start3A_789, %dma_start3A_790] : memref<128x128xf32, #tpu.memory_space<vmem>> -> memref<64x128xf32, #tpu.memory_space<vmem>>
    tpu.enqueue_dma source(%dma_start3A_791 : memref<64x128xf32, #tpu.memory_space<vmem>>) target(%dma_start3A_788 : memref<64x128xf32, #tpu.memory_space<hbm>>) target_semaphore(%arg14 : memref<!tpu.dma_semaphore, #tpu.memory_space<semaphore_mem>>)
    %mul3A_792 = arith.constant 640 : i32
    %mul3A_793 = arith.muli %arg1, %mul3A_792 : i32
    %add3A_794 = arith.constant 448 : i32
    %add3A_795 = arith.addi %mul3A_793, %add3A_794 : i32
    %dma_wait3A_796 = arith.constant 0 : i32
    %dma_wait3A_797 = arith.constant 0 : i32
    %dma_wait3A_798 = tpu.memref_slice %arg10[%dma_wait3A_796, %dma_wait3A_797] : memref<128x128xf32, #tpu.memory_space<vmem>> -> memref<64x128xf32, #tpu.memory_space<vmem>>
    %dma_wait3A_799 = arith.constant 0 : i32
    %dma_wait3A_800 = tpu.memref_slice %arg4[%arg0, %add3A_795, %dma_wait3A_799] : memref<2x10240x128xf32, #tpu.memory_space<hbm>> -> memref<1x64x128xf32, #tpu.memory_space<hbm>>
    %dma_wait3A_801 = tpu.memref_squeeze %dma_wait3A_800 : memref<1x64x128xf32, #tpu.memory_space<hbm>> -> memref<64x128xf32, #tpu.memory_space<hbm>>
    %dma_wait3A_802 = arith.constant 0 : i32
    %dma_wait3A_803 = tpu.memref_slice %arg4[%arg0, %add3A_795, %dma_wait3A_802] : memref<2x10240x128xf32, #tpu.memory_space<hbm>> -> memref<1x64x128xf32, #tpu.memory_space<hbm>>
    %dma_wait3A_804 = tpu.memref_squeeze %dma_wait3A_803 : memref<1x64x128xf32, #tpu.memory_space<hbm>> -> memref<64x128xf32, #tpu.memory_space<hbm>>
    %dma_wait3A_805 = arith.constant 0 : i32
    %dma_wait3A_806 = arith.constant 0 : i32
    %dma_wait3A_807 = tpu.memref_slice %arg10[%dma_wait3A_805, %dma_wait3A_806] : memref<128x128xf32, #tpu.memory_space<vmem>> -> memref<64x128xf32, #tpu.memory_space<vmem>>
    tpu.wait_dma2 semaphore(%arg14 : memref<!tpu.dma_semaphore, #tpu.memory_space<semaphore_mem>>) src(%dma_wait3A_807 : memref<64x128xf32, #tpu.memory_space<vmem>>) dst(%dma_wait3A_804 : memref<64x128xf32, #tpu.memory_space<hbm>>)
    %mul3A_808 = arith.constant 640 : i32
    %mul3A_809 = arith.muli %arg1, %mul3A_808 : i32
    %add3A_810 = arith.constant 576 : i32
    %add3A_811 = arith.addi %mul3A_809, %add3A_810 : i32
    %dma_start3A_812 = arith.constant 0 : i32
    %dma_start3A_813 = arith.constant 0 : i32
    %dma_start3A_814 = tpu.memref_slice %arg10[%dma_start3A_812, %dma_start3A_813] : memref<128x128xf32, #tpu.memory_space<vmem>> -> memref<64x128xf32, #tpu.memory_space<vmem>>
    %dma_start3A_815 = arith.constant 0 : i32
    %dma_start3A_816 = tpu.memref_slice %arg15[%add3A_811, %dma_start3A_815] : memref<10240x128xf32, #tpu.memory_space<vmem_shared>> -> memref<64x128xf32, #tpu.memory_space<vmem_shared>>
    %dma_start3A_817 = arith.constant 0 : i32
    %dma_start3A_818 = arith.constant 0 : i32
    %dma_start3A_819 = tpu.memref_slice %arg10[%dma_start3A_817, %dma_start3A_818] : memref<128x128xf32, #tpu.memory_space<vmem>> -> memref<64x128xf32, #tpu.memory_space<vmem>>
    %dma_start3A_820 = arith.constant 0 : i32
    %dma_start3A_821 = tpu.memref_slice %arg15[%add3A_811, %dma_start3A_820] : memref<10240x128xf32, #tpu.memory_space<vmem_shared>> -> memref<64x128xf32, #tpu.memory_space<vmem_shared>>
    tpu.enqueue_dma source(%dma_start3A_821 : memref<64x128xf32, #tpu.memory_space<vmem_shared>>) target(%dma_start3A_819 : memref<64x128xf32, #tpu.memory_space<vmem>>) target_semaphore(%arg12 : memref<!tpu.dma_semaphore, #tpu.memory_space<semaphore_mem>>)
    %mul3A_822 = arith.constant 640 : i32
    %mul3A_823 = arith.muli %arg1, %mul3A_822 : i32
    %add3A_824 = arith.constant 512 : i32
    %add3A_825 = arith.addi %mul3A_823, %add3A_824 : i32
    %dma_wait3A_826 = arith.constant 0 : i32
    %dma_wait3A_827 = arith.constant 0 : i32
    %dma_wait3A_828 = tpu.memref_slice %arg9[%dma_wait3A_826, %dma_wait3A_827] : memref<128x128xf32, #tpu.memory_space<vmem>> -> memref<64x128xf32, #tpu.memory_space<vmem>>
    %dma_wait3A_829 = arith.constant 0 : i32
    %dma_wait3A_830 = tpu.memref_slice %arg15[%add3A_825, %dma_wait3A_829] : memref<10240x128xf32, #tpu.memory_space<vmem_shared>> -> memref<64x128xf32, #tpu.memory_space<vmem_shared>>
    %dma_wait3A_831 = arith.constant 0 : i32
    %dma_wait3A_832 = arith.constant 0 : i32
    %dma_wait3A_833 = tpu.memref_slice %arg9[%dma_wait3A_831, %dma_wait3A_832] : memref<128x128xf32, #tpu.memory_space<vmem>> -> memref<64x128xf32, #tpu.memory_space<vmem>>
    %dma_wait3A_834 = arith.constant 0 : i32
    %dma_wait3A_835 = tpu.memref_slice %arg15[%add3A_825, %dma_wait3A_834] : memref<10240x128xf32, #tpu.memory_space<vmem_shared>> -> memref<64x128xf32, #tpu.memory_space<vmem_shared>>
    tpu.wait_dma2 semaphore(%arg11 : memref<!tpu.dma_semaphore, #tpu.memory_space<semaphore_mem>>) src(%dma_wait3A_835 : memref<64x128xf32, #tpu.memory_space<vmem_shared>>) dst(%dma_wait3A_833 : memref<64x128xf32, #tpu.memory_space<vmem>>)
    %mul3A_836 = arith.constant 640 : i32
    %mul3A_837 = arith.muli %arg1, %mul3A_836 : i32
    %add3A_838 = arith.constant 512 : i32
    %add3A_839 = arith.addi %mul3A_837, %add3A_838 : i32
    %dma_start3A_840 = arith.constant 0 : i32
    %dma_start3A_841 = arith.constant 0 : i32
    %dma_start3A_842 = tpu.memref_slice %arg9[%dma_start3A_840, %dma_start3A_841] : memref<128x128xf32, #tpu.memory_space<vmem>> -> memref<64x128xf32, #tpu.memory_space<vmem>>
    %dma_start3A_843 = arith.constant 0 : i32
    %dma_start3A_844 = tpu.memref_slice %arg4[%arg0, %add3A_839, %dma_start3A_843] : memref<2x10240x128xf32, #tpu.memory_space<hbm>> -> memref<1x64x128xf32, #tpu.memory_space<hbm>>
    %dma_start3A_845 = tpu.memref_squeeze %dma_start3A_844 : memref<1x64x128xf32, #tpu.memory_space<hbm>> -> memref<64x128xf32, #tpu.memory_space<hbm>>
    %dma_start3A_846 = arith.constant 0 : i32
    %dma_start3A_847 = tpu.memref_slice %arg4[%arg0, %add3A_839, %dma_start3A_846] : memref<2x10240x128xf32, #tpu.memory_space<hbm>> -> memref<1x64x128xf32, #tpu.memory_space<hbm>>
    %dma_start3A_848 = tpu.memref_squeeze %dma_start3A_847 : memref<1x64x128xf32, #tpu.memory_space<hbm>> -> memref<64x128xf32, #tpu.memory_space<hbm>>
    %dma_start3A_849 = arith.constant 0 : i32
    %dma_start3A_850 = arith.constant 0 : i32
    %dma_start3A_851 = tpu.memref_slice %arg9[%dma_start3A_849, %dma_start3A_850] : memref<128x128xf32, #tpu.memory_space<vmem>> -> memref<64x128xf32, #tpu.memory_space<vmem>>
    tpu.enqueue_dma source(%dma_start3A_851 : memref<64x128xf32, #tpu.memory_space<vmem>>) target(%dma_start3A_848 : memref<64x128xf32, #tpu.memory_space<hbm>>) target_semaphore(%arg13 : memref<!tpu.dma_semaphore, #tpu.memory_space<semaphore_mem>>)
    %mul3A_852 = arith.constant 640 : i32
    %mul3A_853 = arith.muli %arg1, %mul3A_852 : i32
    %add3A_854 = arith.constant 576 : i32
    %add3A_855 = arith.addi %mul3A_853, %add3A_854 : i32
    %dma_wait3A_856 = arith.constant 0 : i32
    %dma_wait3A_857 = arith.constant 0 : i32
    %dma_wait3A_858 = tpu.memref_slice %arg10[%dma_wait3A_856, %dma_wait3A_857] : memref<128x128xf32, #tpu.memory_space<vmem>> -> memref<64x128xf32, #tpu.memory_space<vmem>>
    %dma_wait3A_859 = arith.constant 0 : i32
    %dma_wait3A_860 = tpu.memref_slice %arg15[%add3A_855, %dma_wait3A_859] : memref<10240x128xf32, #tpu.memory_space<vmem_shared>> -> memref<64x128xf32, #tpu.memory_space<vmem_shared>>
    %dma_wait3A_861 = arith.constant 0 : i32
    %dma_wait3A_862 = arith.constant 0 : i32
    %dma_wait3A_863 = tpu.memref_slice %arg10[%dma_wait3A_861, %dma_wait3A_862] : memref<128x128xf32, #tpu.memory_space<vmem>> -> memref<64x128xf32, #tpu.memory_space<vmem>>
    %dma_wait3A_864 = arith.constant 0 : i32
    %dma_wait3A_865 = tpu.memref_slice %arg15[%add3A_855, %dma_wait3A_864] : memref<10240x128xf32, #tpu.memory_space<vmem_shared>> -> memref<64x128xf32, #tpu.memory_space<vmem_shared>>
    tpu.wait_dma2 semaphore(%arg12 : memref<!tpu.dma_semaphore, #tpu.memory_space<semaphore_mem>>) src(%dma_wait3A_865 : memref<64x128xf32, #tpu.memory_space<vmem_shared>>) dst(%dma_wait3A_863 : memref<64x128xf32, #tpu.memory_space<vmem>>)
    %mul3A_866 = arith.constant 640 : i32
    %mul3A_867 = arith.muli %arg1, %mul3A_866 : i32
    %add3A_868 = arith.constant 576 : i32
    %add3A_869 = arith.addi %mul3A_867, %add3A_868 : i32
    %dma_start3A_870 = arith.constant 0 : i32
    %dma_start3A_871 = arith.constant 0 : i32
    %dma_start3A_872 = tpu.memref_slice %arg10[%dma_start3A_870, %dma_start3A_871] : memref<128x128xf32, #tpu.memory_space<vmem>> -> memref<64x128xf32, #tpu.memory_space<vmem>>
    %dma_start3A_873 = arith.constant 0 : i32
    %dma_start3A_874 = tpu.memref_slice %arg4[%arg0, %add3A_869, %dma_start3A_873] : memref<2x10240x128xf32, #tpu.memory_space<hbm>> -> memref<1x64x128xf32, #tpu.memory_space<hbm>>
    %dma_start3A_875 = tpu.memref_squeeze %dma_start3A_874 : memref<1x64x128xf32, #tpu.memory_space<hbm>> -> memref<64x128xf32, #tpu.memory_space<hbm>>
    %dma_start3A_876 = arith.constant 0 : i32
    %dma_start3A_877 = tpu.memref_slice %arg4[%arg0, %add3A_869, %dma_start3A_876] : memref<2x10240x128xf32, #tpu.memory_space<hbm>> -> memref<1x64x128xf32, #tpu.memory_space<hbm>>
    %dma_start3A_878 = tpu.memref_squeeze %dma_start3A_877 : memref<1x64x128xf32, #tpu.memory_space<hbm>> -> memref<64x128xf32, #tpu.memory_space<hbm>>
    %dma_start3A_879 = arith.constant 0 : i32
    %dma_start3A_880 = arith.constant 0 : i32
    %dma_start3A_881 = tpu.memref_slice %arg10[%dma_start3A_879, %dma_start3A_880] : memref<128x128xf32, #tpu.memory_space<vmem>> -> memref<64x128xf32, #tpu.memory_space<vmem>>
    tpu.enqueue_dma source(%dma_start3A_881 : memref<64x128xf32, #tpu.memory_space<vmem>>) target(%dma_start3A_878 : memref<64x128xf32, #tpu.memory_space<hbm>>) target_semaphore(%arg14 : memref<!tpu.dma_semaphore, #tpu.memory_space<semaphore_mem>>)
    %mul3A_882 = arith.constant 640 : i32
    %mul3A_883 = arith.muli %arg1, %mul3A_882 : i32
    %add3A_884 = arith.constant 512 : i32
    %add3A_885 = arith.addi %mul3A_883, %add3A_884 : i32
    %dma_wait3A_886 = arith.constant 0 : i32
    %dma_wait3A_887 = arith.constant 0 : i32
    %dma_wait3A_888 = tpu.memref_slice %arg9[%dma_wait3A_886, %dma_wait3A_887] : memref<128x128xf32, #tpu.memory_space<vmem>> -> memref<64x128xf32, #tpu.memory_space<vmem>>
    %dma_wait3A_889 = arith.constant 0 : i32
    %dma_wait3A_890 = tpu.memref_slice %arg4[%arg0, %add3A_885, %dma_wait3A_889] : memref<2x10240x128xf32, #tpu.memory_space<hbm>> -> memref<1x64x128xf32, #tpu.memory_space<hbm>>
    %dma_wait3A_891 = tpu.memref_squeeze %dma_wait3A_890 : memref<1x64x128xf32, #tpu.memory_space<hbm>> -> memref<64x128xf32, #tpu.memory_space<hbm>>
    %dma_wait3A_892 = arith.constant 0 : i32
    %dma_wait3A_893 = tpu.memref_slice %arg4[%arg0, %add3A_885, %dma_wait3A_892] : memref<2x10240x128xf32, #tpu.memory_space<hbm>> -> memref<1x64x128xf32, #tpu.memory_space<hbm>>
    %dma_wait3A_894 = tpu.memref_squeeze %dma_wait3A_893 : memref<1x64x128xf32, #tpu.memory_space<hbm>> -> memref<64x128xf32, #tpu.memory_space<hbm>>
    %dma_wait3A_895 = arith.constant 0 : i32
    %dma_wait3A_896 = arith.constant 0 : i32
    %dma_wait3A_897 = tpu.memref_slice %arg9[%dma_wait3A_895, %dma_wait3A_896] : memref<128x128xf32, #tpu.memory_space<vmem>> -> memref<64x128xf32, #tpu.memory_space<vmem>>
    tpu.wait_dma2 semaphore(%arg13 : memref<!tpu.dma_semaphore, #tpu.memory_space<semaphore_mem>>) src(%dma_wait3A_897 : memref<64x128xf32, #tpu.memory_space<vmem>>) dst(%dma_wait3A_894 : memref<64x128xf32, #tpu.memory_space<hbm>>)
    %mul3A_898 = arith.constant 640 : i32
    %mul3A_899 = arith.muli %arg1, %mul3A_898 : i32
    %add3A_900 = arith.constant 576 : i32
    %add3A_901 = arith.addi %mul3A_899, %add3A_900 : i32
    %dma_wait3A_902 = arith.constant 0 : i32
    %dma_wait3A_903 = arith.constant 0 : i32
    %dma_wait3A_904 = tpu.memref_slice %arg10[%dma_wait3A_902, %dma_wait3A_903] : memref<128x128xf32, #tpu.memory_space<vmem>> -> memref<64x128xf32, #tpu.memory_space<vmem>>
    %dma_wait3A_905 = arith.constant 0 : i32
    %dma_wait3A_906 = tpu.memref_slice %arg4[%arg0, %add3A_901, %dma_wait3A_905] : memref<2x10240x128xf32, #tpu.memory_space<hbm>> -> memref<1x64x128xf32, #tpu.memory_space<hbm>>
    %dma_wait3A_907 = tpu.memref_squeeze %dma_wait3A_906 : memref<1x64x128xf32, #tpu.memory_space<hbm>> -> memref<64x128xf32, #tpu.memory_space<hbm>>
    %dma_wait3A_908 = arith.constant 0 : i32
    %dma_wait3A_909 = tpu.memref_slice %arg4[%arg0, %add3A_901, %dma_wait3A_908] : memref<2x10240x128xf32, #tpu.memory_space<hbm>> -> memref<1x64x128xf32, #tpu.memory_space<hbm>>
    %dma_wait3A_910 = tpu.memref_squeeze %dma_wait3A_909 : memref<1x64x128xf32, #tpu.memory_space<hbm>> -> memref<64x128xf32, #tpu.memory_space<hbm>>
    %dma_wait3A_911 = arith.constant 0 : i32
    %dma_wait3A_912 = arith.constant 0 : i32
    %dma_wait3A_913 = tpu.memref_slice %arg10[%dma_wait3A_911, %dma_wait3A_912] : memref<128x128xf32, #tpu.memory_space<vmem>> -> memref<64x128xf32, #tpu.memory_space<vmem>>
    tpu.wait_dma2 semaphore(%arg14 : memref<!tpu.dma_semaphore, #tpu.memory_space<semaphore_mem>>) src(%dma_wait3A_913 : memref<64x128xf32, #tpu.memory_space<vmem>>) dst(%dma_wait3A_910 : memref<64x128xf32, #tpu.memory_space<hbm>>)
    return
  }
}

#map = affine_map<(d0, d1) -> (0, 0)>
#map1 = affine_map<(d0, d1) -> (0, 0, 0)>
module attributes {stable_mosaic.version = 14 : i64} {
  func.func @_agg_body(%arg0: i32, %arg1: i32, %arg2: memref<10240x128xf32, #tpu.memory_space<hbm>>, %arg3: memref<5000x128xi32, #tpu.memory_space<hbm>>, %arg4: memref<2x10240x128xf32, #tpu.memory_space<hbm>>, %arg5: memref<128xi32, #tpu.memory_space<vmem>>, %arg6: memref<128xi32, #tpu.memory_space<vmem>>, %arg7: memref<1x128xi32, #tpu.memory_space<vmem>>, %arg8: memref<1x128xi32, #tpu.memory_space<vmem>>, %arg9: memref<128x128xf32, #tpu.memory_space<vmem>>, %arg10: memref<128x128xf32, #tpu.memory_space<vmem>>, %arg11: memref<!tpu.dma_semaphore, #tpu.memory_space<semaphore_mem>>, %arg12: memref<!tpu.dma_semaphore, #tpu.memory_space<semaphore_mem>>, %arg13: memref<!tpu.dma_semaphore, #tpu.memory_space<semaphore_mem>>, %arg14: memref<!tpu.dma_semaphore, #tpu.memory_space<semaphore_mem>>, %arg15: memref<10240x128xf32, #tpu.memory_space<vmem_shared>>) attributes {dimension_semantics = [#tpu.dimension_semantics<core_parallel>, #tpu.dimension_semantics<subcore_parallel>], iteration_bounds = array<i64: 2, 16>, scalar_prefetch = 0 : i64, scratch_operands = 11 : i64, tpu.core_type = #tpu.core_type<sc_vector_subcore>, window_params = [{transform_indices = #map}, {transform_indices = #map}, {transform_indices = #map1}]} {
    %mul3A = arith.constant 2 : i32
    %mul3A_0 = arith.muli %arg1, %mul3A : i32
    %add3A = arith.addi %mul3A_0, %arg0 : i32
    %broadcast_in_dim3A = arith.constant 0.000000e+00 : f32
    %broadcast_in_dim3A_1 = vector.broadcast %broadcast_in_dim3A : f32 to vector<16xf32>
    %scan3A = arith.constant 0 : i32
    %scan3A_2 = arith.constant 0 : i32
    %scan3A_3 = arith.constant 64 : i32
    %scan3A_4 = arith.addi %scan3A_2, %scan3A_3 : i32
    %scan3A_5 = arith.constant 1 : i32
    %scan3A_6 = scf.for %scan3A_914 = %scan3A_2 to %scan3A_4 step %scan3A_5 iter_args(%scan3A_915 = %scan3A) -> (i32)  : i32 {
      %swap3A = arith.index_cast %scan3A_914 : i32 to index
      %swap3A_916 = arith.constant 0 : index
      %swap3A_917 = tpu.vector_load %arg9[%swap3A, %swap3A_916] {strides = array<i32>} : memref<128x128xf32, #tpu.memory_space<vmem>>, vector<1x16xf32>,
      %swap3A_918 = vector.shape_cast %swap3A_917 : vector<1x16xf32> to vector<16xf32>
      %swap3A_919 = vector.shape_cast %broadcast_in_dim3A_1 : vector<16xf32> to vector<1x16xf32>
      tpu.vector_store %arg9[%swap3A, %swap3A_916], %swap3A_919 {strides = array<i32>} : memref<128x128xf32, #tpu.memory_space<vmem>>, vector<1x16xf32>,
      %swap3A_920 = arith.index_cast %scan3A_914 : i32 to index
      %swap3A_921 = arith.constant 16 : index
      %swap3A_922 = tpu.vector_load %arg9[%swap3A_920, %swap3A_921] {strides = array<i32>} : memref<128x128xf32, #tpu.memory_space<vmem>>, vector<1x16xf32>,
      %swap3A_923 = vector.shape_cast %swap3A_922 : vector<1x16xf32> to vector<16xf32>
      %swap3A_924 = vector.shape_cast %broadcast_in_dim3A_1 : vector<16xf32> to vector<1x16xf32>
      tpu.vector_store %arg9[%swap3A_920, %swap3A_921], %swap3A_924 {strides = array<i32>} : memref<128x128xf32, #tpu.memory_space<vmem>>, vector<1x16xf32>,
      %swap3A_925 = arith.index_cast %scan3A_914 : i32 to index
      %swap3A_926 = arith.constant 32 : index
      %swap3A_927 = tpu.vector_load %arg9[%swap3A_925, %swap3A_926] {strides = array<i32>} : memref<128x128xf32, #tpu.memory_space<vmem>>, vector<1x16xf32>,
      %swap3A_928 = vector.shape_cast %swap3A_927 : vector<1x16xf32> to vector<16xf32>
      %swap3A_929 = vector.shape_cast %broadcast_in_dim3A_1 : vector<16xf32> to vector<1x16xf32>
      tpu.vector_store %arg9[%swap3A_925, %swap3A_926], %swap3A_929 {strides = array<i32>} : memref<128x128xf32, #tpu.memory_space<vmem>>, vector<1x16xf32>,
      %swap3A_930 = arith.index_cast %scan3A_914 : i32 to index
      %swap3A_931 = arith.constant 48 : index
      %swap3A_932 = tpu.vector_load %arg9[%swap3A_930, %swap3A_931] {strides = array<i32>} : memref<128x128xf32, #tpu.memory_space<vmem>>, vector<1x16xf32>,
      %swap3A_933 = vector.shape_cast %swap3A_932 : vector<1x16xf32> to vector<16xf32>
      %swap3A_934 = vector.shape_cast %broadcast_in_dim3A_1 : vector<16xf32> to vector<1x16xf32>
      tpu.vector_store %arg9[%swap3A_930, %swap3A_931], %swap3A_934 {strides = array<i32>} : memref<128x128xf32, #tpu.memory_space<vmem>>, vector<1x16xf32>,
      %swap3A_935 = arith.index_cast %scan3A_914 : i32 to index
      %swap3A_936 = arith.constant 64 : index
      %swap3A_937 = tpu.vector_load %arg9[%swap3A_935, %swap3A_936] {strides = array<i32>} : memref<128x128xf32, #tpu.memory_space<vmem>>, vector<1x16xf32>,
      %swap3A_938 = vector.shape_cast %swap3A_937 : vector<1x16xf32> to vector<16xf32>
      %swap3A_939 = vector.shape_cast %broadcast_in_dim3A_1 : vector<16xf32> to vector<1x16xf32>
      tpu.vector_store %arg9[%swap3A_935, %swap3A_936], %swap3A_939 {strides = array<i32>} : memref<128x128xf32, #tpu.memory_space<vmem>>, vector<1x16xf32>,
      %swap3A_940 = arith.index_cast %scan3A_914 : i32 to index
      %swap3A_941 = arith.constant 80 : index
      %swap3A_942 = tpu.vector_load %arg9[%swap3A_940, %swap3A_941] {strides = array<i32>} : memref<128x128xf32, #tpu.memory_space<vmem>>, vector<1x16xf32>,
      %swap3A_943 = vector.shape_cast %swap3A_942 : vector<1x16xf32> to vector<16xf32>
      %swap3A_944 = vector.shape_cast %broadcast_in_dim3A_1 : vector<16xf32> to vector<1x16xf32>
      tpu.vector_store %arg9[%swap3A_940, %swap3A_941], %swap3A_944 {strides = array<i32>} : memref<128x128xf32, #tpu.memory_space<vmem>>, vector<1x16xf32>,
      %swap3A_945 = arith.index_cast %scan3A_914 : i32 to index
      %swap3A_946 = arith.constant 96 : index
      %swap3A_947 = tpu.vector_load %arg9[%swap3A_945, %swap3A_946] {strides = array<i32>} : memref<128x128xf32, #tpu.memory_space<vmem>>, vector<1x16xf32>,
      %swap3A_948 = vector.shape_cast %swap3A_947 : vector<1x16xf32> to vector<16xf32>
      %swap3A_949 = vector.shape_cast %broadcast_in_dim3A_1 : vector<16xf32> to vector<1x16xf32>
      tpu.vector_store %arg9[%swap3A_945, %swap3A_946], %swap3A_949 {strides = array<i32>} : memref<128x128xf32, #tpu.memory_space<vmem>>, vector<1x16xf32>,
      %swap3A_950 = arith.index_cast %scan3A_914 : i32 to index
      %swap3A_951 = arith.constant 112 : index
      %swap3A_952 = tpu.vector_load %arg9[%swap3A_950, %swap3A_951] {strides = array<i32>} : memref<128x128xf32, #tpu.memory_space<vmem>>, vector<1x16xf32>,
      %swap3A_953 = vector.shape_cast %swap3A_952 : vector<1x16xf32> to vector<16xf32>
      %swap3A_954 = vector.shape_cast %broadcast_in_dim3A_1 : vector<16xf32> to vector<1x16xf32>
      tpu.vector_store %arg9[%swap3A_950, %swap3A_951], %swap3A_954 {strides = array<i32>} : memref<128x128xf32, #tpu.memory_space<vmem>>, vector<1x16xf32>,
      %scan3A_955 = arith.constant 0 : i32
      scf.yield %scan3A_955 : i32
    }
    %scan3A_7 = arith.constant 64 : i32
    %mul3A_8 = arith.constant 640 : i32
    %mul3A_9 = arith.muli %arg1, %mul3A_8 : i32
    %add3A_10 = arith.constant 0 : i32
    %add3A_11 = arith.addi %mul3A_9, %add3A_10 : i32
    %dma_start3A = arith.constant 0 : i32
    %dma_start3A_12 = arith.constant 0 : i32
    %dma_start3A_13 = tpu.memref_slice %arg9[%dma_start3A, %dma_start3A_12] : memref<128x128xf32, #tpu.memory_space<vmem>> -> memref<64x128xf32, #tpu.memory_space<vmem>>
    %dma_start3A_14 = arith.constant 0 : i32
    %dma_start3A_15 = tpu.memref_slice %arg15[%add3A_11, %dma_start3A_14] : memref<10240x128xf32, #tpu.memory_space<vmem_shared>> -> memref<64x128xf32, #tpu.memory_space<vmem_shared>>
    %dma_start3A_16 = arith.constant 0 : i32
    %dma_start3A_17 = tpu.memref_slice %arg15[%add3A_11, %dma_start3A_16] : memref<10240x128xf32, #tpu.memory_space<vmem_shared>> -> memref<64x128xf32, #tpu.memory_space<vmem_shared>>
    %dma_start3A_18 = arith.constant 0 : i32
    %dma_start3A_19 = arith.constant 0 : i32
    %dma_start3A_20 = tpu.memref_slice %arg9[%dma_start3A_18, %dma_start3A_19] : memref<128x128xf32, #tpu.memory_space<vmem>> -> memref<64x128xf32, #tpu.memory_space<vmem>>
    tpu.enqueue_dma source(%dma_start3A_20 : memref<64x128xf32, #tpu.memory_space<vmem>>) target(%dma_start3A_17 : memref<64x128xf32, #tpu.memory_space<vmem_shared>>) target_semaphore(%arg11 : memref<!tpu.dma_semaphore, #tpu.memory_space<semaphore_mem>>)
    %mul3A_21 = arith.constant 640 : i32
    %mul3A_22 = arith.muli %arg1, %mul3A_21 : i32
    %add3A_23 = arith.constant 64 : i32
    %add3A_24 = arith.addi %mul3A_22, %add3A_23 : i32
    %dma_start3A_25 = arith.constant 0 : i32
    %dma_start3A_26 = arith.constant 0 : i32
    %dma_start3A_27 = tpu.memref_slice %arg9[%dma_start3A_25, %dma_start3A_26] : memref<128x128xf32, #tpu.memory_space<vmem>> -> memref<64x128xf32, #tpu.memory_space<vmem>>
    %dma_start3A_28 = arith.constant 0 : i32
    %dma_start3A_29 = tpu.memref_slice %arg15[%add3A_24, %dma_start3A_28] : memref<10240x128xf32, #tpu.memory_space<vmem_shared>> -> memref<64x128xf32, #tpu.memory_space<vmem_shared>>
    %dma_start3A_30 = arith.constant 0 : i32
    %dma_start3A_31 = tpu.memref_slice %arg15[%add3A_24, %dma_start3A_30] : memref<10240x128xf32, #tpu.memory_space<vmem_shared>> -> memref<64x128xf32, #tpu.memory_space<vmem_shared>>
    %dma_start3A_32 = arith.constant 0 : i32
    %dma_start3A_33 = arith.constant 0 : i32
    %dma_start3A_34 = tpu.memref_slice %arg9[%dma_start3A_32, %dma_start3A_33] : memref<128x128xf32, #tpu.memory_space<vmem>> -> memref<64x128xf32, #tpu.memory_space<vmem>>
    tpu.enqueue_dma source(%dma_start3A_34 : memref<64x128xf32, #tpu.memory_space<vmem>>) target(%dma_start3A_31 : memref<64x128xf32, #tpu.memory_space<vmem_shared>>) target_semaphore(%arg11 : memref<!tpu.dma_semaphore, #tpu.memory_space<semaphore_mem>>)
    %mul3A_35 = arith.constant 640 : i32
    %mul3A_36 = arith.muli %arg1, %mul3A_35 : i32
    %add3A_37 = arith.constant 128 : i32
    %add3A_38 = arith.addi %mul3A_36, %add3A_37 : i32
    %dma_start3A_39 = arith.constant 0 : i32
    %dma_start3A_40 = arith.constant 0 : i32
    %dma_start3A_41 = tpu.memref_slice %arg9[%dma_start3A_39, %dma_start3A_40] : memref<128x128xf32, #tpu.memory_space<vmem>> -> memref<64x128xf32, #tpu.memory_space<vmem>>
    %dma_start3A_42 = arith.constant 0 : i32
    %dma_start3A_43 = tpu.memref_slice %arg15[%add3A_38, %dma_start3A_42] : memref<10240x128xf32, #tpu.memory_space<vmem_shared>> -> memref<64x128xf32, #tpu.memory_space<vmem_shared>>
    %dma_start3A_44 = arith.constant 0 : i32
    %dma_start3A_45 = tpu.memref_slice %arg15[%add3A_38, %dma_start3A_44] : memref<10240x128xf32, #tpu.memory_space<vmem_shared>> -> memref<64x128xf32, #tpu.memory_space<vmem_shared>>
    %dma_start3A_46 = arith.constant 0 : i32
    %dma_start3A_47 = arith.constant 0 : i32
    %dma_start3A_48 = tpu.memref_slice %arg9[%dma_start3A_46, %dma_start3A_47] : memref<128x128xf32, #tpu.memory_space<vmem>> -> memref<64x128xf32, #tpu.memory_space<vmem>>
    tpu.enqueue_dma source(%dma_start3A_48 : memref<64x128xf32, #tpu.memory_space<vmem>>) target(%dma_start3A_45 : memref<64x128xf32, #tpu.memory_space<vmem_shared>>) target_semaphore(%arg11 : memref<!tpu.dma_semaphore, #tpu.memory_space<semaphore_mem>>)
    %mul3A_49 = arith.constant 640 : i32
    %mul3A_50 = arith.muli %arg1, %mul3A_49 : i32
    %add3A_51 = arith.constant 192 : i32
    %add3A_52 = arith.addi %mul3A_50, %add3A_51 : i32
    %dma_start3A_53 = arith.constant 0 : i32
    %dma_start3A_54 = arith.constant 0 : i32
    %dma_start3A_55 = tpu.memref_slice %arg9[%dma_start3A_53, %dma_start3A_54] : memref<128x128xf32, #tpu.memory_space<vmem>> -> memref<64x128xf32, #tpu.memory_space<vmem>>
    %dma_start3A_56 = arith.constant 0 : i32
    %dma_start3A_57 = tpu.memref_slice %arg15[%add3A_52, %dma_start3A_56] : memref<10240x128xf32, #tpu.memory_space<vmem_shared>> -> memref<64x128xf32, #tpu.memory_space<vmem_shared>>
    %dma_start3A_58 = arith.constant 0 : i32
    %dma_start3A_59 = tpu.memref_slice %arg15[%add3A_52, %dma_start3A_58] : memref<10240x128xf32, #tpu.memory_space<vmem_shared>> -> memref<64x128xf32, #tpu.memory_space<vmem_shared>>
    %dma_start3A_60 = arith.constant 0 : i32
    %dma_start3A_61 = arith.constant 0 : i32
    %dma_start3A_62 = tpu.memref_slice %arg9[%dma_start3A_60, %dma_start3A_61] : memref<128x128xf32, #tpu.memory_space<vmem>> -> memref<64x128xf32, #tpu.memory_space<vmem>>
    tpu.enqueue_dma source(%dma_start3A_62 : memref<64x128xf32, #tpu.memory_space<vmem>>) target(%dma_start3A_59 : memref<64x128xf32, #tpu.memory_space<vmem_shared>>) target_semaphore(%arg11 : memref<!tpu.dma_semaphore, #tpu.memory_space<semaphore_mem>>)
    %mul3A_63 = arith.constant 640 : i32
    %mul3A_64 = arith.muli %arg1, %mul3A_63 : i32
    %add3A_65 = arith.constant 256 : i32
    %add3A_66 = arith.addi %mul3A_64, %add3A_65 : i32
    %dma_start3A_67 = arith.constant 0 : i32
    %dma_start3A_68 = arith.constant 0 : i32
    %dma_start3A_69 = tpu.memref_slice %arg9[%dma_start3A_67, %dma_start3A_68] : memref<128x128xf32, #tpu.memory_space<vmem>> -> memref<64x128xf32, #tpu.memory_space<vmem>>
    %dma_start3A_70 = arith.constant 0 : i32
    %dma_start3A_71 = tpu.memref_slice %arg15[%add3A_66, %dma_start3A_70] : memref<10240x128xf32, #tpu.memory_space<vmem_shared>> -> memref<64x128xf32, #tpu.memory_space<vmem_shared>>
    %dma_start3A_72 = arith.constant 0 : i32
    %dma_start3A_73 = tpu.memref_slice %arg15[%add3A_66, %dma_start3A_72] : memref<10240x128xf32, #tpu.memory_space<vmem_shared>> -> memref<64x128xf32, #tpu.memory_space<vmem_shared>>
    %dma_start3A_74 = arith.constant 0 : i32
    %dma_start3A_75 = arith.constant 0 : i32
    %dma_start3A_76 = tpu.memref_slice %arg9[%dma_start3A_74, %dma_start3A_75] : memref<128x128xf32, #tpu.memory_space<vmem>> -> memref<64x128xf32, #tpu.memory_space<vmem>>
    tpu.enqueue_dma source(%dma_start3A_76 : memref<64x128xf32, #tpu.memory_space<vmem>>) target(%dma_start3A_73 : memref<64x128xf32, #tpu.memory_space<vmem_shared>>) target_semaphore(%arg11 : memref<!tpu.dma_semaphore, #tpu.memory_space<semaphore_mem>>)
    %mul3A_77 = arith.constant 640 : i32
    %mul3A_78 = arith.muli %arg1, %mul3A_77 : i32
    %add3A_79 = arith.constant 320 : i32
    %add3A_80 = arith.addi %mul3A_78, %add3A_79 : i32
    %dma_start3A_81 = arith.constant 0 : i32
    %dma_start3A_82 = arith.constant 0 : i32
    %dma_start3A_83 = tpu.memref_slice %arg9[%dma_start3A_81, %dma_start3A_82] : memref<128x128xf32, #tpu.memory_space<vmem>> -> memref<64x128xf32, #tpu.memory_space<vmem>>
    %dma_start3A_84 = arith.constant 0 : i32
    %dma_start3A_85 = tpu.memref_slice %arg15[%add3A_80, %dma_start3A_84] : memref<10240x128xf32, #tpu.memory_space<vmem_shared>> -> memref<64x128xf32, #tpu.memory_space<vmem_shared>>
    %dma_start3A_86 = arith.constant 0 : i32
    %dma_start3A_87 = tpu.memref_slice %arg15[%add3A_80, %dma_start3A_86] : memref<10240x128xf32, #tpu.memory_space<vmem_shared>> -> memref<64x128xf32, #tpu.memory_space<vmem_shared>>
    %dma_start3A_88 = arith.constant 0 : i32
    %dma_start3A_89 = arith.constant 0 : i32
    %dma_start3A_90 = tpu.memref_slice %arg9[%dma_start3A_88, %dma_start3A_89] : memref<128x128xf32, #tpu.memory_space<vmem>> -> memref<64x128xf32, #tpu.memory_space<vmem>>
    tpu.enqueue_dma source(%dma_start3A_90 : memref<64x128xf32, #tpu.memory_space<vmem>>) target(%dma_start3A_87 : memref<64x128xf32, #tpu.memory_space<vmem_shared>>) target_semaphore(%arg11 : memref<!tpu.dma_semaphore, #tpu.memory_space<semaphore_mem>>)
    %mul3A_91 = arith.constant 640 : i32
    %mul3A_92 = arith.muli %arg1, %mul3A_91 : i32
    %add3A_93 = arith.constant 384 : i32
    %add3A_94 = arith.addi %mul3A_92, %add3A_93 : i32
    %dma_start3A_95 = arith.constant 0 : i32
    %dma_start3A_96 = arith.constant 0 : i32
    %dma_start3A_97 = tpu.memref_slice %arg9[%dma_start3A_95, %dma_start3A_96] : memref<128x128xf32, #tpu.memory_space<vmem>> -> memref<64x128xf32, #tpu.memory_space<vmem>>
    %dma_start3A_98 = arith.constant 0 : i32
    %dma_start3A_99 = tpu.memref_slice %arg15[%add3A_94, %dma_start3A_98] : memref<10240x128xf32, #tpu.memory_space<vmem_shared>> -> memref<64x128xf32, #tpu.memory_space<vmem_shared>>
    %dma_start3A_100 = arith.constant 0 : i32
    %dma_start3A_101 = tpu.memref_slice %arg15[%add3A_94, %dma_start3A_100] : memref<10240x128xf32, #tpu.memory_space<vmem_shared>> -> memref<64x128xf32, #tpu.memory_space<vmem_shared>>
    %dma_start3A_102 = arith.constant 0 : i32
    %dma_start3A_103 = arith.constant 0 : i32
    %dma_start3A_104 = tpu.memref_slice %arg9[%dma_start3A_102, %dma_start3A_103] : memref<128x128xf32, #tpu.memory_space<vmem>> -> memref<64x128xf32, #tpu.memory_space<vmem>>
    tpu.enqueue_dma source(%dma_start3A_104 : memref<64x128xf32, #tpu.memory_space<vmem>>) target(%dma_start3A_101 : memref<64x128xf32, #tpu.memory_space<vmem_shared>>) target_semaphore(%arg11 : memref<!tpu.dma_semaphore, #tpu.memory_space<semaphore_mem>>)
    %mul3A_105 = arith.constant 640 : i32
    %mul3A_106 = arith.muli %arg1, %mul3A_105 : i32
    %add3A_107 = arith.constant 448 : i32
    %add3A_108 = arith.addi %mul3A_106, %add3A_107 : i32
    %dma_start3A_109 = arith.constant 0 : i32
    %dma_start3A_110 = arith.constant 0 : i32
    %dma_start3A_111 = tpu.memref_slice %arg9[%dma_start3A_109, %dma_start3A_110] : memref<128x128xf32, #tpu.memory_space<vmem>> -> memref<64x128xf32, #tpu.memory_space<vmem>>
    %dma_start3A_112 = arith.constant 0 : i32
    %dma_start3A_113 = tpu.memref_slice %arg15[%add3A_108, %dma_start3A_112] : memref<10240x128xf32, #tpu.memory_space<vmem_shared>> -> memref<64x128xf32, #tpu.memory_space<vmem_shared>>
    %dma_start3A_114 = arith.constant 0 : i32
    %dma_start3A_115 = tpu.memref_slice %arg15[%add3A_108, %dma_start3A_114] : memref<10240x128xf32, #tpu.memory_space<vmem_shared>> -> memref<64x128xf32, #tpu.memory_space<vmem_shared>>
    %dma_start3A_116 = arith.constant 0 : i32
    %dma_start3A_117 = arith.constant 0 : i32
    %dma_start3A_118 = tpu.memref_slice %arg9[%dma_start3A_116, %dma_start3A_117] : memref<128x128xf32, #tpu.memory_space<vmem>> -> memref<64x128xf32, #tpu.memory_space<vmem>>
    tpu.enqueue_dma source(%dma_start3A_118 : memref<64x128xf32, #tpu.memory_space<vmem>>) target(%dma_start3A_115 : memref<64x128xf32, #tpu.memory_space<vmem_shared>>) target_semaphore(%arg11 : memref<!tpu.dma_semaphore, #tpu.memory_space<semaphore_mem>>)
    %mul3A_119 = arith.constant 640 : i32
    %mul3A_120 = arith.muli %arg1, %mul3A_119 : i32
    %add3A_121 = arith.constant 512 : i32
    %add3A_122 = arith.addi %mul3A_120, %add3A_121 : i32
    %dma_start3A_123 = arith.constant 0 : i32
    %dma_start3A_124 = arith.constant 0 : i32
    %dma_start3A_125 = tpu.memref_slice %arg9[%dma_start3A_123, %dma_start3A_124] : memref<128x128xf32, #tpu.memory_space<vmem>> -> memref<64x128xf32, #tpu.memory_space<vmem>>
    %dma_start3A_126 = arith.constant 0 : i32
    %dma_start3A_127 = tpu.memref_slice %arg15[%add3A_122, %dma_start3A_126] : memref<10240x128xf32, #tpu.memory_space<vmem_shared>> -> memref<64x128xf32, #tpu.memory_space<vmem_shared>>
    %dma_start3A_128 = arith.constant 0 : i32
    %dma_start3A_129 = tpu.memref_slice %arg15[%add3A_122, %dma_start3A_128] : memref<10240x128xf32, #tpu.memory_space<vmem_shared>> -> memref<64x128xf32, #tpu.memory_space<vmem_shared>>
    %dma_start3A_130 = arith.constant 0 : i32
    %dma_start3A_131 = arith.constant 0 : i32
    %dma_start3A_132 = tpu.memref_slice %arg9[%dma_start3A_130, %dma_start3A_131] : memref<128x128xf32, #tpu.memory_space<vmem>> -> memref<64x128xf32, #tpu.memory_space<vmem>>
    tpu.enqueue_dma source(%dma_start3A_132 : memref<64x128xf32, #tpu.memory_space<vmem>>) target(%dma_start3A_129 : memref<64x128xf32, #tpu.memory_space<vmem_shared>>) target_semaphore(%arg11 : memref<!tpu.dma_semaphore, #tpu.memory_space<semaphore_mem>>)
    %mul3A_133 = arith.constant 640 : i32
    %mul3A_134 = arith.muli %arg1, %mul3A_133 : i32
    %add3A_135 = arith.constant 576 : i32
    %add3A_136 = arith.addi %mul3A_134, %add3A_135 : i32
    %dma_start3A_137 = arith.constant 0 : i32
    %dma_start3A_138 = arith.constant 0 : i32
    %dma_start3A_139 = tpu.memref_slice %arg9[%dma_start3A_137, %dma_start3A_138] : memref<128x128xf32, #tpu.memory_space<vmem>> -> memref<64x128xf32, #tpu.memory_space<vmem>>
    %dma_start3A_140 = arith.constant 0 : i32
    %dma_start3A_141 = tpu.memref_slice %arg15[%add3A_136, %dma_start3A_140] : memref<10240x128xf32, #tpu.memory_space<vmem_shared>> -> memref<64x128xf32, #tpu.memory_space<vmem_shared>>
    %dma_start3A_142 = arith.constant 0 : i32
    %dma_start3A_143 = tpu.memref_slice %arg15[%add3A_136, %dma_start3A_142] : memref<10240x128xf32, #tpu.memory_space<vmem_shared>> -> memref<64x128xf32, #tpu.memory_space<vmem_shared>>
    %dma_start3A_144 = arith.constant 0 : i32
    %dma_start3A_145 = arith.constant 0 : i32
    %dma_start3A_146 = tpu.memref_slice %arg9[%dma_start3A_144, %dma_start3A_145] : memref<128x128xf32, #tpu.memory_space<vmem>> -> memref<64x128xf32, #tpu.memory_space<vmem>>
    tpu.enqueue_dma source(%dma_start3A_146 : memref<64x128xf32, #tpu.memory_space<vmem>>) target(%dma_start3A_143 : memref<64x128xf32, #tpu.memory_space<vmem_shared>>) target_semaphore(%arg11 : memref<!tpu.dma_semaphore, #tpu.memory_space<semaphore_mem>>)
    %mul3A_147 = arith.constant 640 : i32
    %mul3A_148 = arith.muli %arg1, %mul3A_147 : i32
    %add3A_149 = arith.constant 0 : i32
    %add3A_150 = arith.addi %mul3A_148, %add3A_149 : i32
    %dma_wait3A = arith.constant 0 : i32
    %dma_wait3A_151 = arith.constant 0 : i32
    %dma_wait3A_152 = tpu.memref_slice %arg9[%dma_wait3A, %dma_wait3A_151] : memref<128x128xf32, #tpu.memory_space<vmem>> -> memref<64x128xf32, #tpu.memory_space<vmem>>
    %dma_wait3A_153 = arith.constant 0 : i32
    %dma_wait3A_154 = tpu.memref_slice %arg15[%add3A_150, %dma_wait3A_153] : memref<10240x128xf32, #tpu.memory_space<vmem_shared>> -> memref<64x128xf32, #tpu.memory_space<vmem_shared>>
    %dma_wait3A_155 = arith.constant 0 : i32
    %dma_wait3A_156 = tpu.memref_slice %arg15[%add3A_150, %dma_wait3A_155] : memref<10240x128xf32, #tpu.memory_space<vmem_shared>> -> memref<64x128xf32, #tpu.memory_space<vmem_shared>>
    %dma_wait3A_157 = arith.constant 0 : i32
    %dma_wait3A_158 = arith.constant 0 : i32
    %dma_wait3A_159 = tpu.memref_slice %arg9[%dma_wait3A_157, %dma_wait3A_158] : memref<128x128xf32, #tpu.memory_space<vmem>> -> memref<64x128xf32, #tpu.memory_space<vmem>>
    tpu.wait_dma2 semaphore(%arg11 : memref<!tpu.dma_semaphore, #tpu.memory_space<semaphore_mem>>) src(%dma_wait3A_159 : memref<64x128xf32, #tpu.memory_space<vmem>>) dst(%dma_wait3A_156 : memref<64x128xf32, #tpu.memory_space<vmem_shared>>)
    %mul3A_160 = arith.constant 640 : i32
    %mul3A_161 = arith.muli %arg1, %mul3A_160 : i32
    %add3A_162 = arith.constant 64 : i32
    %add3A_163 = arith.addi %mul3A_161, %add3A_162 : i32
    %dma_wait3A_164 = arith.constant 0 : i32
    %dma_wait3A_165 = arith.constant 0 : i32
    %dma_wait3A_166 = tpu.memref_slice %arg9[%dma_wait3A_164, %dma_wait3A_165] : memref<128x128xf32, #tpu.memory_space<vmem>> -> memref<64x128xf32, #tpu.memory_space<vmem>>
    %dma_wait3A_167 = arith.constant 0 : i32
    %dma_wait3A_168 = tpu.memref_slice %arg15[%add3A_163, %dma_wait3A_167] : memref<10240x128xf32, #tpu.memory_space<vmem_shared>> -> memref<64x128xf32, #tpu.memory_space<vmem_shared>>
    %dma_wait3A_169 = arith.constant 0 : i32
    %dma_wait3A_170 = tpu.memref_slice %arg15[%add3A_163, %dma_wait3A_169] : memref<10240x128xf32, #tpu.memory_space<vmem_shared>> -> memref<64x128xf32, #tpu.memory_space<vmem_shared>>
    %dma_wait3A_171 = arith.constant 0 : i32
    %dma_wait3A_172 = arith.constant 0 : i32
    %dma_wait3A_173 = tpu.memref_slice %arg9[%dma_wait3A_171, %dma_wait3A_172] : memref<128x128xf32, #tpu.memory_space<vmem>> -> memref<64x128xf32, #tpu.memory_space<vmem>>
    tpu.wait_dma2 semaphore(%arg11 : memref<!tpu.dma_semaphore, #tpu.memory_space<semaphore_mem>>) src(%dma_wait3A_173 : memref<64x128xf32, #tpu.memory_space<vmem>>) dst(%dma_wait3A_170 : memref<64x128xf32, #tpu.memory_space<vmem_shared>>)
    %mul3A_174 = arith.constant 640 : i32
    %mul3A_175 = arith.muli %arg1, %mul3A_174 : i32
    %add3A_176 = arith.constant 128 : i32
    %add3A_177 = arith.addi %mul3A_175, %add3A_176 : i32
    %dma_wait3A_178 = arith.constant 0 : i32
    %dma_wait3A_179 = arith.constant 0 : i32
    %dma_wait3A_180 = tpu.memref_slice %arg9[%dma_wait3A_178, %dma_wait3A_179] : memref<128x128xf32, #tpu.memory_space<vmem>> -> memref<64x128xf32, #tpu.memory_space<vmem>>
    %dma_wait3A_181 = arith.constant 0 : i32
    %dma_wait3A_182 = tpu.memref_slice %arg15[%add3A_177, %dma_wait3A_181] : memref<10240x128xf32, #tpu.memory_space<vmem_shared>> -> memref<64x128xf32, #tpu.memory_space<vmem_shared>>
    %dma_wait3A_183 = arith.constant 0 : i32
    %dma_wait3A_184 = tpu.memref_slice %arg15[%add3A_177, %dma_wait3A_183] : memref<10240x128xf32, #tpu.memory_space<vmem_shared>> -> memref<64x128xf32, #tpu.memory_space<vmem_shared>>
    %dma_wait3A_185 = arith.constant 0 : i32
    %dma_wait3A_186 = arith.constant 0 : i32
    %dma_wait3A_187 = tpu.memref_slice %arg9[%dma_wait3A_185, %dma_wait3A_186] : memref<128x128xf32, #tpu.memory_space<vmem>> -> memref<64x128xf32, #tpu.memory_space<vmem>>
    tpu.wait_dma2 semaphore(%arg11 : memref<!tpu.dma_semaphore, #tpu.memory_space<semaphore_mem>>) src(%dma_wait3A_187 : memref<64x128xf32, #tpu.memory_space<vmem>>) dst(%dma_wait3A_184 : memref<64x128xf32, #tpu.memory_space<vmem_shared>>)
    %mul3A_188 = arith.constant 640 : i32
    %mul3A_189 = arith.muli %arg1, %mul3A_188 : i32
    %add3A_190 = arith.constant 192 : i32
    %add3A_191 = arith.addi %mul3A_189, %add3A_190 : i32
    %dma_wait3A_192 = arith.constant 0 : i32
    %dma_wait3A_193 = arith.constant 0 : i32
    %dma_wait3A_194 = tpu.memref_slice %arg9[%dma_wait3A_192, %dma_wait3A_193] : memref<128x128xf32, #tpu.memory_space<vmem>> -> memref<64x128xf32, #tpu.memory_space<vmem>>
    %dma_wait3A_195 = arith.constant 0 : i32
    %dma_wait3A_196 = tpu.memref_slice %arg15[%add3A_191, %dma_wait3A_195] : memref<10240x128xf32, #tpu.memory_space<vmem_shared>> -> memref<64x128xf32, #tpu.memory_space<vmem_shared>>
    %dma_wait3A_197 = arith.constant 0 : i32
    %dma_wait3A_198 = tpu.memref_slice %arg15[%add3A_191, %dma_wait3A_197] : memref<10240x128xf32, #tpu.memory_space<vmem_shared>> -> memref<64x128xf32, #tpu.memory_space<vmem_shared>>
    %dma_wait3A_199 = arith.constant 0 : i32
    %dma_wait3A_200 = arith.constant 0 : i32
    %dma_wait3A_201 = tpu.memref_slice %arg9[%dma_wait3A_199, %dma_wait3A_200] : memref<128x128xf32, #tpu.memory_space<vmem>> -> memref<64x128xf32, #tpu.memory_space<vmem>>
    tpu.wait_dma2 semaphore(%arg11 : memref<!tpu.dma_semaphore, #tpu.memory_space<semaphore_mem>>) src(%dma_wait3A_201 : memref<64x128xf32, #tpu.memory_space<vmem>>) dst(%dma_wait3A_198 : memref<64x128xf32, #tpu.memory_space<vmem_shared>>)
    %mul3A_202 = arith.constant 640 : i32
    %mul3A_203 = arith.muli %arg1, %mul3A_202 : i32
    %add3A_204 = arith.constant 256 : i32
    %add3A_205 = arith.addi %mul3A_203, %add3A_204 : i32
    %dma_wait3A_206 = arith.constant 0 : i32
    %dma_wait3A_207 = arith.constant 0 : i32
    %dma_wait3A_208 = tpu.memref_slice %arg9[%dma_wait3A_206, %dma_wait3A_207] : memref<128x128xf32, #tpu.memory_space<vmem>> -> memref<64x128xf32, #tpu.memory_space<vmem>>
    %dma_wait3A_209 = arith.constant 0 : i32
    %dma_wait3A_210 = tpu.memref_slice %arg15[%add3A_205, %dma_wait3A_209] : memref<10240x128xf32, #tpu.memory_space<vmem_shared>> -> memref<64x128xf32, #tpu.memory_space<vmem_shared>>
    %dma_wait3A_211 = arith.constant 0 : i32
    %dma_wait3A_212 = tpu.memref_slice %arg15[%add3A_205, %dma_wait3A_211] : memref<10240x128xf32, #tpu.memory_space<vmem_shared>> -> memref<64x128xf32, #tpu.memory_space<vmem_shared>>
    %dma_wait3A_213 = arith.constant 0 : i32
    %dma_wait3A_214 = arith.constant 0 : i32
    %dma_wait3A_215 = tpu.memref_slice %arg9[%dma_wait3A_213, %dma_wait3A_214] : memref<128x128xf32, #tpu.memory_space<vmem>> -> memref<64x128xf32, #tpu.memory_space<vmem>>
    tpu.wait_dma2 semaphore(%arg11 : memref<!tpu.dma_semaphore, #tpu.memory_space<semaphore_mem>>) src(%dma_wait3A_215 : memref<64x128xf32, #tpu.memory_space<vmem>>) dst(%dma_wait3A_212 : memref<64x128xf32, #tpu.memory_space<vmem_shared>>)
    %mul3A_216 = arith.constant 640 : i32
    %mul3A_217 = arith.muli %arg1, %mul3A_216 : i32
    %add3A_218 = arith.constant 320 : i32
    %add3A_219 = arith.addi %mul3A_217, %add3A_218 : i32
    %dma_wait3A_220 = arith.constant 0 : i32
    %dma_wait3A_221 = arith.constant 0 : i32
    %dma_wait3A_222 = tpu.memref_slice %arg9[%dma_wait3A_220, %dma_wait3A_221] : memref<128x128xf32, #tpu.memory_space<vmem>> -> memref<64x128xf32, #tpu.memory_space<vmem>>
    %dma_wait3A_223 = arith.constant 0 : i32
    %dma_wait3A_224 = tpu.memref_slice %arg15[%add3A_219, %dma_wait3A_223] : memref<10240x128xf32, #tpu.memory_space<vmem_shared>> -> memref<64x128xf32, #tpu.memory_space<vmem_shared>>
    %dma_wait3A_225 = arith.constant 0 : i32
    %dma_wait3A_226 = tpu.memref_slice %arg15[%add3A_219, %dma_wait3A_225] : memref<10240x128xf32, #tpu.memory_space<vmem_shared>> -> memref<64x128xf32, #tpu.memory_space<vmem_shared>>
    %dma_wait3A_227 = arith.constant 0 : i32
    %dma_wait3A_228 = arith.constant 0 : i32
    %dma_wait3A_229 = tpu.memref_slice %arg9[%dma_wait3A_227, %dma_wait3A_228] : memref<128x128xf32, #tpu.memory_space<vmem>> -> memref<64x128xf32, #tpu.memory_space<vmem>>
    tpu.wait_dma2 semaphore(%arg11 : memref<!tpu.dma_semaphore, #tpu.memory_space<semaphore_mem>>) src(%dma_wait3A_229 : memref<64x128xf32, #tpu.memory_space<vmem>>) dst(%dma_wait3A_226 : memref<64x128xf32, #tpu.memory_space<vmem_shared>>)
    %mul3A_230 = arith.constant 640 : i32
    %mul3A_231 = arith.muli %arg1, %mul3A_230 : i32
    %add3A_232 = arith.constant 384 : i32
    %add3A_233 = arith.addi %mul3A_231, %add3A_232 : i32
    %dma_wait3A_234 = arith.constant 0 : i32
    %dma_wait3A_235 = arith.constant 0 : i32
    %dma_wait3A_236 = tpu.memref_slice %arg9[%dma_wait3A_234, %dma_wait3A_235] : memref<128x128xf32, #tpu.memory_space<vmem>> -> memref<64x128xf32, #tpu.memory_space<vmem>>
    %dma_wait3A_237 = arith.constant 0 : i32
    %dma_wait3A_238 = tpu.memref_slice %arg15[%add3A_233, %dma_wait3A_237] : memref<10240x128xf32, #tpu.memory_space<vmem_shared>> -> memref<64x128xf32, #tpu.memory_space<vmem_shared>>
    %dma_wait3A_239 = arith.constant 0 : i32
    %dma_wait3A_240 = tpu.memref_slice %arg15[%add3A_233, %dma_wait3A_239] : memref<10240x128xf32, #tpu.memory_space<vmem_shared>> -> memref<64x128xf32, #tpu.memory_space<vmem_shared>>
    %dma_wait3A_241 = arith.constant 0 : i32
    %dma_wait3A_242 = arith.constant 0 : i32
    %dma_wait3A_243 = tpu.memref_slice %arg9[%dma_wait3A_241, %dma_wait3A_242] : memref<128x128xf32, #tpu.memory_space<vmem>> -> memref<64x128xf32, #tpu.memory_space<vmem>>
    tpu.wait_dma2 semaphore(%arg11 : memref<!tpu.dma_semaphore, #tpu.memory_space<semaphore_mem>>) src(%dma_wait3A_243 : memref<64x128xf32, #tpu.memory_space<vmem>>) dst(%dma_wait3A_240 : memref<64x128xf32, #tpu.memory_space<vmem_shared>>)
    %mul3A_244 = arith.constant 640 : i32
    %mul3A_245 = arith.muli %arg1, %mul3A_244 : i32
    %add3A_246 = arith.constant 448 : i32
    %add3A_247 = arith.addi %mul3A_245, %add3A_246 : i32
    %dma_wait3A_248 = arith.constant 0 : i32
    %dma_wait3A_249 = arith.constant 0 : i32
    %dma_wait3A_250 = tpu.memref_slice %arg9[%dma_wait3A_248, %dma_wait3A_249] : memref<128x128xf32, #tpu.memory_space<vmem>> -> memref<64x128xf32, #tpu.memory_space<vmem>>
    %dma_wait3A_251 = arith.constant 0 : i32
    %dma_wait3A_252 = tpu.memref_slice %arg15[%add3A_247, %dma_wait3A_251] : memref<10240x128xf32, #tpu.memory_space<vmem_shared>> -> memref<64x128xf32, #tpu.memory_space<vmem_shared>>
    %dma_wait3A_253 = arith.constant 0 : i32
    %dma_wait3A_254 = tpu.memref_slice %arg15[%add3A_247, %dma_wait3A_253] : memref<10240x128xf32, #tpu.memory_space<vmem_shared>> -> memref<64x128xf32, #tpu.memory_space<vmem_shared>>
    %dma_wait3A_255 = arith.constant 0 : i32
    %dma_wait3A_256 = arith.constant 0 : i32
    %dma_wait3A_257 = tpu.memref_slice %arg9[%dma_wait3A_255, %dma_wait3A_256] : memref<128x128xf32, #tpu.memory_space<vmem>> -> memref<64x128xf32, #tpu.memory_space<vmem>>
    tpu.wait_dma2 semaphore(%arg11 : memref<!tpu.dma_semaphore, #tpu.memory_space<semaphore_mem>>) src(%dma_wait3A_257 : memref<64x128xf32, #tpu.memory_space<vmem>>) dst(%dma_wait3A_254 : memref<64x128xf32, #tpu.memory_space<vmem_shared>>)
    %mul3A_258 = arith.constant 640 : i32
    %mul3A_259 = arith.muli %arg1, %mul3A_258 : i32
    %add3A_260 = arith.constant 512 : i32
    %add3A_261 = arith.addi %mul3A_259, %add3A_260 : i32
    %dma_wait3A_262 = arith.constant 0 : i32
    %dma_wait3A_263 = arith.constant 0 : i32
    %dma_wait3A_264 = tpu.memref_slice %arg9[%dma_wait3A_262, %dma_wait3A_263] : memref<128x128xf32, #tpu.memory_space<vmem>> -> memref<64x128xf32, #tpu.memory_space<vmem>>
    %dma_wait3A_265 = arith.constant 0 : i32
    %dma_wait3A_266 = tpu.memref_slice %arg15[%add3A_261, %dma_wait3A_265] : memref<10240x128xf32, #tpu.memory_space<vmem_shared>> -> memref<64x128xf32, #tpu.memory_space<vmem_shared>>
    %dma_wait3A_267 = arith.constant 0 : i32
    %dma_wait3A_268 = tpu.memref_slice %arg15[%add3A_261, %dma_wait3A_267] : memref<10240x128xf32, #tpu.memory_space<vmem_shared>> -> memref<64x128xf32, #tpu.memory_space<vmem_shared>>
    %dma_wait3A_269 = arith.constant 0 : i32
    %dma_wait3A_270 = arith.constant 0 : i32
    %dma_wait3A_271 = tpu.memref_slice %arg9[%dma_wait3A_269, %dma_wait3A_270] : memref<128x128xf32, #tpu.memory_space<vmem>> -> memref<64x128xf32, #tpu.memory_space<vmem>>
    tpu.wait_dma2 semaphore(%arg11 : memref<!tpu.dma_semaphore, #tpu.memory_space<semaphore_mem>>) src(%dma_wait3A_271 : memref<64x128xf32, #tpu.memory_space<vmem>>) dst(%dma_wait3A_268 : memref<64x128xf32, #tpu.memory_space<vmem_shared>>)
    %mul3A_272 = arith.constant 640 : i32
    %mul3A_273 = arith.muli %arg1, %mul3A_272 : i32
    %add3A_274 = arith.constant 576 : i32
    %add3A_275 = arith.addi %mul3A_273, %add3A_274 : i32
    %dma_wait3A_276 = arith.constant 0 : i32
    %dma_wait3A_277 = arith.constant 0 : i32
    %dma_wait3A_278 = tpu.memref_slice %arg9[%dma_wait3A_276, %dma_wait3A_277] : memref<128x128xf32, #tpu.memory_space<vmem>> -> memref<64x128xf32, #tpu.memory_space<vmem>>
    %dma_wait3A_279 = arith.constant 0 : i32
    %dma_wait3A_280 = tpu.memref_slice %arg15[%add3A_275, %dma_wait3A_279] : memref<10240x128xf32, #tpu.memory_space<vmem_shared>> -> memref<64x128xf32, #tpu.memory_space<vmem_shared>>
    %dma_wait3A_281 = arith.constant 0 : i32
    %dma_wait3A_282 = tpu.memref_slice %arg15[%add3A_275, %dma_wait3A_281] : memref<10240x128xf32, #tpu.memory_space<vmem_shared>> -> memref<64x128xf32, #tpu.memory_space<vmem_shared>>
    %dma_wait3A_283 = arith.constant 0 : i32
    %dma_wait3A_284 = arith.constant 0 : i32
    %dma_wait3A_285 = tpu.memref_slice %arg9[%dma_wait3A_283, %dma_wait3A_284] : memref<128x128xf32, #tpu.memory_space<vmem>> -> memref<64x128xf32, #tpu.memory_space<vmem>>
    tpu.wait_dma2 semaphore(%arg11 : memref<!tpu.dma_semaphore, #tpu.memory_space<semaphore_mem>>) src(%dma_wait3A_285 : memref<64x128xf32, #tpu.memory_space<vmem>>) dst(%dma_wait3A_282 : memref<64x128xf32, #tpu.memory_space<vmem_shared>>)
    %barrier3A = arith.constant 0 : index
    tpu.barrier barrier_id(%barrier3A)
    %mul3A_286 = arith.constant 78 : i32
    %mul3A_287 = arith.muli %add3A, %mul3A_286 : i32
    %add3A_288 = arith.constant 0 : i32
    %add3A_289 = arith.addi %mul3A_287, %add3A_288 : i32
    "tpu.region"() ({
      %run_scoped3A_914 = tpu.sem_alloc : memref<!tpu.dma_semaphore, #tpu.memory_space<semaphore_mem>>
      %dma_start3A_915 = arith.constant 0 : i32
      %dma_start3A_916 = tpu.memref_slice %arg3[%add3A_289, %dma_start3A_915] : memref<5000x128xi32, #tpu.memory_space<hbm>> -> memref<1x128xi32, #tpu.memory_space<hbm>>
      %dma_start3A_917 = tpu.memref_squeeze %dma_start3A_916 : memref<1x128xi32, #tpu.memory_space<hbm>> -> memref<128xi32, #tpu.memory_space<hbm>>
      %dma_start3A_918 = arith.constant 0 : i32
      %dma_start3A_919 = tpu.memref_slice %arg3[%add3A_289, %dma_start3A_918] : memref<5000x128xi32, #tpu.memory_space<hbm>> -> memref<1x128xi32, #tpu.memory_space<hbm>>
      %dma_start3A_920 = tpu.memref_squeeze %dma_start3A_919 : memref<1x128xi32, #tpu.memory_space<hbm>> -> memref<128xi32, #tpu.memory_space<hbm>>
      tpu.enqueue_dma source(%dma_start3A_920 : memref<128xi32, #tpu.memory_space<hbm>>) target(%arg5 : memref<128xi32, #tpu.memory_space<vmem>>) target_semaphore(%run_scoped3A_914 : memref<!tpu.dma_semaphore, #tpu.memory_space<semaphore_mem>>)
      %dma_wait3A_921 = arith.constant 0 : i32
      %dma_wait3A_922 = tpu.memref_slice %arg3[%add3A_289, %dma_wait3A_921] : memref<5000x128xi32, #tpu.memory_space<hbm>> -> memref<1x128xi32, #tpu.memory_space<hbm>>
      %dma_wait3A_923 = tpu.memref_squeeze %dma_wait3A_922 : memref<1x128xi32, #tpu.memory_space<hbm>> -> memref<128xi32, #tpu.memory_space<hbm>>
      %dma_wait3A_924 = arith.constant 0 : i32
      %dma_wait3A_925 = tpu.memref_slice %arg3[%add3A_289, %dma_wait3A_924] : memref<5000x128xi32, #tpu.memory_space<hbm>> -> memref<1x128xi32, #tpu.memory_space<hbm>>
      %dma_wait3A_926 = tpu.memref_squeeze %dma_wait3A_925 : memref<1x128xi32, #tpu.memory_space<hbm>> -> memref<128xi32, #tpu.memory_space<hbm>>
      tpu.wait_dma2 semaphore(%run_scoped3A_914 : memref<!tpu.dma_semaphore, #tpu.memory_space<semaphore_mem>>) src(%dma_wait3A_926 : memref<128xi32, #tpu.memory_space<hbm>>) dst(%arg5 : memref<128xi32, #tpu.memory_space<vmem>>)
      tpu.yield
    }) : () -> ()
    %add3A_290 = arith.constant 2500 : i32
    %add3A_291 = arith.addi %add3A_290, %mul3A_287 : i32
    %add3A_292 = arith.constant 0 : i32
    %add3A_293 = arith.addi %add3A_291, %add3A_292 : i32
    %run_scoped3A = arith.constant 0 : i32
    "tpu.region"() ({
      %run_scoped3A_914 = tpu.sem_alloc : memref<!tpu.dma_semaphore, #tpu.memory_space<semaphore_mem>>
      %dma_start3A_915 = arith.constant 0 : i32
      %dma_start3A_916 = tpu.memref_slice %arg7[%run_scoped3A, %dma_start3A_915] : memref<1x128xi32, #tpu.memory_space<vmem>> -> memref<1x128xi32, #tpu.memory_space<vmem>>
      %dma_start3A_917 = tpu.memref_squeeze %dma_start3A_916 : memref<1x128xi32, #tpu.memory_space<vmem>> -> memref<128xi32, #tpu.memory_space<vmem>>
      %dma_start3A_918 = arith.constant 0 : i32
      %dma_start3A_919 = tpu.memref_slice %arg3[%add3A_293, %dma_start3A_918] : memref<5000x128xi32, #tpu.memory_space<hbm>> -> memref<1x128xi32, #tpu.memory_space<hbm>>
      %dma_start3A_920 = tpu.memref_squeeze %dma_start3A_919 : memref<1x128xi32, #tpu.memory_space<hbm>> -> memref<128xi32, #tpu.memory_space<hbm>>
      %dma_start3A_921 = arith.constant 0 : i32
      %dma_start3A_922 = tpu.memref_slice %arg7[%run_scoped3A, %dma_start3A_921] : memref<1x128xi32, #tpu.memory_space<vmem>> -> memref<1x128xi32, #tpu.memory_space<vmem>>
      %dma_start3A_923 = tpu.memref_squeeze %dma_start3A_922 : memref<1x128xi32, #tpu.memory_space<vmem>> -> memref<128xi32, #tpu.memory_space<vmem>>
      %dma_start3A_924 = arith.constant 0 : i32
      %dma_start3A_925 = tpu.memref_slice %arg3[%add3A_293, %dma_start3A_924] : memref<5000x128xi32, #tpu.memory_space<hbm>> -> memref<1x128xi32, #tpu.memory_space<hbm>>
      %dma_start3A_926 = tpu.memref_squeeze %dma_start3A_925 : memref<1x128xi32, #tpu.memory_space<hbm>> -> memref<128xi32, #tpu.memory_space<hbm>>
      tpu.enqueue_dma source(%dma_start3A_926 : memref<128xi32, #tpu.memory_space<hbm>>) target(%dma_start3A_923 : memref<128xi32, #tpu.memory_space<vmem>>) target_semaphore(%run_scoped3A_914 : memref<!tpu.dma_semaphore, #tpu.memory_space<semaphore_mem>>)
      %dma_wait3A_927 = arith.constant 0 : i32
      %dma_wait3A_928 = tpu.memref_slice %arg7[%run_scoped3A, %dma_wait3A_927] : memref<1x128xi32, #tpu.memory_space<vmem>> -> memref<1x128xi32, #tpu.memory_space<vmem>>
      %dma_wait3A_929 = tpu.memref_squeeze %dma_wait3A_928 : memref<1x128xi32, #tpu.memory_space<vmem>> -> memref<128xi32, #tpu.memory_space<vmem>>
      %dma_wait3A_930 = arith.constant 0 : i32
      %dma_wait3A_931 = tpu.memref_slice %arg3[%add3A_293, %dma_wait3A_930] : memref<5000x128xi32, #tpu.memory_space<hbm>> -> memref<1x128xi32, #tpu.memory_space<hbm>>
      %dma_wait3A_932 = tpu.memref_squeeze %dma_wait3A_931 : memref<1x128xi32, #tpu.memory_space<hbm>> -> memref<128xi32, #tpu.memory_space<hbm>>
      %dma_wait3A_933 = arith.constant 0 : i32
      %dma_wait3A_934 = tpu.memref_slice %arg7[%run_scoped3A, %dma_wait3A_933] : memref<1x128xi32, #tpu.memory_space<vmem>> -> memref<1x128xi32, #tpu.memory_space<vmem>>
      %dma_wait3A_935 = tpu.memref_squeeze %dma_wait3A_934 : memref<1x128xi32, #tpu.memory_space<vmem>> -> memref<128xi32, #tpu.memory_space<vmem>>
      %dma_wait3A_936 = arith.constant 0 : i32
      %dma_wait3A_937 = tpu.memref_slice %arg3[%add3A_293, %dma_wait3A_936] : memref<5000x128xi32, #tpu.memory_space<hbm>> -> memref<1x128xi32, #tpu.memory_space<hbm>>
      %dma_wait3A_938 = tpu.memref_squeeze %dma_wait3A_937 : memref<1x128xi32, #tpu.memory_space<hbm>> -> memref<128xi32, #tpu.memory_space<hbm>>
      tpu.wait_dma2 semaphore(%run_scoped3A_914 : memref<!tpu.dma_semaphore, #tpu.memory_space<semaphore_mem>>) src(%dma_wait3A_938 : memref<128xi32, #tpu.memory_space<hbm>>) dst(%dma_wait3A_935 : memref<128xi32, #tpu.memory_space<vmem>>)
      tpu.yield
    }) : () -> ()
    %dma_start3A_294 = arith.constant 0 : i32
    %dma_start3A_295 = arith.constant 0 : i32
    %dma_start3A_296 = tpu.memref_slice %arg2[%dma_start3A_294, %dma_start3A_295] : memref<10240x128xf32, #tpu.memory_space<hbm>> -> memref<10240x128xf32, #tpu.memory_space<hbm>>
    tpu.enqueue_indirect_dma source(%dma_start3A_296 : memref<10240x128xf32, #tpu.memory_space<hbm>>) target(%arg9 : memref<128x128xf32, #tpu.memory_space<vmem>>) offsets(%arg5 : memref<128xi32, #tpu.memory_space<vmem>>) semaphore(%arg11 : memref<!tpu.dma_semaphore, #tpu.memory_space<semaphore_mem>>)
    %scan3A_297 = arith.constant 0 : i32
    %scan3A_298 = arith.constant 0 : i32
    %scan3A_299 = arith.constant 39 : i32
    %scan3A_300 = arith.addi %scan3A_298, %scan3A_299 : i32
    %scan3A_301 = arith.constant 1 : i32
    %scan3A_302 = scf.for %scan3A_914 = %scan3A_298 to %scan3A_300 step %scan3A_301 iter_args(%scan3A_915 = %scan3A_297) -> (i32)  : i32 {
      %mul3A_916 = arith.constant 2 : i32
      %mul3A_917 = arith.muli %mul3A_916, %scan3A_914 : i32
      %add3A_918 = arith.constant 1 : i32
      %add3A_919 = arith.addi %mul3A_917, %add3A_918 : i32
      %add3A_920 = arith.addi %mul3A_287, %add3A_919 : i32
      "tpu.region"() ({
        %run_scoped3A_974 = tpu.sem_alloc : memref<!tpu.dma_semaphore, #tpu.memory_space<semaphore_mem>>
        %dma_start3A_975 = arith.constant 0 : i32
        %dma_start3A_976 = tpu.memref_slice %arg3[%add3A_920, %dma_start3A_975] : memref<5000x128xi32, #tpu.memory_space<hbm>> -> memref<1x128xi32, #tpu.memory_space<hbm>>
        %dma_start3A_977 = tpu.memref_squeeze %dma_start3A_976 : memref<1x128xi32, #tpu.memory_space<hbm>> -> memref<128xi32, #tpu.memory_space<hbm>>
        %dma_start3A_978 = arith.constant 0 : i32
        %dma_start3A_979 = tpu.memref_slice %arg3[%add3A_920, %dma_start3A_978] : memref<5000x128xi32, #tpu.memory_space<hbm>> -> memref<1x128xi32, #tpu.memory_space<hbm>>
        %dma_start3A_980 = tpu.memref_squeeze %dma_start3A_979 : memref<1x128xi32, #tpu.memory_space<hbm>> -> memref<128xi32, #tpu.memory_space<hbm>>
        tpu.enqueue_dma source(%dma_start3A_980 : memref<128xi32, #tpu.memory_space<hbm>>) target(%arg6 : memref<128xi32, #tpu.memory_space<vmem>>) target_semaphore(%run_scoped3A_974 : memref<!tpu.dma_semaphore, #tpu.memory_space<semaphore_mem>>)
        %dma_wait3A_981 = arith.constant 0 : i32
        %dma_wait3A_982 = tpu.memref_slice %arg3[%add3A_920, %dma_wait3A_981] : memref<5000x128xi32, #tpu.memory_space<hbm>> -> memref<1x128xi32, #tpu.memory_space<hbm>>
        %dma_wait3A_983 = tpu.memref_squeeze %dma_wait3A_982 : memref<1x128xi32, #tpu.memory_space<hbm>> -> memref<128xi32, #tpu.memory_space<hbm>>
        %dma_wait3A_984 = arith.constant 0 : i32
        %dma_wait3A_985 = tpu.memref_slice %arg3[%add3A_920, %dma_wait3A_984] : memref<5000x128xi32, #tpu.memory_space<hbm>> -> memref<1x128xi32, #tpu.memory_space<hbm>>
        %dma_wait3A_986 = tpu.memref_squeeze %dma_wait3A_985 : memref<1x128xi32, #tpu.memory_space<hbm>> -> memref<128xi32, #tpu.memory_space<hbm>>
        tpu.wait_dma2 semaphore(%run_scoped3A_974 : memref<!tpu.dma_semaphore, #tpu.memory_space<semaphore_mem>>) src(%dma_wait3A_986 : memref<128xi32, #tpu.memory_space<hbm>>) dst(%arg6 : memref<128xi32, #tpu.memory_space<vmem>>)
        tpu.yield
      }) : () -> ()
      %dma_wait3A_921 = arith.constant 0 : i32
      %dma_wait3A_922 = arith.constant 0 : i32
      %dma_wait3A_923 = tpu.memref_slice %arg2[%dma_wait3A_921, %dma_wait3A_922] : memref<10240x128xf32, #tpu.memory_space<hbm>> -> memref<10240x128xf32, #tpu.memory_space<hbm>>
      tpu.wait_indirect_dma semaphore(%arg11 : memref<!tpu.dma_semaphore, #tpu.memory_space<semaphore_mem>>) src(%dma_wait3A_923 : memref<10240x128xf32, #tpu.memory_space<hbm>>) dst(%arg9 : memref<128x128xf32, #tpu.memory_space<vmem>>)
      %gt3A = arith.constant 0 : i32
      %gt3A_924 = arith.cmpi sgt, %scan3A_914, %gt3A : i32
      %convert_element_type3A_925 = arith.extui %gt3A_924 : i1 to i32
      %cond3A_926 = arith.constant 0 : i32
      %cond3A_927 = arith.cmpi ne, %convert_element_type3A_925, %cond3A_926 : i32
      scf.if %cond3A_927 {
        %dma_wait3A_974 = arith.constant 0 : i32
        %dma_wait3A_975 = arith.constant 0 : i32
        %dma_wait3A_976 = tpu.memref_slice %arg8[%dma_wait3A_974, %dma_wait3A_975] : memref<1x128xi32, #tpu.memory_space<vmem>> -> memref<1x128xi32, #tpu.memory_space<vmem>>
        %dma_wait3A_977 = tpu.memref_squeeze %dma_wait3A_976 : memref<1x128xi32, #tpu.memory_space<vmem>> -> memref<128xi32, #tpu.memory_space<vmem>>
        %dma_wait3A_978 = arith.constant 0 : i32
        %dma_wait3A_979 = arith.constant 0 : i32
        %dma_wait3A_980 = tpu.memref_slice %arg15[%dma_wait3A_978, %dma_wait3A_979] : memref<10240x128xf32, #tpu.memory_space<vmem_shared>> -> memref<10240x128xf32, #tpu.memory_space<vmem_shared>>
        tpu.wait_indirect_dma semaphore(%arg14 : memref<!tpu.dma_semaphore, #tpu.memory_space<semaphore_mem>>) src(%arg10 : memref<128x128xf32, #tpu.memory_space<vmem>>) dst(%dma_wait3A_980 : memref<10240x128xf32, #tpu.memory_space<vmem_shared>>)
      } else {
      }
      %dma_start3A_928 = arith.constant 0 : i32
      %dma_start3A_929 = arith.constant 0 : i32
      %dma_start3A_930 = tpu.memref_slice %arg2[%dma_start3A_928, %dma_start3A_929] : memref<10240x128xf32, #tpu.memory_space<hbm>> -> memref<10240x128xf32, #tpu.memory_space<hbm>>
      tpu.enqueue_indirect_dma source(%dma_start3A_930 : memref<10240x128xf32, #tpu.memory_space<hbm>>) target(%arg10 : memref<128x128xf32, #tpu.memory_space<vmem>>) offsets(%arg6 : memref<128xi32, #tpu.memory_space<vmem>>) semaphore(%arg12 : memref<!tpu.dma_semaphore, #tpu.memory_space<semaphore_mem>>)
      %add3A_931 = arith.constant 2500 : i32
      %add3A_932 = arith.addi %add3A_931, %mul3A_287 : i32
      %add3A_933 = arith.addi %add3A_932, %add3A_919 : i32
      %run_scoped3A_934 = arith.constant 0 : i32
      "tpu.region"() ({
        %run_scoped3A_974 = tpu.sem_alloc : memref<!tpu.dma_semaphore, #tpu.memory_space<semaphore_mem>>
        %dma_start3A_975 = arith.constant 0 : i32
        %dma_start3A_976 = tpu.memref_slice %arg8[%run_scoped3A_934, %dma_start3A_975] : memref<1x128xi32, #tpu.memory_space<vmem>> -> memref<1x128xi32, #tpu.memory_space<vmem>>
        %dma_start3A_977 = tpu.memref_squeeze %dma_start3A_976 : memref<1x128xi32, #tpu.memory_space<vmem>> -> memref<128xi32, #tpu.memory_space<vmem>>
        %dma_start3A_978 = arith.constant 0 : i32
        %dma_start3A_979 = tpu.memref_slice %arg3[%add3A_933, %dma_start3A_978] : memref<5000x128xi32, #tpu.memory_space<hbm>> -> memref<1x128xi32, #tpu.memory_space<hbm>>
        %dma_start3A_980 = tpu.memref_squeeze %dma_start3A_979 : memref<1x128xi32, #tpu.memory_space<hbm>> -> memref<128xi32, #tpu.memory_space<hbm>>
        %dma_start3A_981 = arith.constant 0 : i32
        %dma_start3A_982 = tpu.memref_slice %arg8[%run_scoped3A_934, %dma_start3A_981] : memref<1x128xi32, #tpu.memory_space<vmem>> -> memref<1x128xi32, #tpu.memory_space<vmem>>
        %dma_start3A_983 = tpu.memref_squeeze %dma_start3A_982 : memref<1x128xi32, #tpu.memory_space<vmem>> -> memref<128xi32, #tpu.memory_space<vmem>>
        %dma_start3A_984 = arith.constant 0 : i32
        %dma_start3A_985 = tpu.memref_slice %arg3[%add3A_933, %dma_start3A_984] : memref<5000x128xi32, #tpu.memory_space<hbm>> -> memref<1x128xi32, #tpu.memory_space<hbm>>
        %dma_start3A_986 = tpu.memref_squeeze %dma_start3A_985 : memref<1x128xi32, #tpu.memory_space<hbm>> -> memref<128xi32, #tpu.memory_space<hbm>>
        tpu.enqueue_dma source(%dma_start3A_986 : memref<128xi32, #tpu.memory_space<hbm>>) target(%dma_start3A_983 : memref<128xi32, #tpu.memory_space<vmem>>) target_semaphore(%run_scoped3A_974 : memref<!tpu.dma_semaphore, #tpu.memory_space<semaphore_mem>>)
        %dma_wait3A_987 = arith.constant 0 : i32
        %dma_wait3A_988 = tpu.memref_slice %arg8[%run_scoped3A_934, %dma_wait3A_987] : memref<1x128xi32, #tpu.memory_space<vmem>> -> memref<1x128xi32, #tpu.memory_space<vmem>>
        %dma_wait3A_989 = tpu.memref_squeeze %dma_wait3A_988 : memref<1x128xi32, #tpu.memory_space<vmem>> -> memref<128xi32, #tpu.memory_space<vmem>>
        %dma_wait3A_990 = arith.constant 0 : i32
        %dma_wait3A_991 = tpu.memref_slice %arg3[%add3A_933, %dma_wait3A_990] : memref<5000x128xi32, #tpu.memory_space<hbm>> -> memref<1x128xi32, #tpu.memory_space<hbm>>
        %dma_wait3A_992 = tpu.memref_squeeze %dma_wait3A_991 : memref<1x128xi32, #tpu.memory_space<hbm>> -> memref<128xi32, #tpu.memory_space<hbm>>
        %dma_wait3A_993 = arith.constant 0 : i32
        %dma_wait3A_994 = tpu.memref_slice %arg8[%run_scoped3A_934, %dma_wait3A_993] : memref<1x128xi32, #tpu.memory_space<vmem>> -> memref<1x128xi32, #tpu.memory_space<vmem>>
        %dma_wait3A_995 = tpu.memref_squeeze %dma_wait3A_994 : memref<1x128xi32, #tpu.memory_space<vmem>> -> memref<128xi32, #tpu.memory_space<vmem>>
        %dma_wait3A_996 = arith.constant 0 : i32
        %dma_wait3A_997 = tpu.memref_slice %arg3[%add3A_933, %dma_wait3A_996] : memref<5000x128xi32, #tpu.memory_space<hbm>> -> memref<1x128xi32, #tpu.memory_space<hbm>>
        %dma_wait3A_998 = tpu.memref_squeeze %dma_wait3A_997 : memref<1x128xi32, #tpu.memory_space<hbm>> -> memref<128xi32, #tpu.memory_space<hbm>>
        tpu.wait_dma2 semaphore(%run_scoped3A_974 : memref<!tpu.dma_semaphore, #tpu.memory_space<semaphore_mem>>) src(%dma_wait3A_998 : memref<128xi32, #tpu.memory_space<hbm>>) dst(%dma_wait3A_995 : memref<128xi32, #tpu.memory_space<vmem>>)
        tpu.yield
      }) : () -> ()
      %dma_start3A_935 = arith.constant 0 : i32
      %dma_start3A_936 = arith.constant 0 : i32
      %dma_start3A_937 = tpu.memref_slice %arg7[%dma_start3A_935, %dma_start3A_936] : memref<1x128xi32, #tpu.memory_space<vmem>> -> memref<1x128xi32, #tpu.memory_space<vmem>>
      %dma_start3A_938 = tpu.memref_squeeze %dma_start3A_937 : memref<1x128xi32, #tpu.memory_space<vmem>> -> memref<128xi32, #tpu.memory_space<vmem>>
      %dma_start3A_939 = arith.constant 0 : i32
      %dma_start3A_940 = arith.constant 0 : i32
      %dma_start3A_941 = tpu.memref_slice %arg15[%dma_start3A_939, %dma_start3A_940] : memref<10240x128xf32, #tpu.memory_space<vmem_shared>> -> memref<10240x128xf32, #tpu.memory_space<vmem_shared>>
      tpu.enqueue_indirect_dma source(%arg9 : memref<128x128xf32, #tpu.memory_space<vmem>>) target(%dma_start3A_941 : memref<10240x128xf32, #tpu.memory_space<vmem_shared>>) offsets(%dma_start3A_938 : memref<128xi32, #tpu.memory_space<vmem>>) semaphore(%arg13 : memref<!tpu.dma_semaphore, #tpu.memory_space<semaphore_mem>>) {add = true}
      %add3A_942 = arith.constant 2 : i32
      %add3A_943 = arith.addi %mul3A_917, %add3A_942 : i32
      %lt3A_944 = arith.constant 78 : i32
      %lt3A_945 = arith.cmpi slt, %add3A_943, %lt3A_944 : i32
      %convert_element_type3A_946 = arith.extui %lt3A_945 : i1 to i32
      %cond3A_947 = arith.constant 0 : i32
      %cond3A_948 = arith.cmpi ne, %convert_element_type3A_946, %cond3A_947 : i32
      scf.if %cond3A_948 {
        %add3A_974 = arith.constant 2 : i32
        %add3A_975 = arith.addi %mul3A_917, %add3A_974 : i32
        %add3A_976 = arith.addi %mul3A_287, %add3A_975 : i32
        "tpu.region"() ({
          %run_scoped3A_977 = tpu.sem_alloc : memref<!tpu.dma_semaphore, #tpu.memory_space<semaphore_mem>>
          %dma_start3A_978 = arith.constant 0 : i32
          %dma_start3A_979 = tpu.memref_slice %arg3[%add3A_976, %dma_start3A_978] : memref<5000x128xi32, #tpu.memory_space<hbm>> -> memref<1x128xi32, #tpu.memory_space<hbm>>
          %dma_start3A_980 = tpu.memref_squeeze %dma_start3A_979 : memref<1x128xi32, #tpu.memory_space<hbm>> -> memref<128xi32, #tpu.memory_space<hbm>>
          %dma_start3A_981 = arith.constant 0 : i32
          %dma_start3A_982 = tpu.memref_slice %arg3[%add3A_976, %dma_start3A_981] : memref<5000x128xi32, #tpu.memory_space<hbm>> -> memref<1x128xi32, #tpu.memory_space<hbm>>
          %dma_start3A_983 = tpu.memref_squeeze %dma_start3A_982 : memref<1x128xi32, #tpu.memory_space<hbm>> -> memref<128xi32, #tpu.memory_space<hbm>>
          tpu.enqueue_dma source(%dma_start3A_983 : memref<128xi32, #tpu.memory_space<hbm>>) target(%arg5 : memref<128xi32, #tpu.memory_space<vmem>>) target_semaphore(%run_scoped3A_977 : memref<!tpu.dma_semaphore, #tpu.memory_space<semaphore_mem>>)
          %dma_wait3A_984 = arith.constant 0 : i32
          %dma_wait3A_985 = tpu.memref_slice %arg3[%add3A_976, %dma_wait3A_984] : memref<5000x128xi32, #tpu.memory_space<hbm>> -> memref<1x128xi32, #tpu.memory_space<hbm>>
          %dma_wait3A_986 = tpu.memref_squeeze %dma_wait3A_985 : memref<1x128xi32, #tpu.memory_space<hbm>> -> memref<128xi32, #tpu.memory_space<hbm>>
          %dma_wait3A_987 = arith.constant 0 : i32
          %dma_wait3A_988 = tpu.memref_slice %arg3[%add3A_976, %dma_wait3A_987] : memref<5000x128xi32, #tpu.memory_space<hbm>> -> memref<1x128xi32, #tpu.memory_space<hbm>>
          %dma_wait3A_989 = tpu.memref_squeeze %dma_wait3A_988 : memref<1x128xi32, #tpu.memory_space<hbm>> -> memref<128xi32, #tpu.memory_space<hbm>>
          tpu.wait_dma2 semaphore(%run_scoped3A_977 : memref<!tpu.dma_semaphore, #tpu.memory_space<semaphore_mem>>) src(%dma_wait3A_989 : memref<128xi32, #tpu.memory_space<hbm>>) dst(%arg5 : memref<128xi32, #tpu.memory_space<vmem>>)
          tpu.yield
        }) : () -> ()
      } else {
      }
      %dma_wait3A_949 = arith.constant 0 : i32
      %dma_wait3A_950 = arith.constant 0 : i32
      %dma_wait3A_951 = tpu.memref_slice %arg2[%dma_wait3A_949, %dma_wait3A_950] : memref<10240x128xf32, #tpu.memory_space<hbm>> -> memref<10240x128xf32, #tpu.memory_space<hbm>>
      tpu.wait_indirect_dma semaphore(%arg12 : memref<!tpu.dma_semaphore, #tpu.memory_space<semaphore_mem>>) src(%dma_wait3A_951 : memref<10240x128xf32, #tpu.memory_space<hbm>>) dst(%arg10 : memref<128x128xf32, #tpu.memory_space<vmem>>)
      %dma_wait3A_952 = arith.constant 0 : i32
      %dma_wait3A_953 = arith.constant 0 : i32
      %dma_wait3A_954 = tpu.memref_slice %arg7[%dma_wait3A_952, %dma_wait3A_953] : memref<1x128xi32, #tpu.memory_space<vmem>> -> memref<1x128xi32, #tpu.memory_space<vmem>>
      %dma_wait3A_955 = tpu.memref_squeeze %dma_wait3A_954 : memref<1x128xi32, #tpu.memory_space<vmem>> -> memref<128xi32, #tpu.memory_space<vmem>>
      %dma_wait3A_956 = arith.constant 0 : i32
      %dma_wait3A_957 = arith.constant 0 : i32
      %dma_wait3A_958 = tpu.memref_slice %arg15[%dma_wait3A_956, %dma_wait3A_957] : memref<10240x128xf32, #tpu.memory_space<vmem_shared>> -> memref<10240x128xf32, #tpu.memory_space<vmem_shared>>
      tpu.wait_indirect_dma semaphore(%arg13 : memref<!tpu.dma_semaphore, #tpu.memory_space<semaphore_mem>>) src(%arg9 : memref<128x128xf32, #tpu.memory_space<vmem>>) dst(%dma_wait3A_958 : memref<10240x128xf32, #tpu.memory_space<vmem_shared>>)
      %add3A_959 = arith.constant 2 : i32
      %add3A_960 = arith.addi %mul3A_917, %add3A_959 : i32
      %lt3A_961 = arith.constant 78 : i32
      %lt3A_962 = arith.cmpi slt, %add3A_960, %lt3A_961 : i32
      %convert_element_type3A_963 = arith.extui %lt3A_962 : i1 to i32
      %cond3A_964 = arith.constant 0 : i32
      %cond3A_965 = arith.cmpi ne, %convert_element_type3A_963, %cond3A_964 : i32
      scf.if %cond3A_965 {
        %dma_start3A_974 = arith.constant 0 : i32
        %dma_start3A_975 = arith.constant 0 : i32
        %dma_start3A_976 = tpu.memref_slice %arg2[%dma_start3A_974, %dma_start3A_975] : memref<10240x128xf32, #tpu.memory_space<hbm>> -> memref<10240x128xf32, #tpu.memory_space<hbm>>
        tpu.enqueue_indirect_dma source(%dma_start3A_976 : memref<10240x128xf32, #tpu.memory_space<hbm>>) target(%arg9 : memref<128x128xf32, #tpu.memory_space<vmem>>) offsets(%arg5 : memref<128xi32, #tpu.memory_space<vmem>>) semaphore(%arg11 : memref<!tpu.dma_semaphore, #tpu.memory_space<semaphore_mem>>)
        %add3A_977 = arith.constant 2 : i32
        %add3A_978 = arith.addi %mul3A_917, %add3A_977 : i32
        %add3A_979 = arith.constant 2500 : i32
        %add3A_980 = arith.addi %add3A_979, %mul3A_287 : i32
        %add3A_981 = arith.addi %add3A_980, %add3A_978 : i32
        %run_scoped3A_982 = arith.constant 0 : i32
        "tpu.region"() ({
          %run_scoped3A_983 = tpu.sem_alloc : memref<!tpu.dma_semaphore, #tpu.memory_space<semaphore_mem>>
          %dma_start3A_984 = arith.constant 0 : i32
          %dma_start3A_985 = tpu.memref_slice %arg7[%run_scoped3A_982, %dma_start3A_984] : memref<1x128xi32, #tpu.memory_space<vmem>> -> memref<1x128xi32, #tpu.memory_space<vmem>>
          %dma_start3A_986 = tpu.memref_squeeze %dma_start3A_985 : memref<1x128xi32, #tpu.memory_space<vmem>> -> memref<128xi32, #tpu.memory_space<vmem>>
          %dma_start3A_987 = arith.constant 0 : i32
          %dma_start3A_988 = tpu.memref_slice %arg3[%add3A_981, %dma_start3A_987] : memref<5000x128xi32, #tpu.memory_space<hbm>> -> memref<1x128xi32, #tpu.memory_space<hbm>>
          %dma_start3A_989 = tpu.memref_squeeze %dma_start3A_988 : memref<1x128xi32, #tpu.memory_space<hbm>> -> memref<128xi32, #tpu.memory_space<hbm>>
          %dma_start3A_990 = arith.constant 0 : i32
          %dma_start3A_991 = tpu.memref_slice %arg7[%run_scoped3A_982, %dma_start3A_990] : memref<1x128xi32, #tpu.memory_space<vmem>> -> memref<1x128xi32, #tpu.memory_space<vmem>>
          %dma_start3A_992 = tpu.memref_squeeze %dma_start3A_991 : memref<1x128xi32, #tpu.memory_space<vmem>> -> memref<128xi32, #tpu.memory_space<vmem>>
          %dma_start3A_993 = arith.constant 0 : i32
          %dma_start3A_994 = tpu.memref_slice %arg3[%add3A_981, %dma_start3A_993] : memref<5000x128xi32, #tpu.memory_space<hbm>> -> memref<1x128xi32, #tpu.memory_space<hbm>>
          %dma_start3A_995 = tpu.memref_squeeze %dma_start3A_994 : memref<1x128xi32, #tpu.memory_space<hbm>> -> memref<128xi32, #tpu.memory_space<hbm>>
          tpu.enqueue_dma source(%dma_start3A_995 : memref<128xi32, #tpu.memory_space<hbm>>) target(%dma_start3A_992 : memref<128xi32, #tpu.memory_space<vmem>>) target_semaphore(%run_scoped3A_983 : memref<!tpu.dma_semaphore, #tpu.memory_space<semaphore_mem>>)
          %dma_wait3A_996 = arith.constant 0 : i32
          %dma_wait3A_997 = tpu.memref_slice %arg7[%run_scoped3A_982, %dma_wait3A_996] : memref<1x128xi32, #tpu.memory_space<vmem>> -> memref<1x128xi32, #tpu.memory_space<vmem>>
          %dma_wait3A_998 = tpu.memref_squeeze %dma_wait3A_997 : memref<1x128xi32, #tpu.memory_space<vmem>> -> memref<128xi32, #tpu.memory_space<vmem>>
          %dma_wait3A_999 = arith.constant 0 : i32
          %dma_wait3A_1000 = tpu.memref_slice %arg3[%add3A_981, %dma_wait3A_999] : memref<5000x128xi32, #tpu.memory_space<hbm>> -> memref<1x128xi32, #tpu.memory_space<hbm>>
          %dma_wait3A_1001 = tpu.memref_squeeze %dma_wait3A_1000 : memref<1x128xi32, #tpu.memory_space<hbm>> -> memref<128xi32, #tpu.memory_space<hbm>>
          %dma_wait3A_1002 = arith.constant 0 : i32
          %dma_wait3A_1003 = tpu.memref_slice %arg7[%run_scoped3A_982, %dma_wait3A_1002] : memref<1x128xi32, #tpu.memory_space<vmem>> -> memref<1x128xi32, #tpu.memory_space<vmem>>
          %dma_wait3A_1004 = tpu.memref_squeeze %dma_wait3A_1003 : memref<1x128xi32, #tpu.memory_space<vmem>> -> memref<128xi32, #tpu.memory_space<vmem>>
          %dma_wait3A_1005 = arith.constant 0 : i32
          %dma_wait3A_1006 = tpu.memref_slice %arg3[%add3A_981, %dma_wait3A_1005] : memref<5000x128xi32, #tpu.memory_space<hbm>> -> memref<1x128xi32, #tpu.memory_space<hbm>>
          %dma_wait3A_1007 = tpu.memref_squeeze %dma_wait3A_1006 : memref<1x128xi32, #tpu.memory_space<hbm>> -> memref<128xi32, #tpu.memory_space<hbm>>
          tpu.wait_dma2 semaphore(%run_scoped3A_983 : memref<!tpu.dma_semaphore, #tpu.memory_space<semaphore_mem>>) src(%dma_wait3A_1007 : memref<128xi32, #tpu.memory_space<hbm>>) dst(%dma_wait3A_1004 : memref<128xi32, #tpu.memory_space<vmem>>)
          tpu.yield
        }) : () -> ()
      } else {
      }
      %dma_start3A_966 = arith.constant 0 : i32
      %dma_start3A_967 = arith.constant 0 : i32
      %dma_start3A_968 = tpu.memref_slice %arg8[%dma_start3A_966, %dma_start3A_967] : memref<1x128xi32, #tpu.memory_space<vmem>> -> memref<1x128xi32, #tpu.memory_space<vmem>>
      %dma_start3A_969 = tpu.memref_squeeze %dma_start3A_968 : memref<1x128xi32, #tpu.memory_space<vmem>> -> memref<128xi32, #tpu.memory_space<vmem>>
      %dma_start3A_970 = arith.constant 0 : i32
      %dma_start3A_971 = arith.constant 0 : i32
      %dma_start3A_972 = tpu.memref_slice %arg15[%dma_start3A_970, %dma_start3A_971] : memref<10240x128xf32, #tpu.memory_space<vmem_shared>> -> memref<10240x128xf32, #tpu.memory_space<vmem_shared>>
      tpu.enqueue_indirect_dma source(%arg10 : memref<128x128xf32, #tpu.memory_space<vmem>>) target(%dma_start3A_972 : memref<10240x128xf32, #tpu.memory_space<vmem_shared>>) offsets(%dma_start3A_969 : memref<128xi32, #tpu.memory_space<vmem>>) semaphore(%arg14 : memref<!tpu.dma_semaphore, #tpu.memory_space<semaphore_mem>>) {add = true}
      %scan3A_973 = arith.constant 0 : i32
      scf.yield %scan3A_973 : i32
    }
    %scan3A_303 = arith.constant 39 : i32
    %dma_wait3A_304 = arith.constant 0 : i32
    %dma_wait3A_305 = arith.constant 0 : i32
    %dma_wait3A_306 = tpu.memref_slice %arg8[%dma_wait3A_304, %dma_wait3A_305] : memref<1x128xi32, #tpu.memory_space<vmem>> -> memref<1x128xi32, #tpu.memory_space<vmem>>
    %dma_wait3A_307 = tpu.memref_squeeze %dma_wait3A_306 : memref<1x128xi32, #tpu.memory_space<vmem>> -> memref<128xi32, #tpu.memory_space<vmem>>
    %dma_wait3A_308 = arith.constant 0 : i32
    %dma_wait3A_309 = arith.constant 0 : i32
    %dma_wait3A_310 = tpu.memref_slice %arg15[%dma_wait3A_308, %dma_wait3A_309] : memref<10240x128xf32, #tpu.memory_space<vmem_shared>> -> memref<10240x128xf32, #tpu.memory_space<vmem_shared>>
    tpu.wait_indirect_dma semaphore(%arg14 : memref<!tpu.dma_semaphore, #tpu.memory_space<semaphore_mem>>) src(%arg10 : memref<128x128xf32, #tpu.memory_space<vmem>>) dst(%dma_wait3A_310 : memref<10240x128xf32, #tpu.memory_space<vmem_shared>>)
    %lt3A = arith.constant 4 : i32
    %lt3A_311 = arith.cmpi slt, %add3A, %lt3A : i32
    %convert_element_type3A = arith.extui %lt3A_311 : i1 to i32
    %cond3A = arith.constant 0 : i32
    %cond3A_312 = arith.cmpi ne, %convert_element_type3A, %cond3A : i32
    scf.if %cond3A_312 {
      %add3A_914 = arith.constant 2496 : i32
      %add3A_915 = arith.addi %add3A_914, %add3A : i32
      "tpu.region"() ({
        %run_scoped3A_920 = tpu.sem_alloc : memref<!tpu.dma_semaphore, #tpu.memory_space<semaphore_mem>>
        %dma_start3A_921 = arith.constant 0 : i32
        %dma_start3A_922 = tpu.memref_slice %arg3[%add3A_915, %dma_start3A_921] : memref<5000x128xi32, #tpu.memory_space<hbm>> -> memref<1x128xi32, #tpu.memory_space<hbm>>
        %dma_start3A_923 = tpu.memref_squeeze %dma_start3A_922 : memref<1x128xi32, #tpu.memory_space<hbm>> -> memref<128xi32, #tpu.memory_space<hbm>>
        %dma_start3A_924 = arith.constant 0 : i32
        %dma_start3A_925 = tpu.memref_slice %arg3[%add3A_915, %dma_start3A_924] : memref<5000x128xi32, #tpu.memory_space<hbm>> -> memref<1x128xi32, #tpu.memory_space<hbm>>
        %dma_start3A_926 = tpu.memref_squeeze %dma_start3A_925 : memref<1x128xi32, #tpu.memory_space<hbm>> -> memref<128xi32, #tpu.memory_space<hbm>>
        tpu.enqueue_dma source(%dma_start3A_926 : memref<128xi32, #tpu.memory_space<hbm>>) target(%arg5 : memref<128xi32, #tpu.memory_space<vmem>>) target_semaphore(%run_scoped3A_920 : memref<!tpu.dma_semaphore, #tpu.memory_space<semaphore_mem>>)
        %dma_wait3A_927 = arith.constant 0 : i32
        %dma_wait3A_928 = tpu.memref_slice %arg3[%add3A_915, %dma_wait3A_927] : memref<5000x128xi32, #tpu.memory_space<hbm>> -> memref<1x128xi32, #tpu.memory_space<hbm>>
        %dma_wait3A_929 = tpu.memref_squeeze %dma_wait3A_928 : memref<1x128xi32, #tpu.memory_space<hbm>> -> memref<128xi32, #tpu.memory_space<hbm>>
        %dma_wait3A_930 = arith.constant 0 : i32
        %dma_wait3A_931 = tpu.memref_slice %arg3[%add3A_915, %dma_wait3A_930] : memref<5000x128xi32, #tpu.memory_space<hbm>> -> memref<1x128xi32, #tpu.memory_space<hbm>>
        %dma_wait3A_932 = tpu.memref_squeeze %dma_wait3A_931 : memref<1x128xi32, #tpu.memory_space<hbm>> -> memref<128xi32, #tpu.memory_space<hbm>>
        tpu.wait_dma2 semaphore(%run_scoped3A_920 : memref<!tpu.dma_semaphore, #tpu.memory_space<semaphore_mem>>) src(%dma_wait3A_932 : memref<128xi32, #tpu.memory_space<hbm>>) dst(%arg5 : memref<128xi32, #tpu.memory_space<vmem>>)
        tpu.yield
      }) : () -> ()
      %add3A_916 = arith.constant 2500 : i32
      %add3A_917 = arith.addi %add3A_916, %add3A_915 : i32
      %run_scoped3A_918 = arith.constant 0 : i32
      "tpu.region"() ({
        %run_scoped3A_920 = tpu.sem_alloc : memref<!tpu.dma_semaphore, #tpu.memory_space<semaphore_mem>>
        %dma_start3A_921 = arith.constant 0 : i32
        %dma_start3A_922 = tpu.memref_slice %arg7[%run_scoped3A_918, %dma_start3A_921] : memref<1x128xi32, #tpu.memory_space<vmem>> -> memref<1x128xi32, #tpu.memory_space<vmem>>
        %dma_start3A_923 = tpu.memref_squeeze %dma_start3A_922 : memref<1x128xi32, #tpu.memory_space<vmem>> -> memref<128xi32, #tpu.memory_space<vmem>>
        %dma_start3A_924 = arith.constant 0 : i32
        %dma_start3A_925 = tpu.memref_slice %arg3[%add3A_917, %dma_start3A_924] : memref<5000x128xi32, #tpu.memory_space<hbm>> -> memref<1x128xi32, #tpu.memory_space<hbm>>
        %dma_start3A_926 = tpu.memref_squeeze %dma_start3A_925 : memref<1x128xi32, #tpu.memory_space<hbm>> -> memref<128xi32, #tpu.memory_space<hbm>>
        %dma_start3A_927 = arith.constant 0 : i32
        %dma_start3A_928 = tpu.memref_slice %arg7[%run_scoped3A_918, %dma_start3A_927] : memref<1x128xi32, #tpu.memory_space<vmem>> -> memref<1x128xi32, #tpu.memory_space<vmem>>
        %dma_start3A_929 = tpu.memref_squeeze %dma_start3A_928 : memref<1x128xi32, #tpu.memory_space<vmem>> -> memref<128xi32, #tpu.memory_space<vmem>>
        %dma_start3A_930 = arith.constant 0 : i32
        %dma_start3A_931 = tpu.memref_slice %arg3[%add3A_917, %dma_start3A_930] : memref<5000x128xi32, #tpu.memory_space<hbm>> -> memref<1x128xi32, #tpu.memory_space<hbm>>
        %dma_start3A_932 = tpu.memref_squeeze %dma_start3A_931 : memref<1x128xi32, #tpu.memory_space<hbm>> -> memref<128xi32, #tpu.memory_space<hbm>>
        tpu.enqueue_dma source(%dma_start3A_932 : memref<128xi32, #tpu.memory_space<hbm>>) target(%dma_start3A_929 : memref<128xi32, #tpu.memory_space<vmem>>) target_semaphore(%run_scoped3A_920 : memref<!tpu.dma_semaphore, #tpu.memory_space<semaphore_mem>>)
        %dma_wait3A_933 = arith.constant 0 : i32
        %dma_wait3A_934 = tpu.memref_slice %arg7[%run_scoped3A_918, %dma_wait3A_933] : memref<1x128xi32, #tpu.memory_space<vmem>> -> memref<1x128xi32, #tpu.memory_space<vmem>>
        %dma_wait3A_935 = tpu.memref_squeeze %dma_wait3A_934 : memref<1x128xi32, #tpu.memory_space<vmem>> -> memref<128xi32, #tpu.memory_space<vmem>>
        %dma_wait3A_936 = arith.constant 0 : i32
        %dma_wait3A_937 = tpu.memref_slice %arg3[%add3A_917, %dma_wait3A_936] : memref<5000x128xi32, #tpu.memory_space<hbm>> -> memref<1x128xi32, #tpu.memory_space<hbm>>
        %dma_wait3A_938 = tpu.memref_squeeze %dma_wait3A_937 : memref<1x128xi32, #tpu.memory_space<hbm>> -> memref<128xi32, #tpu.memory_space<hbm>>
        %dma_wait3A_939 = arith.constant 0 : i32
        %dma_wait3A_940 = tpu.memref_slice %arg7[%run_scoped3A_918, %dma_wait3A_939] : memref<1x128xi32, #tpu.memory_space<vmem>> -> memref<1x128xi32, #tpu.memory_space<vmem>>
        %dma_wait3A_941 = tpu.memref_squeeze %dma_wait3A_940 : memref<1x128xi32, #tpu.memory_space<vmem>> -> memref<128xi32, #tpu.memory_space<vmem>>
        %dma_wait3A_942 = arith.constant 0 : i32
        %dma_wait3A_943 = tpu.memref_slice %arg3[%add3A_917, %dma_wait3A_942] : memref<5000x128xi32, #tpu.memory_space<hbm>> -> memref<1x128xi32, #tpu.memory_space<hbm>>
        %dma_wait3A_944 = tpu.memref_squeeze %dma_wait3A_943 : memref<1x128xi32, #tpu.memory_space<hbm>> -> memref<128xi32, #tpu.memory_space<hbm>>
        tpu.wait_dma2 semaphore(%run_scoped3A_920 : memref<!tpu.dma_semaphore, #tpu.memory_space<semaphore_mem>>) src(%dma_wait3A_944 : memref<128xi32, #tpu.memory_space<hbm>>) dst(%dma_wait3A_941 : memref<128xi32, #tpu.memory_space<vmem>>)
        tpu.yield
      }) : () -> ()
      "tpu.region"() ({
        %run_scoped3A_920 = tpu.sem_alloc : memref<!tpu.dma_semaphore, #tpu.memory_space<semaphore_mem>>
        %dma_start3A_921 = arith.constant 0 : i32
        %dma_start3A_922 = arith.constant 0 : i32
        %dma_start3A_923 = tpu.memref_slice %arg2[%dma_start3A_921, %dma_start3A_922] : memref<10240x128xf32, #tpu.memory_space<hbm>> -> memref<10240x128xf32, #tpu.memory_space<hbm>>
        tpu.enqueue_indirect_dma source(%dma_start3A_923 : memref<10240x128xf32, #tpu.memory_space<hbm>>) target(%arg9 : memref<128x128xf32, #tpu.memory_space<vmem>>) offsets(%arg5 : memref<128xi32, #tpu.memory_space<vmem>>) semaphore(%run_scoped3A_920 : memref<!tpu.dma_semaphore, #tpu.memory_space<semaphore_mem>>)
        %dma_wait3A_924 = arith.constant 0 : i32
        %dma_wait3A_925 = arith.constant 0 : i32
        %dma_wait3A_926 = tpu.memref_slice %arg2[%dma_wait3A_924, %dma_wait3A_925] : memref<10240x128xf32, #tpu.memory_space<hbm>> -> memref<10240x128xf32, #tpu.memory_space<hbm>>
        tpu.wait_indirect_dma semaphore(%run_scoped3A_920 : memref<!tpu.dma_semaphore, #tpu.memory_space<semaphore_mem>>) src(%dma_wait3A_926 : memref<10240x128xf32, #tpu.memory_space<hbm>>) dst(%arg9 : memref<128x128xf32, #tpu.memory_space<vmem>>)
        tpu.yield
      }) : () -> ()
      %run_scoped3A_919 = arith.constant 0 : i32
      "tpu.region"() ({
        %run_scoped3A_920 = tpu.sem_alloc : memref<!tpu.dma_semaphore, #tpu.memory_space<semaphore_mem>>
        %dma_start3A_921 = arith.constant 0 : i32
        %dma_start3A_922 = tpu.memref_slice %arg7[%run_scoped3A_919, %dma_start3A_921] : memref<1x128xi32, #tpu.memory_space<vmem>> -> memref<1x128xi32, #tpu.memory_space<vmem>>
        %dma_start3A_923 = tpu.memref_squeeze %dma_start3A_922 : memref<1x128xi32, #tpu.memory_space<vmem>> -> memref<128xi32, #tpu.memory_space<vmem>>
        %dma_start3A_924 = arith.constant 0 : i32
        %dma_start3A_925 = arith.constant 0 : i32
        %dma_start3A_926 = tpu.memref_slice %arg15[%dma_start3A_924, %dma_start3A_925] : memref<10240x128xf32, #tpu.memory_space<vmem_shared>> -> memref<10240x128xf32, #tpu.memory_space<vmem_shared>>
        tpu.enqueue_indirect_dma source(%arg9 : memref<128x128xf32, #tpu.memory_space<vmem>>) target(%dma_start3A_926 : memref<10240x128xf32, #tpu.memory_space<vmem_shared>>) offsets(%dma_start3A_923 : memref<128xi32, #tpu.memory_space<vmem>>) semaphore(%run_scoped3A_920 : memref<!tpu.dma_semaphore, #tpu.memory_space<semaphore_mem>>) {add = true}
        %dma_wait3A_927 = arith.constant 0 : i32
        %dma_wait3A_928 = tpu.memref_slice %arg7[%run_scoped3A_919, %dma_wait3A_927] : memref<1x128xi32, #tpu.memory_space<vmem>> -> memref<1x128xi32, #tpu.memory_space<vmem>>
        %dma_wait3A_929 = tpu.memref_squeeze %dma_wait3A_928 : memref<1x128xi32, #tpu.memory_space<vmem>> -> memref<128xi32, #tpu.memory_space<vmem>>
        %dma_wait3A_930 = arith.constant 0 : i32
        %dma_wait3A_931 = arith.constant 0 : i32
        %dma_wait3A_932 = tpu.memref_slice %arg15[%dma_wait3A_930, %dma_wait3A_931] : memref<10240x128xf32, #tpu.memory_space<vmem_shared>> -> memref<10240x128xf32, #tpu.memory_space<vmem_shared>>
        tpu.wait_indirect_dma semaphore(%run_scoped3A_920 : memref<!tpu.dma_semaphore, #tpu.memory_space<semaphore_mem>>) src(%arg9 : memref<128x128xf32, #tpu.memory_space<vmem>>) dst(%dma_wait3A_932 : memref<10240x128xf32, #tpu.memory_space<vmem_shared>>)
        tpu.yield
      }) : () -> ()
    } else {
    }
    %barrier3A_313 = arith.constant 0 : index
    tpu.barrier barrier_id(%barrier3A_313)
    %mul3A_314 = arith.constant 640 : i32
    %mul3A_315 = arith.muli %arg1, %mul3A_314 : i32
    %add3A_316 = arith.constant 0 : i32
    %add3A_317 = arith.addi %mul3A_315, %add3A_316 : i32
    %dma_start3A_318 = arith.constant 0 : i32
    %dma_start3A_319 = arith.constant 0 : i32
    %dma_start3A_320 = tpu.memref_slice %arg9[%dma_start3A_318, %dma_start3A_319] : memref<128x128xf32, #tpu.memory_space<vmem>> -> memref<64x128xf32, #tpu.memory_space<vmem>>
    %dma_start3A_321 = arith.constant 0 : i32
    %dma_start3A_322 = tpu.memref_slice %arg15[%add3A_317, %dma_start3A_321] : memref<10240x128xf32, #tpu.memory_space<vmem_shared>> -> memref<64x128xf32, #tpu.memory_space<vmem_shared>>
    %dma_start3A_323 = arith.constant 0 : i32
    %dma_start3A_324 = arith.constant 0 : i32
    %dma_start3A_325 = tpu.memref_slice %arg9[%dma_start3A_323, %dma_start3A_324] : memref<128x128xf32, #tpu.memory_space<vmem>> -> memref<64x128xf32, #tpu.memory_space<vmem>>
    %dma_start3A_326 = arith.constant 0 : i32
    %dma_start3A_327 = tpu.memref_slice %arg15[%add3A_317, %dma_start3A_326] : memref<10240x128xf32, #tpu.memory_space<vmem_shared>> -> memref<64x128xf32, #tpu.memory_space<vmem_shared>>
    tpu.enqueue_dma source(%dma_start3A_327 : memref<64x128xf32, #tpu.memory_space<vmem_shared>>) target(%dma_start3A_325 : memref<64x128xf32, #tpu.memory_space<vmem>>) target_semaphore(%arg11 : memref<!tpu.dma_semaphore, #tpu.memory_space<semaphore_mem>>)
    %mul3A_328 = arith.constant 640 : i32
    %mul3A_329 = arith.muli %arg1, %mul3A_328 : i32
    %add3A_330 = arith.constant 64 : i32
    %add3A_331 = arith.addi %mul3A_329, %add3A_330 : i32
    %dma_start3A_332 = arith.constant 0 : i32
    %dma_start3A_333 = arith.constant 0 : i32
    %dma_start3A_334 = tpu.memref_slice %arg10[%dma_start3A_332, %dma_start3A_333] : memref<128x128xf32, #tpu.memory_space<vmem>> -> memref<64x128xf32, #tpu.memory_space<vmem>>
    %dma_start3A_335 = arith.constant 0 : i32
    %dma_start3A_336 = tpu.memref_slice %arg15[%add3A_331, %dma_start3A_335] : memref<10240x128xf32, #tpu.memory_space<vmem_shared>> -> memref<64x128xf32, #tpu.memory_space<vmem_shared>>
    %dma_start3A_337 = arith.constant 0 : i32
    %dma_start3A_338 = arith.constant 0 : i32
    %dma_start3A_339 = tpu.memref_slice %arg10[%dma_start3A_337, %dma_start3A_338] : memref<128x128xf32, #tpu.memory_space<vmem>> -> memref<64x128xf32, #tpu.memory_space<vmem>>
    %dma_start3A_340 = arith.constant 0 : i32
    %dma_start3A_341 = tpu.memref_slice %arg15[%add3A_331, %dma_start3A_340] : memref<10240x128xf32, #tpu.memory_space<vmem_shared>> -> memref<64x128xf32, #tpu.memory_space<vmem_shared>>
    tpu.enqueue_dma source(%dma_start3A_341 : memref<64x128xf32, #tpu.memory_space<vmem_shared>>) target(%dma_start3A_339 : memref<64x128xf32, #tpu.memory_space<vmem>>) target_semaphore(%arg12 : memref<!tpu.dma_semaphore, #tpu.memory_space<semaphore_mem>>)
    %mul3A_342 = arith.constant 640 : i32
    %mul3A_343 = arith.muli %arg1, %mul3A_342 : i32
    %add3A_344 = arith.constant 0 : i32
    %add3A_345 = arith.addi %mul3A_343, %add3A_344 : i32
    %dma_wait3A_346 = arith.constant 0 : i32
    %dma_wait3A_347 = arith.constant 0 : i32
    %dma_wait3A_348 = tpu.memref_slice %arg9[%dma_wait3A_346, %dma_wait3A_347] : memref<128x128xf32, #tpu.memory_space<vmem>> -> memref<64x128xf32, #tpu.memory_space<vmem>>
    %dma_wait3A_349 = arith.constant 0 : i32
    %dma_wait3A_350 = tpu.memref_slice %arg15[%add3A_345, %dma_wait3A_349] : memref<10240x128xf32, #tpu.memory_space<vmem_shared>> -> memref<64x128xf32, #tpu.memory_space<vmem_shared>>
    %dma_wait3A_351 = arith.constant 0 : i32
    %dma_wait3A_352 = arith.constant 0 : i32
    %dma_wait3A_353 = tpu.memref_slice %arg9[%dma_wait3A_351, %dma_wait3A_352] : memref<128x128xf32, #tpu.memory_space<vmem>> -> memref<64x128xf32, #tpu.memory_space<vmem>>
    %dma_wait3A_354 = arith.constant 0 : i32
    %dma_wait3A_355 = tpu.memref_slice %arg15[%add3A_345, %dma_wait3A_354] : memref<10240x128xf32, #tpu.memory_space<vmem_shared>> -> memref<64x128xf32, #tpu.memory_space<vmem_shared>>
    tpu.wait_dma2 semaphore(%arg11 : memref<!tpu.dma_semaphore, #tpu.memory_space<semaphore_mem>>) src(%dma_wait3A_355 : memref<64x128xf32, #tpu.memory_space<vmem_shared>>) dst(%dma_wait3A_353 : memref<64x128xf32, #tpu.memory_space<vmem>>)
    %mul3A_356 = arith.constant 640 : i32
    %mul3A_357 = arith.muli %arg1, %mul3A_356 : i32
    %add3A_358 = arith.constant 0 : i32
    %add3A_359 = arith.addi %mul3A_357, %add3A_358 : i32
    %dma_start3A_360 = arith.constant 0 : i32
    %dma_start3A_361 = arith.constant 0 : i32
    %dma_start3A_362 = tpu.memref_slice %arg9[%dma_start3A_360, %dma_start3A_361] : memref<128x128xf32, #tpu.memory_space<vmem>> -> memref<64x128xf32, #tpu.memory_space<vmem>>
    %dma_start3A_363 = arith.constant 0 : i32
    %dma_start3A_364 = tpu.memref_slice %arg4[%arg0, %add3A_359, %dma_start3A_363] : memref<2x10240x128xf32, #tpu.memory_space<hbm>> -> memref<1x64x128xf32, #tpu.memory_space<hbm>>
    %dma_start3A_365 = tpu.memref_squeeze %dma_start3A_364 : memref<1x64x128xf32, #tpu.memory_space<hbm>> -> memref<64x128xf32, #tpu.memory_space<hbm>>
    %dma_start3A_366 = arith.constant 0 : i32
    %dma_start3A_367 = tpu.memref_slice %arg4[%arg0, %add3A_359, %dma_start3A_366] : memref<2x10240x128xf32, #tpu.memory_space<hbm>> -> memref<1x64x128xf32, #tpu.memory_space<hbm>>
    %dma_start3A_368 = tpu.memref_squeeze %dma_start3A_367 : memref<1x64x128xf32, #tpu.memory_space<hbm>> -> memref<64x128xf32, #tpu.memory_space<hbm>>
    %dma_start3A_369 = arith.constant 0 : i32
    %dma_start3A_370 = arith.constant 0 : i32
    %dma_start3A_371 = tpu.memref_slice %arg9[%dma_start3A_369, %dma_start3A_370] : memref<128x128xf32, #tpu.memory_space<vmem>> -> memref<64x128xf32, #tpu.memory_space<vmem>>
    tpu.enqueue_dma source(%dma_start3A_371 : memref<64x128xf32, #tpu.memory_space<vmem>>) target(%dma_start3A_368 : memref<64x128xf32, #tpu.memory_space<hbm>>) target_semaphore(%arg13 : memref<!tpu.dma_semaphore, #tpu.memory_space<semaphore_mem>>)
    %mul3A_372 = arith.constant 640 : i32
    %mul3A_373 = arith.muli %arg1, %mul3A_372 : i32
    %add3A_374 = arith.constant 0 : i32
    %add3A_375 = arith.addi %mul3A_373, %add3A_374 : i32
    %dma_wait3A_376 = arith.constant 0 : i32
    %dma_wait3A_377 = arith.constant 0 : i32
    %dma_wait3A_378 = tpu.memref_slice %arg9[%dma_wait3A_376, %dma_wait3A_377] : memref<128x128xf32, #tpu.memory_space<vmem>> -> memref<64x128xf32, #tpu.memory_space<vmem>>
    %dma_wait3A_379 = arith.constant 0 : i32
    %dma_wait3A_380 = tpu.memref_slice %arg4[%arg0, %add3A_375, %dma_wait3A_379] : memref<2x10240x128xf32, #tpu.memory_space<hbm>> -> memref<1x64x128xf32, #tpu.memory_space<hbm>>
    %dma_wait3A_381 = tpu.memref_squeeze %dma_wait3A_380 : memref<1x64x128xf32, #tpu.memory_space<hbm>> -> memref<64x128xf32, #tpu.memory_space<hbm>>
    %dma_wait3A_382 = arith.constant 0 : i32
    %dma_wait3A_383 = tpu.memref_slice %arg4[%arg0, %add3A_375, %dma_wait3A_382] : memref<2x10240x128xf32, #tpu.memory_space<hbm>> -> memref<1x64x128xf32, #tpu.memory_space<hbm>>
    %dma_wait3A_384 = tpu.memref_squeeze %dma_wait3A_383 : memref<1x64x128xf32, #tpu.memory_space<hbm>> -> memref<64x128xf32, #tpu.memory_space<hbm>>
    %dma_wait3A_385 = arith.constant 0 : i32
    %dma_wait3A_386 = arith.constant 0 : i32
    %dma_wait3A_387 = tpu.memref_slice %arg9[%dma_wait3A_385, %dma_wait3A_386] : memref<128x128xf32, #tpu.memory_space<vmem>> -> memref<64x128xf32, #tpu.memory_space<vmem>>
    tpu.wait_dma2 semaphore(%arg13 : memref<!tpu.dma_semaphore, #tpu.memory_space<semaphore_mem>>) src(%dma_wait3A_387 : memref<64x128xf32, #tpu.memory_space<vmem>>) dst(%dma_wait3A_384 : memref<64x128xf32, #tpu.memory_space<hbm>>)
    %mul3A_388 = arith.constant 640 : i32
    %mul3A_389 = arith.muli %arg1, %mul3A_388 : i32
    %add3A_390 = arith.constant 128 : i32
    %add3A_391 = arith.addi %mul3A_389, %add3A_390 : i32
    %dma_start3A_392 = arith.constant 0 : i32
    %dma_start3A_393 = arith.constant 0 : i32
    %dma_start3A_394 = tpu.memref_slice %arg9[%dma_start3A_392, %dma_start3A_393] : memref<128x128xf32, #tpu.memory_space<vmem>> -> memref<64x128xf32, #tpu.memory_space<vmem>>
    %dma_start3A_395 = arith.constant 0 : i32
    %dma_start3A_396 = tpu.memref_slice %arg15[%add3A_391, %dma_start3A_395] : memref<10240x128xf32, #tpu.memory_space<vmem_shared>> -> memref<64x128xf32, #tpu.memory_space<vmem_shared>>
    %dma_start3A_397 = arith.constant 0 : i32
    %dma_start3A_398 = arith.constant 0 : i32
    %dma_start3A_399 = tpu.memref_slice %arg9[%dma_start3A_397, %dma_start3A_398] : memref<128x128xf32, #tpu.memory_space<vmem>> -> memref<64x128xf32, #tpu.memory_space<vmem>>
    %dma_start3A_400 = arith.constant 0 : i32
    %dma_start3A_401 = tpu.memref_slice %arg15[%add3A_391, %dma_start3A_400] : memref<10240x128xf32, #tpu.memory_space<vmem_shared>> -> memref<64x128xf32, #tpu.memory_space<vmem_shared>>
    tpu.enqueue_dma source(%dma_start3A_401 : memref<64x128xf32, #tpu.memory_space<vmem_shared>>) target(%dma_start3A_399 : memref<64x128xf32, #tpu.memory_space<vmem>>) target_semaphore(%arg11 : memref<!tpu.dma_semaphore, #tpu.memory_space<semaphore_mem>>)
    %mul3A_402 = arith.constant 640 : i32
    %mul3A_403 = arith.muli %arg1, %mul3A_402 : i32
    %add3A_404 = arith.constant 64 : i32
    %add3A_405 = arith.addi %mul3A_403, %add3A_404 : i32
    %dma_wait3A_406 = arith.constant 0 : i32
    %dma_wait3A_407 = arith.constant 0 : i32
    %dma_wait3A_408 = tpu.memref_slice %arg10[%dma_wait3A_406, %dma_wait3A_407] : memref<128x128xf32, #tpu.memory_space<vmem>> -> memref<64x128xf32, #tpu.memory_space<vmem>>
    %dma_wait3A_409 = arith.constant 0 : i32
    %dma_wait3A_410 = tpu.memref_slice %arg15[%add3A_405, %dma_wait3A_409] : memref<10240x128xf32, #tpu.memory_space<vmem_shared>> -> memref<64x128xf32, #tpu.memory_space<vmem_shared>>
    %dma_wait3A_411 = arith.constant 0 : i32
    %dma_wait3A_412 = arith.constant 0 : i32
    %dma_wait3A_413 = tpu.memref_slice %arg10[%dma_wait3A_411, %dma_wait3A_412] : memref<128x128xf32, #tpu.memory_space<vmem>> -> memref<64x128xf32, #tpu.memory_space<vmem>>
    %dma_wait3A_414 = arith.constant 0 : i32
    %dma_wait3A_415 = tpu.memref_slice %arg15[%add3A_405, %dma_wait3A_414] : memref<10240x128xf32, #tpu.memory_space<vmem_shared>> -> memref<64x128xf32, #tpu.memory_space<vmem_shared>>
    tpu.wait_dma2 semaphore(%arg12 : memref<!tpu.dma_semaphore, #tpu.memory_space<semaphore_mem>>) src(%dma_wait3A_415 : memref<64x128xf32, #tpu.memory_space<vmem_shared>>) dst(%dma_wait3A_413 : memref<64x128xf32, #tpu.memory_space<vmem>>)
    %mul3A_416 = arith.constant 640 : i32
    %mul3A_417 = arith.muli %arg1, %mul3A_416 : i32
    %add3A_418 = arith.constant 64 : i32
    %add3A_419 = arith.addi %mul3A_417, %add3A_418 : i32
    %dma_start3A_420 = arith.constant 0 : i32
    %dma_start3A_421 = arith.constant 0 : i32
    %dma_start3A_422 = tpu.memref_slice %arg10[%dma_start3A_420, %dma_start3A_421] : memref<128x128xf32, #tpu.memory_space<vmem>> -> memref<64x128xf32, #tpu.memory_space<vmem>>
    %dma_start3A_423 = arith.constant 0 : i32
    %dma_start3A_424 = tpu.memref_slice %arg4[%arg0, %add3A_419, %dma_start3A_423] : memref<2x10240x128xf32, #tpu.memory_space<hbm>> -> memref<1x64x128xf32, #tpu.memory_space<hbm>>
    %dma_start3A_425 = tpu.memref_squeeze %dma_start3A_424 : memref<1x64x128xf32, #tpu.memory_space<hbm>> -> memref<64x128xf32, #tpu.memory_space<hbm>>
    %dma_start3A_426 = arith.constant 0 : i32
    %dma_start3A_427 = tpu.memref_slice %arg4[%arg0, %add3A_419, %dma_start3A_426] : memref<2x10240x128xf32, #tpu.memory_space<hbm>> -> memref<1x64x128xf32, #tpu.memory_space<hbm>>
    %dma_start3A_428 = tpu.memref_squeeze %dma_start3A_427 : memref<1x64x128xf32, #tpu.memory_space<hbm>> -> memref<64x128xf32, #tpu.memory_space<hbm>>
    %dma_start3A_429 = arith.constant 0 : i32
    %dma_start3A_430 = arith.constant 0 : i32
    %dma_start3A_431 = tpu.memref_slice %arg10[%dma_start3A_429, %dma_start3A_430] : memref<128x128xf32, #tpu.memory_space<vmem>> -> memref<64x128xf32, #tpu.memory_space<vmem>>
    tpu.enqueue_dma source(%dma_start3A_431 : memref<64x128xf32, #tpu.memory_space<vmem>>) target(%dma_start3A_428 : memref<64x128xf32, #tpu.memory_space<hbm>>) target_semaphore(%arg14 : memref<!tpu.dma_semaphore, #tpu.memory_space<semaphore_mem>>)
    %mul3A_432 = arith.constant 640 : i32
    %mul3A_433 = arith.muli %arg1, %mul3A_432 : i32
    %add3A_434 = arith.constant 64 : i32
    %add3A_435 = arith.addi %mul3A_433, %add3A_434 : i32
    %dma_wait3A_436 = arith.constant 0 : i32
    %dma_wait3A_437 = arith.constant 0 : i32
    %dma_wait3A_438 = tpu.memref_slice %arg10[%dma_wait3A_436, %dma_wait3A_437] : memref<128x128xf32, #tpu.memory_space<vmem>> -> memref<64x128xf32, #tpu.memory_space<vmem>>
    %dma_wait3A_439 = arith.constant 0 : i32
    %dma_wait3A_440 = tpu.memref_slice %arg4[%arg0, %add3A_435, %dma_wait3A_439] : memref<2x10240x128xf32, #tpu.memory_space<hbm>> -> memref<1x64x128xf32, #tpu.memory_space<hbm>>
    %dma_wait3A_441 = tpu.memref_squeeze %dma_wait3A_440 : memref<1x64x128xf32, #tpu.memory_space<hbm>> -> memref<64x128xf32, #tpu.memory_space<hbm>>
    %dma_wait3A_442 = arith.constant 0 : i32
    %dma_wait3A_443 = tpu.memref_slice %arg4[%arg0, %add3A_435, %dma_wait3A_442] : memref<2x10240x128xf32, #tpu.memory_space<hbm>> -> memref<1x64x128xf32, #tpu.memory_space<hbm>>
    %dma_wait3A_444 = tpu.memref_squeeze %dma_wait3A_443 : memref<1x64x128xf32, #tpu.memory_space<hbm>> -> memref<64x128xf32, #tpu.memory_space<hbm>>
    %dma_wait3A_445 = arith.constant 0 : i32
    %dma_wait3A_446 = arith.constant 0 : i32
    %dma_wait3A_447 = tpu.memref_slice %arg10[%dma_wait3A_445, %dma_wait3A_446] : memref<128x128xf32, #tpu.memory_space<vmem>> -> memref<64x128xf32, #tpu.memory_space<vmem>>
    tpu.wait_dma2 semaphore(%arg14 : memref<!tpu.dma_semaphore, #tpu.memory_space<semaphore_mem>>) src(%dma_wait3A_447 : memref<64x128xf32, #tpu.memory_space<vmem>>) dst(%dma_wait3A_444 : memref<64x128xf32, #tpu.memory_space<hbm>>)
    %mul3A_448 = arith.constant 640 : i32
    %mul3A_449 = arith.muli %arg1, %mul3A_448 : i32
    %add3A_450 = arith.constant 192 : i32
    %add3A_451 = arith.addi %mul3A_449, %add3A_450 : i32
    %dma_start3A_452 = arith.constant 0 : i32
    %dma_start3A_453 = arith.constant 0 : i32
    %dma_start3A_454 = tpu.memref_slice %arg10[%dma_start3A_452, %dma_start3A_453] : memref<128x128xf32, #tpu.memory_space<vmem>> -> memref<64x128xf32, #tpu.memory_space<vmem>>
    %dma_start3A_455 = arith.constant 0 : i32
    %dma_start3A_456 = tpu.memref_slice %arg15[%add3A_451, %dma_start3A_455] : memref<10240x128xf32, #tpu.memory_space<vmem_shared>> -> memref<64x128xf32, #tpu.memory_space<vmem_shared>>
    %dma_start3A_457 = arith.constant 0 : i32
    %dma_start3A_458 = arith.constant 0 : i32
    %dma_start3A_459 = tpu.memref_slice %arg10[%dma_start3A_457, %dma_start3A_458] : memref<128x128xf32, #tpu.memory_space<vmem>> -> memref<64x128xf32, #tpu.memory_space<vmem>>
    %dma_start3A_460 = arith.constant 0 : i32
    %dma_start3A_461 = tpu.memref_slice %arg15[%add3A_451, %dma_start3A_460] : memref<10240x128xf32, #tpu.memory_space<vmem_shared>> -> memref<64x128xf32, #tpu.memory_space<vmem_shared>>
    tpu.enqueue_dma source(%dma_start3A_461 : memref<64x128xf32, #tpu.memory_space<vmem_shared>>) target(%dma_start3A_459 : memref<64x128xf32, #tpu.memory_space<vmem>>) target_semaphore(%arg12 : memref<!tpu.dma_semaphore, #tpu.memory_space<semaphore_mem>>)
    %mul3A_462 = arith.constant 640 : i32
    %mul3A_463 = arith.muli %arg1, %mul3A_462 : i32
    %add3A_464 = arith.constant 128 : i32
    %add3A_465 = arith.addi %mul3A_463, %add3A_464 : i32
    %dma_wait3A_466 = arith.constant 0 : i32
    %dma_wait3A_467 = arith.constant 0 : i32
    %dma_wait3A_468 = tpu.memref_slice %arg9[%dma_wait3A_466, %dma_wait3A_467] : memref<128x128xf32, #tpu.memory_space<vmem>> -> memref<64x128xf32, #tpu.memory_space<vmem>>
    %dma_wait3A_469 = arith.constant 0 : i32
    %dma_wait3A_470 = tpu.memref_slice %arg15[%add3A_465, %dma_wait3A_469] : memref<10240x128xf32, #tpu.memory_space<vmem_shared>> -> memref<64x128xf32, #tpu.memory_space<vmem_shared>>
    %dma_wait3A_471 = arith.constant 0 : i32
    %dma_wait3A_472 = arith.constant 0 : i32
    %dma_wait3A_473 = tpu.memref_slice %arg9[%dma_wait3A_471, %dma_wait3A_472] : memref<128x128xf32, #tpu.memory_space<vmem>> -> memref<64x128xf32, #tpu.memory_space<vmem>>
    %dma_wait3A_474 = arith.constant 0 : i32
    %dma_wait3A_475 = tpu.memref_slice %arg15[%add3A_465, %dma_wait3A_474] : memref<10240x128xf32, #tpu.memory_space<vmem_shared>> -> memref<64x128xf32, #tpu.memory_space<vmem_shared>>
    tpu.wait_dma2 semaphore(%arg11 : memref<!tpu.dma_semaphore, #tpu.memory_space<semaphore_mem>>) src(%dma_wait3A_475 : memref<64x128xf32, #tpu.memory_space<vmem_shared>>) dst(%dma_wait3A_473 : memref<64x128xf32, #tpu.memory_space<vmem>>)
    %mul3A_476 = arith.constant 640 : i32
    %mul3A_477 = arith.muli %arg1, %mul3A_476 : i32
    %add3A_478 = arith.constant 128 : i32
    %add3A_479 = arith.addi %mul3A_477, %add3A_478 : i32
    %dma_start3A_480 = arith.constant 0 : i32
    %dma_start3A_481 = arith.constant 0 : i32
    %dma_start3A_482 = tpu.memref_slice %arg9[%dma_start3A_480, %dma_start3A_481] : memref<128x128xf32, #tpu.memory_space<vmem>> -> memref<64x128xf32, #tpu.memory_space<vmem>>
    %dma_start3A_483 = arith.constant 0 : i32
    %dma_start3A_484 = tpu.memref_slice %arg4[%arg0, %add3A_479, %dma_start3A_483] : memref<2x10240x128xf32, #tpu.memory_space<hbm>> -> memref<1x64x128xf32, #tpu.memory_space<hbm>>
    %dma_start3A_485 = tpu.memref_squeeze %dma_start3A_484 : memref<1x64x128xf32, #tpu.memory_space<hbm>> -> memref<64x128xf32, #tpu.memory_space<hbm>>
    %dma_start3A_486 = arith.constant 0 : i32
    %dma_start3A_487 = tpu.memref_slice %arg4[%arg0, %add3A_479, %dma_start3A_486] : memref<2x10240x128xf32, #tpu.memory_space<hbm>> -> memref<1x64x128xf32, #tpu.memory_space<hbm>>
    %dma_start3A_488 = tpu.memref_squeeze %dma_start3A_487 : memref<1x64x128xf32, #tpu.memory_space<hbm>> -> memref<64x128xf32, #tpu.memory_space<hbm>>
    %dma_start3A_489 = arith.constant 0 : i32
    %dma_start3A_490 = arith.constant 0 : i32
    %dma_start3A_491 = tpu.memref_slice %arg9[%dma_start3A_489, %dma_start3A_490] : memref<128x128xf32, #tpu.memory_space<vmem>> -> memref<64x128xf32, #tpu.memory_space<vmem>>
    tpu.enqueue_dma source(%dma_start3A_491 : memref<64x128xf32, #tpu.memory_space<vmem>>) target(%dma_start3A_488 : memref<64x128xf32, #tpu.memory_space<hbm>>) target_semaphore(%arg13 : memref<!tpu.dma_semaphore, #tpu.memory_space<semaphore_mem>>)
    %mul3A_492 = arith.constant 640 : i32
    %mul3A_493 = arith.muli %arg1, %mul3A_492 : i32
    %add3A_494 = arith.constant 128 : i32
    %add3A_495 = arith.addi %mul3A_493, %add3A_494 : i32
    %dma_wait3A_496 = arith.constant 0 : i32
    %dma_wait3A_497 = arith.constant 0 : i32
    %dma_wait3A_498 = tpu.memref_slice %arg9[%dma_wait3A_496, %dma_wait3A_497] : memref<128x128xf32, #tpu.memory_space<vmem>> -> memref<64x128xf32, #tpu.memory_space<vmem>>
    %dma_wait3A_499 = arith.constant 0 : i32
    %dma_wait3A_500 = tpu.memref_slice %arg4[%arg0, %add3A_495, %dma_wait3A_499] : memref<2x10240x128xf32, #tpu.memory_space<hbm>> -> memref<1x64x128xf32, #tpu.memory_space<hbm>>
    %dma_wait3A_501 = tpu.memref_squeeze %dma_wait3A_500 : memref<1x64x128xf32, #tpu.memory_space<hbm>> -> memref<64x128xf32, #tpu.memory_space<hbm>>
    %dma_wait3A_502 = arith.constant 0 : i32
    %dma_wait3A_503 = tpu.memref_slice %arg4[%arg0, %add3A_495, %dma_wait3A_502] : memref<2x10240x128xf32, #tpu.memory_space<hbm>> -> memref<1x64x128xf32, #tpu.memory_space<hbm>>
    %dma_wait3A_504 = tpu.memref_squeeze %dma_wait3A_503 : memref<1x64x128xf32, #tpu.memory_space<hbm>> -> memref<64x128xf32, #tpu.memory_space<hbm>>
    %dma_wait3A_505 = arith.constant 0 : i32
    %dma_wait3A_506 = arith.constant 0 : i32
    %dma_wait3A_507 = tpu.memref_slice %arg9[%dma_wait3A_505, %dma_wait3A_506] : memref<128x128xf32, #tpu.memory_space<vmem>> -> memref<64x128xf32, #tpu.memory_space<vmem>>
    tpu.wait_dma2 semaphore(%arg13 : memref<!tpu.dma_semaphore, #tpu.memory_space<semaphore_mem>>) src(%dma_wait3A_507 : memref<64x128xf32, #tpu.memory_space<vmem>>) dst(%dma_wait3A_504 : memref<64x128xf32, #tpu.memory_space<hbm>>)
    %mul3A_508 = arith.constant 640 : i32
    %mul3A_509 = arith.muli %arg1, %mul3A_508 : i32
    %add3A_510 = arith.constant 256 : i32
    %add3A_511 = arith.addi %mul3A_509, %add3A_510 : i32
    %dma_start3A_512 = arith.constant 0 : i32
    %dma_start3A_513 = arith.constant 0 : i32
    %dma_start3A_514 = tpu.memref_slice %arg9[%dma_start3A_512, %dma_start3A_513] : memref<128x128xf32, #tpu.memory_space<vmem>> -> memref<64x128xf32, #tpu.memory_space<vmem>>
    %dma_start3A_515 = arith.constant 0 : i32
    %dma_start3A_516 = tpu.memref_slice %arg15[%add3A_511, %dma_start3A_515] : memref<10240x128xf32, #tpu.memory_space<vmem_shared>> -> memref<64x128xf32, #tpu.memory_space<vmem_shared>>
    %dma_start3A_517 = arith.constant 0 : i32
    %dma_start3A_518 = arith.constant 0 : i32
    %dma_start3A_519 = tpu.memref_slice %arg9[%dma_start3A_517, %dma_start3A_518] : memref<128x128xf32, #tpu.memory_space<vmem>> -> memref<64x128xf32, #tpu.memory_space<vmem>>
    %dma_start3A_520 = arith.constant 0 : i32
    %dma_start3A_521 = tpu.memref_slice %arg15[%add3A_511, %dma_start3A_520] : memref<10240x128xf32, #tpu.memory_space<vmem_shared>> -> memref<64x128xf32, #tpu.memory_space<vmem_shared>>
    tpu.enqueue_dma source(%dma_start3A_521 : memref<64x128xf32, #tpu.memory_space<vmem_shared>>) target(%dma_start3A_519 : memref<64x128xf32, #tpu.memory_space<vmem>>) target_semaphore(%arg11 : memref<!tpu.dma_semaphore, #tpu.memory_space<semaphore_mem>>)
    %mul3A_522 = arith.constant 640 : i32
    %mul3A_523 = arith.muli %arg1, %mul3A_522 : i32
    %add3A_524 = arith.constant 192 : i32
    %add3A_525 = arith.addi %mul3A_523, %add3A_524 : i32
    %dma_wait3A_526 = arith.constant 0 : i32
    %dma_wait3A_527 = arith.constant 0 : i32
    %dma_wait3A_528 = tpu.memref_slice %arg10[%dma_wait3A_526, %dma_wait3A_527] : memref<128x128xf32, #tpu.memory_space<vmem>> -> memref<64x128xf32, #tpu.memory_space<vmem>>
    %dma_wait3A_529 = arith.constant 0 : i32
    %dma_wait3A_530 = tpu.memref_slice %arg15[%add3A_525, %dma_wait3A_529] : memref<10240x128xf32, #tpu.memory_space<vmem_shared>> -> memref<64x128xf32, #tpu.memory_space<vmem_shared>>
    %dma_wait3A_531 = arith.constant 0 : i32
    %dma_wait3A_532 = arith.constant 0 : i32
    %dma_wait3A_533 = tpu.memref_slice %arg10[%dma_wait3A_531, %dma_wait3A_532] : memref<128x128xf32, #tpu.memory_space<vmem>> -> memref<64x128xf32, #tpu.memory_space<vmem>>
    %dma_wait3A_534 = arith.constant 0 : i32
    %dma_wait3A_535 = tpu.memref_slice %arg15[%add3A_525, %dma_wait3A_534] : memref<10240x128xf32, #tpu.memory_space<vmem_shared>> -> memref<64x128xf32, #tpu.memory_space<vmem_shared>>
    tpu.wait_dma2 semaphore(%arg12 : memref<!tpu.dma_semaphore, #tpu.memory_space<semaphore_mem>>) src(%dma_wait3A_535 : memref<64x128xf32, #tpu.memory_space<vmem_shared>>) dst(%dma_wait3A_533 : memref<64x128xf32, #tpu.memory_space<vmem>>)
    %mul3A_536 = arith.constant 640 : i32
    %mul3A_537 = arith.muli %arg1, %mul3A_536 : i32
    %add3A_538 = arith.constant 192 : i32
    %add3A_539 = arith.addi %mul3A_537, %add3A_538 : i32
    %dma_start3A_540 = arith.constant 0 : i32
    %dma_start3A_541 = arith.constant 0 : i32
    %dma_start3A_542 = tpu.memref_slice %arg10[%dma_start3A_540, %dma_start3A_541] : memref<128x128xf32, #tpu.memory_space<vmem>> -> memref<64x128xf32, #tpu.memory_space<vmem>>
    %dma_start3A_543 = arith.constant 0 : i32
    %dma_start3A_544 = tpu.memref_slice %arg4[%arg0, %add3A_539, %dma_start3A_543] : memref<2x10240x128xf32, #tpu.memory_space<hbm>> -> memref<1x64x128xf32, #tpu.memory_space<hbm>>
    %dma_start3A_545 = tpu.memref_squeeze %dma_start3A_544 : memref<1x64x128xf32, #tpu.memory_space<hbm>> -> memref<64x128xf32, #tpu.memory_space<hbm>>
    %dma_start3A_546 = arith.constant 0 : i32
    %dma_start3A_547 = tpu.memref_slice %arg4[%arg0, %add3A_539, %dma_start3A_546] : memref<2x10240x128xf32, #tpu.memory_space<hbm>> -> memref<1x64x128xf32, #tpu.memory_space<hbm>>
    %dma_start3A_548 = tpu.memref_squeeze %dma_start3A_547 : memref<1x64x128xf32, #tpu.memory_space<hbm>> -> memref<64x128xf32, #tpu.memory_space<hbm>>
    %dma_start3A_549 = arith.constant 0 : i32
    %dma_start3A_550 = arith.constant 0 : i32
    %dma_start3A_551 = tpu.memref_slice %arg10[%dma_start3A_549, %dma_start3A_550] : memref<128x128xf32, #tpu.memory_space<vmem>> -> memref<64x128xf32, #tpu.memory_space<vmem>>
    tpu.enqueue_dma source(%dma_start3A_551 : memref<64x128xf32, #tpu.memory_space<vmem>>) target(%dma_start3A_548 : memref<64x128xf32, #tpu.memory_space<hbm>>) target_semaphore(%arg14 : memref<!tpu.dma_semaphore, #tpu.memory_space<semaphore_mem>>)
    %mul3A_552 = arith.constant 640 : i32
    %mul3A_553 = arith.muli %arg1, %mul3A_552 : i32
    %add3A_554 = arith.constant 192 : i32
    %add3A_555 = arith.addi %mul3A_553, %add3A_554 : i32
    %dma_wait3A_556 = arith.constant 0 : i32
    %dma_wait3A_557 = arith.constant 0 : i32
    %dma_wait3A_558 = tpu.memref_slice %arg10[%dma_wait3A_556, %dma_wait3A_557] : memref<128x128xf32, #tpu.memory_space<vmem>> -> memref<64x128xf32, #tpu.memory_space<vmem>>
    %dma_wait3A_559 = arith.constant 0 : i32
    %dma_wait3A_560 = tpu.memref_slice %arg4[%arg0, %add3A_555, %dma_wait3A_559] : memref<2x10240x128xf32, #tpu.memory_space<hbm>> -> memref<1x64x128xf32, #tpu.memory_space<hbm>>
    %dma_wait3A_561 = tpu.memref_squeeze %dma_wait3A_560 : memref<1x64x128xf32, #tpu.memory_space<hbm>> -> memref<64x128xf32, #tpu.memory_space<hbm>>
    %dma_wait3A_562 = arith.constant 0 : i32
    %dma_wait3A_563 = tpu.memref_slice %arg4[%arg0, %add3A_555, %dma_wait3A_562] : memref<2x10240x128xf32, #tpu.memory_space<hbm>> -> memref<1x64x128xf32, #tpu.memory_space<hbm>>
    %dma_wait3A_564 = tpu.memref_squeeze %dma_wait3A_563 : memref<1x64x128xf32, #tpu.memory_space<hbm>> -> memref<64x128xf32, #tpu.memory_space<hbm>>
    %dma_wait3A_565 = arith.constant 0 : i32
    %dma_wait3A_566 = arith.constant 0 : i32
    %dma_wait3A_567 = tpu.memref_slice %arg10[%dma_wait3A_565, %dma_wait3A_566] : memref<128x128xf32, #tpu.memory_space<vmem>> -> memref<64x128xf32, #tpu.memory_space<vmem>>
    tpu.wait_dma2 semaphore(%arg14 : memref<!tpu.dma_semaphore, #tpu.memory_space<semaphore_mem>>) src(%dma_wait3A_567 : memref<64x128xf32, #tpu.memory_space<vmem>>) dst(%dma_wait3A_564 : memref<64x128xf32, #tpu.memory_space<hbm>>)
    %mul3A_568 = arith.constant 640 : i32
    %mul3A_569 = arith.muli %arg1, %mul3A_568 : i32
    %add3A_570 = arith.constant 320 : i32
    %add3A_571 = arith.addi %mul3A_569, %add3A_570 : i32
    %dma_start3A_572 = arith.constant 0 : i32
    %dma_start3A_573 = arith.constant 0 : i32
    %dma_start3A_574 = tpu.memref_slice %arg10[%dma_start3A_572, %dma_start3A_573] : memref<128x128xf32, #tpu.memory_space<vmem>> -> memref<64x128xf32, #tpu.memory_space<vmem>>
    %dma_start3A_575 = arith.constant 0 : i32
    %dma_start3A_576 = tpu.memref_slice %arg15[%add3A_571, %dma_start3A_575] : memref<10240x128xf32, #tpu.memory_space<vmem_shared>> -> memref<64x128xf32, #tpu.memory_space<vmem_shared>>
    %dma_start3A_577 = arith.constant 0 : i32
    %dma_start3A_578 = arith.constant 0 : i32
    %dma_start3A_579 = tpu.memref_slice %arg10[%dma_start3A_577, %dma_start3A_578] : memref<128x128xf32, #tpu.memory_space<vmem>> -> memref<64x128xf32, #tpu.memory_space<vmem>>
    %dma_start3A_580 = arith.constant 0 : i32
    %dma_start3A_581 = tpu.memref_slice %arg15[%add3A_571, %dma_start3A_580] : memref<10240x128xf32, #tpu.memory_space<vmem_shared>> -> memref<64x128xf32, #tpu.memory_space<vmem_shared>>
    tpu.enqueue_dma source(%dma_start3A_581 : memref<64x128xf32, #tpu.memory_space<vmem_shared>>) target(%dma_start3A_579 : memref<64x128xf32, #tpu.memory_space<vmem>>) target_semaphore(%arg12 : memref<!tpu.dma_semaphore, #tpu.memory_space<semaphore_mem>>)
    %mul3A_582 = arith.constant 640 : i32
    %mul3A_583 = arith.muli %arg1, %mul3A_582 : i32
    %add3A_584 = arith.constant 256 : i32
    %add3A_585 = arith.addi %mul3A_583, %add3A_584 : i32
    %dma_wait3A_586 = arith.constant 0 : i32
    %dma_wait3A_587 = arith.constant 0 : i32
    %dma_wait3A_588 = tpu.memref_slice %arg9[%dma_wait3A_586, %dma_wait3A_587] : memref<128x128xf32, #tpu.memory_space<vmem>> -> memref<64x128xf32, #tpu.memory_space<vmem>>
    %dma_wait3A_589 = arith.constant 0 : i32
    %dma_wait3A_590 = tpu.memref_slice %arg15[%add3A_585, %dma_wait3A_589] : memref<10240x128xf32, #tpu.memory_space<vmem_shared>> -> memref<64x128xf32, #tpu.memory_space<vmem_shared>>
    %dma_wait3A_591 = arith.constant 0 : i32
    %dma_wait3A_592 = arith.constant 0 : i32
    %dma_wait3A_593 = tpu.memref_slice %arg9[%dma_wait3A_591, %dma_wait3A_592] : memref<128x128xf32, #tpu.memory_space<vmem>> -> memref<64x128xf32, #tpu.memory_space<vmem>>
    %dma_wait3A_594 = arith.constant 0 : i32
    %dma_wait3A_595 = tpu.memref_slice %arg15[%add3A_585, %dma_wait3A_594] : memref<10240x128xf32, #tpu.memory_space<vmem_shared>> -> memref<64x128xf32, #tpu.memory_space<vmem_shared>>
    tpu.wait_dma2 semaphore(%arg11 : memref<!tpu.dma_semaphore, #tpu.memory_space<semaphore_mem>>) src(%dma_wait3A_595 : memref<64x128xf32, #tpu.memory_space<vmem_shared>>) dst(%dma_wait3A_593 : memref<64x128xf32, #tpu.memory_space<vmem>>)
    %mul3A_596 = arith.constant 640 : i32
    %mul3A_597 = arith.muli %arg1, %mul3A_596 : i32
    %add3A_598 = arith.constant 256 : i32
    %add3A_599 = arith.addi %mul3A_597, %add3A_598 : i32
    %dma_start3A_600 = arith.constant 0 : i32
    %dma_start3A_601 = arith.constant 0 : i32
    %dma_start3A_602 = tpu.memref_slice %arg9[%dma_start3A_600, %dma_start3A_601] : memref<128x128xf32, #tpu.memory_space<vmem>> -> memref<64x128xf32, #tpu.memory_space<vmem>>
    %dma_start3A_603 = arith.constant 0 : i32
    %dma_start3A_604 = tpu.memref_slice %arg4[%arg0, %add3A_599, %dma_start3A_603] : memref<2x10240x128xf32, #tpu.memory_space<hbm>> -> memref<1x64x128xf32, #tpu.memory_space<hbm>>
    %dma_start3A_605 = tpu.memref_squeeze %dma_start3A_604 : memref<1x64x128xf32, #tpu.memory_space<hbm>> -> memref<64x128xf32, #tpu.memory_space<hbm>>
    %dma_start3A_606 = arith.constant 0 : i32
    %dma_start3A_607 = tpu.memref_slice %arg4[%arg0, %add3A_599, %dma_start3A_606] : memref<2x10240x128xf32, #tpu.memory_space<hbm>> -> memref<1x64x128xf32, #tpu.memory_space<hbm>>
    %dma_start3A_608 = tpu.memref_squeeze %dma_start3A_607 : memref<1x64x128xf32, #tpu.memory_space<hbm>> -> memref<64x128xf32, #tpu.memory_space<hbm>>
    %dma_start3A_609 = arith.constant 0 : i32
    %dma_start3A_610 = arith.constant 0 : i32
    %dma_start3A_611 = tpu.memref_slice %arg9[%dma_start3A_609, %dma_start3A_610] : memref<128x128xf32, #tpu.memory_space<vmem>> -> memref<64x128xf32, #tpu.memory_space<vmem>>
    tpu.enqueue_dma source(%dma_start3A_611 : memref<64x128xf32, #tpu.memory_space<vmem>>) target(%dma_start3A_608 : memref<64x128xf32, #tpu.memory_space<hbm>>) target_semaphore(%arg13 : memref<!tpu.dma_semaphore, #tpu.memory_space<semaphore_mem>>)
    %mul3A_612 = arith.constant 640 : i32
    %mul3A_613 = arith.muli %arg1, %mul3A_612 : i32
    %add3A_614 = arith.constant 256 : i32
    %add3A_615 = arith.addi %mul3A_613, %add3A_614 : i32
    %dma_wait3A_616 = arith.constant 0 : i32
    %dma_wait3A_617 = arith.constant 0 : i32
    %dma_wait3A_618 = tpu.memref_slice %arg9[%dma_wait3A_616, %dma_wait3A_617] : memref<128x128xf32, #tpu.memory_space<vmem>> -> memref<64x128xf32, #tpu.memory_space<vmem>>
    %dma_wait3A_619 = arith.constant 0 : i32
    %dma_wait3A_620 = tpu.memref_slice %arg4[%arg0, %add3A_615, %dma_wait3A_619] : memref<2x10240x128xf32, #tpu.memory_space<hbm>> -> memref<1x64x128xf32, #tpu.memory_space<hbm>>
    %dma_wait3A_621 = tpu.memref_squeeze %dma_wait3A_620 : memref<1x64x128xf32, #tpu.memory_space<hbm>> -> memref<64x128xf32, #tpu.memory_space<hbm>>
    %dma_wait3A_622 = arith.constant 0 : i32
    %dma_wait3A_623 = tpu.memref_slice %arg4[%arg0, %add3A_615, %dma_wait3A_622] : memref<2x10240x128xf32, #tpu.memory_space<hbm>> -> memref<1x64x128xf32, #tpu.memory_space<hbm>>
    %dma_wait3A_624 = tpu.memref_squeeze %dma_wait3A_623 : memref<1x64x128xf32, #tpu.memory_space<hbm>> -> memref<64x128xf32, #tpu.memory_space<hbm>>
    %dma_wait3A_625 = arith.constant 0 : i32
    %dma_wait3A_626 = arith.constant 0 : i32
    %dma_wait3A_627 = tpu.memref_slice %arg9[%dma_wait3A_625, %dma_wait3A_626] : memref<128x128xf32, #tpu.memory_space<vmem>> -> memref<64x128xf32, #tpu.memory_space<vmem>>
    tpu.wait_dma2 semaphore(%arg13 : memref<!tpu.dma_semaphore, #tpu.memory_space<semaphore_mem>>) src(%dma_wait3A_627 : memref<64x128xf32, #tpu.memory_space<vmem>>) dst(%dma_wait3A_624 : memref<64x128xf32, #tpu.memory_space<hbm>>)
    %mul3A_628 = arith.constant 640 : i32
    %mul3A_629 = arith.muli %arg1, %mul3A_628 : i32
    %add3A_630 = arith.constant 384 : i32
    %add3A_631 = arith.addi %mul3A_629, %add3A_630 : i32
    %dma_start3A_632 = arith.constant 0 : i32
    %dma_start3A_633 = arith.constant 0 : i32
    %dma_start3A_634 = tpu.memref_slice %arg9[%dma_start3A_632, %dma_start3A_633] : memref<128x128xf32, #tpu.memory_space<vmem>> -> memref<64x128xf32, #tpu.memory_space<vmem>>
    %dma_start3A_635 = arith.constant 0 : i32
    %dma_start3A_636 = tpu.memref_slice %arg15[%add3A_631, %dma_start3A_635] : memref<10240x128xf32, #tpu.memory_space<vmem_shared>> -> memref<64x128xf32, #tpu.memory_space<vmem_shared>>
    %dma_start3A_637 = arith.constant 0 : i32
    %dma_start3A_638 = arith.constant 0 : i32
    %dma_start3A_639 = tpu.memref_slice %arg9[%dma_start3A_637, %dma_start3A_638] : memref<128x128xf32, #tpu.memory_space<vmem>> -> memref<64x128xf32, #tpu.memory_space<vmem>>
    %dma_start3A_640 = arith.constant 0 : i32
    %dma_start3A_641 = tpu.memref_slice %arg15[%add3A_631, %dma_start3A_640] : memref<10240x128xf32, #tpu.memory_space<vmem_shared>> -> memref<64x128xf32, #tpu.memory_space<vmem_shared>>
    tpu.enqueue_dma source(%dma_start3A_641 : memref<64x128xf32, #tpu.memory_space<vmem_shared>>) target(%dma_start3A_639 : memref<64x128xf32, #tpu.memory_space<vmem>>) target_semaphore(%arg11 : memref<!tpu.dma_semaphore, #tpu.memory_space<semaphore_mem>>)
    %mul3A_642 = arith.constant 640 : i32
    %mul3A_643 = arith.muli %arg1, %mul3A_642 : i32
    %add3A_644 = arith.constant 320 : i32
    %add3A_645 = arith.addi %mul3A_643, %add3A_644 : i32
    %dma_wait3A_646 = arith.constant 0 : i32
    %dma_wait3A_647 = arith.constant 0 : i32
    %dma_wait3A_648 = tpu.memref_slice %arg10[%dma_wait3A_646, %dma_wait3A_647] : memref<128x128xf32, #tpu.memory_space<vmem>> -> memref<64x128xf32, #tpu.memory_space<vmem>>
    %dma_wait3A_649 = arith.constant 0 : i32
    %dma_wait3A_650 = tpu.memref_slice %arg15[%add3A_645, %dma_wait3A_649] : memref<10240x128xf32, #tpu.memory_space<vmem_shared>> -> memref<64x128xf32, #tpu.memory_space<vmem_shared>>
    %dma_wait3A_651 = arith.constant 0 : i32
    %dma_wait3A_652 = arith.constant 0 : i32
    %dma_wait3A_653 = tpu.memref_slice %arg10[%dma_wait3A_651, %dma_wait3A_652] : memref<128x128xf32, #tpu.memory_space<vmem>> -> memref<64x128xf32, #tpu.memory_space<vmem>>
    %dma_wait3A_654 = arith.constant 0 : i32
    %dma_wait3A_655 = tpu.memref_slice %arg15[%add3A_645, %dma_wait3A_654] : memref<10240x128xf32, #tpu.memory_space<vmem_shared>> -> memref<64x128xf32, #tpu.memory_space<vmem_shared>>
    tpu.wait_dma2 semaphore(%arg12 : memref<!tpu.dma_semaphore, #tpu.memory_space<semaphore_mem>>) src(%dma_wait3A_655 : memref<64x128xf32, #tpu.memory_space<vmem_shared>>) dst(%dma_wait3A_653 : memref<64x128xf32, #tpu.memory_space<vmem>>)
    %mul3A_656 = arith.constant 640 : i32
    %mul3A_657 = arith.muli %arg1, %mul3A_656 : i32
    %add3A_658 = arith.constant 320 : i32
    %add3A_659 = arith.addi %mul3A_657, %add3A_658 : i32
    %dma_start3A_660 = arith.constant 0 : i32
    %dma_start3A_661 = arith.constant 0 : i32
    %dma_start3A_662 = tpu.memref_slice %arg10[%dma_start3A_660, %dma_start3A_661] : memref<128x128xf32, #tpu.memory_space<vmem>> -> memref<64x128xf32, #tpu.memory_space<vmem>>
    %dma_start3A_663 = arith.constant 0 : i32
    %dma_start3A_664 = tpu.memref_slice %arg4[%arg0, %add3A_659, %dma_start3A_663] : memref<2x10240x128xf32, #tpu.memory_space<hbm>> -> memref<1x64x128xf32, #tpu.memory_space<hbm>>
    %dma_start3A_665 = tpu.memref_squeeze %dma_start3A_664 : memref<1x64x128xf32, #tpu.memory_space<hbm>> -> memref<64x128xf32, #tpu.memory_space<hbm>>
    %dma_start3A_666 = arith.constant 0 : i32
    %dma_start3A_667 = tpu.memref_slice %arg4[%arg0, %add3A_659, %dma_start3A_666] : memref<2x10240x128xf32, #tpu.memory_space<hbm>> -> memref<1x64x128xf32, #tpu.memory_space<hbm>>
    %dma_start3A_668 = tpu.memref_squeeze %dma_start3A_667 : memref<1x64x128xf32, #tpu.memory_space<hbm>> -> memref<64x128xf32, #tpu.memory_space<hbm>>
    %dma_start3A_669 = arith.constant 0 : i32
    %dma_start3A_670 = arith.constant 0 : i32
    %dma_start3A_671 = tpu.memref_slice %arg10[%dma_start3A_669, %dma_start3A_670] : memref<128x128xf32, #tpu.memory_space<vmem>> -> memref<64x128xf32, #tpu.memory_space<vmem>>
    tpu.enqueue_dma source(%dma_start3A_671 : memref<64x128xf32, #tpu.memory_space<vmem>>) target(%dma_start3A_668 : memref<64x128xf32, #tpu.memory_space<hbm>>) target_semaphore(%arg14 : memref<!tpu.dma_semaphore, #tpu.memory_space<semaphore_mem>>)
    %mul3A_672 = arith.constant 640 : i32
    %mul3A_673 = arith.muli %arg1, %mul3A_672 : i32
    %add3A_674 = arith.constant 320 : i32
    %add3A_675 = arith.addi %mul3A_673, %add3A_674 : i32
    %dma_wait3A_676 = arith.constant 0 : i32
    %dma_wait3A_677 = arith.constant 0 : i32
    %dma_wait3A_678 = tpu.memref_slice %arg10[%dma_wait3A_676, %dma_wait3A_677] : memref<128x128xf32, #tpu.memory_space<vmem>> -> memref<64x128xf32, #tpu.memory_space<vmem>>
    %dma_wait3A_679 = arith.constant 0 : i32
    %dma_wait3A_680 = tpu.memref_slice %arg4[%arg0, %add3A_675, %dma_wait3A_679] : memref<2x10240x128xf32, #tpu.memory_space<hbm>> -> memref<1x64x128xf32, #tpu.memory_space<hbm>>
    %dma_wait3A_681 = tpu.memref_squeeze %dma_wait3A_680 : memref<1x64x128xf32, #tpu.memory_space<hbm>> -> memref<64x128xf32, #tpu.memory_space<hbm>>
    %dma_wait3A_682 = arith.constant 0 : i32
    %dma_wait3A_683 = tpu.memref_slice %arg4[%arg0, %add3A_675, %dma_wait3A_682] : memref<2x10240x128xf32, #tpu.memory_space<hbm>> -> memref<1x64x128xf32, #tpu.memory_space<hbm>>
    %dma_wait3A_684 = tpu.memref_squeeze %dma_wait3A_683 : memref<1x64x128xf32, #tpu.memory_space<hbm>> -> memref<64x128xf32, #tpu.memory_space<hbm>>
    %dma_wait3A_685 = arith.constant 0 : i32
    %dma_wait3A_686 = arith.constant 0 : i32
    %dma_wait3A_687 = tpu.memref_slice %arg10[%dma_wait3A_685, %dma_wait3A_686] : memref<128x128xf32, #tpu.memory_space<vmem>> -> memref<64x128xf32, #tpu.memory_space<vmem>>
    tpu.wait_dma2 semaphore(%arg14 : memref<!tpu.dma_semaphore, #tpu.memory_space<semaphore_mem>>) src(%dma_wait3A_687 : memref<64x128xf32, #tpu.memory_space<vmem>>) dst(%dma_wait3A_684 : memref<64x128xf32, #tpu.memory_space<hbm>>)
    %mul3A_688 = arith.constant 640 : i32
    %mul3A_689 = arith.muli %arg1, %mul3A_688 : i32
    %add3A_690 = arith.constant 448 : i32
    %add3A_691 = arith.addi %mul3A_689, %add3A_690 : i32
    %dma_start3A_692 = arith.constant 0 : i32
    %dma_start3A_693 = arith.constant 0 : i32
    %dma_start3A_694 = tpu.memref_slice %arg10[%dma_start3A_692, %dma_start3A_693] : memref<128x128xf32, #tpu.memory_space<vmem>> -> memref<64x128xf32, #tpu.memory_space<vmem>>
    %dma_start3A_695 = arith.constant 0 : i32
    %dma_start3A_696 = tpu.memref_slice %arg15[%add3A_691, %dma_start3A_695] : memref<10240x128xf32, #tpu.memory_space<vmem_shared>> -> memref<64x128xf32, #tpu.memory_space<vmem_shared>>
    %dma_start3A_697 = arith.constant 0 : i32
    %dma_start3A_698 = arith.constant 0 : i32
    %dma_start3A_699 = tpu.memref_slice %arg10[%dma_start3A_697, %dma_start3A_698] : memref<128x128xf32, #tpu.memory_space<vmem>> -> memref<64x128xf32, #tpu.memory_space<vmem>>
    %dma_start3A_700 = arith.constant 0 : i32
    %dma_start3A_701 = tpu.memref_slice %arg15[%add3A_691, %dma_start3A_700] : memref<10240x128xf32, #tpu.memory_space<vmem_shared>> -> memref<64x128xf32, #tpu.memory_space<vmem_shared>>
    tpu.enqueue_dma source(%dma_start3A_701 : memref<64x128xf32, #tpu.memory_space<vmem_shared>>) target(%dma_start3A_699 : memref<64x128xf32, #tpu.memory_space<vmem>>) target_semaphore(%arg12 : memref<!tpu.dma_semaphore, #tpu.memory_space<semaphore_mem>>)
    %mul3A_702 = arith.constant 640 : i32
    %mul3A_703 = arith.muli %arg1, %mul3A_702 : i32
    %add3A_704 = arith.constant 384 : i32
    %add3A_705 = arith.addi %mul3A_703, %add3A_704 : i32
    %dma_wait3A_706 = arith.constant 0 : i32
    %dma_wait3A_707 = arith.constant 0 : i32
    %dma_wait3A_708 = tpu.memref_slice %arg9[%dma_wait3A_706, %dma_wait3A_707] : memref<128x128xf32, #tpu.memory_space<vmem>> -> memref<64x128xf32, #tpu.memory_space<vmem>>
    %dma_wait3A_709 = arith.constant 0 : i32
    %dma_wait3A_710 = tpu.memref_slice %arg15[%add3A_705, %dma_wait3A_709] : memref<10240x128xf32, #tpu.memory_space<vmem_shared>> -> memref<64x128xf32, #tpu.memory_space<vmem_shared>>
    %dma_wait3A_711 = arith.constant 0 : i32
    %dma_wait3A_712 = arith.constant 0 : i32
    %dma_wait3A_713 = tpu.memref_slice %arg9[%dma_wait3A_711, %dma_wait3A_712] : memref<128x128xf32, #tpu.memory_space<vmem>> -> memref<64x128xf32, #tpu.memory_space<vmem>>
    %dma_wait3A_714 = arith.constant 0 : i32
    %dma_wait3A_715 = tpu.memref_slice %arg15[%add3A_705, %dma_wait3A_714] : memref<10240x128xf32, #tpu.memory_space<vmem_shared>> -> memref<64x128xf32, #tpu.memory_space<vmem_shared>>
    tpu.wait_dma2 semaphore(%arg11 : memref<!tpu.dma_semaphore, #tpu.memory_space<semaphore_mem>>) src(%dma_wait3A_715 : memref<64x128xf32, #tpu.memory_space<vmem_shared>>) dst(%dma_wait3A_713 : memref<64x128xf32, #tpu.memory_space<vmem>>)
    %mul3A_716 = arith.constant 640 : i32
    %mul3A_717 = arith.muli %arg1, %mul3A_716 : i32
    %add3A_718 = arith.constant 384 : i32
    %add3A_719 = arith.addi %mul3A_717, %add3A_718 : i32
    %dma_start3A_720 = arith.constant 0 : i32
    %dma_start3A_721 = arith.constant 0 : i32
    %dma_start3A_722 = tpu.memref_slice %arg9[%dma_start3A_720, %dma_start3A_721] : memref<128x128xf32, #tpu.memory_space<vmem>> -> memref<64x128xf32, #tpu.memory_space<vmem>>
    %dma_start3A_723 = arith.constant 0 : i32
    %dma_start3A_724 = tpu.memref_slice %arg4[%arg0, %add3A_719, %dma_start3A_723] : memref<2x10240x128xf32, #tpu.memory_space<hbm>> -> memref<1x64x128xf32, #tpu.memory_space<hbm>>
    %dma_start3A_725 = tpu.memref_squeeze %dma_start3A_724 : memref<1x64x128xf32, #tpu.memory_space<hbm>> -> memref<64x128xf32, #tpu.memory_space<hbm>>
    %dma_start3A_726 = arith.constant 0 : i32
    %dma_start3A_727 = tpu.memref_slice %arg4[%arg0, %add3A_719, %dma_start3A_726] : memref<2x10240x128xf32, #tpu.memory_space<hbm>> -> memref<1x64x128xf32, #tpu.memory_space<hbm>>
    %dma_start3A_728 = tpu.memref_squeeze %dma_start3A_727 : memref<1x64x128xf32, #tpu.memory_space<hbm>> -> memref<64x128xf32, #tpu.memory_space<hbm>>
    %dma_start3A_729 = arith.constant 0 : i32
    %dma_start3A_730 = arith.constant 0 : i32
    %dma_start3A_731 = tpu.memref_slice %arg9[%dma_start3A_729, %dma_start3A_730] : memref<128x128xf32, #tpu.memory_space<vmem>> -> memref<64x128xf32, #tpu.memory_space<vmem>>
    tpu.enqueue_dma source(%dma_start3A_731 : memref<64x128xf32, #tpu.memory_space<vmem>>) target(%dma_start3A_728 : memref<64x128xf32, #tpu.memory_space<hbm>>) target_semaphore(%arg13 : memref<!tpu.dma_semaphore, #tpu.memory_space<semaphore_mem>>)
    %mul3A_732 = arith.constant 640 : i32
    %mul3A_733 = arith.muli %arg1, %mul3A_732 : i32
    %add3A_734 = arith.constant 384 : i32
    %add3A_735 = arith.addi %mul3A_733, %add3A_734 : i32
    %dma_wait3A_736 = arith.constant 0 : i32
    %dma_wait3A_737 = arith.constant 0 : i32
    %dma_wait3A_738 = tpu.memref_slice %arg9[%dma_wait3A_736, %dma_wait3A_737] : memref<128x128xf32, #tpu.memory_space<vmem>> -> memref<64x128xf32, #tpu.memory_space<vmem>>
    %dma_wait3A_739 = arith.constant 0 : i32
    %dma_wait3A_740 = tpu.memref_slice %arg4[%arg0, %add3A_735, %dma_wait3A_739] : memref<2x10240x128xf32, #tpu.memory_space<hbm>> -> memref<1x64x128xf32, #tpu.memory_space<hbm>>
    %dma_wait3A_741 = tpu.memref_squeeze %dma_wait3A_740 : memref<1x64x128xf32, #tpu.memory_space<hbm>> -> memref<64x128xf32, #tpu.memory_space<hbm>>
    %dma_wait3A_742 = arith.constant 0 : i32
    %dma_wait3A_743 = tpu.memref_slice %arg4[%arg0, %add3A_735, %dma_wait3A_742] : memref<2x10240x128xf32, #tpu.memory_space<hbm>> -> memref<1x64x128xf32, #tpu.memory_space<hbm>>
    %dma_wait3A_744 = tpu.memref_squeeze %dma_wait3A_743 : memref<1x64x128xf32, #tpu.memory_space<hbm>> -> memref<64x128xf32, #tpu.memory_space<hbm>>
    %dma_wait3A_745 = arith.constant 0 : i32
    %dma_wait3A_746 = arith.constant 0 : i32
    %dma_wait3A_747 = tpu.memref_slice %arg9[%dma_wait3A_745, %dma_wait3A_746] : memref<128x128xf32, #tpu.memory_space<vmem>> -> memref<64x128xf32, #tpu.memory_space<vmem>>
    tpu.wait_dma2 semaphore(%arg13 : memref<!tpu.dma_semaphore, #tpu.memory_space<semaphore_mem>>) src(%dma_wait3A_747 : memref<64x128xf32, #tpu.memory_space<vmem>>) dst(%dma_wait3A_744 : memref<64x128xf32, #tpu.memory_space<hbm>>)
    %mul3A_748 = arith.constant 640 : i32
    %mul3A_749 = arith.muli %arg1, %mul3A_748 : i32
    %add3A_750 = arith.constant 512 : i32
    %add3A_751 = arith.addi %mul3A_749, %add3A_750 : i32
    %dma_start3A_752 = arith.constant 0 : i32
    %dma_start3A_753 = arith.constant 0 : i32
    %dma_start3A_754 = tpu.memref_slice %arg9[%dma_start3A_752, %dma_start3A_753] : memref<128x128xf32, #tpu.memory_space<vmem>> -> memref<64x128xf32, #tpu.memory_space<vmem>>
    %dma_start3A_755 = arith.constant 0 : i32
    %dma_start3A_756 = tpu.memref_slice %arg15[%add3A_751, %dma_start3A_755] : memref<10240x128xf32, #tpu.memory_space<vmem_shared>> -> memref<64x128xf32, #tpu.memory_space<vmem_shared>>
    %dma_start3A_757 = arith.constant 0 : i32
    %dma_start3A_758 = arith.constant 0 : i32
    %dma_start3A_759 = tpu.memref_slice %arg9[%dma_start3A_757, %dma_start3A_758] : memref<128x128xf32, #tpu.memory_space<vmem>> -> memref<64x128xf32, #tpu.memory_space<vmem>>
    %dma_start3A_760 = arith.constant 0 : i32
    %dma_start3A_761 = tpu.memref_slice %arg15[%add3A_751, %dma_start3A_760] : memref<10240x128xf32, #tpu.memory_space<vmem_shared>> -> memref<64x128xf32, #tpu.memory_space<vmem_shared>>
    tpu.enqueue_dma source(%dma_start3A_761 : memref<64x128xf32, #tpu.memory_space<vmem_shared>>) target(%dma_start3A_759 : memref<64x128xf32, #tpu.memory_space<vmem>>) target_semaphore(%arg11 : memref<!tpu.dma_semaphore, #tpu.memory_space<semaphore_mem>>)
    %mul3A_762 = arith.constant 640 : i32
    %mul3A_763 = arith.muli %arg1, %mul3A_762 : i32
    %add3A_764 = arith.constant 448 : i32
    %add3A_765 = arith.addi %mul3A_763, %add3A_764 : i32
    %dma_wait3A_766 = arith.constant 0 : i32
    %dma_wait3A_767 = arith.constant 0 : i32
    %dma_wait3A_768 = tpu.memref_slice %arg10[%dma_wait3A_766, %dma_wait3A_767] : memref<128x128xf32, #tpu.memory_space<vmem>> -> memref<64x128xf32, #tpu.memory_space<vmem>>
    %dma_wait3A_769 = arith.constant 0 : i32
    %dma_wait3A_770 = tpu.memref_slice %arg15[%add3A_765, %dma_wait3A_769] : memref<10240x128xf32, #tpu.memory_space<vmem_shared>> -> memref<64x128xf32, #tpu.memory_space<vmem_shared>>
    %dma_wait3A_771 = arith.constant 0 : i32
    %dma_wait3A_772 = arith.constant 0 : i32
    %dma_wait3A_773 = tpu.memref_slice %arg10[%dma_wait3A_771, %dma_wait3A_772] : memref<128x128xf32, #tpu.memory_space<vmem>> -> memref<64x128xf32, #tpu.memory_space<vmem>>
    %dma_wait3A_774 = arith.constant 0 : i32
    %dma_wait3A_775 = tpu.memref_slice %arg15[%add3A_765, %dma_wait3A_774] : memref<10240x128xf32, #tpu.memory_space<vmem_shared>> -> memref<64x128xf32, #tpu.memory_space<vmem_shared>>
    tpu.wait_dma2 semaphore(%arg12 : memref<!tpu.dma_semaphore, #tpu.memory_space<semaphore_mem>>) src(%dma_wait3A_775 : memref<64x128xf32, #tpu.memory_space<vmem_shared>>) dst(%dma_wait3A_773 : memref<64x128xf32, #tpu.memory_space<vmem>>)
    %mul3A_776 = arith.constant 640 : i32
    %mul3A_777 = arith.muli %arg1, %mul3A_776 : i32
    %add3A_778 = arith.constant 448 : i32
    %add3A_779 = arith.addi %mul3A_777, %add3A_778 : i32
    %dma_start3A_780 = arith.constant 0 : i32
    %dma_start3A_781 = arith.constant 0 : i32
    %dma_start3A_782 = tpu.memref_slice %arg10[%dma_start3A_780, %dma_start3A_781] : memref<128x128xf32, #tpu.memory_space<vmem>> -> memref<64x128xf32, #tpu.memory_space<vmem>>
    %dma_start3A_783 = arith.constant 0 : i32
    %dma_start3A_784 = tpu.memref_slice %arg4[%arg0, %add3A_779, %dma_start3A_783] : memref<2x10240x128xf32, #tpu.memory_space<hbm>> -> memref<1x64x128xf32, #tpu.memory_space<hbm>>
    %dma_start3A_785 = tpu.memref_squeeze %dma_start3A_784 : memref<1x64x128xf32, #tpu.memory_space<hbm>> -> memref<64x128xf32, #tpu.memory_space<hbm>>
    %dma_start3A_786 = arith.constant 0 : i32
    %dma_start3A_787 = tpu.memref_slice %arg4[%arg0, %add3A_779, %dma_start3A_786] : memref<2x10240x128xf32, #tpu.memory_space<hbm>> -> memref<1x64x128xf32, #tpu.memory_space<hbm>>
    %dma_start3A_788 = tpu.memref_squeeze %dma_start3A_787 : memref<1x64x128xf32, #tpu.memory_space<hbm>> -> memref<64x128xf32, #tpu.memory_space<hbm>>
    %dma_start3A_789 = arith.constant 0 : i32
    %dma_start3A_790 = arith.constant 0 : i32
    %dma_start3A_791 = tpu.memref_slice %arg10[%dma_start3A_789, %dma_start3A_790] : memref<128x128xf32, #tpu.memory_space<vmem>> -> memref<64x128xf32, #tpu.memory_space<vmem>>
    tpu.enqueue_dma source(%dma_start3A_791 : memref<64x128xf32, #tpu.memory_space<vmem>>) target(%dma_start3A_788 : memref<64x128xf32, #tpu.memory_space<hbm>>) target_semaphore(%arg14 : memref<!tpu.dma_semaphore, #tpu.memory_space<semaphore_mem>>)
    %mul3A_792 = arith.constant 640 : i32
    %mul3A_793 = arith.muli %arg1, %mul3A_792 : i32
    %add3A_794 = arith.constant 448 : i32
    %add3A_795 = arith.addi %mul3A_793, %add3A_794 : i32
    %dma_wait3A_796 = arith.constant 0 : i32
    %dma_wait3A_797 = arith.constant 0 : i32
    %dma_wait3A_798 = tpu.memref_slice %arg10[%dma_wait3A_796, %dma_wait3A_797] : memref<128x128xf32, #tpu.memory_space<vmem>> -> memref<64x128xf32, #tpu.memory_space<vmem>>
    %dma_wait3A_799 = arith.constant 0 : i32
    %dma_wait3A_800 = tpu.memref_slice %arg4[%arg0, %add3A_795, %dma_wait3A_799] : memref<2x10240x128xf32, #tpu.memory_space<hbm>> -> memref<1x64x128xf32, #tpu.memory_space<hbm>>
    %dma_wait3A_801 = tpu.memref_squeeze %dma_wait3A_800 : memref<1x64x128xf32, #tpu.memory_space<hbm>> -> memref<64x128xf32, #tpu.memory_space<hbm>>
    %dma_wait3A_802 = arith.constant 0 : i32
    %dma_wait3A_803 = tpu.memref_slice %arg4[%arg0, %add3A_795, %dma_wait3A_802] : memref<2x10240x128xf32, #tpu.memory_space<hbm>> -> memref<1x64x128xf32, #tpu.memory_space<hbm>>
    %dma_wait3A_804 = tpu.memref_squeeze %dma_wait3A_803 : memref<1x64x128xf32, #tpu.memory_space<hbm>> -> memref<64x128xf32, #tpu.memory_space<hbm>>
    %dma_wait3A_805 = arith.constant 0 : i32
    %dma_wait3A_806 = arith.constant 0 : i32
    %dma_wait3A_807 = tpu.memref_slice %arg10[%dma_wait3A_805, %dma_wait3A_806] : memref<128x128xf32, #tpu.memory_space<vmem>> -> memref<64x128xf32, #tpu.memory_space<vmem>>
    tpu.wait_dma2 semaphore(%arg14 : memref<!tpu.dma_semaphore, #tpu.memory_space<semaphore_mem>>) src(%dma_wait3A_807 : memref<64x128xf32, #tpu.memory_space<vmem>>) dst(%dma_wait3A_804 : memref<64x128xf32, #tpu.memory_space<hbm>>)
    %mul3A_808 = arith.constant 640 : i32
    %mul3A_809 = arith.muli %arg1, %mul3A_808 : i32
    %add3A_810 = arith.constant 576 : i32
    %add3A_811 = arith.addi %mul3A_809, %add3A_810 : i32
    %dma_start3A_812 = arith.constant 0 : i32
    %dma_start3A_813 = arith.constant 0 : i32
    %dma_start3A_814 = tpu.memref_slice %arg10[%dma_start3A_812, %dma_start3A_813] : memref<128x128xf32, #tpu.memory_space<vmem>> -> memref<64x128xf32, #tpu.memory_space<vmem>>
    %dma_start3A_815 = arith.constant 0 : i32
    %dma_start3A_816 = tpu.memref_slice %arg15[%add3A_811, %dma_start3A_815] : memref<10240x128xf32, #tpu.memory_space<vmem_shared>> -> memref<64x128xf32, #tpu.memory_space<vmem_shared>>
    %dma_start3A_817 = arith.constant 0 : i32
    %dma_start3A_818 = arith.constant 0 : i32
    %dma_start3A_819 = tpu.memref_slice %arg10[%dma_start3A_817, %dma_start3A_818] : memref<128x128xf32, #tpu.memory_space<vmem>> -> memref<64x128xf32, #tpu.memory_space<vmem>>
    %dma_start3A_820 = arith.constant 0 : i32
    %dma_start3A_821 = tpu.memref_slice %arg15[%add3A_811, %dma_start3A_820] : memref<10240x128xf32, #tpu.memory_space<vmem_shared>> -> memref<64x128xf32, #tpu.memory_space<vmem_shared>>
    tpu.enqueue_dma source(%dma_start3A_821 : memref<64x128xf32, #tpu.memory_space<vmem_shared>>) target(%dma_start3A_819 : memref<64x128xf32, #tpu.memory_space<vmem>>) target_semaphore(%arg12 : memref<!tpu.dma_semaphore, #tpu.memory_space<semaphore_mem>>)
    %mul3A_822 = arith.constant 640 : i32
    %mul3A_823 = arith.muli %arg1, %mul3A_822 : i32
    %add3A_824 = arith.constant 512 : i32
    %add3A_825 = arith.addi %mul3A_823, %add3A_824 : i32
    %dma_wait3A_826 = arith.constant 0 : i32
    %dma_wait3A_827 = arith.constant 0 : i32
    %dma_wait3A_828 = tpu.memref_slice %arg9[%dma_wait3A_826, %dma_wait3A_827] : memref<128x128xf32, #tpu.memory_space<vmem>> -> memref<64x128xf32, #tpu.memory_space<vmem>>
    %dma_wait3A_829 = arith.constant 0 : i32
    %dma_wait3A_830 = tpu.memref_slice %arg15[%add3A_825, %dma_wait3A_829] : memref<10240x128xf32, #tpu.memory_space<vmem_shared>> -> memref<64x128xf32, #tpu.memory_space<vmem_shared>>
    %dma_wait3A_831 = arith.constant 0 : i32
    %dma_wait3A_832 = arith.constant 0 : i32
    %dma_wait3A_833 = tpu.memref_slice %arg9[%dma_wait3A_831, %dma_wait3A_832] : memref<128x128xf32, #tpu.memory_space<vmem>> -> memref<64x128xf32, #tpu.memory_space<vmem>>
    %dma_wait3A_834 = arith.constant 0 : i32
    %dma_wait3A_835 = tpu.memref_slice %arg15[%add3A_825, %dma_wait3A_834] : memref<10240x128xf32, #tpu.memory_space<vmem_shared>> -> memref<64x128xf32, #tpu.memory_space<vmem_shared>>
    tpu.wait_dma2 semaphore(%arg11 : memref<!tpu.dma_semaphore, #tpu.memory_space<semaphore_mem>>) src(%dma_wait3A_835 : memref<64x128xf32, #tpu.memory_space<vmem_shared>>) dst(%dma_wait3A_833 : memref<64x128xf32, #tpu.memory_space<vmem>>)
    %mul3A_836 = arith.constant 640 : i32
    %mul3A_837 = arith.muli %arg1, %mul3A_836 : i32
    %add3A_838 = arith.constant 512 : i32
    %add3A_839 = arith.addi %mul3A_837, %add3A_838 : i32
    %dma_start3A_840 = arith.constant 0 : i32
    %dma_start3A_841 = arith.constant 0 : i32
    %dma_start3A_842 = tpu.memref_slice %arg9[%dma_start3A_840, %dma_start3A_841] : memref<128x128xf32, #tpu.memory_space<vmem>> -> memref<64x128xf32, #tpu.memory_space<vmem>>
    %dma_start3A_843 = arith.constant 0 : i32
    %dma_start3A_844 = tpu.memref_slice %arg4[%arg0, %add3A_839, %dma_start3A_843] : memref<2x10240x128xf32, #tpu.memory_space<hbm>> -> memref<1x64x128xf32, #tpu.memory_space<hbm>>
    %dma_start3A_845 = tpu.memref_squeeze %dma_start3A_844 : memref<1x64x128xf32, #tpu.memory_space<hbm>> -> memref<64x128xf32, #tpu.memory_space<hbm>>
    %dma_start3A_846 = arith.constant 0 : i32
    %dma_start3A_847 = tpu.memref_slice %arg4[%arg0, %add3A_839, %dma_start3A_846] : memref<2x10240x128xf32, #tpu.memory_space<hbm>> -> memref<1x64x128xf32, #tpu.memory_space<hbm>>
    %dma_start3A_848 = tpu.memref_squeeze %dma_start3A_847 : memref<1x64x128xf32, #tpu.memory_space<hbm>> -> memref<64x128xf32, #tpu.memory_space<hbm>>
    %dma_start3A_849 = arith.constant 0 : i32
    %dma_start3A_850 = arith.constant 0 : i32
    %dma_start3A_851 = tpu.memref_slice %arg9[%dma_start3A_849, %dma_start3A_850] : memref<128x128xf32, #tpu.memory_space<vmem>> -> memref<64x128xf32, #tpu.memory_space<vmem>>
    tpu.enqueue_dma source(%dma_start3A_851 : memref<64x128xf32, #tpu.memory_space<vmem>>) target(%dma_start3A_848 : memref<64x128xf32, #tpu.memory_space<hbm>>) target_semaphore(%arg13 : memref<!tpu.dma_semaphore, #tpu.memory_space<semaphore_mem>>)
    %mul3A_852 = arith.constant 640 : i32
    %mul3A_853 = arith.muli %arg1, %mul3A_852 : i32
    %add3A_854 = arith.constant 576 : i32
    %add3A_855 = arith.addi %mul3A_853, %add3A_854 : i32
    %dma_wait3A_856 = arith.constant 0 : i32
    %dma_wait3A_857 = arith.constant 0 : i32
    %dma_wait3A_858 = tpu.memref_slice %arg10[%dma_wait3A_856, %dma_wait3A_857] : memref<128x128xf32, #tpu.memory_space<vmem>> -> memref<64x128xf32, #tpu.memory_space<vmem>>
    %dma_wait3A_859 = arith.constant 0 : i32
    %dma_wait3A_860 = tpu.memref_slice %arg15[%add3A_855, %dma_wait3A_859] : memref<10240x128xf32, #tpu.memory_space<vmem_shared>> -> memref<64x128xf32, #tpu.memory_space<vmem_shared>>
    %dma_wait3A_861 = arith.constant 0 : i32
    %dma_wait3A_862 = arith.constant 0 : i32
    %dma_wait3A_863 = tpu.memref_slice %arg10[%dma_wait3A_861, %dma_wait3A_862] : memref<128x128xf32, #tpu.memory_space<vmem>> -> memref<64x128xf32, #tpu.memory_space<vmem>>
    %dma_wait3A_864 = arith.constant 0 : i32
    %dma_wait3A_865 = tpu.memref_slice %arg15[%add3A_855, %dma_wait3A_864] : memref<10240x128xf32, #tpu.memory_space<vmem_shared>> -> memref<64x128xf32, #tpu.memory_space<vmem_shared>>
    tpu.wait_dma2 semaphore(%arg12 : memref<!tpu.dma_semaphore, #tpu.memory_space<semaphore_mem>>) src(%dma_wait3A_865 : memref<64x128xf32, #tpu.memory_space<vmem_shared>>) dst(%dma_wait3A_863 : memref<64x128xf32, #tpu.memory_space<vmem>>)
    %mul3A_866 = arith.constant 640 : i32
    %mul3A_867 = arith.muli %arg1, %mul3A_866 : i32
    %add3A_868 = arith.constant 576 : i32
    %add3A_869 = arith.addi %mul3A_867, %add3A_868 : i32
    %dma_start3A_870 = arith.constant 0 : i32
    %dma_start3A_871 = arith.constant 0 : i32
    %dma_start3A_872 = tpu.memref_slice %arg10[%dma_start3A_870, %dma_start3A_871] : memref<128x128xf32, #tpu.memory_space<vmem>> -> memref<64x128xf32, #tpu.memory_space<vmem>>
    %dma_start3A_873 = arith.constant 0 : i32
    %dma_start3A_874 = tpu.memref_slice %arg4[%arg0, %add3A_869, %dma_start3A_873] : memref<2x10240x128xf32, #tpu.memory_space<hbm>> -> memref<1x64x128xf32, #tpu.memory_space<hbm>>
    %dma_start3A_875 = tpu.memref_squeeze %dma_start3A_874 : memref<1x64x128xf32, #tpu.memory_space<hbm>> -> memref<64x128xf32, #tpu.memory_space<hbm>>
    %dma_start3A_876 = arith.constant 0 : i32
    %dma_start3A_877 = tpu.memref_slice %arg4[%arg0, %add3A_869, %dma_start3A_876] : memref<2x10240x128xf32, #tpu.memory_space<hbm>> -> memref<1x64x128xf32, #tpu.memory_space<hbm>>
    %dma_start3A_878 = tpu.memref_squeeze %dma_start3A_877 : memref<1x64x128xf32, #tpu.memory_space<hbm>> -> memref<64x128xf32, #tpu.memory_space<hbm>>
    %dma_start3A_879 = arith.constant 0 : i32
    %dma_start3A_880 = arith.constant 0 : i32
    %dma_start3A_881 = tpu.memref_slice %arg10[%dma_start3A_879, %dma_start3A_880] : memref<128x128xf32, #tpu.memory_space<vmem>> -> memref<64x128xf32, #tpu.memory_space<vmem>>
    tpu.enqueue_dma source(%dma_start3A_881 : memref<64x128xf32, #tpu.memory_space<vmem>>) target(%dma_start3A_878 : memref<64x128xf32, #tpu.memory_space<hbm>>) target_semaphore(%arg14 : memref<!tpu.dma_semaphore, #tpu.memory_space<semaphore_mem>>)
    %mul3A_882 = arith.constant 640 : i32
    %mul3A_883 = arith.muli %arg1, %mul3A_882 : i32
    %add3A_884 = arith.constant 512 : i32
    %add3A_885 = arith.addi %mul3A_883, %add3A_884 : i32
    %dma_wait3A_886 = arith.constant 0 : i32
    %dma_wait3A_887 = arith.constant 0 : i32
    %dma_wait3A_888 = tpu.memref_slice %arg9[%dma_wait3A_886, %dma_wait3A_887] : memref<128x128xf32, #tpu.memory_space<vmem>> -> memref<64x128xf32, #tpu.memory_space<vmem>>
    %dma_wait3A_889 = arith.constant 0 : i32
    %dma_wait3A_890 = tpu.memref_slice %arg4[%arg0, %add3A_885, %dma_wait3A_889] : memref<2x10240x128xf32, #tpu.memory_space<hbm>> -> memref<1x64x128xf32, #tpu.memory_space<hbm>>
    %dma_wait3A_891 = tpu.memref_squeeze %dma_wait3A_890 : memref<1x64x128xf32, #tpu.memory_space<hbm>> -> memref<64x128xf32, #tpu.memory_space<hbm>>
    %dma_wait3A_892 = arith.constant 0 : i32
    %dma_wait3A_893 = tpu.memref_slice %arg4[%arg0, %add3A_885, %dma_wait3A_892] : memref<2x10240x128xf32, #tpu.memory_space<hbm>> -> memref<1x64x128xf32, #tpu.memory_space<hbm>>
    %dma_wait3A_894 = tpu.memref_squeeze %dma_wait3A_893 : memref<1x64x128xf32, #tpu.memory_space<hbm>> -> memref<64x128xf32, #tpu.memory_space<hbm>>
    %dma_wait3A_895 = arith.constant 0 : i32
    %dma_wait3A_896 = arith.constant 0 : i32
    %dma_wait3A_897 = tpu.memref_slice %arg9[%dma_wait3A_895, %dma_wait3A_896] : memref<128x128xf32, #tpu.memory_space<vmem>> -> memref<64x128xf32, #tpu.memory_space<vmem>>
    tpu.wait_dma2 semaphore(%arg13 : memref<!tpu.dma_semaphore, #tpu.memory_space<semaphore_mem>>) src(%dma_wait3A_897 : memref<64x128xf32, #tpu.memory_space<vmem>>) dst(%dma_wait3A_894 : memref<64x128xf32, #tpu.memory_space<hbm>>)
    %mul3A_898 = arith.constant 640 : i32
    %mul3A_899 = arith.muli %arg1, %mul3A_898 : i32
    %add3A_900 = arith.constant 576 : i32
    %add3A_901 = arith.addi %mul3A_899, %add3A_900 : i32
    %dma_wait3A_902 = arith.constant 0 : i32
    %dma_wait3A_903 = arith.constant 0 : i32
    %dma_wait3A_904 = tpu.memref_slice %arg10[%dma_wait3A_902, %dma_wait3A_903] : memref<128x128xf32, #tpu.memory_space<vmem>> -> memref<64x128xf32, #tpu.memory_space<vmem>>
    %dma_wait3A_905 = arith.constant 0 : i32
    %dma_wait3A_906 = tpu.memref_slice %arg4[%arg0, %add3A_901, %dma_wait3A_905] : memref<2x10240x128xf32, #tpu.memory_space<hbm>> -> memref<1x64x128xf32, #tpu.memory_space<hbm>>
    %dma_wait3A_907 = tpu.memref_squeeze %dma_wait3A_906 : memref<1x64x128xf32, #tpu.memory_space<hbm>> -> memref<64x128xf32, #tpu.memory_space<hbm>>
    %dma_wait3A_908 = arith.constant 0 : i32
    %dma_wait3A_909 = tpu.memref_slice %arg4[%arg0, %add3A_901, %dma_wait3A_908] : memref<2x10240x128xf32, #tpu.memory_space<hbm>> -> memref<1x64x128xf32, #tpu.memory_space<hbm>>
    %dma_wait3A_910 = tpu.memref_squeeze %dma_wait3A_909 : memref<1x64x128xf32, #tpu.memory_space<hbm>> -> memref<64x128xf32, #tpu.memory_space<hbm>>
    %dma_wait3A_911 = arith.constant 0 : i32
    %dma_wait3A_912 = arith.constant 0 : i32
    %dma_wait3A_913 = tpu.memref_slice %arg10[%dma_wait3A_911, %dma_wait3A_912] : memref<128x128xf32, #tpu.memory_space<vmem>> -> memref<64x128xf32, #tpu.memory_space<vmem>>
    tpu.wait_dma2 semaphore(%arg14 : memref<!tpu.dma_semaphore, #tpu.memory_space<semaphore_mem>>) src(%dma_wait3A_913 : memref<64x128xf32, #tpu.memory_space<vmem>>) dst(%dma_wait3A_910 : memref<64x128xf32, #tpu.memory_space<hbm>>)
    return
  }
}

module attributes {stable_mosaic.version = 14 : i64} {
  func.func @_mid_body(%arg0: i32, %arg1: memref<2x1024x128xf32, #tpu.memory_space<vmem>>, %arg2: memref<1024x1xf32, #tpu.memory_space<vmem>>, %arg3: memref<1x128xf32, #tpu.memory_space<vmem>>, %arg4: memref<128x128xf32, #tpu.memory_space<vmem>>, %arg5: memref<1024x1xf32, #tpu.memory_space<vmem>>, %arg6: memref<1024x128xf32, #tpu.memory_space<vmem>>) attributes {dimension_semantics = [#tpu.dimension_semantics<arbitrary>], iteration_bounds = array<i64: 10>, scalar_prefetch = 0 : i64, scratch_operands = 0 : i64, tpu.core_type = #tpu.core_type<tc>, window_params = [{transform_indices = @transform_0, window_bounds = array<i64: 2, 1024, 128>}, {transform_indices = @transform_1, window_bounds = array<i64: 1024, 1>}, {pipeline_mode = #tpu.pipeline_mode<synchronous>, transform_indices = @transform_2, window_bounds = array<i64: 1, 128>}, {pipeline_mode = #tpu.pipeline_mode<synchronous>, transform_indices = @transform_3, window_bounds = array<i64: 128, 128>}, {transform_indices = @transform_4, window_bounds = array<i64: 1024, 1>}, {transform_indices = @transform_5, window_bounds = array<i64: 1024, 128>}]} {
    %get3A = arith.constant 0 : index
    %get3A_0 = arith.constant 0 : index
    %get3A_1 = arith.constant 0 : index
    %get3A_2 = vector.load %arg1[%get3A, %get3A_0, %get3A_1] : memref<2x1024x128xf32, #tpu.memory_space<vmem>>, vector<1x1024x128xf32>
    %get3A_3 = vector.shape_cast %get3A_2 : vector<1x1024x128xf32> to vector<1024x128xf32>
    %get3A_4 = arith.constant 1 : index
    %get3A_5 = arith.constant 0 : index
    %get3A_6 = arith.constant 0 : index
    %get3A_7 = vector.load %arg1[%get3A_4, %get3A_5, %get3A_6] : memref<2x1024x128xf32, #tpu.memory_space<vmem>>, vector<1x1024x128xf32>
    %get3A_8 = vector.shape_cast %get3A_7 : vector<1x1024x128xf32> to vector<1024x128xf32>
    %add3A = arith.addf %get3A_3, %get3A_8 : vector<1024x128xf32>
    %get3A_9 = arith.constant 0 : index
    %get3A_10 = arith.constant 0 : index
    %get3A_11 = vector.load %arg2[%get3A_9, %get3A_10] : memref<1024x1xf32, #tpu.memory_space<vmem>>, vector<1024x1xf32>
    %mul3A = vector.broadcast %get3A_11 : vector<1024x1xf32> to vector<1024x128xf32>
    %mul3A_12 = arith.mulf %add3A, %mul3A : vector<1024x128xf32>
    %get3A_13 = arith.constant 0 : index
    %get3A_14 = arith.constant 0 : index
    %get3A_15 = vector.load %arg3[%get3A_13, %get3A_14] : memref<1x128xf32, #tpu.memory_space<vmem>>, vector<1x128xf32>
    %add3A_16 = vector.broadcast %get3A_15 : vector<1x128xf32> to vector<1024x128xf32>
    %add3A_17 = arith.addf %mul3A_12, %add3A_16 : vector<1024x128xf32>
    %max3A = arith.constant 0.000000e+00 : f32
    %max3A_18 = vector.broadcast %max3A : f32 to vector<1024x128xf32>
    %max3A_19 = arith.maximumf %add3A_17, %max3A_18 : vector<1024x128xf32>
    %get3A_20 = arith.constant 0 : index
    %get3A_21 = arith.constant 0 : index
    %get3A_22 = vector.load %arg4[%get3A_20, %get3A_21] : memref<128x128xf32, #tpu.memory_space<vmem>>, vector<128x128xf32>
    %dot_general3A = arith.constant dense<0.000000e+00> : vector<1024x128xf32>
    %dot_general3A_23 = tpu.matmul %max3A_19, %get3A_22, %dot_general3A {dimension_numbers = #tpu.dot_dimension_numbers<[1], [0], [0], [1], [0, 0, 1, 1], [], []>, transpose_lhs_hint = false} : vector<1024x128xf32>, vector<128x128xf32>, vector<1024x128xf32> -> vector<1024x128xf32>
    %get3A_24 = arith.constant 0 : index
    %get3A_25 = arith.constant 0 : index
    %get3A_26 = vector.load %arg5[%get3A_24, %get3A_25] : memref<1024x1xf32, #tpu.memory_space<vmem>>, vector<1024x1xf32>
    %mul3A_27 = vector.broadcast %get3A_26 : vector<1024x1xf32> to vector<1024x128xf32>
    %mul3A_28 = arith.mulf %dot_general3A_23, %mul3A_27 : vector<1024x128xf32>
    %swap3A = arith.constant 0 : index
    %swap3A_29 = arith.constant 0 : index
    %swap3A_30 = vector.load %arg6[%swap3A, %swap3A_29] : memref<1024x128xf32, #tpu.memory_space<vmem>>, vector<1024x128xf32>
    tpu.vector_store %arg6[%swap3A, %swap3A_29], %mul3A_28 {strides = array<i32>} : memref<1024x128xf32, #tpu.memory_space<vmem>>, vector<1024x128xf32>,
    return
  }
  func.func @transform_0(%arg0: i32) -> (i32, i32, i32) {
    %c0_i32 = arith.constant 0 : i32
    %c0_i32_0 = arith.constant 0 : i32
    %c0_i32_1 = arith.constant 0 : i32
    return %c0_i32, %arg0, %c0_i32_0 : i32, i32, i32
  }
  func.func @transform_1(%arg0: i32) -> (i32, i32) {
    %c0_i32 = arith.constant 0 : i32
    %c0_i32_0 = arith.constant 0 : i32
    return %arg0, %c0_i32 : i32, i32
  }
  func.func @transform_2(%arg0: i32) -> (i32, i32) {
    %c0_i32 = arith.constant 0 : i32
    %c0_i32_0 = arith.constant 0 : i32
    %c0_i32_1 = arith.constant 0 : i32
    return %c0_i32, %c0_i32_0 : i32, i32
  }
  func.func @transform_3(%arg0: i32) -> (i32, i32) {
    %c0_i32 = arith.constant 0 : i32
    %c0_i32_0 = arith.constant 0 : i32
    %c0_i32_1 = arith.constant 0 : i32
    return %c0_i32, %c0_i32_0 : i32, i32
  }
  func.func @transform_4(%arg0: i32) -> (i32, i32) {
    %c0_i32 = arith.constant 0 : i32
    %c0_i32_0 = arith.constant 0 : i32
    return %arg0, %c0_i32 : i32, i32
  }
  func.func @transform_5(%arg0: i32) -> (i32, i32) {
    %c0_i32 = arith.constant 0 : i32
    %c0_i32_0 = arith.constant 0 : i32
    return %arg0, %c0_i32 : i32, i32
  }
}

module attributes {stable_mosaic.version = 14 : i64} {
  func.func @_mm1_body(%arg0: i32, %arg1: memref<1024x128xf32, #tpu.memory_space<vmem>>, %arg2: memref<128x128xf32, #tpu.memory_space<vmem>>, %arg3: memref<1024x1xf32, #tpu.memory_space<vmem>>, %arg4: memref<1024x1xf32, #tpu.memory_space<vmem>>, %arg5: memref<1024x128xf32, #tpu.memory_space<vmem>>, %arg6: memref<1024x1xf32, #tpu.memory_space<vmem>>, %arg7: memref<1024x1xf32, #tpu.memory_space<vmem>>) attributes {dimension_semantics = [#tpu.dimension_semantics<arbitrary>], iteration_bounds = array<i64: 10>, scalar_prefetch = 0 : i64, scratch_operands = 0 : i64, tpu.core_type = #tpu.core_type<tc>, window_params = [{transform_indices = @transform_0, window_bounds = array<i64: 1024, 128>}, {pipeline_mode = #tpu.pipeline_mode<synchronous>, transform_indices = @transform_1, window_bounds = array<i64: 128, 128>}, {transform_indices = @transform_2, window_bounds = array<i64: 1024, 1>}, {transform_indices = @transform_3, window_bounds = array<i64: 1024, 1>}, {transform_indices = @transform_4, window_bounds = array<i64: 1024, 128>}, {transform_indices = @transform_5, window_bounds = array<i64: 1024, 1>}, {transform_indices = @transform_6, window_bounds = array<i64: 1024, 1>}]} {
    %get3A = arith.constant 0 : index
    %get3A_0 = arith.constant 0 : index
    %get3A_1 = vector.load %arg3[%get3A, %get3A_0] : memref<1024x1xf32, #tpu.memory_space<vmem>>, vector<1024x1xf32>
    %gt3A = arith.constant 0.000000e+00 : f32
    %gt3A_2 = vector.broadcast %gt3A : f32 to vector<1024x1xf32>
    %gt3A_3 = arith.cmpf ogt, %get3A_1, %gt3A_2 : vector<1024x1xf32>
    %max3A = arith.constant 9.99999996E-13 : f32
    %max3A_4 = vector.broadcast %max3A : f32 to vector<1024x1xf32>
    %max3A_5 = arith.maximumf %get3A_1, %max3A_4 : vector<1024x1xf32>
    %rsqrt3A = math.rsqrt %max3A_5 : vector<1024x1xf32>
    %jit3A = arith.constant 0.000000e+00 : f32
    %broadcast_in_dim3A = vector.broadcast %jit3A : f32 to vector<1024x1xf32>
    %select_n3A = arith.select %gt3A_3, %rsqrt3A, %broadcast_in_dim3A : vector<1024x1xi1>, vector<1024x1xf32>
    %get3A_6 = arith.constant 0 : index
    %get3A_7 = arith.constant 0 : index
    %get3A_8 = vector.load %arg4[%get3A_6, %get3A_7] : memref<1024x1xf32, #tpu.memory_space<vmem>>, vector<1024x1xf32>
    %gt3A_9 = arith.constant 0.000000e+00 : f32
    %gt3A_10 = vector.broadcast %gt3A_9 : f32 to vector<1024x1xf32>
    %gt3A_11 = arith.cmpf ogt, %get3A_8, %gt3A_10 : vector<1024x1xf32>
    %max3A_12 = arith.constant 9.99999996E-13 : f32
    %max3A_13 = vector.broadcast %max3A_12 : f32 to vector<1024x1xf32>
    %max3A_14 = arith.maximumf %get3A_8, %max3A_13 : vector<1024x1xf32>
    %rsqrt3A_15 = math.rsqrt %max3A_14 : vector<1024x1xf32>
    %jit3A_16 = arith.constant 0.000000e+00 : f32
    %broadcast_in_dim3A_17 = vector.broadcast %jit3A_16 : f32 to vector<1024x1xf32>
    %select_n3A_18 = arith.select %gt3A_11, %rsqrt3A_15, %broadcast_in_dim3A_17 : vector<1024x1xi1>, vector<1024x1xf32>
    %swap3A = arith.constant 0 : index
    %swap3A_19 = arith.constant 0 : index
    %swap3A_20 = vector.load %arg6[%swap3A, %swap3A_19] : memref<1024x1xf32, #tpu.memory_space<vmem>>, vector<1024x1xf32>
    tpu.vector_store %arg6[%swap3A, %swap3A_19], %select_n3A {strides = array<i32>} : memref<1024x1xf32, #tpu.memory_space<vmem>>, vector<1024x1xf32>,
    %swap3A_21 = arith.constant 0 : index
    %swap3A_22 = arith.constant 0 : index
    %swap3A_23 = vector.load %arg7[%swap3A_21, %swap3A_22] : memref<1024x1xf32, #tpu.memory_space<vmem>>, vector<1024x1xf32>
    tpu.vector_store %arg7[%swap3A_21, %swap3A_22], %select_n3A_18 {strides = array<i32>} : memref<1024x1xf32, #tpu.memory_space<vmem>>, vector<1024x1xf32>,
    %get3A_24 = arith.constant 0 : index
    %get3A_25 = arith.constant 0 : index
    %get3A_26 = vector.load %arg1[%get3A_24, %get3A_25] : memref<1024x128xf32, #tpu.memory_space<vmem>>, vector<1024x128xf32>
    %get3A_27 = arith.constant 0 : index
    %get3A_28 = arith.constant 0 : index
    %get3A_29 = vector.load %arg2[%get3A_27, %get3A_28] : memref<128x128xf32, #tpu.memory_space<vmem>>, vector<128x128xf32>
    %dot_general3A = arith.constant dense<0.000000e+00> : vector<1024x128xf32>
    %dot_general3A_30 = tpu.matmul %get3A_26, %get3A_29, %dot_general3A {dimension_numbers = #tpu.dot_dimension_numbers<[1], [0], [0], [1], [0, 0, 1, 1], [], []>, transpose_lhs_hint = false} : vector<1024x128xf32>, vector<128x128xf32>, vector<1024x128xf32> -> vector<1024x128xf32>
    %mul3A = vector.broadcast %select_n3A : vector<1024x1xf32> to vector<1024x128xf32>
    %mul3A_31 = arith.mulf %dot_general3A_30, %mul3A : vector<1024x128xf32>
    %swap3A_32 = arith.constant 0 : index
    %swap3A_33 = arith.constant 0 : index
    %swap3A_34 = vector.load %arg5[%swap3A_32, %swap3A_33] : memref<1024x128xf32, #tpu.memory_space<vmem>>, vector<1024x128xf32>
    tpu.vector_store %arg5[%swap3A_32, %swap3A_33], %mul3A_31 {strides = array<i32>} : memref<1024x128xf32, #tpu.memory_space<vmem>>, vector<1024x128xf32>,
    return
  }
  func.func @transform_0(%arg0: i32) -> (i32, i32) {
    %c0_i32 = arith.constant 0 : i32
    %c0_i32_0 = arith.constant 0 : i32
    return %arg0, %c0_i32 : i32, i32
  }
  func.func @transform_1(%arg0: i32) -> (i32, i32) {
    %c0_i32 = arith.constant 0 : i32
    %c0_i32_0 = arith.constant 0 : i32
    %c0_i32_1 = arith.constant 0 : i32
    return %c0_i32, %c0_i32_0 : i32, i32
  }
  func.func @transform_2(%arg0: i32) -> (i32, i32) {
    %c0_i32 = arith.constant 0 : i32
    %c0_i32_0 = arith.constant 0 : i32
    return %arg0, %c0_i32 : i32, i32
  }
  func.func @transform_3(%arg0: i32) -> (i32, i32) {
    %c0_i32 = arith.constant 0 : i32
    %c0_i32_0 = arith.constant 0 : i32
    return %arg0, %c0_i32 : i32, i32
  }
  func.func @transform_4(%arg0: i32) -> (i32, i32) {
    %c0_i32 = arith.constant 0 : i32
    %c0_i32_0 = arith.constant 0 : i32
    return %arg0, %c0_i32 : i32, i32
  }
  func.func @transform_5(%arg0: i32) -> (i32, i32) {
    %c0_i32 = arith.constant 0 : i32
    %c0_i32_0 = arith.constant 0 : i32
    return %arg0, %c0_i32 : i32, i32
  }
  func.func @transform_6(%arg0: i32) -> (i32, i32) {
    %c0_i32 = arith.constant 0 : i32
    %c0_i32_0 = arith.constant 0 : i32
    return %arg0, %c0_i32 : i32, i32
  }
}

module attributes {stable_mosaic.version = 14 : i64} {
  func.func @_fin_body(%arg0: i32, %arg1: memref<2x1000x128xf32, #tpu.memory_space<vmem>>, %arg2: memref<1000x1xf32, #tpu.memory_space<vmem>>, %arg3: memref<1x128xf32, #tpu.memory_space<vmem>>, %arg4: memref<1000x16xf32, #tpu.memory_space<vmem>>) attributes {dimension_semantics = [#tpu.dimension_semantics<arbitrary>], iteration_bounds = array<i64: 10>, scalar_prefetch = 0 : i64, scratch_operands = 0 : i64, tpu.core_type = #tpu.core_type<tc>, window_params = [{transform_indices = @transform_0, window_bounds = array<i64: 2, 1000, 128>}, {transform_indices = @transform_1, window_bounds = array<i64: 1000, 1>}, {pipeline_mode = #tpu.pipeline_mode<synchronous>, transform_indices = @transform_2, window_bounds = array<i64: 1, 128>}, {transform_indices = @transform_3, window_bounds = array<i64: 1000, 16>}]} {
    %get3A = arith.constant 0 : index
    %get3A_0 = arith.constant 0 : index
    %get3A_1 = arith.constant 0 : index
    %get3A_2 = vector.load %arg1[%get3A, %get3A_0, %get3A_1] : memref<2x1000x128xf32, #tpu.memory_space<vmem>>, vector<1x1000x128xf32>
    %get3A_3 = vector.shape_cast %get3A_2 : vector<1x1000x128xf32> to vector<1000x128xf32>
    %get3A_4 = arith.constant 1 : index
    %get3A_5 = arith.constant 0 : index
    %get3A_6 = arith.constant 0 : index
    %get3A_7 = vector.load %arg1[%get3A_4, %get3A_5, %get3A_6] : memref<2x1000x128xf32, #tpu.memory_space<vmem>>, vector<1x1000x128xf32>
    %get3A_8 = vector.shape_cast %get3A_7 : vector<1x1000x128xf32> to vector<1000x128xf32>
    %add3A = arith.addf %get3A_3, %get3A_8 : vector<1000x128xf32>
    %get3A_9 = arith.constant 0 : index
    %get3A_10 = arith.constant 0 : index
    %get3A_11 = vector.load %arg2[%get3A_9, %get3A_10] : memref<1000x1xf32, #tpu.memory_space<vmem>>, vector<1000x1xf32>
    %mul3A = vector.broadcast %get3A_11 : vector<1000x1xf32> to vector<1000x128xf32>
    %mul3A_12 = arith.mulf %add3A, %mul3A : vector<1000x128xf32>
    %get3A_13 = arith.constant 0 : index
    %get3A_14 = arith.constant 0 : index
    %get3A_15 = vector.load %arg3[%get3A_13, %get3A_14] : memref<1x128xf32, #tpu.memory_space<vmem>>, vector<1x128xf32>
    %add3A_16 = vector.broadcast %get3A_15 : vector<1x128xf32> to vector<1000x128xf32>
    %add3A_17 = arith.addf %mul3A_12, %add3A_16 : vector<1000x128xf32>
    %slice3A = vector.extract_strided_slice %add3A_17 {offsets = [0, 0], sizes = [1000, 16], strides = [1, 1]} : vector<1000x128xf32> to vector<1000x16xf32>
    %swap3A = arith.constant 0 : index
    %swap3A_18 = arith.constant 0 : index
    %swap3A_19 = vector.load %arg4[%swap3A, %swap3A_18] : memref<1000x16xf32, #tpu.memory_space<vmem>>, vector<1000x16xf32>
    tpu.vector_store %arg4[%swap3A, %swap3A_18], %slice3A {strides = array<i32>} : memref<1000x16xf32, #tpu.memory_space<vmem>>, vector<1000x16xf32>,
    return
  }
  func.func @transform_0(%arg0: i32) -> (i32, i32, i32) {
    %c0_i32 = arith.constant 0 : i32
    %c0_i32_0 = arith.constant 0 : i32
    %c0_i32_1 = arith.constant 0 : i32
    return %c0_i32, %arg0, %c0_i32_0 : i32, i32, i32
  }
  func.func @transform_1(%arg0: i32) -> (i32, i32) {
    %c0_i32 = arith.constant 0 : i32
    %c0_i32_0 = arith.constant 0 : i32
    return %arg0, %c0_i32 : i32, i32
  }
  func.func @transform_2(%arg0: i32) -> (i32, i32) {
    %c0_i32 = arith.constant 0 : i32
    %c0_i32_0 = arith.constant 0 : i32
    %c0_i32_1 = arith.constant 0 : i32
    return %c0_i32, %c0_i32_0 : i32, i32
  }
  func.func @transform_3(%arg0: i32) -> (i32, i32) {
    %c0_i32 = arith.constant 0 : i32
    %c0_i32_0 = arith.constant 0 : i32
    return %arg0, %c0_i32 : i32, i32
  }
}

</mosaic_0001>

<sc_bundles>
// kernel: kernel.11.cloned.1.call-start
scs
__scs_entry_jumppad:
0x0: {  	(pc) =	sbr.rel $0x88, $3  }
0x1: {  	(tag) =	ssettag $0x0;
	lr =	simm.s32 $0x1  }
0x2: {  	[smem:$0x3F9B] =	sst lr;
	_ =	strace $0xD0000000  }
0x3: {  	_ = 	snop  }
0x4: {  	_ = 	snop  }
0x5: {  	_ = 	snop  }
0x6: {  	_ = 	snop  }
0x7: {  	_ = 	snop  }
__scs_overlays_trampoline_lowered:
0x8: {  	[smem:$0x3FAA] =	sst s0  }
0x9: {  	[smem:$0x3FAB] =	sst s1  }
0xa: {  	[smem:$0x3FAC] =	sst s2  }
0xb: {  	[smem:$0x3FAD] =	sst s3  }
0xc: {  	[smem:$0x3FAE] =	sst s4  }
0xd: {  	[smem:$0x3FAF] =	sst s5  }
0xe: {  	[smem:$0x3FB0] =	sst s6  }
0xf: {  	[smem:$0x3FB1] =	sst s7  }
0x10: {  	[smem:$0x3FB2] =	sst s8  }
0x11: {  	[smem:$0x3FB3] =	sst s9;
	s0 =	simm.s32 @!p0 $0x0  }
0x12: {  	s1 =	sld [smem:$0x3F99];
	s0 =	simm.s32 @p0 $0x1  }
0x13: {  	[smem:$0x3FB4] =	sst s0;
	s0 =	simm.s32 @!p1 $0x0  }
0x14: {  	s2 =	sld [smem:$0x3F98];
	s0 =	simm.s32 @p1 $0x1  }
0x15: {  	[smem:$0x3FB5] =	sst s0;
	s0 =	simm.s32 @!p2 $0x0  }
0x16: {  	s3 =	sld [smem:$0x3FDB];
	s0 =	simm.s32 @p2 $0x1  }
0x17: {  	s4 =	simm.s32 $0x1BF5;
	[smem:$0x3FB7] =	sst s0  }
0x18: {  	s0 =	sld [smem:$0x3F9A];
	_ =	swait.ge [sflag:s4], $0x0  }
0x19: {  	s7 =	sld [smem:$0x3F9B]  }
0x1a: {  	s8 =	sadd.s32 $0xFFFFE003, lr  }
0x1b: {  	s9 =	sadd.s32 $0xFFFFFEF7, lr;
	s5 =	simm.s32 $0xFFFFFFFF;
	p2 =	slt.u32 s8, $0xFFFFF086  }
0x1c: {  	p1 =	slt.u32 s9, $0xF7A;
	s5 =	simm.s32 @!p2 $0x0  }
0x1d: {  	s5 =	simm.s32 @p1 $0x1;
	p0 =	seq.s32 s7, s2  }
0x1e: {  	s7 =	smul.u32 @!p0 $0xF7A, s2;
	p2 =	seq.s32 @!p0 s5, $0x0  }
0x1f: {  	s9 =	smul.u32 $0xF7A, s1;
	s8 =	simm.s32 @!p0 $0x1BF5;
	p2 =	por !p2, p0  }
0x20: {  	[sflag:s8] =	ssyncset.s32 @!p0 $0xFFFFF086;
	s6 =	sadd.s32 @!p0 s3, s7;
	s7 =	simm.s32 @!p0 $0x108  }
0x21: {  	s3 =	sadd.s32 s3, s9;
	s6 =	sadd.s32 @!p0 $0x88, s6;
	s7 =	simm.s32 @p2 $0x1082  }
0x22: {  	[simem:s7], [sflag:s8] =	dma.local @!p0 [hbm:s6], $0xF7A  }
0x23: {  	s9 =	sor.u32 $0xD0000000, s2;
	s6 =	simm.s32 $0x108;
	_ =	swait.ge @!p0 [sflag:s8], $0x0  }
0x24: {  	s3 =	sadd.s32 $0x88, s3;
	s6 =	simm.s32 @!p1 $0x1082;
	[sflag:s4] =	ssyncset.s32 $0xFFFFF086  }
0x25: {  	[simem:s6], [sflag:s4] =	dma.local [hbm:s3], $0xF7A  }
0x26: {  	[smem:$0x3F9B] =	sst s1;
	(tag) =	ssettag s2;
	_ =	strace s9  }
0x27: {  	s1 =	sld [smem:$0x3FAB]  }
0x28: {  	s2 =	sld [smem:$0x3FAC]  }
0x29: {  	s4 =	sld [smem:$0x3FAE]  }
0x2a: {  	p0 =	seq.s32 s5, $0x0;
	s5 =	sld [smem:$0x3FAF]  }
0x2b: {  	s6 =	sld [smem:$0x3FB0]  }
0x2c: {  	s7 =	sld [smem:$0x3FB1]  }
0x2d: {  	s3 =	simm.s32 $0x108;
	s8 =	sld [smem:$0x3FB2]  }
0x2e: {  	s3 =	simm.s32 @!p0 $0x1082;
	s9 =	sld [smem:$0x3FB3]  }
0x2f: {  	lr =	sadd.s32 s0, s3;
	s0 =	sld [smem:$0x3FAA]  }
0x30: {  	s3 =	sld [smem:$0x3FAD]  }
0x31: {  	[smem:$0x3FB6] =	sst s10  }
0x32: {  	s10 =	sld [smem:$0x3FB4];
	_ =	sdelay $0x3  }
0x33: {  	p0 =	seq.s32 s10, $0x1;
	s10 =	sld [smem:$0x3FB6];
	_ =	sdelay $0x3  }
0x34: {  	[smem:$0x3FB6] =	sst s10  }
0x35: {  	s10 =	sld [smem:$0x3FB5];
	_ =	sdelay $0x3  }
0x36: {  	p1 =	seq.s32 s10, $0x1;
	s10 =	sld [smem:$0x3FB6];
	_ =	sdelay $0x3  }
0x37: {  	[smem:$0x3FB6] =	sst s10  }
0x38: {  	s10 =	sld [smem:$0x3FB7]  }
0x39: {  	_ = 	snop;
	(pc) =	sbr.ind lr, $3  }
0x3a: {  	_ = 	snop  }
0x3b: {  	_ = 	snop  }
0x3c: {  	p2 =	seq.s32 s10, $0x1;
	s10 =	sld [smem:$0x3FB6]  }
0x3d: {  	_ =	shalt  }
0x3e: {  	_ =	shalt  }
0x3f: {  	_ =	shalt  }
0x40: {  	_ =	shalt  }
0x41: {  	_ =	shalt  }
0x42: {  	_ =	shalt  }
0x43: {  	_ =	shalt  }
0x44: {  	_ =	shalt  }
0x45: {  	_ =	shalt  }
0x46: {  	_ =	shalt  }
0x47: {  	_ =	shalt  }
0x48: {  	_ =	shalt  }
0x49: {  	_ =	shalt  }
0x4a: {  	_ =	shalt  }
0x4b: {  	_ =	shalt  }
0x4c: {  	_ =	shalt  }
0x4d: {  	_ =	shalt  }
0x4e: {  	_ =	shalt  }
0x4f: {  	_ =	shalt  }
0x50: {  	_ =	shalt  }
0x51: {  	_ =	shalt  }
0x52: {  	_ =	shalt  }
0x53: {  	_ =	shalt  }
0x54: {  	_ =	shalt  }
0x55: {  	_ =	shalt  }
0x56: {  	_ =	shalt  }
0x57: {  	_ =	shalt  }
0x58: {  	_ =	shalt  }
0x59: {  	_ =	shalt  }
0x5a: {  	_ =	shalt  }
0x5b: {  	_ =	shalt  }
0x5c: {  	_ =	shalt  }
0x5d: {  	_ =	shalt  }
0x5e: {  	_ =	shalt  }
0x5f: {  	_ =	shalt  }
0x60: {  	_ =	shalt  }
0x61: {  	_ =	shalt  }
0x62: {  	_ =	shalt  }
0x63: {  	_ =	shalt  }
0x64: {  	_ =	shalt  }
0x65: {  	_ =	shalt  }
0x66: {  	_ =	shalt  }
0x67: {  	_ =	shalt  }
0x68: {  	_ =	shalt  }
0x69: {  	_ =	shalt  }
0x6a: {  	_ =	shalt  }
0x6b: {  	_ =	shalt  }
0x6c: {  	_ =	shalt  }
0x6d: {  	_ =	shalt  }
0x6e: {  	_ =	shalt  }
0x6f: {  	_ =	shalt  }
0x70: {  	_ =	shalt  }
0x71: {  	_ =	shalt  }
0x72: {  	_ =	shalt  }
0x73: {  	_ =	shalt  }
0x74: {  	_ =	shalt  }
0x75: {  	_ =	shalt  }
0x76: {  	_ =	shalt  }
0x77: {  	_ =	shalt  }
0x78: {  	_ =	shalt  }
0x79: {  	_ =	shalt  }
0x7a: {  	_ =	shalt  }
0x7b: {  	_ =	shalt  }
0x7c: {  	_ =	shalt  }
0x7d: {  	_ =	shalt  }
0x7e: {  	_ =	shalt  }
0x7f: {  	_ =	shalt  }
0x80: {  	_ =	shalt  }
0x81: {  	_ =	shalt  }
0x82: {  	_ =	shalt  }
0x83: {  	_ =	shalt  }
0x84: {  	_ =	shalt  }
0x85: {  	_ =	shalt  }
0x86: {  	_ =	shalt  }
0x87: {  	_ =	shalt  }
.Lfunc_end0:
.L_simem_size_0:
called_computation.1_lowered:
.L_overlay_start_0:
0x88: {  	s2 =	sld [smem:$0x3FD9]  }
0x89: {  	s3 =	sld [smem:$0x3FFE];
	_ =	sdelay $0x1  }
0x8a: {  	s1 =	srdreg.scid  }
0x8b: {  	s0 =	sand.u32 $0x1, s1  }
0x8c: {  	s16 =	sshll.u32 s0, $0xA;
	s2 =	sadd.s32 s3, s2  }
0x8d: {  	s2 =	sadd.s32 s2, s16  }
0x8e: {  	[smem:$0x3FC2] =	sst s2  }
0x8f: {  	_ = 	snop  }
0x90: {  	(tm) =	ssettm $0x1  }
0x91: {  	s17 =	sld [smem:$0x3FFB];
	_ =	sdelay $0x3  }
0x92: {  	_ =	strace s17  }
0x93: {  	s2 =	sld [smem:$0x3FFC];
	_ =	sdelay $0x3  }
0x94: {  	_ =	strace s2  }
0x95: {  	s2 =	sld [smem:$0x3FFD];
	_ =	sdelay $0x3  }
0x96: {  	_ =	strace s2  }
0x97: {  	_ =	strace $0x8FFFFFFF  }
0x98: {  	s18 =	sld [smem:$0x3FDB];
	_ =	sdelay $0x1  }
0x99: {  	s19 =	simm.s32 $_scs_section_size  }
0x9a: {  	s4 =	simm.s32 $_size__tile_overlayer_lowered;
	s5 =	simm.s32 $_tile_overlayer_lowered  }
0x9b: {  	s22 =	simm.s32 $0x1BFF;
	s21 =	sshll.u32 s5, $0x1;
	s2 =	sadd.s32 s19, s18  }
0x9c: {  	s6 =	simm.s32 $0x0;
	s20 =	sshll.u32 s4, $0x1;
	s4 =	sadd.s32 s21, s2  }
0x9d: {  	[timem:s6], [sflag:s22] =	dma.local [hbm:s4], s20  }
0x9e: {  	_ =	swait.ge [sflag:s22], s20  }
0x9f: {  	s3 =	ssub.s32 $0x0, s20;
	[sflag:s22] =	ssyncset.done $0x0  }
0xa0: {  	[sflag:s22] =	ssyncadd.s32 s3;
	_ =	sdelay $0x1  }
0xa1: {  	s23 =	simm.s32 $0x1B8B  }
0xa2: {  	_ =	swait.ge [sflag:s23], $0x1  }
0xa3: {  	[sflag:s23] =	ssyncset.done $0x0  }
0xa4: {  	s25 =	simm.s32 $0x1B8E;
	s24 =	sld [smem:$0x3FFE];
	[sflag:s23] =	ssyncadd.s32 $0xFFFFFFFF  }
0xa5: {  	s26 =	simm.s32 $execute0_lowered;
	[smem:$0x3FD2] =	sst s25  }
0xa6: {  	s4 =	sshll.u32 s26, $0x1;
	_ =	strace $0x80000049;
	[dreg:$0x1] =	wrdreg $0xFFFFFFFF  }
0xa7: {  	s28 =	simm.s32 $_size_execute0_lowered;
	s2 =	sadd.s32 s2, s4;
	[dreg:$0x0] =	wrdreg $0x0  }
0xa8: {  	s4 =	sshll.u32 s28, $0x1;
	[dreg:$0x2] =	wrdreg s2  }
0xa9: {  	[dreg:$0x3] =	wrdreg s4  }
0xaa: {  	[dreg:$0x4] =	wrdreg $0xC0  }
0xab: {  	_ =	task [dreg:s6], $0x5FFFF  }
0xac: {  	[dreg:$0x1] =	wrdreg $0xFFFFFFFF  }
0xad: {  	[dreg:$0x0] =	wrdreg $0x60  }
0xae: {  	[dreg:$0x2] =	wrdreg s24  }
0xaf: {  	[dreg:$0x3] =	wrdreg $0x82000  }
0xb0: {  	[dreg:$0x4] =	wrdreg $0x9  }
0xb1: {  	_ =	task.clear_ibuf [dreg:s6], $0x5FFFF;
	_ =	strace $0x90000049  }
0xb2: {  	s29 =	simm.s32 $0x9;
	_ =	strace $0x8000004B  }
0xb3: {  	_ =	swait.ge [sflag:s29], $0x1  }
0xb4: {  	[sflag:s29] =	ssyncadd.s32 $0xFFFFFFFF  }
0xb5: {  	_ =	strace $0x9000004B  }
0xb6: {  	_ =	sfence  }
0xb7: {  	s30 =	sld [smem:$0x0];
	_ =	sdelay $0x2  }
0xb8: {  	s31 =	sshll.u32 s1, $0xD;
	s1 =	sshrl.u32 s1, $0x2  }
0xb9: {  	s3 =	sand.u32 $0x4000, s31;
	s1 =	sadd.s32 s1, s30  }
0xba: {  	s0 =	sor.u32 s3, s0;
	s1 =	sshll.u32 s1, $0x11  }
0xbb: {  	s0 =	sor.u32 s1, s0  }
0xbc: {  	s0 =	sadd.s32 $0x8F2B, s0  }
0xbd: {  	[sflag:s0] =	ssyncadd.remote.s32 $0x1  }
0xbe: {  	_ =	sfence.sel $0xFFFF  }
0xbf: {  	[dreg:$0x0] =	wrdreg $0xFFFFFFFF;
	(pc) =	sbr.abs _section_cstart, $3  }
0xc0: {  	[dreg:$0x1] =	wrdreg $0xFFFFFFFF  }
0xc1: {  	_ =	task.clear_ibuf [dreg:s6], $0x2FFFF;
	_ =	strace $0x9FFFFFFF  }
0xc2: {  	(tm) =	ssettm $0x7FFFFFFF  }
0xc3: {  	_ =	shalt  }
tec
execute0_lowered:
.L_overlay_start_1:
0x0: {  	(tag) =	ssettag $0x1  }
0x1: {  	s0 =	srdreg.scid  }
0x2: {  	s1 =	rddreg [dreg:$0x0];
	s16 =	stileid.u32  }
0x3: {  	s28 =	simm.s32 $0x180;
	s29 =	simm.s32 $0x2;
	s2 =	sand.u32 $0x1, s0  }
0x4: {  	s4 =	sshll.u32 s16, $0x1;
	s5 =	smul.u32 $0x14000, s16;
	s6 =	sadd.s32 $0x3DC00, s1  }
0x5: {  	p0 =	sgt.u32 s16, $0x1;
	s0 =	ssub.s32 $0x2, s2;
	s8 =	smul.u32 $0x140000, s2  }
0x6: {  	s3 =	sshrl.u32 s0, $0x1;
	s7 =	sadd.s32 $0x4000, s5;
	s9 =	sadd.s32 $0x6000, s5  }
0x7: {  	s10 =	sadd.s32 $0x8000, s5;
	s12 =	sadd.s32 $0xA000, s5;
	s22 =	sadd.s32 $0xC000, s5  }
0x8: {  	s23 =	sadd.s32 $0xE000, s5;
	s24 =	sadd.s32 $0x10000, s5;
	s25 =	sadd.s32 $0x12000, s5  }
0x9: {  	s0 =	ssub.s32 s0, s3;
	s3 =	sor.u32 s2, s4;
	s4 =	sor.u32 $0x2000, s5  }
0xa: {  	s11 =	sadd.s32 s5, s8;
	s15 =	sadd.s32 s8, s7;
	s17 =	sadd.s32 s8, s9  }
0xb: {  	s20 =	sadd.s32 s8, s12;
	s21 =	sadd.s32 s8, s22;
	s26 =	sadd.s32 s8, s23  }
0xc: {  	s2 =	smul.u32 $0x4E, s2;
	s11 =	sshrl.u32 s11, $0x3;
	s13 =	sadd.s32 s8, s4  }
0xd: {  	s0 =	smax.u32 s0, $0x1;
	s11 =	sadd.s32 s6, s11;
	s14 =	sshrl.u32 s13, $0x3  }
0xe: {  	s13 =	sshrl.u32 s17, $0x3;
	s17 =	sshrl.u32 s26, $0x3;
	[dreg:$0x3] =	wrdreg s11  }
0xf: {  	s11 =	sadd.s32 s6, s14;
	s14 =	sadd.s32 s8, s10;
	s18 =	sadd.s32 s6, s13  }
0x10: {  	s13 =	sshrl.u32 s21, $0x3;
	s21 =	sadd.s32 $0x2200, s1;
	[dreg:$0x4] =	wrdreg s11  }
0x11: {  	s11 =	sshrl.u32 s15, $0x3;
	[dreg:$0x6] =	wrdreg s18;
	s19 =	sshrl.u32 s14, $0x3  }
0x12: {  	s15 =	sadd.s32 s6, s13;
	s18 =	sadd.s32 s8, s24;
	s14 =	rddreg [dreg:$0x1]  }
0x13: {  	s8 =	sadd.s32 s8, s25;
	s11 =	sadd.s32 s6, s11;
	[dreg:$0x9] =	wrdreg s15  }
0x14: {  	s8 =	sshrl.u32 s8, $0x3;
	s15 =	sadd.s32 $0x15C00, s1;
	s13 =	sadd.s32 s5, s14  }
0x15: {  	s22 =	sadd.s32 s22, s14;
	s23 =	sadd.s32 s23, s14;
	s24 =	sadd.s32 s24, s14  }
0x16: {  	s25 =	sadd.s32 s25, s14;
	s1 =	simm.s32 $0x3;
	[dreg:$0x5] =	wrdreg s11  }
0x17: {  	s11 =	sadd.s32 s6, s19;
	s19 =	smul.u32 $0x4E0, s3;
	s3 =	sshll.u32 s3, $0x4  }
0x18: {  	[dreg:$0x7] =	wrdreg s11;
	s11 =	sshrl.u32 s20, $0x3;
	s20 =	smul.u32 $0x9C, s16  }
0x19: {  	s3 =	sadd.s32 s3, s21;
	s11 =	sadd.s32 s6, s11;
	s26 =	sadd.s32 s21, s19  }
0x1a: {  	s19 =	sadd.s32 s9, s14;
	[dreg:$0x8] =	wrdreg s11;
	s11 =	sadd.s32 s6, s17  }
0x1b: {  	s5 =	sadd.s32 $0x9C00, s3;
	[dreg:$0xa] =	wrdreg s11;
	s11 =	sshrl.u32 s18, $0x3  }
0x1c: {  	s2 =	sadd.s32 s2, s20;
	s17 =	sadd.s32 s4, s14;
	s11 =	sadd.s32 s6, s11  }
0x1d: {  	s20 =	sadd.s32 s10, s14;
	s6 =	sadd.s32 s6, s8;
	[dreg:$0xb] =	wrdreg s11  }
0x1e: {  	s9 =	sadd.s32 $0x10, s26;
	[dreg:$0xc] =	wrdreg s6;
	s11 =	simm.s32 $0x0  }
0x1f: {  	s10 =	sadd.s32 $0x9C50, s26;
	s16 =	sadd.s32 $0x20, s26;
	[smem:$0x7FF] =	sst s11  }
0x20: {  	s6 =	sadd.s32 $0x13840, s3;
	_ =	strace $0x8000004A;
	[dreg:$0xe] =	wrdreg s5  }
0x21: {  	s4 =	simm.s32 $0x0;
	s2 =	sshll.u32 s2, $0x4;
	[dreg:$0xf] =	wrdreg s6  }
0x22: {  	s18 =	sadd.s32 s7, s14;
	s7 =	sadd.s32 $0x9C40, s26;
	[dreg:$0x10] =	wrdreg s0  }
0x23: {  	s2 =	sadd.s32 s21, s2;
	s21 =	sadd.s32 s12, s14;
	[dreg:$0x11] =	wrdreg s7  }
0x24: {  	s8 =	simm.s32 $0x5;
	s30 =	sadd.s32 $0x30, s2;
	[dreg:$0x12] =	wrdreg s9  }
.Ltmp0:
0x25: {  	s31 =	sadd.s32 $0x9C70, s2;
	[dreg:$0x13] =	wrdreg s10;
	(pc) =	sbr.rel .LBB2_1-.Ltmp0, $4  }
0x26: {  	s12 =	sadd.s32 $0x40, s2;
	s0 =	sadd.s32 $0x9C80, s2;
	[dreg:$0x14] =	wrdreg s16  }
0x27: {  	[dreg:$0xd] =	wrdreg s26;
	s26 =	sadd.s32 $0x9C60, s26;
	s6 =	simm.s32 $0x200  }
0x28: {  	s7 =	simm.s32 $0x1;
	s9 =	simm.s32 $0x100;
	s10 =	simm.s32 $0x80  }
0x29: {  	v0 =	vimm.f32 $0.0e+00;
	s2 =	simm.s32 $0x4;
	[dreg:$0x15] =	wrdreg s26;
	s26 =	simm.s32 $0x4200  }
.LBB2_6:
0x2a: {  	_ =	swait.ge [sflag:s29], $0x4000  }
0x2b: {  	[sflag:s29] =	ssyncset.done $0x0  }
0x2c: {  	[sflag:s29] =	ssyncadd.s32 $0xFFFFC000  }
0x2d: {  	_ =	swait.ge [sflag:s1], $0x4000  }
0x2e: {  	[sflag:s1] =	ssyncset.done $0x0  }
0x2f: {  	[sflag:s1] =	ssyncadd.s32 $0xFFFFC000  }
0x30: {  	[spmem:s14] =	stream.indirect.scatter.add.f32 [tilespmem:s26], [sflag:$0x4], $0x80, s28, s10, $0xb8;
	[tilespmem:$0x1C200] =	vst v63  }
0x31: {  	_ =	swait.ge [sflag:s2], $0x4000  }
0x32: {  	s4 =	simm.s32 @!p0 $0x0;
	[sflag:s2] =	ssyncset.done $0x0  }
0x33: {  	s5 =	simm.s32 @!p0 $0x5;
	s3 =	rddreg [dreg:$0xe];
	[sflag:s2] =	ssyncadd.s32 $0xFFFFC000  }
0x34: {  	[tilespmem:s4], [sflag:$0x5] =	stream.linear.gather @!p0 [hbm4b:s3+s4], $0x80, $0x38;
	[tilespmem:$0x1C200] =	vst v63  }
0x35: {  	_ =	swait.ge @!p0 [sflag:s5], $0x80  }
0x36: {  	[sflag:s5] =	ssyncset.done @!p0 $0x0  }
0x37: {  	s16 =	simm.s32 @!p0 $0x100;
	s3 =	rddreg [dreg:$0xf];
	[sflag:s5] =	ssyncadd.s32 @!p0 $0xFFFFFF80  }
0x38: {  	[tilespmem:s16], [sflag:$0x5] =	stream.linear.gather @!p0 [hbm4b:s3+s4], $0x80, $0x38;
	[tilespmem:$0x1C200] =	vst v63  }
0x39: {  	_ =	swait.ge @!p0 [sflag:s5], $0x80  }
0x3a: {  	[sflag:s5] =	ssyncset.done @!p0 $0x0  }
0x3b: {  	s16 =	simm.s32 @!p0 $0x80;
	s3 =	simm.s32 @!p0 $0x200;
	[sflag:s5] =	ssyncadd.s32 @!p0 $0xFFFFFF80  }
0x3c: {  	[tilespmem:s3], [sflag:$0x5] =	stream.indirect.gather @!p0 [hbm4b:s15+s16], $0x80, s4, s16, $0xb8;
	[tilespmem:$0x1C200] =	vst v63  }
0x3d: {  	_ =	swait.ge @!p0 [sflag:s5], $0x4000  }
0x3e: {  	[sflag:s5] =	ssyncset.done @!p0 $0x0  }
0x3f: {  	s4 =	simm.s32 @!p0 $0x100;
	[sflag:s5] =	ssyncadd.s32 @!p0 $0xFFFFC000  }
0x40: {  	[spmem:s14] =	stream.indirect.scatter.add.f32 @!p0 [tilespmem:s3], [sflag:$0x5], $0x80, s4, s16, $0xb8;
	[tilespmem:$0x1C200] =	vst v63  }
0x41: {  	_ =	swait.ge @!p0 [sflag:s5], $0x4000  }
0x42: {  	[sflag:s5] =	ssyncset.done @!p0 $0x0  }
0x43: {  	[sflag:s5] =	ssyncadd.s32 @!p0 $0xFFFFC000  }
0x44: {  	[bflag:$0x0] =	sbarrier.arrive $0xFFFF  }
0x45: {  	[tilespmem:s6], [sflag:$0x1] =	stream.linear.gather [spmem:s13], $0x2000, $0x38;
	[tilespmem:$0x1C200] =	vst v63  }
0x46: {  	_ = 	snop  }
0x47: {  	[tilespmem:s26], [sflag:$0x2] =	stream.linear.gather [spmem:s17], $0x2000, $0x38;
	[tilespmem:$0x1C200] =	vst v63  }
0x48: {  	_ =	swait.ge [sflag:s7], $0x2000  }
0x49: {  	[sflag:s7] =	ssyncset.done $0x0  }
0x4a: {  	s3 =	rddreg [dreg:$0x3];
	[sflag:s7] =	ssyncadd.s32 $0xFFFFE000  }
0x4b: {  	[hbm4b:s3+s11] =	stream.linear.scatter [tilespmem:s6], [sflag:$0x3], $0x2000, $0x38;
	[tilespmem:$0x1C200] =	vst v63  }
0x4c: {  	_ =	swait.ge [sflag:s1], $0x2000  }
0x4d: {  	[sflag:s1] =	ssyncset.done $0x0  }
0x4e: {  	[sflag:s1] =	ssyncadd.s32 $0xFFFFE000  }
0x4f: {  	[tilespmem:s6], [sflag:$0x1] =	stream.linear.gather [spmem:s18], $0x2000, $0x38;
	[tilespmem:$0x1C200] =	vst v63  }
0x50: {  	_ =	swait.ge [sflag:s29], $0x2000  }
0x51: {  	[sflag:s29] =	ssyncset.done $0x0  }
0x52: {  	s5 =	rddreg [dreg:$0x4];
	[sflag:s29] =	ssyncadd.s32 $0xFFFFE000  }
0x53: {  	[hbm4b:s5+s11] =	stream.linear.scatter [tilespmem:s26], [sflag:$0x4], $0x2000, $0x38;
	[tilespmem:$0x1C200] =	vst v63  }
0x54: {  	_ =	swait.ge [sflag:s2], $0x2000  }
0x55: {  	[sflag:s2] =	ssyncset.done $0x0  }
0x56: {  	[sflag:s2] =	ssyncadd.s32 $0xFFFFE000  }
0x57: {  	[tilespmem:s26], [sflag:$0x2] =	stream.linear.gather [spmem:s19], $0x2000, $0x38;
	[tilespmem:$0x1C200] =	vst v63  }
0x58: {  	_ =	swait.ge [sflag:s7], $0x2000  }
0x59: {  	[sflag:s7] =	ssyncset.done $0x0  }
0x5a: {  	s16 =	rddreg [dreg:$0x5];
	[sflag:s7] =	ssyncadd.s32 $0xFFFFE000  }
0x5b: {  	[hbm4b:s16+s11] =	stream.linear.scatter [tilespmem:s6], [sflag:$0x3], $0x2000, $0x38;
	[tilespmem:$0x1C200] =	vst v63  }
0x5c: {  	_ =	swait.ge [sflag:s1], $0x2000  }
0x5d: {  	[sflag:s1] =	ssyncset.done $0x0  }
0x5e: {  	[sflag:s1] =	ssyncadd.s32 $0xFFFFE000  }
0x5f: {  	[tilespmem:s6], [sflag:$0x1] =	stream.linear.gather [spmem:s20], $0x2000, $0x38;
	[tilespmem:$0x1C200] =	vst v63  }
0x60: {  	_ =	swait.ge [sflag:s29], $0x2000  }
0x61: {  	[sflag:s29] =	ssyncset.done $0x0  }
0x62: {  	s3 =	rddreg [dreg:$0x6];
	[sflag:s29] =	ssyncadd.s32 $0xFFFFE000  }
0x63: {  	[hbm4b:s3+s11] =	stream.linear.scatter [tilespmem:s26], [sflag:$0x4], $0x2000, $0x38;
	[tilespmem:$0x1C200] =	vst v63  }
0x64: {  	_ =	swait.ge [sflag:s2], $0x2000  }
0x65: {  	[sflag:s2] =	ssyncset.done $0x0  }
0x66: {  	[sflag:s2] =	ssyncadd.s32 $0xFFFFE000  }
0x67: {  	[tilespmem:s26], [sflag:$0x2] =	stream.linear.gather [spmem:s21], $0x2000, $0x38;
	[tilespmem:$0x1C200] =	vst v63  }
0x68: {  	_ =	swait.ge [sflag:s7], $0x2000  }
0x69: {  	[sflag:s7] =	ssyncset.done $0x0  }
0x6a: {  	s5 =	rddreg [dreg:$0x7];
	[sflag:s7] =	ssyncadd.s32 $0xFFFFE000  }
0x6b: {  	[hbm4b:s5+s11] =	stream.linear.scatter [tilespmem:s6], [sflag:$0x3], $0x2000, $0x38;
	[tilespmem:$0x1C200] =	vst v63  }
0x6c: {  	_ =	swait.ge [sflag:s1], $0x2000  }
0x6d: {  	[sflag:s1] =	ssyncset.done $0x0  }
0x6e: {  	[sflag:s1] =	ssyncadd.s32 $0xFFFFE000  }
0x6f: {  	[tilespmem:s6], [sflag:$0x1] =	stream.linear.gather [spmem:s22], $0x2000, $0x38;
	[tilespmem:$0x1C200] =	vst v63  }
0x70: {  	_ =	swait.ge [sflag:s29], $0x2000  }
0x71: {  	[sflag:s29] =	ssyncset.done $0x0  }
0x72: {  	s16 =	rddreg [dreg:$0x8];
	[sflag:s29] =	ssyncadd.s32 $0xFFFFE000  }
0x73: {  	[hbm4b:s16+s11] =	stream.linear.scatter [tilespmem:s26], [sflag:$0x4], $0x2000, $0x38;
	[tilespmem:$0x1C200] =	vst v63  }
0x74: {  	_ =	swait.ge [sflag:s2], $0x2000  }
0x75: {  	[sflag:s2] =	ssyncset.done $0x0  }
0x76: {  	[sflag:s2] =	ssyncadd.s32 $0xFFFFE000  }
0x77: {  	[tilespmem:s26], [sflag:$0x2] =	stream.linear.gather [spmem:s23], $0x2000, $0x38;
	[tilespmem:$0x1C200] =	vst v63  }
0x78: {  	_ =	swait.ge [sflag:s7], $0x2000  }
0x79: {  	[sflag:s7] =	ssyncset.done $0x0  }
0x7a: {  	s3 =	rddreg [dreg:$0x9];
	[sflag:s7] =	ssyncadd.s32 $0xFFFFE000  }
0x7b: {  	[hbm4b:s3+s11] =	stream.linear.scatter [tilespmem:s6], [sflag:$0x3], $0x2000, $0x38;
	[tilespmem:$0x1C200] =	vst v63  }
0x7c: {  	_ =	swait.ge [sflag:s1], $0x2000  }
0x7d: {  	[sflag:s1] =	ssyncset.done $0x0  }
0x7e: {  	[sflag:s1] =	ssyncadd.s32 $0xFFFFE000  }
0x7f: {  	[tilespmem:s6], [sflag:$0x1] =	stream.linear.gather [spmem:s24], $0x2000, $0x38;
	[tilespmem:$0x1C200] =	vst v63  }
0x80: {  	_ =	swait.ge [sflag:s29], $0x2000  }
0x81: {  	[sflag:s29] =	ssyncset.done $0x0  }
0x82: {  	s5 =	rddreg [dreg:$0xa];
	[sflag:s29] =	ssyncadd.s32 $0xFFFFE000  }
0x83: {  	[hbm4b:s5+s11] =	stream.linear.scatter [tilespmem:s26], [sflag:$0x4], $0x2000, $0x38;
	[tilespmem:$0x1C200] =	vst v63  }
0x84: {  	_ =	swait.ge [sflag:s2], $0x2000  }
0x85: {  	[sflag:s2] =	ssyncset.done $0x0  }
0x86: {  	[sflag:s2] =	ssyncadd.s32 $0xFFFFE000  }
0x87: {  	[tilespmem:s26], [sflag:$0x2] =	stream.linear.gather [spmem:s25], $0x2000, $0x38;
	[tilespmem:$0x1C200] =	vst v63  }
0x88: {  	_ =	swait.ge [sflag:s7], $0x2000  }
0x89: {  	[sflag:s7] =	ssyncset.done $0x0  }
0x8a: {  	s16 =	rddreg [dreg:$0xb];
	[sflag:s7] =	ssyncadd.s32 $0xFFFFE000  }
0x8b: {  	[hbm4b:s16+s11] =	stream.linear.scatter [tilespmem:s6], [sflag:$0x3], $0x2000, $0x38;
	[tilespmem:$0x1C200] =	vst v63  }
0x8c: {  	_ =	swait.ge [sflag:s29], $0x2000  }
0x8d: {  	[sflag:s29] =	ssyncset.done $0x0  }
0x8e: {  	s3 =	rddreg [dreg:$0xc];
	[sflag:s29] =	ssyncadd.s32 $0xFFFFE000  }
0x8f: {  	[hbm4b:s3+s11] =	stream.linear.scatter [tilespmem:s26], [sflag:$0x4], $0x2000, $0x38;
	[tilespmem:$0x1C200] =	vst v63  }
0x90: {  	_ =	swait.ge [sflag:s1], $0x2000  }
0x91: {  	[sflag:s1] =	ssyncset.done $0x0  }
0x92: {  	[sflag:s1] =	ssyncadd.s32 $0xFFFFE000  }
0x93: {  	_ =	swait.ge [sflag:s2], $0x2000  }
0x94: {  	s5 =	rddreg [dreg:$0x16]  }
0x95: {  	s16 =	rddreg [dreg:$0x10];
	s4 =	sadd.s32 $0x1, s5  }
0x96: {  	p1 =	sne.s32 s4, s16  }
.Ltmp1:
0x97: {  	_ = 	snop;
	(pc) =	sbr.rel @!p1 .LBB2_7-.Ltmp1, $3  }
0x98: {  	_ =	sdelay $0x1  }
0x99: {  	[sflag:s2] =	ssyncset.done $0x0  }
0x9a: {  	[sflag:s2] =	ssyncadd.s32 $0xFFFFE000  }
.LBB2_1:
0x9b: {  	[dreg:$0x16] =	wrdreg s4;
	s4 =	simm.s32 $0x0;
	s5 =	simm.s32 $0x200  }
.LBB2_2:
0x9c: {  	p1 =	sne.s32 s5, $0x7E00;
	[tilespmem:s4+$0x270] =	vst v0  }
0x9d: {  	[tilespmem:s4+$0x200] =	vst v0  }
0x9e: {  	[tilespmem:s4+$0x210] =	vst v0  }
.Ltmp2:
0x9f: {  	[tilespmem:s4+$0x220] =	vst v0;
	(pc) =	sbr.rel @p1 .LBB2_2-.Ltmp2, $4  }
0xa0: {  	[tilespmem:s4+$0x230] =	vst v0  }
0xa1: {  	[tilespmem:s4+$0x240] =	vst v0  }
0xa2: {  	[tilespmem:s4+$0x250] =	vst v0  }
0xa3: {  	[tilespmem:s4+$0x260] =	vst v0;
	s4 =	sshra.s32 s5, $0x2;
	s5 =	sadd.s32 $0x200, s5  }
0xa4: {  	[tilespmem:s4+$0x270] =	vst v0  }
0xa5: {  	[tilespmem:s4+$0x200] =	vst v0  }
0xa6: {  	[tilespmem:s4+$0x210] =	vst v0  }
0xa7: {  	[tilespmem:s4+$0x220] =	vst v0  }
0xa8: {  	[tilespmem:s4+$0x230] =	vst v0  }
0xa9: {  	[tilespmem:s4+$0x240] =	vst v0  }
0xaa: {  	[tilespmem:s4+$0x250] =	vst v0  }
0xab: {  	[tilespmem:s4+$0x260] =	vst v0  }
0xac: {  	[spmem:s13] =	stream.linear.scatter [tilespmem:s6], [sflag:$0x1], $0x2000, $0x38;
	[tilespmem:$0x1C200] =	vst v63  }
0xad: {  	_ = 	snop  }
0xae: {  	[spmem:s17] =	stream.linear.scatter [tilespmem:s6], [sflag:$0x1], $0x2000, $0x38;
	[tilespmem:$0x1C200] =	vst v63  }
0xaf: {  	_ = 	snop  }
0xb0: {  	[spmem:s18] =	stream.linear.scatter [tilespmem:s6], [sflag:$0x1], $0x2000, $0x38;
	[tilespmem:$0x1C200] =	vst v63  }
0xb1: {  	_ = 	snop  }
0xb2: {  	[spmem:s19] =	stream.linear.scatter [tilespmem:s6], [sflag:$0x1], $0x2000, $0x38;
	[tilespmem:$0x1C200] =	vst v63  }
0xb3: {  	_ = 	snop  }
0xb4: {  	[spmem:s20] =	stream.linear.scatter [tilespmem:s6], [sflag:$0x1], $0x2000, $0x38;
	[tilespmem:$0x1C200] =	vst v63  }
0xb5: {  	_ = 	snop  }
0xb6: {  	[spmem:s21] =	stream.linear.scatter [tilespmem:s6], [sflag:$0x1], $0x2000, $0x38;
	[tilespmem:$0x1C200] =	vst v63  }
0xb7: {  	_ = 	snop  }
0xb8: {  	[spmem:s22] =	stream.linear.scatter [tilespmem:s6], [sflag:$0x1], $0x2000, $0x38;
	[tilespmem:$0x1C200] =	vst v63  }
0xb9: {  	_ = 	snop  }
0xba: {  	[spmem:s23] =	stream.linear.scatter [tilespmem:s6], [sflag:$0x1], $0x2000, $0x38;
	[tilespmem:$0x1C200] =	vst v63  }
0xbb: {  	_ = 	snop  }
0xbc: {  	[spmem:s24] =	stream.linear.scatter [tilespmem:s6], [sflag:$0x1], $0x2000, $0x38;
	[tilespmem:$0x1C200] =	vst v63  }
0xbd: {  	_ = 	snop  }
0xbe: {  	[spmem:s25] =	stream.linear.scatter [tilespmem:s6], [sflag:$0x1], $0x2000, $0x38;
	[tilespmem:$0x1C200] =	vst v63  }
0xbf: {  	_ =	swait.ge [sflag:s7], $0x2000  }
0xc0: {  	[sflag:s7] =	ssyncset.done $0x0  }
0xc1: {  	[sflag:s7] =	ssyncadd.s32 $0xFFFFE000  }
0xc2: {  	_ =	swait.ge [sflag:s7], $0x2000  }
0xc3: {  	[sflag:s7] =	ssyncset.done $0x0  }
0xc4: {  	[sflag:s7] =	ssyncadd.s32 $0xFFFFE000  }
0xc5: {  	_ =	swait.ge [sflag:s7], $0x2000  }
0xc6: {  	[sflag:s7] =	ssyncset.done $0x0  }
0xc7: {  	[sflag:s7] =	ssyncadd.s32 $0xFFFFE000  }
0xc8: {  	_ =	swait.ge [sflag:s7], $0x2000  }
0xc9: {  	[sflag:s7] =	ssyncset.done $0x0  }
0xca: {  	[sflag:s7] =	ssyncadd.s32 $0xFFFFE000  }
0xcb: {  	_ =	swait.ge [sflag:s7], $0x2000  }
0xcc: {  	[sflag:s7] =	ssyncset.done $0x0  }
0xcd: {  	[sflag:s7] =	ssyncadd.s32 $0xFFFFE000  }
0xce: {  	_ =	swait.ge [sflag:s7], $0x2000  }
0xcf: {  	[sflag:s7] =	ssyncset.done $0x0  }
0xd0: {  	[sflag:s7] =	ssyncadd.s32 $0xFFFFE000  }
0xd1: {  	_ =	swait.ge [sflag:s7], $0x2000  }
0xd2: {  	[sflag:s7] =	ssyncset.done $0x0  }
0xd3: {  	[sflag:s7] =	ssyncadd.s32 $0xFFFFE000  }
0xd4: {  	_ =	swait.ge [sflag:s7], $0x2000  }
0xd5: {  	[sflag:s7] =	ssyncset.done $0x0  }
0xd6: {  	[sflag:s7] =	ssyncadd.s32 $0xFFFFE000  }
0xd7: {  	_ =	swait.ge [sflag:s7], $0x2000  }
0xd8: {  	[sflag:s7] =	ssyncset.done $0x0  }
0xd9: {  	[sflag:s7] =	ssyncadd.s32 $0xFFFFE000  }
0xda: {  	_ =	swait.ge [sflag:s7], $0x2000  }
0xdb: {  	[sflag:s7] =	ssyncset.done $0x0  }
0xdc: {  	[sflag:s7] =	ssyncadd.s32 $0xFFFFE000  }
0xdd: {  	[bflag:$0x0] =	sbarrier.arrive $0xFFFF  }
0xde: {  	s4 =	simm.s32 $0x0;
	s5 =	rddreg [dreg:$0xd]  }
0xdf: {  	[tilespmem:s4], [sflag:$0x5] =	stream.linear.gather [hbm4b:s5+s4], $0x80, $0x38;
	[tilespmem:$0x1C200] =	vst v63  }
0xe0: {  	_ =	swait.ge [sflag:s8], $0x80  }
0xe1: {  	[sflag:s8] =	ssyncset.done $0x0  }
0xe2: {  	s3 =	rddreg [dreg:$0x11];
	[sflag:s8] =	ssyncadd.s32 $0xFFFFFF80  }
0xe3: {  	[tilespmem:s9], [sflag:$0x5] =	stream.linear.gather [hbm4b:s3+s4], $0x80, $0x38;
	[tilespmem:$0x1C200] =	vst v63  }
0xe4: {  	_ =	swait.ge [sflag:s8], $0x80  }
0xe5: {  	[sflag:s8] =	ssyncset.done $0x0  }
0xe6: {  	[sflag:s8] =	ssyncadd.s32 $0xFFFFFF80  }
0xe7: {  	[tilespmem:s6], [sflag:$0x1] =	stream.indirect.gather [hbm4b:s15+s10], $0x80, s4, s10, $0xb8;
	[tilespmem:$0x1C200] =	vst v63  }
0xe8: {  	s5 =	rddreg [dreg:$0x12]  }
0xe9: {  	[tilespmem:s10], [sflag:$0x5] =	stream.linear.gather [hbm4b:s5+s4], $0x80, $0x38;
	[tilespmem:$0x1C200] =	vst v63  }
0xea: {  	_ =	swait.ge [sflag:s8], $0x80  }
0xeb: {  	[sflag:s8] =	ssyncset.done $0x0  }
0xec: {  	[sflag:s8] =	ssyncadd.s32 $0xFFFFFF80  }
0xed: {  	_ =	swait.ge [sflag:s7], $0x4000  }
0xee: {  	[sflag:s7] =	ssyncset.done $0x0  }
0xef: {  	[sflag:s7] =	ssyncadd.s32 $0xFFFFC000  }
0xf0: {  	[tilespmem:s26], [sflag:$0x2] =	stream.indirect.gather [hbm4b:s15+s10], $0x80, s10, s10, $0xb8;
	[tilespmem:$0x1C200] =	vst v63  }
0xf1: {  	s16 =	rddreg [dreg:$0x13]  }
0xf2: {  	[tilespmem:s28], [sflag:$0x5] =	stream.linear.gather [hbm4b:s16+s4], $0x80, $0x38;
	[tilespmem:$0x1C200] =	vst v63  }
0xf3: {  	_ =	swait.ge [sflag:s8], $0x80  }
0xf4: {  	[sflag:s8] =	ssyncset.done $0x0  }
0xf5: {  	[sflag:s8] =	ssyncadd.s32 $0xFFFFFF80  }
0xf6: {  	[spmem:s14] =	stream.indirect.scatter.add.f32 [tilespmem:s6], [sflag:$0x3], $0x80, s9, s10, $0xb8;
	[tilespmem:$0x1C200] =	vst v63  }
0xf7: {  	s5 =	rddreg [dreg:$0x14]  }
0xf8: {  	[tilespmem:s4], [sflag:$0x5] =	stream.linear.gather [hbm4b:s5+s4], $0x80, $0x38;
	[tilespmem:$0x1C200] =	vst v63  }
0xf9: {  	_ =	swait.ge [sflag:s8], $0x80  }
0xfa: {  	[sflag:s8] =	ssyncset.done $0x0  }
0xfb: {  	[sflag:s8] =	ssyncadd.s32 $0xFFFFFF80  }
0xfc: {  	_ =	swait.ge [sflag:s29], $0x4000  }
0xfd: {  	[sflag:s29] =	ssyncset.done $0x0  }
0xfe: {  	[sflag:s29] =	ssyncadd.s32 $0xFFFFC000  }
0xff: {  	_ =	swait.ge [sflag:s1], $0x4000  }
0x100: {  	[sflag:s1] =	ssyncset.done $0x0  }
0x101: {  	[sflag:s1] =	ssyncadd.s32 $0xFFFFC000  }
0x102: {  	[tilespmem:s6], [sflag:$0x1] =	stream.indirect.gather [hbm4b:s15+s10], $0x80, s4, s10, $0xb8;
	[tilespmem:$0x1C200] =	vst v63  }
0x103: {  	s16 =	rddreg [dreg:$0x15]  }
0x104: {  	[tilespmem:s9], [sflag:$0x5] =	stream.linear.gather [hbm4b:s16+s4], $0x80, $0x38;
	[tilespmem:$0x1C200] =	vst v63  }
0x105: {  	_ =	swait.ge [sflag:s8], $0x80  }
0x106: {  	[sflag:s8] =	ssyncset.done $0x0  }
0x107: {  	[sflag:s8] =	ssyncadd.s32 $0xFFFFFF80  }
0x108: {  	[spmem:s14] =	stream.indirect.scatter.add.f32 [tilespmem:s26], [sflag:$0x4], $0x80, s28, s10, $0xb8;
	[tilespmem:$0x1C200] =	vst v63  }
.LBB2_4:
0x109: {  	s5 =	sadd.s32 s4, s30  }
0x10a: {  	[tilespmem:s10], [sflag:$0x5] =	stream.linear.gather [hbm4b:s5+s11], $0x80, $0x38;
	[tilespmem:$0x1C200] =	vst v63  }
0x10b: {  	_ =	swait.ge [sflag:s8], $0x80  }
0x10c: {  	[sflag:s8] =	ssyncset.done $0x0  }
0x10d: {  	[sflag:s8] =	ssyncadd.s32 $0xFFFFFF80  }
0x10e: {  	_ =	swait.ge [sflag:s7], $0x4000  }
0x10f: {  	[sflag:s7] =	ssyncset.done $0x0  }
0x110: {  	[sflag:s7] =	ssyncadd.s32 $0xFFFFC000  }
0x111: {  	_ =	swait.ge [sflag:s2], $0x4000  }
0x112: {  	[sflag:s2] =	ssyncset.done $0x0  }
0x113: {  	[sflag:s2] =	ssyncadd.s32 $0xFFFFC000  }
0x114: {  	[tilespmem:s26], [sflag:$0x2] =	stream.indirect.gather [hbm4b:s15+s10], $0x80, s10, s10, $0xb8;
	[tilespmem:$0x1C200] =	vst v63  }
0x115: {  	s16 =	sadd.s32 s4, s31;
	p1 =	seq.s32 s4, $0x4A0  }
0x116: {  	[tilespmem:s28], [sflag:$0x5] =	stream.linear.gather [hbm4b:s16+s11], $0x80, $0x38;
	[tilespmem:$0x1C200] =	vst v63  }
.Ltmp3:
0x117: {  	_ = 	snop;
	(pc) =	sbr.rel @p1 .LBB2_6-.Ltmp3, $4  }
0x118: {  	_ =	swait.ge [sflag:s8], $0x80  }
0x119: {  	[sflag:s8] =	ssyncset.done $0x0  }
0x11a: {  	[sflag:s8] =	ssyncadd.s32 $0xFFFFFF80  }
0x11b: {  	[spmem:s14] =	stream.indirect.scatter.add.f32 [tilespmem:s6], [sflag:$0x3], $0x80, s9, s10, $0xb8;
	[tilespmem:$0x1C200] =	vst v63  }
0x11c: {  	s5 =	sadd.s32 s4, s12  }
0x11d: {  	[tilespmem:s11], [sflag:$0x5] =	stream.linear.gather [hbm4b:s5+s11], $0x80, $0x38;
	[tilespmem:$0x1C200] =	vst v63  }
0x11e: {  	_ =	swait.ge [sflag:s8], $0x80  }
0x11f: {  	[sflag:s8] =	ssyncset.done $0x0  }
0x120: {  	[sflag:s8] =	ssyncadd.s32 $0xFFFFFF80  }
0x121: {  	_ =	swait.ge [sflag:s29], $0x4000  }
0x122: {  	[sflag:s29] =	ssyncset.done $0x0  }
0x123: {  	[sflag:s29] =	ssyncadd.s32 $0xFFFFC000  }
0x124: {  	_ =	swait.ge [sflag:s1], $0x4000  }
0x125: {  	[sflag:s1] =	ssyncset.done $0x0  }
0x126: {  	[sflag:s1] =	ssyncadd.s32 $0xFFFFC000  }
0x127: {  	[tilespmem:s6], [sflag:$0x1] =	stream.indirect.gather [hbm4b:s15+s10], $0x80, s11, s10, $0xb8;
	[tilespmem:$0x1C200] =	vst v63  }
0x128: {  	s16 =	sadd.s32 s4, s0  }
0x129: {  	[tilespmem:s9], [sflag:$0x5] =	stream.linear.gather [hbm4b:s16+s11], $0x80, $0x38;
	[tilespmem:$0x1C200] =	vst v63  }
.Ltmp4:
0x12a: {  	_ = 	snop;
	(pc) =	sbr.rel .LBB2_4-.Ltmp4, $4  }
0x12b: {  	_ =	swait.ge [sflag:s8], $0x80  }
0x12c: {  	[sflag:s8] =	ssyncset.done $0x0  }
0x12d: {  	s4 =	sadd.s32 $0x20, s4;
	[sflag:s8] =	ssyncadd.s32 $0xFFFFFF80  }
0x12e: {  	[spmem:s14] =	stream.indirect.scatter.add.f32 [tilespmem:s26], [sflag:$0x4], $0x80, s28, s10, $0xb8;
	[tilespmem:$0x1C200] =	vst v63  }
.LBB2_7:
0x12f: {  	_ =	sfence.sel $0x180000  }
0x130: {  	[bflag:$0x0] =	sbarrier.arrive $0xFFFF  }
0x131: {  	_ =	strace $0x9000004A  }
0x132: {  	s0 =	stileid.u32;
	[bflag:$0x2] =	sbarrier.arrive $0xFFFF  }
0x133: {  	p0 =	sne.s32 s0, $0x0;
	s0 =	rddreg [dreg:$0x2]  }
0x134: {  	s0 =	sadd.s32 @!p0 $0x100000, s0  }
0x135: {  	[sflag:s0] =	ssyncadd.tile.s32 @!p0 $0x1;
	_ =	shalt  }
.Lfunc_end2:
_tile_overlayer_lowered:
.L_overlay_start_2:
0x136: {  	(tag) =	ssettag $0x2  }
0x137: {  	s0 =	rddreg [dreg:$0x0];
	s2 =	stileid.u32  }
0x138: {  	s1 =	rddreg [dreg:$0x1];
	p0 =	sne.s32 s2, $0x0  }
0x139: {  	s3 =	rddreg [dreg:$0x2];
	[bflag:$0x3] =	sbarrier.arrive $0xFFFF;
	s2 =	simm.s32 @!p0 $0x1C05  }
0x13a: {  	[timem:s3], [sflag:s2] =	dma.local @!p0 [hbm:s0], s1  }
0x13b: {  	s0 =	simm.s32 @!p0 $0x5  }
0x13c: {  	_ =	swait.ge @!p0 [sflag:s0], s1  }
0x13d: {  	s1 =	ssub.s32 @!p0 $0x0, s1;
	[sflag:s0] =	ssyncset.done @!p0 $0x0  }
0x13e: {  	[sflag:s0] =	ssyncadd.s32 @!p0 s1  }
0x13f: {  	[bflag:$0x3] =	sbarrier.arrive $0xFFFF  }
0x140: {  	_ =	shalt  }

// kernel: kernel.14.cloned.1.call-start
scs
__scs_entry_jumppad:
0x0: {  	(pc) =	sbr.rel $0x88, $3  }
0x1: {  	(tag) =	ssettag $0x0;
	lr =	simm.s32 $0x1  }
0x2: {  	[smem:$0x3F9B] =	sst lr;
	_ =	strace $0xD0000000  }
0x3: {  	_ = 	snop  }
0x4: {  	_ = 	snop  }
0x5: {  	_ = 	snop  }
0x6: {  	_ = 	snop  }
0x7: {  	_ = 	snop  }
__scs_overlays_trampoline_lowered:
0x8: {  	[smem:$0x3FAA] =	sst s0  }
0x9: {  	[smem:$0x3FAB] =	sst s1  }
0xa: {  	[smem:$0x3FAC] =	sst s2  }
0xb: {  	[smem:$0x3FAD] =	sst s3  }
0xc: {  	[smem:$0x3FAE] =	sst s4  }
0xd: {  	[smem:$0x3FAF] =	sst s5  }
0xe: {  	[smem:$0x3FB0] =	sst s6  }
0xf: {  	[smem:$0x3FB1] =	sst s7  }
0x10: {  	[smem:$0x3FB2] =	sst s8  }
0x11: {  	[smem:$0x3FB3] =	sst s9;
	s0 =	simm.s32 @!p0 $0x0  }
0x12: {  	s1 =	sld [smem:$0x3F99];
	s0 =	simm.s32 @p0 $0x1  }
0x13: {  	[smem:$0x3FB4] =	sst s0;
	s0 =	simm.s32 @!p1 $0x0  }
0x14: {  	s2 =	sld [smem:$0x3F98];
	s0 =	simm.s32 @p1 $0x1  }
0x15: {  	[smem:$0x3FB5] =	sst s0;
	s0 =	simm.s32 @!p2 $0x0  }
0x16: {  	s3 =	sld [smem:$0x3FDB];
	s0 =	simm.s32 @p2 $0x1  }
0x17: {  	s4 =	simm.s32 $0x1BF5;
	[smem:$0x3FB7] =	sst s0  }
0x18: {  	s0 =	sld [smem:$0x3F9A];
	_ =	swait.ge [sflag:s4], $0x0  }
0x19: {  	s7 =	sld [smem:$0x3F9B]  }
0x1a: {  	s8 =	sadd.s32 $0xFFFFE003, lr  }
0x1b: {  	s9 =	sadd.s32 $0xFFFFFEF7, lr;
	s5 =	simm.s32 $0xFFFFFFFF;
	p2 =	slt.u32 s8, $0xFFFFF086  }
0x1c: {  	p1 =	slt.u32 s9, $0xF7A;
	s5 =	simm.s32 @!p2 $0x0  }
0x1d: {  	s5 =	simm.s32 @p1 $0x1;
	p0 =	seq.s32 s7, s2  }
0x1e: {  	s7 =	smul.u32 @!p0 $0xF7A, s2;
	p2 =	seq.s32 @!p0 s5, $0x0  }
0x1f: {  	s9 =	smul.u32 $0xF7A, s1;
	s8 =	simm.s32 @!p0 $0x1BF5;
	p2 =	por !p2, p0  }
0x20: {  	[sflag:s8] =	ssyncset.s32 @!p0 $0xFFFFF086;
	s6 =	sadd.s32 @!p0 s3, s7;
	s7 =	simm.s32 @!p0 $0x108  }
0x21: {  	s3 =	sadd.s32 s3, s9;
	s6 =	sadd.s32 @!p0 $0x88, s6;
	s7 =	simm.s32 @p2 $0x1082  }
0x22: {  	[simem:s7], [sflag:s8] =	dma.local @!p0 [hbm:s6], $0xF7A  }
0x23: {  	s9 =	sor.u32 $0xD0000000, s2;
	s6 =	simm.s32 $0x108;
	_ =	swait.ge @!p0 [sflag:s8], $0x0  }
0x24: {  	s3 =	sadd.s32 $0x88, s3;
	s6 =	simm.s32 @!p1 $0x1082;
	[sflag:s4] =	ssyncset.s32 $0xFFFFF086  }
0x25: {  	[simem:s6], [sflag:s4] =	dma.local [hbm:s3], $0xF7A  }
0x26: {  	[smem:$0x3F9B] =	sst s1;
	(tag) =	ssettag s2;
	_ =	strace s9  }
0x27: {  	s1 =	sld [smem:$0x3FAB]  }
0x28: {  	s2 =	sld [smem:$0x3FAC]  }
0x29: {  	s4 =	sld [smem:$0x3FAE]  }
0x2a: {  	p0 =	seq.s32 s5, $0x0;
	s5 =	sld [smem:$0x3FAF]  }
0x2b: {  	s6 =	sld [smem:$0x3FB0]  }
0x2c: {  	s7 =	sld [smem:$0x3FB1]  }
0x2d: {  	s3 =	simm.s32 $0x108;
	s8 =	sld [smem:$0x3FB2]  }
0x2e: {  	s3 =	simm.s32 @!p0 $0x1082;
	s9 =	sld [smem:$0x3FB3]  }
0x2f: {  	lr =	sadd.s32 s0, s3;
	s0 =	sld [smem:$0x3FAA]  }
0x30: {  	s3 =	sld [smem:$0x3FAD]  }
0x31: {  	[smem:$0x3FB6] =	sst s10  }
0x32: {  	s10 =	sld [smem:$0x3FB4];
	_ =	sdelay $0x3  }
0x33: {  	p0 =	seq.s32 s10, $0x1;
	s10 =	sld [smem:$0x3FB6];
	_ =	sdelay $0x3  }
0x34: {  	[smem:$0x3FB6] =	sst s10  }
0x35: {  	s10 =	sld [smem:$0x3FB5];
	_ =	sdelay $0x3  }
0x36: {  	p1 =	seq.s32 s10, $0x1;
	s10 =	sld [smem:$0x3FB6];
	_ =	sdelay $0x3  }
0x37: {  	[smem:$0x3FB6] =	sst s10  }
0x38: {  	s10 =	sld [smem:$0x3FB7]  }
0x39: {  	_ = 	snop;
	(pc) =	sbr.ind lr, $3  }
0x3a: {  	_ = 	snop  }
0x3b: {  	_ = 	snop  }
0x3c: {  	p2 =	seq.s32 s10, $0x1;
	s10 =	sld [smem:$0x3FB6]  }
0x3d: {  	_ =	shalt  }
0x3e: {  	_ =	shalt  }
0x3f: {  	_ =	shalt  }
0x40: {  	_ =	shalt  }
0x41: {  	_ =	shalt  }
0x42: {  	_ =	shalt  }
0x43: {  	_ =	shalt  }
0x44: {  	_ =	shalt  }
0x45: {  	_ =	shalt  }
0x46: {  	_ =	shalt  }
0x47: {  	_ =	shalt  }
0x48: {  	_ =	shalt  }
0x49: {  	_ =	shalt  }
0x4a: {  	_ =	shalt  }
0x4b: {  	_ =	shalt  }
0x4c: {  	_ =	shalt  }
0x4d: {  	_ =	shalt  }
0x4e: {  	_ =	shalt  }
0x4f: {  	_ =	shalt  }
0x50: {  	_ =	shalt  }
0x51: {  	_ =	shalt  }
0x52: {  	_ =	shalt  }
0x53: {  	_ =	shalt  }
0x54: {  	_ =	shalt  }
0x55: {  	_ =	shalt  }
0x56: {  	_ =	shalt  }
0x57: {  	_ =	shalt  }
0x58: {  	_ =	shalt  }
0x59: {  	_ =	shalt  }
0x5a: {  	_ =	shalt  }
0x5b: {  	_ =	shalt  }
0x5c: {  	_ =	shalt  }
0x5d: {  	_ =	shalt  }
0x5e: {  	_ =	shalt  }
0x5f: {  	_ =	shalt  }
0x60: {  	_ =	shalt  }
0x61: {  	_ =	shalt  }
0x62: {  	_ =	shalt  }
0x63: {  	_ =	shalt  }
0x64: {  	_ =	shalt  }
0x65: {  	_ =	shalt  }
0x66: {  	_ =	shalt  }
0x67: {  	_ =	shalt  }
0x68: {  	_ =	shalt  }
0x69: {  	_ =	shalt  }
0x6a: {  	_ =	shalt  }
0x6b: {  	_ =	shalt  }
0x6c: {  	_ =	shalt  }
0x6d: {  	_ =	shalt  }
0x6e: {  	_ =	shalt  }
0x6f: {  	_ =	shalt  }
0x70: {  	_ =	shalt  }
0x71: {  	_ =	shalt  }
0x72: {  	_ =	shalt  }
0x73: {  	_ =	shalt  }
0x74: {  	_ =	shalt  }
0x75: {  	_ =	shalt  }
0x76: {  	_ =	shalt  }
0x77: {  	_ =	shalt  }
0x78: {  	_ =	shalt  }
0x79: {  	_ =	shalt  }
0x7a: {  	_ =	shalt  }
0x7b: {  	_ =	shalt  }
0x7c: {  	_ =	shalt  }
0x7d: {  	_ =	shalt  }
0x7e: {  	_ =	shalt  }
0x7f: {  	_ =	shalt  }
0x80: {  	_ =	shalt  }
0x81: {  	_ =	shalt  }
0x82: {  	_ =	shalt  }
0x83: {  	_ =	shalt  }
0x84: {  	_ =	shalt  }
0x85: {  	_ =	shalt  }
0x86: {  	_ =	shalt  }
0x87: {  	_ =	shalt  }
.Lfunc_end0:
.L_simem_size_0:
called_computation.2_lowered:
.L_overlay_start_0:
0x88: {  	s2 =	sld [smem:$0x3FD9]  }
0x89: {  	s3 =	sld [smem:$0x3FFE];
	_ =	sdelay $0x1  }
0x8a: {  	s1 =	srdreg.scid  }
0x8b: {  	s0 =	sand.u32 $0x1, s1  }
0x8c: {  	s16 =	sshll.u32 s0, $0xA;
	s2 =	sadd.s32 s3, s2  }
0x8d: {  	s2 =	sadd.s32 s2, s16  }
0x8e: {  	[smem:$0x3FC2] =	sst s2  }
0x8f: {  	_ = 	snop  }
0x90: {  	(tm) =	ssettm $0x1  }
0x91: {  	s17 =	sld [smem:$0x3FFB];
	_ =	sdelay $0x3  }
0x92: {  	_ =	strace s17  }
0x93: {  	s2 =	sld [smem:$0x3FFC];
	_ =	sdelay $0x3  }
0x94: {  	_ =	strace s2  }
0x95: {  	s2 =	sld [smem:$0x3FFD];
	_ =	sdelay $0x3  }
0x96: {  	_ =	strace s2  }
0x97: {  	_ =	strace $0x8FFFFFFF  }
0x98: {  	s18 =	sld [smem:$0x3FDB];
	_ =	sdelay $0x1  }
0x99: {  	s19 =	simm.s32 $_scs_section_size  }
0x9a: {  	s4 =	simm.s32 $_size__tile_overlayer_lowered;
	s5 =	simm.s32 $_tile_overlayer_lowered  }
0x9b: {  	s22 =	simm.s32 $0x1BFF;
	s21 =	sshll.u32 s5, $0x1;
	s2 =	sadd.s32 s19, s18  }
0x9c: {  	s6 =	simm.s32 $0x0;
	s20 =	sshll.u32 s4, $0x1;
	s4 =	sadd.s32 s21, s2  }
0x9d: {  	[timem:s6], [sflag:s22] =	dma.local [hbm:s4], s20  }
0x9e: {  	_ =	swait.ge [sflag:s22], s20  }
0x9f: {  	s3 =	ssub.s32 $0x0, s20;
	[sflag:s22] =	ssyncset.done $0x0  }
0xa0: {  	[sflag:s22] =	ssyncadd.s32 s3;
	_ =	sdelay $0x1  }
0xa1: {  	s23 =	simm.s32 $0x1B8B  }
0xa2: {  	_ =	swait.ge [sflag:s23], $0x1  }
0xa3: {  	[sflag:s23] =	ssyncset.done $0x0  }
0xa4: {  	s25 =	simm.s32 $0x1B8E;
	s24 =	sld [smem:$0x3FFE];
	[sflag:s23] =	ssyncadd.s32 $0xFFFFFFFF  }
0xa5: {  	s26 =	simm.s32 $execute0_lowered;
	[smem:$0x3FD2] =	sst s25  }
0xa6: {  	s4 =	sshll.u32 s26, $0x1;
	_ =	strace $0x8000004C;
	[dreg:$0x1] =	wrdreg $0xFFFFFFFF  }
0xa7: {  	s28 =	simm.s32 $_size_execute0_lowered;
	s2 =	sadd.s32 s2, s4;
	[dreg:$0x0] =	wrdreg $0x0  }
0xa8: {  	s4 =	sshll.u32 s28, $0x1;
	[dreg:$0x2] =	wrdreg s2  }
0xa9: {  	[dreg:$0x3] =	wrdreg s4  }
0xaa: {  	[dreg:$0x4] =	wrdreg $0xC0  }
0xab: {  	_ =	task [dreg:s6], $0x5FFFF  }
0xac: {  	[dreg:$0x1] =	wrdreg $0xFFFFFFFF  }
0xad: {  	[dreg:$0x0] =	wrdreg $0x60  }
0xae: {  	[dreg:$0x2] =	wrdreg s24  }
0xaf: {  	[dreg:$0x3] =	wrdreg $0x82000  }
0xb0: {  	[dreg:$0x4] =	wrdreg $0x9  }
0xb1: {  	_ =	task.clear_ibuf [dreg:s6], $0x5FFFF;
	_ =	strace $0x9000004C  }
0xb2: {  	s29 =	simm.s32 $0x9;
	_ =	strace $0x8000004E  }
0xb3: {  	_ =	swait.ge [sflag:s29], $0x1  }
0xb4: {  	[sflag:s29] =	ssyncadd.s32 $0xFFFFFFFF  }
0xb5: {  	_ =	strace $0x9000004E  }
0xb6: {  	_ =	sfence  }
0xb7: {  	s30 =	sld [smem:$0x0];
	_ =	sdelay $0x2  }
0xb8: {  	s31 =	sshll.u32 s1, $0xD;
	s1 =	sshrl.u32 s1, $0x2  }
0xb9: {  	s3 =	sand.u32 $0x4000, s31;
	s1 =	sadd.s32 s1, s30  }
0xba: {  	s0 =	sor.u32 s3, s0;
	s1 =	sshll.u32 s1, $0x11  }
0xbb: {  	s0 =	sor.u32 s1, s0  }
0xbc: {  	s0 =	sadd.s32 $0x8F2B, s0  }
0xbd: {  	[sflag:s0] =	ssyncadd.remote.s32 $0x1  }
0xbe: {  	_ =	sfence.sel $0xFFFF  }
0xbf: {  	[dreg:$0x0] =	wrdreg $0xFFFFFFFF;
	(pc) =	sbr.abs _section_cstart, $3  }
0xc0: {  	[dreg:$0x1] =	wrdreg $0xFFFFFFFF  }
0xc1: {  	_ =	task.clear_ibuf [dreg:s6], $0x2FFFF;
	_ =	strace $0x9FFFFFFF  }
0xc2: {  	(tm) =	ssettm $0x7FFFFFFF  }
0xc3: {  	_ =	shalt  }
tec
execute0_lowered:
.L_overlay_start_1:
0x0: {  	(tag) =	ssettag $0x1  }
0x1: {  	s0 =	srdreg.scid  }
0x2: {  	s1 =	rddreg [dreg:$0x0];
	s16 =	stileid.u32  }
0x3: {  	s28 =	simm.s32 $0x180;
	s29 =	simm.s32 $0x2;
	s2 =	sand.u32 $0x1, s0  }
0x4: {  	s4 =	sshll.u32 s16, $0x1;
	s5 =	smul.u32 $0x14000, s16;
	s6 =	sadd.s32 $0x3DC00, s1  }
0x5: {  	p0 =	sgt.u32 s16, $0x1;
	s0 =	ssub.s32 $0x2, s2;
	s8 =	smul.u32 $0x140000, s2  }
0x6: {  	s3 =	sshrl.u32 s0, $0x1;
	s7 =	sadd.s32 $0x4000, s5;
	s9 =	sadd.s32 $0x6000, s5  }
0x7: {  	s10 =	sadd.s32 $0x8000, s5;
	s12 =	sadd.s32 $0xA000, s5;
	s22 =	sadd.s32 $0xC000, s5  }
0x8: {  	s23 =	sadd.s32 $0xE000, s5;
	s24 =	sadd.s32 $0x10000, s5;
	s25 =	sadd.s32 $0x12000, s5  }
0x9: {  	s0 =	ssub.s32 s0, s3;
	s3 =	sor.u32 s2, s4;
	s4 =	sor.u32 $0x2000, s5  }
0xa: {  	s11 =	sadd.s32 s5, s8;
	s15 =	sadd.s32 s8, s7;
	s17 =	sadd.s32 s8, s9  }
0xb: {  	s20 =	sadd.s32 s8, s12;
	s21 =	sadd.s32 s8, s22;
	s26 =	sadd.s32 s8, s23  }
0xc: {  	s2 =	smul.u32 $0x4E, s2;
	s11 =	sshrl.u32 s11, $0x3;
	s13 =	sadd.s32 s8, s4  }
0xd: {  	s0 =	smax.u32 s0, $0x1;
	s11 =	sadd.s32 s6, s11;
	s14 =	sshrl.u32 s13, $0x3  }
0xe: {  	s13 =	sshrl.u32 s17, $0x3;
	s17 =	sshrl.u32 s26, $0x3;
	[dreg:$0x3] =	wrdreg s11  }
0xf: {  	s11 =	sadd.s32 s6, s14;
	s14 =	sadd.s32 s8, s10;
	s18 =	sadd.s32 s6, s13  }
0x10: {  	s13 =	sshrl.u32 s21, $0x3;
	s21 =	sadd.s32 $0x2200, s1;
	[dreg:$0x4] =	wrdreg s11  }
0x11: {  	s11 =	sshrl.u32 s15, $0x3;
	[dreg:$0x6] =	wrdreg s18;
	s19 =	sshrl.u32 s14, $0x3  }
0x12: {  	s15 =	sadd.s32 s6, s13;
	s18 =	sadd.s32 s8, s24;
	s14 =	rddreg [dreg:$0x1]  }
0x13: {  	s8 =	sadd.s32 s8, s25;
	s11 =	sadd.s32 s6, s11;
	[dreg:$0x9] =	wrdreg s15  }
0x14: {  	s8 =	sshrl.u32 s8, $0x3;
	s15 =	sadd.s32 $0x15C00, s1;
	s13 =	sadd.s32 s5, s14  }
0x15: {  	s22 =	sadd.s32 s22, s14;
	s23 =	sadd.s32 s23, s14;
	s24 =	sadd.s32 s24, s14  }
0x16: {  	s25 =	sadd.s32 s25, s14;
	s1 =	simm.s32 $0x3;
	[dreg:$0x5] =	wrdreg s11  }
0x17: {  	s11 =	sadd.s32 s6, s19;
	s19 =	smul.u32 $0x4E0, s3;
	s3 =	sshll.u32 s3, $0x4  }
0x18: {  	[dreg:$0x7] =	wrdreg s11;
	s11 =	sshrl.u32 s20, $0x3;
	s20 =	smul.u32 $0x9C, s16  }
0x19: {  	s3 =	sadd.s32 s3, s21;
	s11 =	sadd.s32 s6, s11;
	s26 =	sadd.s32 s21, s19  }
0x1a: {  	s19 =	sadd.s32 s9, s14;
	[dreg:$0x8] =	wrdreg s11;
	s11 =	sadd.s32 s6, s17  }
0x1b: {  	s5 =	sadd.s32 $0x9C00, s3;
	[dreg:$0xa] =	wrdreg s11;
	s11 =	sshrl.u32 s18, $0x3  }
0x1c: {  	s2 =	sadd.s32 s2, s20;
	s17 =	sadd.s32 s4, s14;
	s11 =	sadd.s32 s6, s11  }
0x1d: {  	s20 =	sadd.s32 s10, s14;
	s6 =	sadd.s32 s6, s8;
	[dreg:$0xb] =	wrdreg s11  }
0x1e: {  	s9 =	sadd.s32 $0x10, s26;
	[dreg:$0xc] =	wrdreg s6;
	s11 =	simm.s32 $0x0  }
0x1f: {  	s10 =	sadd.s32 $0x9C50, s26;
	s16 =	sadd.s32 $0x20, s26;
	[smem:$0x7FF] =	sst s11  }
0x20: {  	s6 =	sadd.s32 $0x13840, s3;
	_ =	strace $0x8000004D;
	[dreg:$0xe] =	wrdreg s5  }
0x21: {  	s4 =	simm.s32 $0x0;
	s2 =	sshll.u32 s2, $0x4;
	[dreg:$0xf] =	wrdreg s6  }
0x22: {  	s18 =	sadd.s32 s7, s14;
	s7 =	sadd.s32 $0x9C40, s26;
	[dreg:$0x10] =	wrdreg s0  }
0x23: {  	s2 =	sadd.s32 s21, s2;
	s21 =	sadd.s32 s12, s14;
	[dreg:$0x11] =	wrdreg s7  }
0x24: {  	s8 =	simm.s32 $0x5;
	s30 =	sadd.s32 $0x30, s2;
	[dreg:$0x12] =	wrdreg s9  }
.Ltmp0:
0x25: {  	s31 =	sadd.s32 $0x9C70, s2;
	[dreg:$0x13] =	wrdreg s10;
	(pc) =	sbr.rel .LBB2_1-.Ltmp0, $4  }
0x26: {  	s12 =	sadd.s32 $0x40, s2;
	s0 =	sadd.s32 $0x9C80, s2;
	[dreg:$0x14] =	wrdreg s16  }
0x27: {  	[dreg:$0xd] =	wrdreg s26;
	s26 =	sadd.s32 $0x9C60, s26;
	s6 =	simm.s32 $0x200  }
0x28: {  	s7 =	simm.s32 $0x1;
	s9 =	simm.s32 $0x100;
	s10 =	simm.s32 $0x80  }
0x29: {  	v0 =	vimm.f32 $0.0e+00;
	s2 =	simm.s32 $0x4;
	[dreg:$0x15] =	wrdreg s26;
	s26 =	simm.s32 $0x4200  }
.LBB2_6:
0x2a: {  	_ =	swait.ge [sflag:s29], $0x4000  }
0x2b: {  	[sflag:s29] =	ssyncset.done $0x0  }
0x2c: {  	[sflag:s29] =	ssyncadd.s32 $0xFFFFC000  }
0x2d: {  	_ =	swait.ge [sflag:s1], $0x4000  }
0x2e: {  	[sflag:s1] =	ssyncset.done $0x0  }
0x2f: {  	[sflag:s1] =	ssyncadd.s32 $0xFFFFC000  }
0x30: {  	[spmem:s14] =	stream.indirect.scatter.add.f32 [tilespmem:s26], [sflag:$0x4], $0x80, s28, s10, $0xb8;
	[tilespmem:$0x1C200] =	vst v63  }
0x31: {  	_ =	swait.ge [sflag:s2], $0x4000  }
0x32: {  	s4 =	simm.s32 @!p0 $0x0;
	[sflag:s2] =	ssyncset.done $0x0  }
0x33: {  	s5 =	simm.s32 @!p0 $0x5;
	s3 =	rddreg [dreg:$0xe];
	[sflag:s2] =	ssyncadd.s32 $0xFFFFC000  }
0x34: {  	[tilespmem:s4], [sflag:$0x5] =	stream.linear.gather @!p0 [hbm4b:s3+s4], $0x80, $0x38;
	[tilespmem:$0x1C200] =	vst v63  }
0x35: {  	_ =	swait.ge @!p0 [sflag:s5], $0x80  }
0x36: {  	[sflag:s5] =	ssyncset.done @!p0 $0x0  }
0x37: {  	s16 =	simm.s32 @!p0 $0x100;
	s3 =	rddreg [dreg:$0xf];
	[sflag:s5] =	ssyncadd.s32 @!p0 $0xFFFFFF80  }
0x38: {  	[tilespmem:s16], [sflag:$0x5] =	stream.linear.gather @!p0 [hbm4b:s3+s4], $0x80, $0x38;
	[tilespmem:$0x1C200] =	vst v63  }
0x39: {  	_ =	swait.ge @!p0 [sflag:s5], $0x80  }
0x3a: {  	[sflag:s5] =	ssyncset.done @!p0 $0x0  }
0x3b: {  	s16 =	simm.s32 @!p0 $0x80;
	s3 =	simm.s32 @!p0 $0x200;
	[sflag:s5] =	ssyncadd.s32 @!p0 $0xFFFFFF80  }
0x3c: {  	[tilespmem:s3], [sflag:$0x5] =	stream.indirect.gather @!p0 [hbm4b:s15+s16], $0x80, s4, s16, $0xb8;
	[tilespmem:$0x1C200] =	vst v63  }
0x3d: {  	_ =	swait.ge @!p0 [sflag:s5], $0x4000  }
0x3e: {  	[sflag:s5] =	ssyncset.done @!p0 $0x0  }
0x3f: {  	s4 =	simm.s32 @!p0 $0x100;
	[sflag:s5] =	ssyncadd.s32 @!p0 $0xFFFFC000  }
0x40: {  	[spmem:s14] =	stream.indirect.scatter.add.f32 @!p0 [tilespmem:s3], [sflag:$0x5], $0x80, s4, s16, $0xb8;
	[tilespmem:$0x1C200] =	vst v63  }
0x41: {  	_ =	swait.ge @!p0 [sflag:s5], $0x4000  }
0x42: {  	[sflag:s5] =	ssyncset.done @!p0 $0x0  }
0x43: {  	[sflag:s5] =	ssyncadd.s32 @!p0 $0xFFFFC000  }
0x44: {  	[bflag:$0x0] =	sbarrier.arrive $0xFFFF  }
0x45: {  	[tilespmem:s6], [sflag:$0x1] =	stream.linear.gather [spmem:s13], $0x2000, $0x38;
	[tilespmem:$0x1C200] =	vst v63  }
0x46: {  	_ = 	snop  }
0x47: {  	[tilespmem:s26], [sflag:$0x2] =	stream.linear.gather [spmem:s17], $0x2000, $0x38;
	[tilespmem:$0x1C200] =	vst v63  }
0x48: {  	_ =	swait.ge [sflag:s7], $0x2000  }
0x49: {  	[sflag:s7] =	ssyncset.done $0x0  }
0x4a: {  	s3 =	rddreg [dreg:$0x3];
	[sflag:s7] =	ssyncadd.s32 $0xFFFFE000  }
0x4b: {  	[hbm4b:s3+s11] =	stream.linear.scatter [tilespmem:s6], [sflag:$0x3], $0x2000, $0x38;
	[tilespmem:$0x1C200] =	vst v63  }
0x4c: {  	_ =	swait.ge [sflag:s1], $0x2000  }
0x4d: {  	[sflag:s1] =	ssyncset.done $0x0  }
0x4e: {  	[sflag:s1] =	ssyncadd.s32 $0xFFFFE000  }
0x4f: {  	[tilespmem:s6], [sflag:$0x1] =	stream.linear.gather [spmem:s18], $0x2000, $0x38;
	[tilespmem:$0x1C200] =	vst v63  }
0x50: {  	_ =	swait.ge [sflag:s29], $0x2000  }
0x51: {  	[sflag:s29] =	ssyncset.done $0x0  }
0x52: {  	s5 =	rddreg [dreg:$0x4];
	[sflag:s29] =	ssyncadd.s32 $0xFFFFE000  }
0x53: {  	[hbm4b:s5+s11] =	stream.linear.scatter [tilespmem:s26], [sflag:$0x4], $0x2000, $0x38;
	[tilespmem:$0x1C200] =	vst v63  }
0x54: {  	_ =	swait.ge [sflag:s2], $0x2000  }
0x55: {  	[sflag:s2] =	ssyncset.done $0x0  }
0x56: {  	[sflag:s2] =	ssyncadd.s32 $0xFFFFE000  }
0x57: {  	[tilespmem:s26], [sflag:$0x2] =	stream.linear.gather [spmem:s19], $0x2000, $0x38;
	[tilespmem:$0x1C200] =	vst v63  }
0x58: {  	_ =	swait.ge [sflag:s7], $0x2000  }
0x59: {  	[sflag:s7] =	ssyncset.done $0x0  }
0x5a: {  	s16 =	rddreg [dreg:$0x5];
	[sflag:s7] =	ssyncadd.s32 $0xFFFFE000  }
0x5b: {  	[hbm4b:s16+s11] =	stream.linear.scatter [tilespmem:s6], [sflag:$0x3], $0x2000, $0x38;
	[tilespmem:$0x1C200] =	vst v63  }
0x5c: {  	_ =	swait.ge [sflag:s1], $0x2000  }
0x5d: {  	[sflag:s1] =	ssyncset.done $0x0  }
0x5e: {  	[sflag:s1] =	ssyncadd.s32 $0xFFFFE000  }
0x5f: {  	[tilespmem:s6], [sflag:$0x1] =	stream.linear.gather [spmem:s20], $0x2000, $0x38;
	[tilespmem:$0x1C200] =	vst v63  }
0x60: {  	_ =	swait.ge [sflag:s29], $0x2000  }
0x61: {  	[sflag:s29] =	ssyncset.done $0x0  }
0x62: {  	s3 =	rddreg [dreg:$0x6];
	[sflag:s29] =	ssyncadd.s32 $0xFFFFE000  }
0x63: {  	[hbm4b:s3+s11] =	stream.linear.scatter [tilespmem:s26], [sflag:$0x4], $0x2000, $0x38;
	[tilespmem:$0x1C200] =	vst v63  }
0x64: {  	_ =	swait.ge [sflag:s2], $0x2000  }
0x65: {  	[sflag:s2] =	ssyncset.done $0x0  }
0x66: {  	[sflag:s2] =	ssyncadd.s32 $0xFFFFE000  }
0x67: {  	[tilespmem:s26], [sflag:$0x2] =	stream.linear.gather [spmem:s21], $0x2000, $0x38;
	[tilespmem:$0x1C200] =	vst v63  }
0x68: {  	_ =	swait.ge [sflag:s7], $0x2000  }
0x69: {  	[sflag:s7] =	ssyncset.done $0x0  }
0x6a: {  	s5 =	rddreg [dreg:$0x7];
	[sflag:s7] =	ssyncadd.s32 $0xFFFFE000  }
0x6b: {  	[hbm4b:s5+s11] =	stream.linear.scatter [tilespmem:s6], [sflag:$0x3], $0x2000, $0x38;
	[tilespmem:$0x1C200] =	vst v63  }
0x6c: {  	_ =	swait.ge [sflag:s1], $0x2000  }
0x6d: {  	[sflag:s1] =	ssyncset.done $0x0  }
0x6e: {  	[sflag:s1] =	ssyncadd.s32 $0xFFFFE000  }
0x6f: {  	[tilespmem:s6], [sflag:$0x1] =	stream.linear.gather [spmem:s22], $0x2000, $0x38;
	[tilespmem:$0x1C200] =	vst v63  }
0x70: {  	_ =	swait.ge [sflag:s29], $0x2000  }
0x71: {  	[sflag:s29] =	ssyncset.done $0x0  }
0x72: {  	s16 =	rddreg [dreg:$0x8];
	[sflag:s29] =	ssyncadd.s32 $0xFFFFE000  }
0x73: {  	[hbm4b:s16+s11] =	stream.linear.scatter [tilespmem:s26], [sflag:$0x4], $0x2000, $0x38;
	[tilespmem:$0x1C200] =	vst v63  }
0x74: {  	_ =	swait.ge [sflag:s2], $0x2000  }
0x75: {  	[sflag:s2] =	ssyncset.done $0x0  }
0x76: {  	[sflag:s2] =	ssyncadd.s32 $0xFFFFE000  }
0x77: {  	[tilespmem:s26], [sflag:$0x2] =	stream.linear.gather [spmem:s23], $0x2000, $0x38;
	[tilespmem:$0x1C200] =	vst v63  }
0x78: {  	_ =	swait.ge [sflag:s7], $0x2000  }
0x79: {  	[sflag:s7] =	ssyncset.done $0x0  }
0x7a: {  	s3 =	rddreg [dreg:$0x9];
	[sflag:s7] =	ssyncadd.s32 $0xFFFFE000  }
0x7b: {  	[hbm4b:s3+s11] =	stream.linear.scatter [tilespmem:s6], [sflag:$0x3], $0x2000, $0x38;
	[tilespmem:$0x1C200] =	vst v63  }
0x7c: {  	_ =	swait.ge [sflag:s1], $0x2000  }
0x7d: {  	[sflag:s1] =	ssyncset.done $0x0  }
0x7e: {  	[sflag:s1] =	ssyncadd.s32 $0xFFFFE000  }
0x7f: {  	[tilespmem:s6], [sflag:$0x1] =	stream.linear.gather [spmem:s24], $0x2000, $0x38;
	[tilespmem:$0x1C200] =	vst v63  }
0x80: {  	_ =	swait.ge [sflag:s29], $0x2000  }
0x81: {  	[sflag:s29] =	ssyncset.done $0x0  }
0x82: {  	s5 =	rddreg [dreg:$0xa];
	[sflag:s29] =	ssyncadd.s32 $0xFFFFE000  }
0x83: {  	[hbm4b:s5+s11] =	stream.linear.scatter [tilespmem:s26], [sflag:$0x4], $0x2000, $0x38;
	[tilespmem:$0x1C200] =	vst v63  }
0x84: {  	_ =	swait.ge [sflag:s2], $0x2000  }
0x85: {  	[sflag:s2] =	ssyncset.done $0x0  }
0x86: {  	[sflag:s2] =	ssyncadd.s32 $0xFFFFE000  }
0x87: {  	[tilespmem:s26], [sflag:$0x2] =	stream.linear.gather [spmem:s25], $0x2000, $0x38;
	[tilespmem:$0x1C200] =	vst v63  }
0x88: {  	_ =	swait.ge [sflag:s7], $0x2000  }
0x89: {  	[sflag:s7] =	ssyncset.done $0x0  }
0x8a: {  	s16 =	rddreg [dreg:$0xb];
	[sflag:s7] =	ssyncadd.s32 $0xFFFFE000  }
0x8b: {  	[hbm4b:s16+s11] =	stream.linear.scatter [tilespmem:s6], [sflag:$0x3], $0x2000, $0x38;
	[tilespmem:$0x1C200] =	vst v63  }
0x8c: {  	_ =	swait.ge [sflag:s29], $0x2000  }
0x8d: {  	[sflag:s29] =	ssyncset.done $0x0  }
0x8e: {  	s3 =	rddreg [dreg:$0xc];
	[sflag:s29] =	ssyncadd.s32 $0xFFFFE000  }
0x8f: {  	[hbm4b:s3+s11] =	stream.linear.scatter [tilespmem:s26], [sflag:$0x4], $0x2000, $0x38;
	[tilespmem:$0x1C200] =	vst v63  }
0x90: {  	_ =	swait.ge [sflag:s1], $0x2000  }
0x91: {  	[sflag:s1] =	ssyncset.done $0x0  }
0x92: {  	[sflag:s1] =	ssyncadd.s32 $0xFFFFE000  }
0x93: {  	_ =	swait.ge [sflag:s2], $0x2000  }
0x94: {  	s5 =	rddreg [dreg:$0x16]  }
0x95: {  	s16 =	rddreg [dreg:$0x10];
	s4 =	sadd.s32 $0x1, s5  }
0x96: {  	p1 =	sne.s32 s4, s16  }
.Ltmp1:
0x97: {  	_ = 	snop;
	(pc) =	sbr.rel @!p1 .LBB2_7-.Ltmp1, $3  }
0x98: {  	_ =	sdelay $0x1  }
0x99: {  	[sflag:s2] =	ssyncset.done $0x0  }
0x9a: {  	[sflag:s2] =	ssyncadd.s32 $0xFFFFE000  }
.LBB2_1:
0x9b: {  	[dreg:$0x16] =	wrdreg s4;
	s4 =	simm.s32 $0x0;
	s5 =	simm.s32 $0x200  }
.LBB2_2:
0x9c: {  	p1 =	sne.s32 s5, $0x7E00;
	[tilespmem:s4+$0x270] =	vst v0  }
0x9d: {  	[tilespmem:s4+$0x200] =	vst v0  }
0x9e: {  	[tilespmem:s4+$0x210] =	vst v0  }
.Ltmp2:
0x9f: {  	[tilespmem:s4+$0x220] =	vst v0;
	(pc) =	sbr.rel @p1 .LBB2_2-.Ltmp2, $4  }
0xa0: {  	[tilespmem:s4+$0x230] =	vst v0  }
0xa1: {  	[tilespmem:s4+$0x240] =	vst v0  }
0xa2: {  	[tilespmem:s4+$0x250] =	vst v0  }
0xa3: {  	[tilespmem:s4+$0x260] =	vst v0;
	s4 =	sshra.s32 s5, $0x2;
	s5 =	sadd.s32 $0x200, s5  }
0xa4: {  	[tilespmem:s4+$0x270] =	vst v0  }
0xa5: {  	[tilespmem:s4+$0x200] =	vst v0  }
0xa6: {  	[tilespmem:s4+$0x210] =	vst v0  }
0xa7: {  	[tilespmem:s4+$0x220] =	vst v0  }
0xa8: {  	[tilespmem:s4+$0x230] =	vst v0  }
0xa9: {  	[tilespmem:s4+$0x240] =	vst v0  }
0xaa: {  	[tilespmem:s4+$0x250] =	vst v0  }
0xab: {  	[tilespmem:s4+$0x260] =	vst v0  }
0xac: {  	[spmem:s13] =	stream.linear.scatter [tilespmem:s6], [sflag:$0x1], $0x2000, $0x38;
	[tilespmem:$0x1C200] =	vst v63  }
0xad: {  	_ = 	snop  }
0xae: {  	[spmem:s17] =	stream.linear.scatter [tilespmem:s6], [sflag:$0x1], $0x2000, $0x38;
	[tilespmem:$0x1C200] =	vst v63  }
0xaf: {  	_ = 	snop  }
0xb0: {  	[spmem:s18] =	stream.linear.scatter [tilespmem:s6], [sflag:$0x1], $0x2000, $0x38;
	[tilespmem:$0x1C200] =	vst v63  }
0xb1: {  	_ = 	snop  }
0xb2: {  	[spmem:s19] =	stream.linear.scatter [tilespmem:s6], [sflag:$0x1], $0x2000, $0x38;
	[tilespmem:$0x1C200] =	vst v63  }
0xb3: {  	_ = 	snop  }
0xb4: {  	[spmem:s20] =	stream.linear.scatter [tilespmem:s6], [sflag:$0x1], $0x2000, $0x38;
	[tilespmem:$0x1C200] =	vst v63  }
0xb5: {  	_ = 	snop  }
0xb6: {  	[spmem:s21] =	stream.linear.scatter [tilespmem:s6], [sflag:$0x1], $0x2000, $0x38;
	[tilespmem:$0x1C200] =	vst v63  }
0xb7: {  	_ = 	snop  }
0xb8: {  	[spmem:s22] =	stream.linear.scatter [tilespmem:s6], [sflag:$0x1], $0x2000, $0x38;
	[tilespmem:$0x1C200] =	vst v63  }
0xb9: {  	_ = 	snop  }
0xba: {  	[spmem:s23] =	stream.linear.scatter [tilespmem:s6], [sflag:$0x1], $0x2000, $0x38;
	[tilespmem:$0x1C200] =	vst v63  }
0xbb: {  	_ = 	snop  }
0xbc: {  	[spmem:s24] =	stream.linear.scatter [tilespmem:s6], [sflag:$0x1], $0x2000, $0x38;
	[tilespmem:$0x1C200] =	vst v63  }
0xbd: {  	_ = 	snop  }
0xbe: {  	[spmem:s25] =	stream.linear.scatter [tilespmem:s6], [sflag:$0x1], $0x2000, $0x38;
	[tilespmem:$0x1C200] =	vst v63  }
0xbf: {  	_ =	swait.ge [sflag:s7], $0x2000  }
0xc0: {  	[sflag:s7] =	ssyncset.done $0x0  }
0xc1: {  	[sflag:s7] =	ssyncadd.s32 $0xFFFFE000  }
0xc2: {  	_ =	swait.ge [sflag:s7], $0x2000  }
0xc3: {  	[sflag:s7] =	ssyncset.done $0x0  }
0xc4: {  	[sflag:s7] =	ssyncadd.s32 $0xFFFFE000  }
0xc5: {  	_ =	swait.ge [sflag:s7], $0x2000  }
0xc6: {  	[sflag:s7] =	ssyncset.done $0x0  }
0xc7: {  	[sflag:s7] =	ssyncadd.s32 $0xFFFFE000  }
0xc8: {  	_ =	swait.ge [sflag:s7], $0x2000  }
0xc9: {  	[sflag:s7] =	ssyncset.done $0x0  }
0xca: {  	[sflag:s7] =	ssyncadd.s32 $0xFFFFE000  }
0xcb: {  	_ =	swait.ge [sflag:s7], $0x2000  }
0xcc: {  	[sflag:s7] =	ssyncset.done $0x0  }
0xcd: {  	[sflag:s7] =	ssyncadd.s32 $0xFFFFE000  }
0xce: {  	_ =	swait.ge [sflag:s7], $0x2000  }
0xcf: {  	[sflag:s7] =	ssyncset.done $0x0  }
0xd0: {  	[sflag:s7] =	ssyncadd.s32 $0xFFFFE000  }
0xd1: {  	_ =	swait.ge [sflag:s7], $0x2000  }
0xd2: {  	[sflag:s7] =	ssyncset.done $0x0  }
0xd3: {  	[sflag:s7] =	ssyncadd.s32 $0xFFFFE000  }
0xd4: {  	_ =	swait.ge [sflag:s7], $0x2000  }
0xd5: {  	[sflag:s7] =	ssyncset.done $0x0  }
0xd6: {  	[sflag:s7] =	ssyncadd.s32 $0xFFFFE000  }
0xd7: {  	_ =	swait.ge [sflag:s7], $0x2000  }
0xd8: {  	[sflag:s7] =	ssyncset.done $0x0  }
0xd9: {  	[sflag:s7] =	ssyncadd.s32 $0xFFFFE000  }
0xda: {  	_ =	swait.ge [sflag:s7], $0x2000  }
0xdb: {  	[sflag:s7] =	ssyncset.done $0x0  }
0xdc: {  	[sflag:s7] =	ssyncadd.s32 $0xFFFFE000  }
0xdd: {  	[bflag:$0x0] =	sbarrier.arrive $0xFFFF  }
0xde: {  	s4 =	simm.s32 $0x0;
	s5 =	rddreg [dreg:$0xd]  }
0xdf: {  	[tilespmem:s4], [sflag:$0x5] =	stream.linear.gather [hbm4b:s5+s4], $0x80, $0x38;
	[tilespmem:$0x1C200] =	vst v63  }
0xe0: {  	_ =	swait.ge [sflag:s8], $0x80  }
0xe1: {  	[sflag:s8] =	ssyncset.done $0x0  }
0xe2: {  	s3 =	rddreg [dreg:$0x11];
	[sflag:s8] =	ssyncadd.s32 $0xFFFFFF80  }
0xe3: {  	[tilespmem:s9], [sflag:$0x5] =	stream.linear.gather [hbm4b:s3+s4], $0x80, $0x38;
	[tilespmem:$0x1C200] =	vst v63  }
0xe4: {  	_ =	swait.ge [sflag:s8], $0x80  }
0xe5: {  	[sflag:s8] =	ssyncset.done $0x0  }
0xe6: {  	[sflag:s8] =	ssyncadd.s32 $0xFFFFFF80  }
0xe7: {  	[tilespmem:s6], [sflag:$0x1] =	stream.indirect.gather [hbm4b:s15+s10], $0x80, s4, s10, $0xb8;
	[tilespmem:$0x1C200] =	vst v63  }
0xe8: {  	s5 =	rddreg [dreg:$0x12]  }
0xe9: {  	[tilespmem:s10], [sflag:$0x5] =	stream.linear.gather [hbm4b:s5+s4], $0x80, $0x38;
	[tilespmem:$0x1C200] =	vst v63  }
0xea: {  	_ =	swait.ge [sflag:s8], $0x80  }
0xeb: {  	[sflag:s8] =	ssyncset.done $0x0  }
0xec: {  	[sflag:s8] =	ssyncadd.s32 $0xFFFFFF80  }
0xed: {  	_ =	swait.ge [sflag:s7], $0x4000  }
0xee: {  	[sflag:s7] =	ssyncset.done $0x0  }
0xef: {  	[sflag:s7] =	ssyncadd.s32 $0xFFFFC000  }
0xf0: {  	[tilespmem:s26], [sflag:$0x2] =	stream.indirect.gather [hbm4b:s15+s10], $0x80, s10, s10, $0xb8;
	[tilespmem:$0x1C200] =	vst v63  }
0xf1: {  	s16 =	rddreg [dreg:$0x13]  }
0xf2: {  	[tilespmem:s28], [sflag:$0x5] =	stream.linear.gather [hbm4b:s16+s4], $0x80, $0x38;
	[tilespmem:$0x1C200] =	vst v63  }
0xf3: {  	_ =	swait.ge [sflag:s8], $0x80  }
0xf4: {  	[sflag:s8] =	ssyncset.done $0x0  }
0xf5: {  	[sflag:s8] =	ssyncadd.s32 $0xFFFFFF80  }
0xf6: {  	[spmem:s14] =	stream.indirect.scatter.add.f32 [tilespmem:s6], [sflag:$0x3], $0x80, s9, s10, $0xb8;
	[tilespmem:$0x1C200] =	vst v63  }
0xf7: {  	s5 =	rddreg [dreg:$0x14]  }
0xf8: {  	[tilespmem:s4], [sflag:$0x5] =	stream.linear.gather [hbm4b:s5+s4], $0x80, $0x38;
	[tilespmem:$0x1C200] =	vst v63  }
0xf9: {  	_ =	swait.ge [sflag:s8], $0x80  }
0xfa: {  	[sflag:s8] =	ssyncset.done $0x0  }
0xfb: {  	[sflag:s8] =	ssyncadd.s32 $0xFFFFFF80  }
0xfc: {  	_ =	swait.ge [sflag:s29], $0x4000  }
0xfd: {  	[sflag:s29] =	ssyncset.done $0x0  }
0xfe: {  	[sflag:s29] =	ssyncadd.s32 $0xFFFFC000  }
0xff: {  	_ =	swait.ge [sflag:s1], $0x4000  }
0x100: {  	[sflag:s1] =	ssyncset.done $0x0  }
0x101: {  	[sflag:s1] =	ssyncadd.s32 $0xFFFFC000  }
0x102: {  	[tilespmem:s6], [sflag:$0x1] =	stream.indirect.gather [hbm4b:s15+s10], $0x80, s4, s10, $0xb8;
	[tilespmem:$0x1C200] =	vst v63  }
0x103: {  	s16 =	rddreg [dreg:$0x15]  }
0x104: {  	[tilespmem:s9], [sflag:$0x5] =	stream.linear.gather [hbm4b:s16+s4], $0x80, $0x38;
	[tilespmem:$0x1C200] =	vst v63  }
0x105: {  	_ =	swait.ge [sflag:s8], $0x80  }
0x106: {  	[sflag:s8] =	ssyncset.done $0x0  }
0x107: {  	[sflag:s8] =	ssyncadd.s32 $0xFFFFFF80  }
0x108: {  	[spmem:s14] =	stream.indirect.scatter.add.f32 [tilespmem:s26], [sflag:$0x4], $0x80, s28, s10, $0xb8;
	[tilespmem:$0x1C200] =	vst v63  }
.LBB2_4:
0x109: {  	s5 =	sadd.s32 s4, s30  }
0x10a: {  	[tilespmem:s10], [sflag:$0x5] =	stream.linear.gather [hbm4b:s5+s11], $0x80, $0x38;
	[tilespmem:$0x1C200] =	vst v63  }
0x10b: {  	_ =	swait.ge [sflag:s8], $0x80  }
0x10c: {  	[sflag:s8] =	ssyncset.done $0x0  }
0x10d: {  	[sflag:s8] =	ssyncadd.s32 $0xFFFFFF80  }
0x10e: {  	_ =	swait.ge [sflag:s7], $0x4000  }
0x10f: {  	[sflag:s7] =	ssyncset.done $0x0  }
0x110: {  	[sflag:s7] =	ssyncadd.s32 $0xFFFFC000  }
0x111: {  	_ =	swait.ge [sflag:s2], $0x4000  }
0x112: {  	[sflag:s2] =	ssyncset.done $0x0  }
0x113: {  	[sflag:s2] =	ssyncadd.s32 $0xFFFFC000  }
0x114: {  	[tilespmem:s26], [sflag:$0x2] =	stream.indirect.gather [hbm4b:s15+s10], $0x80, s10, s10, $0xb8;
	[tilespmem:$0x1C200] =	vst v63  }
0x115: {  	s16 =	sadd.s32 s4, s31;
	p1 =	seq.s32 s4, $0x4A0  }
0x116: {  	[tilespmem:s28], [sflag:$0x5] =	stream.linear.gather [hbm4b:s16+s11], $0x80, $0x38;
	[tilespmem:$0x1C200] =	vst v63  }
.Ltmp3:
0x117: {  	_ = 	snop;
	(pc) =	sbr.rel @p1 .LBB2_6-.Ltmp3, $4  }
0x118: {  	_ =	swait.ge [sflag:s8], $0x80  }
0x119: {  	[sflag:s8] =	ssyncset.done $0x0  }
0x11a: {  	[sflag:s8] =	ssyncadd.s32 $0xFFFFFF80  }
0x11b: {  	[spmem:s14] =	stream.indirect.scatter.add.f32 [tilespmem:s6], [sflag:$0x3], $0x80, s9, s10, $0xb8;
	[tilespmem:$0x1C200] =	vst v63  }
0x11c: {  	s5 =	sadd.s32 s4, s12  }
0x11d: {  	[tilespmem:s11], [sflag:$0x5] =	stream.linear.gather [hbm4b:s5+s11], $0x80, $0x38;
	[tilespmem:$0x1C200] =	vst v63  }
0x11e: {  	_ =	swait.ge [sflag:s8], $0x80  }
0x11f: {  	[sflag:s8] =	ssyncset.done $0x0  }
0x120: {  	[sflag:s8] =	ssyncadd.s32 $0xFFFFFF80  }
0x121: {  	_ =	swait.ge [sflag:s29], $0x4000  }
0x122: {  	[sflag:s29] =	ssyncset.done $0x0  }
0x123: {  	[sflag:s29] =	ssyncadd.s32 $0xFFFFC000  }
0x124: {  	_ =	swait.ge [sflag:s1], $0x4000  }
0x125: {  	[sflag:s1] =	ssyncset.done $0x0  }
0x126: {  	[sflag:s1] =	ssyncadd.s32 $0xFFFFC000  }
0x127: {  	[tilespmem:s6], [sflag:$0x1] =	stream.indirect.gather [hbm4b:s15+s10], $0x80, s11, s10, $0xb8;
	[tilespmem:$0x1C200] =	vst v63  }
0x128: {  	s16 =	sadd.s32 s4, s0  }
0x129: {  	[tilespmem:s9], [sflag:$0x5] =	stream.linear.gather [hbm4b:s16+s11], $0x80, $0x38;
	[tilespmem:$0x1C200] =	vst v63  }
.Ltmp4:
0x12a: {  	_ = 	snop;
	(pc) =	sbr.rel .LBB2_4-.Ltmp4, $4  }
0x12b: {  	_ =	swait.ge [sflag:s8], $0x80  }
0x12c: {  	[sflag:s8] =	ssyncset.done $0x0  }
0x12d: {  	s4 =	sadd.s32 $0x20, s4;
	[sflag:s8] =	ssyncadd.s32 $0xFFFFFF80  }
0x12e: {  	[spmem:s14] =	stream.indirect.scatter.add.f32 [tilespmem:s26], [sflag:$0x4], $0x80, s28, s10, $0xb8;
	[tilespmem:$0x1C200] =	vst v63  }
.LBB2_7:
0x12f: {  	_ =	sfence.sel $0x180000  }
0x130: {  	[bflag:$0x0] =	sbarrier.arrive $0xFFFF  }
0x131: {  	_ =	strace $0x9000004D  }
0x132: {  	s0 =	stileid.u32;
	[bflag:$0x2] =	sbarrier.arrive $0xFFFF  }
0x133: {  	p0 =	sne.s32 s0, $0x0;
	s0 =	rddreg [dreg:$0x2]  }
0x134: {  	s0 =	sadd.s32 @!p0 $0x100000, s0  }
0x135: {  	[sflag:s0] =	ssyncadd.tile.s32 @!p0 $0x1;
	_ =	shalt  }
.Lfunc_end2:
_tile_overlayer_lowered:
.L_overlay_start_2:
0x136: {  	(tag) =	ssettag $0x2  }
0x137: {  	s0 =	rddreg [dreg:$0x0];
	s2 =	stileid.u32  }
0x138: {  	s1 =	rddreg [dreg:$0x1];
	p0 =	sne.s32 s2, $0x0  }
0x139: {  	s3 =	rddreg [dreg:$0x2];
	[bflag:$0x3] =	sbarrier.arrive $0xFFFF;
	s2 =	simm.s32 @!p0 $0x1C05  }
0x13a: {  	[timem:s3], [sflag:s2] =	dma.local @!p0 [hbm:s0], s1  }
0x13b: {  	s0 =	simm.s32 @!p0 $0x5  }
0x13c: {  	_ =	swait.ge @!p0 [sflag:s0], s1  }
0x13d: {  	s1 =	ssub.s32 @!p0 $0x0, s1;
	[sflag:s0] =	ssyncset.done @!p0 $0x0  }
0x13e: {  	[sflag:s0] =	ssyncadd.s32 @!p0 s1  }
0x13f: {  	[bflag:$0x3] =	sbarrier.arrive $0xFFFF  }
0x140: {  	_ =	shalt  }

// kernel: kernel.8.cloned.1.call-start
scs
__scs_entry_jumppad:
0x0: {  	(pc) =	sbr.rel $0x88, $3  }
0x1: {  	(tag) =	ssettag $0x0;
	lr =	simm.s32 $0x1  }
0x2: {  	[smem:$0x3F9B] =	sst lr;
	_ =	strace $0xD0000000  }
0x3: {  	_ = 	snop  }
0x4: {  	_ = 	snop  }
0x5: {  	_ = 	snop  }
0x6: {  	_ = 	snop  }
0x7: {  	_ = 	snop  }
__scs_overlays_trampoline_lowered:
0x8: {  	[smem:$0x3FAA] =	sst s0  }
0x9: {  	[smem:$0x3FAB] =	sst s1  }
0xa: {  	[smem:$0x3FAC] =	sst s2  }
0xb: {  	[smem:$0x3FAD] =	sst s3  }
0xc: {  	[smem:$0x3FAE] =	sst s4  }
0xd: {  	[smem:$0x3FAF] =	sst s5  }
0xe: {  	[smem:$0x3FB0] =	sst s6  }
0xf: {  	[smem:$0x3FB1] =	sst s7  }
0x10: {  	[smem:$0x3FB2] =	sst s8  }
0x11: {  	[smem:$0x3FB3] =	sst s9;
	s0 =	simm.s32 @!p0 $0x0  }
0x12: {  	s1 =	sld [smem:$0x3F99];
	s0 =	simm.s32 @p0 $0x1  }
0x13: {  	[smem:$0x3FB4] =	sst s0;
	s0 =	simm.s32 @!p1 $0x0  }
0x14: {  	s2 =	sld [smem:$0x3F98];
	s0 =	simm.s32 @p1 $0x1  }
0x15: {  	[smem:$0x3FB5] =	sst s0;
	s0 =	simm.s32 @!p2 $0x0  }
0x16: {  	s3 =	sld [smem:$0x3FDB];
	s0 =	simm.s32 @p2 $0x1  }
0x17: {  	s4 =	simm.s32 $0x1BF5;
	[smem:$0x3FB7] =	sst s0  }
0x18: {  	s0 =	sld [smem:$0x3F9A];
	_ =	swait.ge [sflag:s4], $0x0  }
0x19: {  	s7 =	sld [smem:$0x3F9B]  }
0x1a: {  	s8 =	sadd.s32 $0xFFFFE003, lr  }
0x1b: {  	s9 =	sadd.s32 $0xFFFFFEF7, lr;
	s5 =	simm.s32 $0xFFFFFFFF;
	p2 =	slt.u32 s8, $0xFFFFF086  }
0x1c: {  	p1 =	slt.u32 s9, $0xF7A;
	s5 =	simm.s32 @!p2 $0x0  }
0x1d: {  	s5 =	simm.s32 @p1 $0x1;
	p0 =	seq.s32 s7, s2  }
0x1e: {  	s7 =	smul.u32 @!p0 $0xF7A, s2;
	p2 =	seq.s32 @!p0 s5, $0x0  }
0x1f: {  	s9 =	smul.u32 $0xF7A, s1;
	s8 =	simm.s32 @!p0 $0x1BF5;
	p2 =	por !p2, p0  }
0x20: {  	[sflag:s8] =	ssyncset.s32 @!p0 $0xFFFFF086;
	s6 =	sadd.s32 @!p0 s3, s7;
	s7 =	simm.s32 @!p0 $0x108  }
0x21: {  	s3 =	sadd.s32 s3, s9;
	s6 =	sadd.s32 @!p0 $0x88, s6;
	s7 =	simm.s32 @p2 $0x1082  }
0x22: {  	[simem:s7], [sflag:s8] =	dma.local @!p0 [hbm:s6], $0xF7A  }
0x23: {  	s9 =	sor.u32 $0xD0000000, s2;
	s6 =	simm.s32 $0x108;
	_ =	swait.ge @!p0 [sflag:s8], $0x0  }
0x24: {  	s3 =	sadd.s32 $0x88, s3;
	s6 =	simm.s32 @!p1 $0x1082;
	[sflag:s4] =	ssyncset.s32 $0xFFFFF086  }
0x25: {  	[simem:s6], [sflag:s4] =	dma.local [hbm:s3], $0xF7A  }
0x26: {  	[smem:$0x3F9B] =	sst s1;
	(tag) =	ssettag s2;
	_ =	strace s9  }
0x27: {  	s1 =	sld [smem:$0x3FAB]  }
0x28: {  	s2 =	sld [smem:$0x3FAC]  }
0x29: {  	s4 =	sld [smem:$0x3FAE]  }
0x2a: {  	p0 =	seq.s32 s5, $0x0;
	s5 =	sld [smem:$0x3FAF]  }
0x2b: {  	s6 =	sld [smem:$0x3FB0]  }
0x2c: {  	s7 =	sld [smem:$0x3FB1]  }
0x2d: {  	s3 =	simm.s32 $0x108;
	s8 =	sld [smem:$0x3FB2]  }
0x2e: {  	s3 =	simm.s32 @!p0 $0x1082;
	s9 =	sld [smem:$0x3FB3]  }
0x2f: {  	lr =	sadd.s32 s0, s3;
	s0 =	sld [smem:$0x3FAA]  }
0x30: {  	s3 =	sld [smem:$0x3FAD]  }
0x31: {  	[smem:$0x3FB6] =	sst s10  }
0x32: {  	s10 =	sld [smem:$0x3FB4];
	_ =	sdelay $0x3  }
0x33: {  	p0 =	seq.s32 s10, $0x1;
	s10 =	sld [smem:$0x3FB6];
	_ =	sdelay $0x3  }
0x34: {  	[smem:$0x3FB6] =	sst s10  }
0x35: {  	s10 =	sld [smem:$0x3FB5];
	_ =	sdelay $0x3  }
0x36: {  	p1 =	seq.s32 s10, $0x1;
	s10 =	sld [smem:$0x3FB6];
	_ =	sdelay $0x3  }
0x37: {  	[smem:$0x3FB6] =	sst s10  }
0x38: {  	s10 =	sld [smem:$0x3FB7]  }
0x39: {  	_ = 	snop;
	(pc) =	sbr.ind lr, $3  }
0x3a: {  	_ = 	snop  }
0x3b: {  	_ = 	snop  }
0x3c: {  	p2 =	seq.s32 s10, $0x1;
	s10 =	sld [smem:$0x3FB6]  }
0x3d: {  	_ =	shalt  }
0x3e: {  	_ =	shalt  }
0x3f: {  	_ =	shalt  }
0x40: {  	_ =	shalt  }
0x41: {  	_ =	shalt  }
0x42: {  	_ =	shalt  }
0x43: {  	_ =	shalt  }
0x44: {  	_ =	shalt  }
0x45: {  	_ =	shalt  }
0x46: {  	_ =	shalt  }
0x47: {  	_ =	shalt  }
0x48: {  	_ =	shalt  }
0x49: {  	_ =	shalt  }
0x4a: {  	_ =	shalt  }
0x4b: {  	_ =	shalt  }
0x4c: {  	_ =	shalt  }
0x4d: {  	_ =	shalt  }
0x4e: {  	_ =	shalt  }
0x4f: {  	_ =	shalt  }
0x50: {  	_ =	shalt  }
0x51: {  	_ =	shalt  }
0x52: {  	_ =	shalt  }
0x53: {  	_ =	shalt  }
0x54: {  	_ =	shalt  }
0x55: {  	_ =	shalt  }
0x56: {  	_ =	shalt  }
0x57: {  	_ =	shalt  }
0x58: {  	_ =	shalt  }
0x59: {  	_ =	shalt  }
0x5a: {  	_ =	shalt  }
0x5b: {  	_ =	shalt  }
0x5c: {  	_ =	shalt  }
0x5d: {  	_ =	shalt  }
0x5e: {  	_ =	shalt  }
0x5f: {  	_ =	shalt  }
0x60: {  	_ =	shalt  }
0x61: {  	_ =	shalt  }
0x62: {  	_ =	shalt  }
0x63: {  	_ =	shalt  }
0x64: {  	_ =	shalt  }
0x65: {  	_ =	shalt  }
0x66: {  	_ =	shalt  }
0x67: {  	_ =	shalt  }
0x68: {  	_ =	shalt  }
0x69: {  	_ =	shalt  }
0x6a: {  	_ =	shalt  }
0x6b: {  	_ =	shalt  }
0x6c: {  	_ =	shalt  }
0x6d: {  	_ =	shalt  }
0x6e: {  	_ =	shalt  }
0x6f: {  	_ =	shalt  }
0x70: {  	_ =	shalt  }
0x71: {  	_ =	shalt  }
0x72: {  	_ =	shalt  }
0x73: {  	_ =	shalt  }
0x74: {  	_ =	shalt  }
0x75: {  	_ =	shalt  }
0x76: {  	_ =	shalt  }
0x77: {  	_ =	shalt  }
0x78: {  	_ =	shalt  }
0x79: {  	_ =	shalt  }
0x7a: {  	_ =	shalt  }
0x7b: {  	_ =	shalt  }
0x7c: {  	_ =	shalt  }
0x7d: {  	_ =	shalt  }
0x7e: {  	_ =	shalt  }
0x7f: {  	_ =	shalt  }
0x80: {  	_ =	shalt  }
0x81: {  	_ =	shalt  }
0x82: {  	_ =	shalt  }
0x83: {  	_ =	shalt  }
0x84: {  	_ =	shalt  }
0x85: {  	_ =	shalt  }
0x86: {  	_ =	shalt  }
0x87: {  	_ =	shalt  }
.Lfunc_end0:
.L_simem_size_0:
called_computation_lowered:
.L_overlay_start_0:
0x88: {  	s2 =	sld [smem:$0x3FD9]  }
0x89: {  	s3 =	sld [smem:$0x3FFE];
	_ =	sdelay $0x1  }
0x8a: {  	s1 =	srdreg.scid  }
0x8b: {  	s0 =	sand.u32 $0x1, s1  }
0x8c: {  	s17 =	sshll.u32 s0, $0xA;
	s2 =	sadd.s32 s3, s2  }
0x8d: {  	s2 =	sadd.s32 s2, s17  }
0x8e: {  	[smem:$0x3FC2] =	sst s2  }
0x8f: {  	_ = 	snop  }
0x90: {  	s2 =	sld [smem:$0x3FD0];
	(tm) =	ssettm $0x1  }
0x91: {  	s18 =	sld [smem:$0x3FFB];
	_ =	sdelay $0x3  }
0x92: {  	_ =	strace s18  }
0x93: {  	s3 =	sld [smem:$0x3FFC];
	_ =	sdelay $0x3  }
0x94: {  	_ =	strace s3  }
0x95: {  	s3 =	sld [smem:$0x3FFD];
	_ =	sdelay $0x3  }
0x96: {  	_ =	strace s3  }
0x97: {  	_ =	strace $0x8FFFFFFF  }
0x98: {  	s19 =	sld [smem:$0x3FDB];
	_ =	sdelay $0x1  }
0x99: {  	s4 =	simm.s32 $_scs_section_size  }
0x9a: {  	s5 =	simm.s32 $_size__tile_overlayer_lowered;
	s6 =	simm.s32 $_tile_overlayer_lowered  }
0x9b: {  	s22 =	simm.s32 $0x1BFF;
	s21 =	sshll.u32 s6, $0x1;
	s3 =	sadd.s32 s4, s19  }
0x9c: {  	s7 =	simm.s32 $0x0;
	s20 =	sshll.u32 s5, $0x1;
	s5 =	sadd.s32 s21, s3  }
0x9d: {  	[timem:s7], [sflag:s22] =	dma.local [hbm:s5], s20  }
0x9e: {  	_ =	swait.ge [sflag:s22], s20  }
0x9f: {  	s4 =	ssub.s32 $0x0, s20;
	[sflag:s22] =	ssyncset.done $0x0  }
0xa0: {  	[sflag:s22] =	ssyncadd.s32 s4;
	_ =	sdelay $0x1  }
0xa1: {  	s23 =	simm.s32 $0x1B8B  }
0xa2: {  	_ =	swait.ge [sflag:s23], $0x1  }
0xa3: {  	[sflag:s23] =	ssyncset.done $0x0  }
0xa4: {  	s25 =	simm.s32 $0x1B8E;
	s24 =	sld [smem:$0x3FFE];
	[sflag:s23] =	ssyncadd.s32 $0xFFFFFFFF  }
0xa5: {  	s26 =	simm.s32 $execute0_lowered;
	[smem:$0x3FD2] =	sst s25  }
0xa6: {  	s5 =	sshll.u32 s26, $0x1;
	_ =	strace $0x80000046;
	[dreg:$0x1] =	wrdreg $0xFFFFFFFF  }
0xa7: {  	s28 =	simm.s32 $_size_execute0_lowered;
	s3 =	sadd.s32 s3, s5;
	[dreg:$0x0] =	wrdreg $0x0  }
0xa8: {  	s5 =	sshll.u32 s28, $0x1;
	[dreg:$0x2] =	wrdreg s3  }
0xa9: {  	[dreg:$0x3] =	wrdreg s5  }
0xaa: {  	[dreg:$0x4] =	wrdreg $0xC0  }
0xab: {  	_ =	task [dreg:s7], $0x5FFFF  }
0xac: {  	[dreg:$0x1] =	wrdreg $0xFFFFFFFF  }
0xad: {  	[dreg:$0x0] =	wrdreg $0x60  }
0xae: {  	[dreg:$0x2] =	wrdreg s24  }
0xaf: {  	[dreg:$0x3] =	wrdreg s2  }
0xb0: {  	[dreg:$0x4] =	wrdreg $0x7A900  }
0xb1: {  	[dreg:$0x5] =	wrdreg $0x9  }
0xb2: {  	_ =	task.clear_ibuf [dreg:s7], $0x6FFFF;
	_ =	strace $0x90000046  }
0xb3: {  	s29 =	simm.s32 $0x9;
	_ =	strace $0x80000048  }
0xb4: {  	_ =	swait.ge [sflag:s29], $0x1  }
0xb5: {  	[sflag:s29] =	ssyncadd.s32 $0xFFFFFFFF  }
0xb6: {  	_ =	strace $0x90000048  }
0xb7: {  	_ =	sfence  }
0xb8: {  	s30 =	sld [smem:$0x0];
	_ =	sdelay $0x2  }
0xb9: {  	s31 =	sshll.u32 s1, $0xD;
	s1 =	sshrl.u32 s1, $0x2  }
0xba: {  	s3 =	sand.u32 $0x4000, s31;
	s1 =	sadd.s32 s1, s30  }
0xbb: {  	s0 =	sor.u32 s3, s0;
	s1 =	sshll.u32 s1, $0x11  }
0xbc: {  	s0 =	sor.u32 s1, s0  }
0xbd: {  	s0 =	sadd.s32 $0x8F2B, s0  }
0xbe: {  	[sflag:s0] =	ssyncadd.remote.s32 $0x1  }
0xbf: {  	_ =	sfence.sel $0xFFFF  }
0xc0: {  	[dreg:$0x0] =	wrdreg $0xFFFFFFFF;
	(pc) =	sbr.abs _section_cstart, $3  }
0xc1: {  	[dreg:$0x1] =	wrdreg $0xFFFFFFFF  }
0xc2: {  	_ =	task.clear_ibuf [dreg:s7], $0x2FFFF;
	_ =	strace $0x9FFFFFFF  }
0xc3: {  	(tm) =	ssettm $0x7FFFFFFF  }
tec
execute0_lowered:
.L_overlay_start_1:
0x0: {  	(tag) =	ssettag $0x1  }
0x1: {  	s0 =	rddreg [dreg:$0x0]  }
0x2: {  	s1 =	rddreg [dreg:$0x1]  }
0x3: {  	s2 =	rddreg [dreg:$0x2];
	s9 =	stileid.u32  }
0x4: {  	s3 =	srdreg.scid;
	s4 =	simm.s32 $0x0;
	s18 =	smul.u32 $0x2900, s9  }
0x5: {  	s21 =	simm.s32 $0x9D;
	s3 =	sand.u32 $0x1, s3;
	s15 =	smul.u32 $0x9C, s9  }
0x6: {  	[smem:$0x7FF] =	sst s4;
	s0 =	sadd.s32 $0x2200, s0;
	s20 =	smul.u32 $0x290, s9  }
0x7: {  	p0 =	slt.u32 s9, $0x4;
	p1 =	seq.s32 s9, $0xF;
	s5 =	ssub.s32 $0x2, s3  }
0x8: {  	_ =	strace $0x80000047;
	s13 =	smul.u32 $0x9C4, s3;
	s4 =	sadd.s32 s18, s2  }
0x9: {  	s3 =	smul.u32 $0x2800, s3;
	s21 =	simm.s32 @!p0 $0x9C;
	s26 =	sadd.s32 $0x290, s4  }
0xa: {  	p0 =	sgt.u32 s9, $0x3;
	s7 =	sadd.s32 $0x520, s4;
	[dreg:$0x4] =	wrdreg s26  }
0xb: {  	s6 =	sshrl.u32 s5, $0x1;
	s8 =	sadd.s32 $0x7B0, s4;
	[dreg:$0x5] =	wrdreg s7  }
0xc: {  	v0 =	vmov s18;
	s18 =	simm.s32 $0x0;
	s10 =	sadd.s32 $0xA40, s4;
	[dreg:$0x6] =	wrdreg s8  }
0xd: {  	s5 =	ssub.s32 s5, s6;
	s11 =	sadd.s32 $0xCD0, s4;
	[dreg:$0x7] =	wrdreg s10  }
0xe: {  	s12 =	sadd.s32 $0xF60, s4;
	s14 =	sadd.s32 $0x1480, s4;
	[dreg:$0x8] =	wrdreg s11  }
0xf: {  	s16 =	sadd.s32 $0x19A0, s4;
	s17 =	sadd.s32 $0x1C30, s4;
	[dreg:$0x9] =	wrdreg s12  }
0x10: {  	s19 =	sadd.s32 $0x1EC0, s4;
	s6 =	sadd.s32 s9, s13;
	[dreg:$0xb] =	wrdreg s14  }
0x11: {  	s22 =	sadd.s32 s20, s3;
	s3 =	sshrl.u32 s3, $0x3;
	[dreg:$0xd] =	wrdreg s16  }
0x12: {  	s7 =	sadd.s32 $0x11F0, s4;
	s8 =	sadd.s32 $0x1710, s4;
	[dreg:$0xe] =	wrdreg s17  }
0x13: {  	[dreg:$0xf] =	wrdreg s19;
	s10 =	sadd.s32 $0x2150, s4;
	s6 =	sshll.u32 s6, $0x4  }
0x14: {  	s23 =	sshrl.u32 s22, $0x3;
	s24 =	sadd.s32 s1, s3;
	[dreg:$0xa] =	wrdreg s7  }
0x15: {  	s22 =	sadd.s32 s20, s2;
	s25 =	smax.u32 s5, $0x1;
	[dreg:$0xc] =	wrdreg s8  }
0x16: {  	s26 =	sadd.s32 $0x23E0, s4;
	s14 =	simm.s32 $0x1;
	[dreg:$0x10] =	wrdreg s10  }
0x17: {  	s16 =	simm.s32 $0x80;
	s17 =	simm.s32 $0x4E80;
	[dreg:$0x15] =	wrdreg s25  }
0x18: {  	s7 =	sadd.s32 s15, s13;
	[dreg:$0x16] =	wrdreg s26;
	s26 =	sadd.s32 $0x2670, s4  }
0x19: {  	s28 =	sadd.s32 $0x2900, s22;
	s29 =	sadd.s32 $0x5200, s22;
	s30 =	sadd.s32 $0x7B00, s22  }
0x1a: {  	s31 =	sadd.s32 $0xA400, s22;
	s3 =	sadd.s32 $0x11F00, s22;
	s5 =	sadd.s32 $0x14800, s22  }
0x1b: {  	s8 =	sadd.s32 $0x1C300, s22;
	s9 =	sadd.s32 $0x1EC00, s22;
	s10 =	sadd.s32 $0x21500, s22  }
0x1c: {  	s11 =	sadd.s32 $0x23E00, s22;
	s12 =	sadd.s32 $0x26700, s22;
	s7 =	sshll.u32 s7, $0x4  }
0x1d: {  	s13 =	simm.s32 $0x4F00;
	s7 =	sadd.s32 s0, s7;
	s0 =	sadd.s32 s0, s6  }
0x1e: {  	s15 =	simm.s32 $0x2;
	[dreg:$0x11] =	wrdreg s7;
	s0 =	sadd.s32 $0x9C00, s0  }
0x1f: {  	s6 =	sadd.s32 $0x17100, s22;
	[dreg:$0x12] =	wrdreg s0;
	s0 =	sadd.s32 s1, s23  }
0x20: {  	s7 =	sadd.s32 $0x19A00, s22;
	[dreg:$0x13] =	wrdreg s0;
	s0 =	sadd.s32 $0x4CE, s24  }
0x21: {  	v1 =	vimm.f32 $1.000000000e+00;
	v2 =	vimm.f32 $0.0e+00;
	s1 =	sadd.s32 $0xF600, s22;
	[dreg:$0x14] =	wrdreg s0;
	s0 =	sadd.s32 $0xCD00, s22  }
.LBB2_1:
0x22: {  	[tilespmem:$0x4E80] =	vst v1  }
0x23: {  	[tilespmem:$0x4E90] =	vst v1  }
0x24: {  	[tilespmem:$0x4EA0] =	vst v1  }
0x25: {  	[tilespmem:$0x4EB0] =	vst v1  }
0x26: {  	[tilespmem:$0x4EC0] =	vst v1  }
0x27: {  	[tilespmem:$0x4ED0] =	vst v1  }
0x28: {  	[tilespmem:$0x4EE0] =	vst v1  }
0x29: {  	[tilespmem:$0x4EF0] =	vst v1  }
0x2a: {  	[tilespmem:$0x4F00] =	vst v2  }
0x2b: {  	[tilespmem:$0x4F10] =	vst v2  }
0x2c: {  	[tilespmem:$0x4F20] =	vst v2  }
0x2d: {  	[tilespmem:$0x4F30] =	vst v2  }
0x2e: {  	[tilespmem:$0x4F40] =	vst v2  }
0x2f: {  	[tilespmem:$0x4F50] =	vst v2  }
0x30: {  	[tilespmem:$0x4F60] =	vst v2  }
0x31: {  	[tilespmem:$0x4F70] =	vst v2  }
0x32: {  	[tilespmem:$0x4F80] =	vst v2  }
0x33: {  	[tilespmem:$0x4F90] =	vst v2  }
0x34: {  	[tilespmem:$0x4FA0] =	vst v2  }
0x35: {  	[tilespmem:$0x4FB0] =	vst v2  }
0x36: {  	[tilespmem:$0x4FC0] =	vst v2  }
0x37: {  	[tilespmem:$0x4FD0] =	vst v2  }
0x38: {  	[tilespmem:$0x4FE0] =	vst v2  }
0x39: {  	[tilespmem:$0x4FF0] =	vst v2  }
0x3a: {  	[tilespmem:$0x5000] =	vst v2  }
0x3b: {  	[tilespmem:$0x5010] =	vst v2  }
0x3c: {  	[tilespmem:$0x5020] =	vst v2  }
0x3d: {  	[tilespmem:$0x5030] =	vst v2  }
0x3e: {  	[tilespmem:$0x5040] =	vst v2  }
0x3f: {  	[tilespmem:$0x5050] =	vst v2  }
0x40: {  	[tilespmem:$0x5060] =	vst v2  }
0x41: {  	[tilespmem:$0x5070] =	vst v2  }
0x42: {  	[tilespmem:$0x5080] =	vst v2  }
0x43: {  	[tilespmem:$0x5090] =	vst v2  }
0x44: {  	[tilespmem:$0x50A0] =	vst v2  }
0x45: {  	[tilespmem:$0x50B0] =	vst v2  }
0x46: {  	[tilespmem:$0x50C0] =	vst v2  }
0x47: {  	[tilespmem:$0x50D0] =	vst v2  }
0x48: {  	[tilespmem:$0x50E0] =	vst v2  }
0x49: {  	[tilespmem:$0x50F0] =	vst v2  }
0x4a: {  	[tilespmem:$0x5100] =	vst v2  }
0x4b: {  	[tilespmem:$0x5110] =	vst v2  }
0x4c: {  	[tilespmem:$0x5120] =	vst v2  }
0x4d: {  	[tilespmem:$0x5130] =	vst v2  }
0x4e: {  	[tilespmem:$0x5140] =	vst v2  }
0x4f: {  	[tilespmem:$0x5150] =	vst v2  }
0x50: {  	[tilespmem:$0x5160] =	vst v2  }
0x51: {  	[tilespmem:$0x5170] =	vst v2  }
0x52: {  	[tilespmem:$0x5180] =	vst v2  }
0x53: {  	[spmem:s4] =	stream.linear.scatter [tilespmem:s13], [sflag:$0x1], $0x290, $0x38;
	[tilespmem:$0xA390] =	vst v63  }
0x54: {  	s19 =	rddreg [dreg:$0x4]  }
0x55: {  	[spmem:s19] =	stream.linear.scatter [tilespmem:s13], [sflag:$0x1], $0x290, $0x38;
	[tilespmem:$0xA390] =	vst v63  }
0x56: {  	s24 =	rddreg [dreg:$0x5]  }
0x57: {  	[spmem:s24] =	stream.linear.scatter [tilespmem:s13], [sflag:$0x1], $0x290, $0x38;
	[tilespmem:$0xA390] =	vst v63  }
0x58: {  	s25 =	rddreg [dreg:$0x6]  }
0x59: {  	[spmem:s25] =	stream.linear.scatter [tilespmem:s13], [sflag:$0x1], $0x290, $0x38;
	[tilespmem:$0xA390] =	vst v63  }
0x5a: {  	s20 =	rddreg [dreg:$0x7]  }
0x5b: {  	[spmem:s20] =	stream.linear.scatter [tilespmem:s13], [sflag:$0x1], $0x290, $0x38;
	[tilespmem:$0xA390] =	vst v63  }
0x5c: {  	s23 =	rddreg [dreg:$0x8]  }
0x5d: {  	[spmem:s23] =	stream.linear.scatter [tilespmem:s13], [sflag:$0x1], $0x290, $0x38;
	[tilespmem:$0xA390] =	vst v63  }
0x5e: {  	s24 =	rddreg [dreg:$0x9]  }
0x5f: {  	[spmem:s24] =	stream.linear.scatter [tilespmem:s13], [sflag:$0x1], $0x290, $0x38;
	[tilespmem:$0xA390] =	vst v63  }
0x60: {  	s25 =	rddreg [dreg:$0xa]  }
0x61: {  	[spmem:s25] =	stream.linear.scatter [tilespmem:s13], [sflag:$0x1], $0x290, $0x38;
	[tilespmem:$0xA390] =	vst v63  }
0x62: {  	s20 =	rddreg [dreg:$0xb]  }
0x63: {  	[spmem:s20] =	stream.linear.scatter [tilespmem:s13], [sflag:$0x1], $0x290, $0x38;
	[tilespmem:$0xA390] =	vst v63  }
0x64: {  	s23 =	rddreg [dreg:$0xc]  }
0x65: {  	[spmem:s23] =	stream.linear.scatter [tilespmem:s13], [sflag:$0x1], $0x290, $0x38;
	[tilespmem:$0xA390] =	vst v63  }
0x66: {  	s24 =	rddreg [dreg:$0xd]  }
0x67: {  	[spmem:s24] =	stream.linear.scatter [tilespmem:s13], [sflag:$0x1], $0x290, $0x38;
	[tilespmem:$0xA390] =	vst v63  }
0x68: {  	s25 =	rddreg [dreg:$0xe]  }
0x69: {  	[spmem:s25] =	stream.linear.scatter [tilespmem:s13], [sflag:$0x1], $0x290, $0x38;
	[tilespmem:$0xA390] =	vst v63  }
0x6a: {  	s20 =	rddreg [dreg:$0xf]  }
0x6b: {  	[spmem:s20] =	stream.linear.scatter [tilespmem:s13], [sflag:$0x1], $0x290, $0x38;
	[tilespmem:$0xA390] =	vst v63  }
0x6c: {  	s23 =	rddreg [dreg:$0x10]  }
0x6d: {  	[spmem:s23] =	stream.linear.scatter [tilespmem:s13], [sflag:$0x1], $0x290, $0x38;
	[tilespmem:$0xA390] =	vst v63  }
0x6e: {  	s24 =	rddreg [dreg:$0x16]  }
0x6f: {  	[spmem:s24] =	stream.linear.scatter [tilespmem:s13], [sflag:$0x1], $0x290, $0x38;
	[tilespmem:$0xA390] =	vst v63  }
0x70: {  	_ = 	snop  }
0x71: {  	[spmem:s26] =	stream.linear.scatter [tilespmem:s13], [sflag:$0x1], $0x290, $0x38;
	[tilespmem:$0xA390] =	vst v63  }
0x72: {  	_ =	swait.ge [sflag:s14], $0x290  }
0x73: {  	[sflag:s14] =	ssyncset.done $0x0  }
0x74: {  	[sflag:s14] =	ssyncadd.s32 $0xFFFFFD70  }
0x75: {  	_ =	swait.ge [sflag:s14], $0x290  }
0x76: {  	[sflag:s14] =	ssyncset.done $0x0  }
0x77: {  	[sflag:s14] =	ssyncadd.s32 $0xFFFFFD70  }
0x78: {  	_ =	swait.ge [sflag:s14], $0x290  }
0x79: {  	[sflag:s14] =	ssyncset.done $0x0  }
0x7a: {  	[sflag:s14] =	ssyncadd.s32 $0xFFFFFD70  }
0x7b: {  	_ =	swait.ge [sflag:s14], $0x290  }
0x7c: {  	[sflag:s14] =	ssyncset.done $0x0  }
0x7d: {  	[sflag:s14] =	ssyncadd.s32 $0xFFFFFD70  }
0x7e: {  	_ =	swait.ge [sflag:s14], $0x290  }
0x7f: {  	[sflag:s14] =	ssyncset.done $0x0  }
0x80: {  	[sflag:s14] =	ssyncadd.s32 $0xFFFFFD70  }
0x81: {  	_ =	swait.ge [sflag:s14], $0x290  }
0x82: {  	[sflag:s14] =	ssyncset.done $0x0  }
0x83: {  	[sflag:s14] =	ssyncadd.s32 $0xFFFFFD70  }
0x84: {  	_ =	swait.ge [sflag:s14], $0x290  }
0x85: {  	[sflag:s14] =	ssyncset.done $0x0  }
0x86: {  	[sflag:s14] =	ssyncadd.s32 $0xFFFFFD70  }
0x87: {  	_ =	swait.ge [sflag:s14], $0x290  }
0x88: {  	[sflag:s14] =	ssyncset.done $0x0  }
0x89: {  	[sflag:s14] =	ssyncadd.s32 $0xFFFFFD70  }
0x8a: {  	_ =	swait.ge [sflag:s14], $0x290  }
0x8b: {  	[sflag:s14] =	ssyncset.done $0x0  }
0x8c: {  	[sflag:s14] =	ssyncadd.s32 $0xFFFFFD70  }
0x8d: {  	_ =	swait.ge [sflag:s14], $0x290  }
0x8e: {  	[sflag:s14] =	ssyncset.done $0x0  }
0x8f: {  	[sflag:s14] =	ssyncadd.s32 $0xFFFFFD70  }
0x90: {  	_ =	swait.ge [sflag:s14], $0x290  }
0x91: {  	[sflag:s14] =	ssyncset.done $0x0  }
0x92: {  	[sflag:s14] =	ssyncadd.s32 $0xFFFFFD70  }
0x93: {  	_ =	swait.ge [sflag:s14], $0x290  }
0x94: {  	[sflag:s14] =	ssyncset.done $0x0  }
0x95: {  	[sflag:s14] =	ssyncadd.s32 $0xFFFFFD70  }
0x96: {  	_ =	swait.ge [sflag:s14], $0x290  }
0x97: {  	[sflag:s14] =	ssyncset.done $0x0  }
0x98: {  	[sflag:s14] =	ssyncadd.s32 $0xFFFFFD70  }
0x99: {  	_ =	swait.ge [sflag:s14], $0x290  }
0x9a: {  	[sflag:s14] =	ssyncset.done $0x0  }
0x9b: {  	[sflag:s14] =	ssyncadd.s32 $0xFFFFFD70  }
0x9c: {  	_ =	swait.ge [sflag:s14], $0x290  }
0x9d: {  	[sflag:s14] =	ssyncset.done $0x0  }
0x9e: {  	[sflag:s14] =	ssyncadd.s32 $0xFFFFFD70  }
0x9f: {  	_ =	swait.ge [sflag:s14], $0x290  }
0xa0: {  	[sflag:s14] =	ssyncset.done $0x0  }
0xa1: {  	s25 =	simm.s32 $0x0;
	s20 =	rddreg [dreg:$0x11];
	[sflag:s14] =	ssyncadd.s32 $0xFFFFFD70  }
0xa2: {  	[tilespmem:s25], [sflag:$0x2] =	stream.linear.gather [hbm4b:s20+s25], $0x4E00, $0x38;
	[tilespmem:$0xA390] =	vst v63  }
0xa3: {  	_ =	swait.ge [sflag:s15], $0x4E00  }
0xa4: {  	s19 =	simm.s32 @!p0 $0x0;
	[sflag:s15] =	ssyncset.done $0x0  }
0xa5: {  	s20 =	simm.s32 @!p0 $0x4E00;
	s23 =	rddreg [dreg:$0x12];
	[sflag:s15] =	ssyncadd.s32 $0xFFFFB200  }
0xa6: {  	[tilespmem:s20], [sflag:$0x2] =	stream.linear.gather @!p0 [hbm4b:s23+s19], $0x80, $0x38;
	[tilespmem:$0xA390] =	vst v63  }
0xa7: {  	s19 =	simm.s32 @!p0 $0x2  }
0xa8: {  	_ =	swait.ge @!p0 [sflag:s19], $0x80  }
0xa9: {  	[sflag:s19] =	ssyncset.done @!p0 $0x0  }
0xaa: {  	[sflag:s19] =	ssyncadd.s32 @!p0 $0xFFFFFF80;
	s19 =	simm.s32 $0x0  }
0xab: {  	v5 =	vld [tilespmem:s19+$0x0]  }
0xac: {  	v7 =	vld [tilespmem:s19+$0x10]  }
0xad: {  	v6 =	vld [tilespmem:s19+$0x20]  }
0xae: {  	v4 =	vld [tilespmem:s19+$0x30]  }
0xaf: {  	v3 =	vld [tilespmem:s19+$0x40]  }
0xb0: {  	v8 =	vadd.s32 v0, v5;
	v5 =	vld [tilespmem:s19+$0x50]  }
0xb1: {  	s20 =	simm.s32 $0x200;
	[tilespmem:s19+$0x0] =	vst v8;
	v8 =	vadd.s32 v0, v7;
	v7 =	vld [tilespmem:s19+$0x60]  }
.LBB2_2:
0xb2: {  	s23 =	sshra.s32 s20, $0x2;
	p2 =	sne.s32 s20, $0x13800;
	[tilespmem:s19+$0x10] =	vst v8;
	v6 =	vadd.s32 v0, v6;
	v8 =	vld [tilespmem:s19+$0x70]  }
0xb3: {  	v9 =	vld [tilespmem:s23+$0x0];
	[tilespmem:s19+$0x20] =	vst v6;
	v4 =	vadd.s32 v0, v4  }
0xb4: {  	v10 =	vld [tilespmem:s23+$0x10];
	[tilespmem:s19+$0x30] =	vst v4;
	v3 =	vadd.s32 v0, v3  }
.Ltmp0:
0xb5: {  	v6 =	vld [tilespmem:s23+$0x20];
	[tilespmem:s19+$0x40] =	vst v3;
	v3 =	vadd.s32 v0, v5;
	(pc) =	sbr.rel @p2 .LBB2_2-.Ltmp0, $4  }
0xb6: {  	v4 =	vld [tilespmem:s23+$0x30];
	[tilespmem:s19+$0x50] =	vst v3;
	v5 =	vadd.s32 v0, v7  }
0xb7: {  	v3 =	vld [tilespmem:s23+$0x40];
	[tilespmem:s19+$0x60] =	vst v5;
	v7 =	vadd.s32 v0, v8  }
0xb8: {  	v8 =	vadd.s32 v0, v9;
	v5 =	vld [tilespmem:s23+$0x50];
	[tilespmem:s19+$0x70] =	vst v7;
	s19 =	smov.u32 s23  }
0xb9: {  	s20 =	sadd.s32 $0x200, s20;
	[tilespmem:s19+$0x0] =	vst v8;
	v8 =	vadd.s32 v0, v10;
	v7 =	vld [tilespmem:s19+$0x60]  }
0xba: {  	[tilespmem:s19+$0x10] =	vst v8;
	v6 =	vadd.s32 v0, v6;
	v63 =	vld [tilespmem:s19+$0x70]  }
0xbb: {  	[tilespmem:s19+$0x20] =	vst v6;
	v4 =	vadd.s32 v0, v4  }
0xbc: {  	[tilespmem:s19+$0x30] =	vst v4;
	v3 =	vadd.s32 v0, v3  }
0xbd: {  	[tilespmem:s19+$0x40] =	vst v3;
	v3 =	vadd.s32 v0, v5  }
0xbe: {  	[tilespmem:s19+$0x50] =	vst v3;
	v3 =	vadd.s32 v0, v7  }
0xbf: {  	[tilespmem:s19+$0x60] =	vst v3;
	v3 =	vadd.s32 v0, v63  }
0xc0: {  	s23 =	simm.s32 $0x0;
	[tilespmem:s19+$0x70] =	vst v3  }
0xc1: {  	[spmem:s2] =	stream.indirect.scatter.add.f32 [tilespmem:s17], [sflag:$0x1], $0x1, s23, s16, $0xb8;
	[tilespmem:$0xA390] =	vst v63  }
0xc2: {  	_ = 	snop  }
0xc3: {  	[spmem:s2] =	stream.indirect.scatter.add.f32 [tilespmem:s17], [sflag:$0x1], $0x1, s16, s16, $0xb8;
	[tilespmem:$0xA390] =	vst v63  }
0xc4: {  	s24 =	simm.s32 $0x100  }
0xc5: {  	[spmem:s2] =	stream.indirect.scatter.add.f32 [tilespmem:s17], [sflag:$0x1], $0x1, s24, s16, $0xb8;
	[tilespmem:$0xA390] =	vst v63  }
0xc6: {  	s25 =	simm.s32 $0x180  }
0xc7: {  	[spmem:s2] =	stream.indirect.scatter.add.f32 [tilespmem:s17], [sflag:$0x1], $0x1, s25, s16, $0xb8;
	[tilespmem:$0xA390] =	vst v63  }
0xc8: {  	s20 =	simm.s32 $0x200  }
0xc9: {  	[spmem:s2] =	stream.indirect.scatter.add.f32 [tilespmem:s17], [sflag:$0x1], $0x1, s20, s16, $0xb8;
	[tilespmem:$0xA390] =	vst v63  }
0xca: {  	s23 =	simm.s32 $0x280  }
0xcb: {  	[spmem:s2] =	stream.indirect.scatter.add.f32 [tilespmem:s17], [sflag:$0x1], $0x1, s23, s16, $0xb8;
	[tilespmem:$0xA390] =	vst v63  }
0xcc: {  	p3 =	sne.s32 s21, $0x1;
	s24 =	simm.s32 $0x300  }
0xcd: {  	[spmem:s2] =	stream.indirect.scatter.add.f32 [tilespmem:s17], [sflag:$0x1], $0x1, s24, s16, $0xb8;
	[tilespmem:$0xA390] =	vst v63  }
.Ltmp1:
0xce: {  	s25 =	simm.s32 $0x380;
	(pc) =	sbr.rel @!p3 .LBB2_5-.Ltmp1, $4  }
0xcf: {  	[spmem:s2] =	stream.indirect.scatter.add.f32 [tilespmem:s17], [sflag:$0x1], $0x1, s25, s16, $0xb8;
	[tilespmem:$0xA390] =	vst v63  }
0xd0: {  	p2 =	sle.u32 s21, $0x8;
	s19 =	simm.s32 $0x400;
	_ =	swait.ge [sflag:s14], $0x80  }
0xd1: {  	s20 =	simm.s32 $0x1;
	s23 =	simm.s32 $0x480;
	[sflag:s14] =	ssyncset.done $0x0  }
0xd2: {  	s24 =	simm.s32 @!p2 $0x80;
	s25 =	simm.s32 @!p2 $0x4E80;
	[sflag:s14] =	ssyncadd.s32 $0xFFFFFF80  }
.LBB2_4:
0xd3: {  	[spmem:s2] =	stream.indirect.scatter.add.f32 @!p2 [tilespmem:s25], [sflag:$0x1], $0x1, s19, s24, $0xb8;
	[tilespmem:$0xA390] =	vst v63  }
0xd4: {  	s24 =	smov.u32 s20;
	s20 =	sadd.s32 $0x1, s20  }
0xd5: {  	s19 =	smov.u32 s23;
	p3 =	sne.s32 s21, s20  }
.Ltmp2:
0xd6: {  	_ =	swait.ge [sflag:s14], $0x80;
	(pc) =	sbr.rel @p3 .LBB2_4-.Ltmp2, $4  }
0xd7: {  	[sflag:s14] =	ssyncset.done $0x0  }
0xd8: {  	s24 =	sadd.s32 $0x8, s24;
	[sflag:s14] =	ssyncadd.s32 $0xFFFFFF80  }
0xd9: {  	p2 =	sge.u32 s24, s21  }
0xda: {  	s23 =	sadd.s32 $0x80, s23;
	s24 =	simm.s32 @!p2 $0x80;
	s25 =	simm.s32 @!p2 $0x4E80  }
.LBB2_5:
0xdb: {  	[spmem:s2] =	stream.indirect.scatter.add.f32 @!p2 [tilespmem:s25], [sflag:$0x1], $0x1, s19, s24, $0xb8;
	[tilespmem:$0xA390] =	vst v63  }
0xdc: {  	s20 =	simm.s32 $0x5190;
	[bflag:$0x0] =	sbarrier.arrive $0xFFFF  }
0xdd: {  	[tilespmem:s20], [sflag:$0x1] =	stream.linear.gather [spmem:s22], $0x290, $0x38;
	[tilespmem:$0xA390] =	vst v63  }
0xde: {  	s23 =	simm.s32 $0x5420  }
0xdf: {  	[tilespmem:s23], [sflag:$0x1] =	stream.linear.gather [spmem:s28], $0x290, $0x38;
	[tilespmem:$0xA390] =	vst v63  }
0xe0: {  	s24 =	simm.s32 $0x56B0  }
0xe1: {  	[tilespmem:s24], [sflag:$0x1] =	stream.linear.gather [spmem:s29], $0x290, $0x38;
	[tilespmem:$0xA390] =	vst v63  }
0xe2: {  	s25 =	simm.s32 $0x5940  }
0xe3: {  	[tilespmem:s25], [sflag:$0x1] =	stream.linear.gather [spmem:s30], $0x290, $0x38;
	[tilespmem:$0xA390] =	vst v63  }
0xe4: {  	s20 =	simm.s32 $0x5BD0  }
0xe5: {  	[tilespmem:s20], [sflag:$0x1] =	stream.linear.gather [spmem:s31], $0x290, $0x38;
	[tilespmem:$0xA390] =	vst v63  }
0xe6: {  	s23 =	simm.s32 $0x5E60  }
0xe7: {  	[tilespmem:s23], [sflag:$0x1] =	stream.linear.gather [spmem:s0], $0x290, $0x38;
	[tilespmem:$0xA390] =	vst v63  }
0xe8: {  	s24 =	simm.s32 $0x60F0  }
0xe9: {  	[tilespmem:s24], [sflag:$0x1] =	stream.linear.gather [spmem:s1], $0x290, $0x38;
	[tilespmem:$0xA390] =	vst v63  }
0xea: {  	s25 =	simm.s32 $0x6380  }
0xeb: {  	[tilespmem:s25], [sflag:$0x1] =	stream.linear.gather [spmem:s3], $0x290, $0x38;
	[tilespmem:$0xA390] =	vst v63  }
0xec: {  	s20 =	simm.s32 $0x6610  }
0xed: {  	[tilespmem:s20], [sflag:$0x1] =	stream.linear.gather [spmem:s5], $0x290, $0x38;
	[tilespmem:$0xA390] =	vst v63  }
0xee: {  	s23 =	simm.s32 $0x68A0  }
0xef: {  	[tilespmem:s23], [sflag:$0x1] =	stream.linear.gather [spmem:s6], $0x290, $0x38;
	[tilespmem:$0xA390] =	vst v63  }
0xf0: {  	s24 =	simm.s32 $0x6B30  }
0xf1: {  	[tilespmem:s24], [sflag:$0x1] =	stream.linear.gather [spmem:s7], $0x290, $0x38;
	[tilespmem:$0xA390] =	vst v63  }
0xf2: {  	s25 =	simm.s32 $0x6DC0  }
0xf3: {  	[tilespmem:s25], [sflag:$0x1] =	stream.linear.gather [spmem:s8], $0x290, $0x38;
	[tilespmem:$0xA390] =	vst v63  }
0xf4: {  	s20 =	simm.s32 $0x7050  }
0xf5: {  	[tilespmem:s20], [sflag:$0x1] =	stream.linear.gather [spmem:s9], $0x290, $0x38;
	[tilespmem:$0xA390] =	vst v63  }
0xf6: {  	s23 =	simm.s32 $0x72E0  }
0xf7: {  	[tilespmem:s23], [sflag:$0x1] =	stream.linear.gather [spmem:s10], $0x290, $0x38;
	[tilespmem:$0xA390] =	vst v63  }
0xf8: {  	s24 =	simm.s32 $0x7570  }
0xf9: {  	[tilespmem:s24], [sflag:$0x1] =	stream.linear.gather [spmem:s11], $0x290, $0x38;
	[tilespmem:$0xA390] =	vst v63  }
0xfa: {  	s25 =	simm.s32 $0x7800  }
0xfb: {  	[tilespmem:s25], [sflag:$0x1] =	stream.linear.gather [spmem:s12], $0x290, $0x38;
	[tilespmem:$0xA390] =	vst v63  }
0xfc: {  	_ =	swait.ge [sflag:s14], $0x290  }
0xfd: {  	[sflag:s14] =	ssyncset.done $0x0  }
0xfe: {  	[sflag:s14] =	ssyncadd.s32 $0xFFFFFD70  }
0xff: {  	_ =	swait.ge [sflag:s14], $0x290  }
0x100: {  	[sflag:s14] =	ssyncset.done $0x0  }
0x101: {  	[sflag:s14] =	ssyncadd.s32 $0xFFFFFD70  }
0x102: {  	_ =	swait.ge [sflag:s14], $0x290  }
0x103: {  	[sflag:s14] =	ssyncset.done $0x0  }
0x104: {  	[sflag:s14] =	ssyncadd.s32 $0xFFFFFD70  }
0x105: {  	_ =	swait.ge [sflag:s14], $0x290  }
0x106: {  	[sflag:s14] =	ssyncset.done $0x0  }
0x107: {  	[sflag:s14] =	ssyncadd.s32 $0xFFFFFD70  }
0x108: {  	_ =	swait.ge [sflag:s14], $0x290  }
0x109: {  	[sflag:s14] =	ssyncset.done $0x0  }
0x10a: {  	[sflag:s14] =	ssyncadd.s32 $0xFFFFFD70  }
0x10b: {  	_ =	swait.ge [sflag:s14], $0x290  }
0x10c: {  	[sflag:s14] =	ssyncset.done $0x0  }
0x10d: {  	[sflag:s14] =	ssyncadd.s32 $0xFFFFFD70  }
0x10e: {  	_ =	swait.ge [sflag:s14], $0x290  }
0x10f: {  	[sflag:s14] =	ssyncset.done $0x0  }
0x110: {  	[sflag:s14] =	ssyncadd.s32 $0xFFFFFD70  }
0x111: {  	_ =	swait.ge [sflag:s14], $0x290  }
0x112: {  	[sflag:s14] =	ssyncset.done $0x0  }
0x113: {  	[sflag:s14] =	ssyncadd.s32 $0xFFFFFD70  }
0x114: {  	_ =	swait.ge [sflag:s14], $0x290  }
0x115: {  	[sflag:s14] =	ssyncset.done $0x0  }
0x116: {  	[sflag:s14] =	ssyncadd.s32 $0xFFFFFD70  }
0x117: {  	_ =	swait.ge [sflag:s14], $0x290  }
0x118: {  	[sflag:s14] =	ssyncset.done $0x0  }
0x119: {  	[sflag:s14] =	ssyncadd.s32 $0xFFFFFD70  }
0x11a: {  	_ =	swait.ge [sflag:s14], $0x290  }
0x11b: {  	[sflag:s14] =	ssyncset.done $0x0  }
0x11c: {  	[sflag:s14] =	ssyncadd.s32 $0xFFFFFD70  }
0x11d: {  	_ =	swait.ge [sflag:s14], $0x290  }
0x11e: {  	[sflag:s14] =	ssyncset.done $0x0  }
0x11f: {  	[sflag:s14] =	ssyncadd.s32 $0xFFFFFD70  }
0x120: {  	_ =	swait.ge [sflag:s14], $0x290  }
0x121: {  	[sflag:s14] =	ssyncset.done $0x0  }
0x122: {  	[sflag:s14] =	ssyncadd.s32 $0xFFFFFD70  }
0x123: {  	_ =	swait.ge [sflag:s14], $0x290  }
0x124: {  	[sflag:s14] =	ssyncset.done $0x0  }
0x125: {  	[sflag:s14] =	ssyncadd.s32 $0xFFFFFD70  }
0x126: {  	_ =	swait.ge [sflag:s14], $0x290  }
0x127: {  	[sflag:s14] =	ssyncset.done $0x0  }
0x128: {  	[sflag:s14] =	ssyncadd.s32 $0xFFFFFD70  }
0x129: {  	_ =	swait.ge [sflag:s14], $0x290  }
0x12a: {  	[sflag:s14] =	ssyncset.done $0x0  }
0x12b: {  	s20 =	simm.s32 $0x0;
	[sflag:s14] =	ssyncadd.s32 $0xFFFFFD70  }
0x12c: {  	v3 =	vld [tilespmem:s20+$0x5190]  }
0x12d: {  	v4 =	vld [tilespmem:s20+$0x5420];
	_ =	sdelay $0x1  }
0x12e: {  	v5 =	vld [tilespmem:s20+$0x56B0];
	_ =	sdelay $0x1  }
0x12f: {  	v6 =	vld [tilespmem:s20+$0x5940]  }
0x130: {  	v3 =	vadd.f32 v4, v3  }
0x131: {  	v4 =	vld [tilespmem:s20+$0x5BD0]  }
0x132: {  	v3 =	vadd.f32 v5, v3  }
0x133: {  	v5 =	vld [tilespmem:s20+$0x5E60]  }
0x134: {  	v3 =	vadd.f32 v6, v3  }
0x135: {  	v6 =	vld [tilespmem:s20+$0x60F0]  }
0x136: {  	v3 =	vadd.f32 v4, v3  }
0x137: {  	v4 =	vld [tilespmem:s20+$0x6380]  }
0x138: {  	s19 =	simm.s32 $0x10;
	v7 =	vld [tilespmem:s20+$0x6610];
	v3 =	vadd.f32 v5, v3  }
0x139: {  	v8 =	vld [tilespmem:s19+$0x5190]  }
0x13a: {  	v5 =	vld [tilespmem:s20+$0x68A0];
	v3 =	vadd.f32 v6, v3  }
0x13b: {  	v6 =	vld [tilespmem:s19+$0x5420]  }
0x13c: {  	v9 =	vld [tilespmem:s19+$0x56B0];
	v3 =	vadd.f32 v4, v3  }
0x13d: {  	v4 =	vld [tilespmem:s20+$0x6B30]  }
0x13e: {  	v10 =	vld [tilespmem:s19+$0x5940];
	v3 =	vadd.f32 v7, v3  }
0x13f: {  	v7 =	vld [tilespmem:s20+$0x6DC0]  }
0x140: {  	v6 =	vadd.f32 v6, v8;
	v8 =	vld [tilespmem:s19+$0x5BD0];
	v3 =	vadd.f32 v5, v3  }
0x141: {  	v5 =	vld [tilespmem:s20+$0x7050]  }
0x142: {  	v6 =	vadd.f32 v9, v6;
	v9 =	vld [tilespmem:s19+$0x5E60];
	v3 =	vadd.f32 v4, v3  }
0x143: {  	v4 =	vld [tilespmem:s20+$0x72E0]  }
0x144: {  	v11 =	vld [tilespmem:s19+$0x60F0];
	v6 =	vadd.f32 v10, v6;
	v3 =	vadd.f32 v7, v3  }
0x145: {  	v10 =	vld [tilespmem:s20+$0x7570]  }
0x146: {  	v7 =	vadd.f32 v8, v6;
	v6 =	vld [tilespmem:s19+$0x6380];
	v8 =	vadd.f32 v5, v3  }
0x147: {  	v5 =	vld [tilespmem:s20+$0x7800]  }
0x148: {  	v3 =	vld [tilespmem:s19+$0x68A0];
	v9 =	vadd.f32 v9, v7;
	v12 =	vadd.f32 v4, v8  }
0x149: {  	s23 =	simm.s32 $0x20;
	v7 =	vld [tilespmem:s19+$0x6610]  }
0x14a: {  	s24 =	simm.s32 $0xC0;
	v4 =	vld [tilespmem:s23+$0x5190];
	v8 =	vadd.f32 v11, v9;
	v9 =	vadd.f32 v10, v12  }
.LBB2_6:
0x14b: {  	p2 =	sne.s32 s24, $0xA00;
	v10 =	vld [tilespmem:s23+$0x5420]  }
0x14c: {  	v6 =	vadd.f32 v6, v8;
	v8 =	vld [tilespmem:s19+$0x6B30];
	v5 =	vadd.f32 v5, v9  }
0x14d: {  	v9 =	vld [tilespmem:s23+$0x56B0]  }
0x14e: {  	v6 =	vadd.f32 v7, v6;
	v7 =	vld [tilespmem:s19+$0x6DC0];
	[tilespmem:s20+$0x4F00] =	vst v5;
	s20 =	smov.u32 s19;
	s19 =	smov.u32 s23  }
0x14f: {  	v5 =	vld [tilespmem:s19+$0x5940]  }
0x150: {  	v4 =	vadd.f32 v10, v4;
	v3 =	vadd.f32 v3, v6;
	v6 =	vld [tilespmem:s20+$0x7050]  }
0x151: {  	v10 =	vld [tilespmem:s19+$0x5BD0]  }
0x152: {  	v4 =	vadd.f32 v9, v4;
	v3 =	vadd.f32 v8, v3;
	v8 =	vld [tilespmem:s20+$0x72E0]  }
0x153: {  	v9 =	vld [tilespmem:s19+$0x5E60]  }
0x154: {  	v4 =	vadd.f32 v5, v4;
	v3 =	vadd.f32 v7, v3;
	v11 =	vld [tilespmem:s20+$0x7570]  }
0x155: {  	v12 =	vld [tilespmem:s19+$0x60F0]  }
.Ltmp3:
0x156: {  	v4 =	vadd.f32 v10, v4;
	v7 =	vadd.f32 v6, v3;
	v5 =	vld [tilespmem:s20+$0x7800];
	(pc) =	sbr.rel @p2 .LBB2_6-.Ltmp3, $4  }
0x157: {  	v6 =	vld [tilespmem:s19+$0x6380]  }
0x158: {  	v9 =	vadd.f32 v9, v4;
	v3 =	vld [tilespmem:s19+$0x68A0];
	v10 =	vadd.f32 v8, v7  }
0x159: {  	s23 =	sshra.s32 s24, $0x2;
	v7 =	vld [tilespmem:s19+$0x6610]  }
0x15a: {  	s24 =	sadd.s32 $0x40, s24;
	v4 =	vld [tilespmem:s23+$0x5190];
	v8 =	vadd.f32 v12, v9;
	v9 =	vadd.f32 v11, v10  }
0x15b: {  	v10 =	vld [tilespmem:s23+$0x5420]  }
0x15c: {  	v11 =	vld [tilespmem:s19+$0x6B30];
	v5 =	vadd.f32 v5, v9  }
0x15d: {  	v47 =	vld [tilespmem:s23+$0x56B0]  }
0x15e: {  	v12 =	vld [tilespmem:s19+$0x6DC0];
	v6 =	vadd.f32 v6, v8;
	[tilespmem:s20+$0x4F00] =	vst v5  }
0x15f: {  	v5 =	vld [tilespmem:s23+$0x5940]  }
0x160: {  	v6 =	vadd.f32 v7, v6;
	v4 =	vadd.f32 v10, v4  }
0x161: {  	v48 =	vld [tilespmem:s23+$0x5BD0]  }
0x162: {  	v49 =	vld [tilespmem:s19+$0x7050];
	v3 =	vadd.f32 v3, v6;
	v4 =	vadd.f32 v47, v4  }
0x163: {  	v50 =	vld [tilespmem:s23+$0x5E60]  }
0x164: {  	v51 =	vld [tilespmem:s19+$0x72E0];
	v3 =	vadd.f32 v11, v3;
	v4 =	vadd.f32 v5, v4  }
0x165: {  	v52 =	vld [tilespmem:s23+$0x60F0]  }
0x166: {  	v53 =	vld [tilespmem:s19+$0x7570];
	v3 =	vadd.f32 v12, v3;
	v4 =	vadd.f32 v48, v4  }
0x167: {  	v54 =	vld [tilespmem:s23+$0x6380]  }
0x168: {  	v55 =	vld [tilespmem:s19+$0x7800];
	v3 =	vadd.f32 v49, v3;
	v4 =	vadd.f32 v50, v4  }
0x169: {  	v56 =	vld [tilespmem:s23+$0x6610]  }
0x16a: {  	v3 =	vadd.f32 v51, v3;
	v4 =	vadd.f32 v52, v4  }
0x16b: {  	v57 =	vld [tilespmem:s23+$0x68A0]  }
0x16c: {  	v3 =	vadd.f32 v53, v3;
	v4 =	vadd.f32 v54, v4  }
0x16d: {  	v58 =	vld [tilespmem:s23+$0x6B30]  }
0x16e: {  	v3 =	vadd.f32 v55, v3;
	v4 =	vadd.f32 v56, v4  }
0x16f: {  	v59 =	vld [tilespmem:s23+$0x6DC0]  }
0x170: {  	[tilespmem:s19+$0x4F00] =	vst v3;
	v3 =	vadd.f32 v57, v4  }
0x171: {  	v60 =	vld [tilespmem:s23+$0x7050]  }
0x172: {  	v3 =	vadd.f32 v58, v3  }
0x173: {  	v61 =	vld [tilespmem:s23+$0x72E0]  }
0x174: {  	v3 =	vadd.f32 v59, v3  }
0x175: {  	v62 =	vld [tilespmem:s23+$0x7570]  }
0x176: {  	v3 =	vadd.f32 v60, v3  }
0x177: {  	v63 =	vld [tilespmem:s23+$0x7800]  }
0x178: {  	v3 =	vadd.f32 v61, v3;
	_ =	sdelay $0x1  }
0x179: {  	v3 =	vadd.f32 v62, v3;
	_ =	sdelay $0x1  }
0x17a: {  	v3 =	vadd.f32 v63, v3;
	_ =	sdelay $0x1  }
0x17b: {  	s20 =	simm.s32 @p1 $0x4F00;
	s19 =	simm.s32 @p1 $0x0;
	[tilespmem:s23+$0x4F00] =	vst v3;
	s23 =	rddreg [dreg:$0x14]  }
0x17c: {  	[hbm4b:s23+s19] =	stream.linear.scatter @p1 [tilespmem:s20], [sflag:$0x2], $0x190, $0x38;
	[tilespmem:$0xA390] =	vst v63  }
0x17d: {  	s19 =	simm.s32 @p1 $0x2  }
0x17e: {  	_ =	swait.ge @p1 [sflag:s19], $0x190  }
0x17f: {  	s20 =	simm.s32 @!p1 $0x4F00;
	[sflag:s19] =	ssyncset.done @p1 $0x0  }
0x180: {  	s23 =	rddreg [dreg:$0x13];
	[sflag:s19] =	ssyncadd.s32 @p1 $0xFFFFFE70;
	s19 =	simm.s32 @!p1 $0x0  }
0x181: {  	[hbm4b:s23+s19] =	stream.linear.scatter @!p1 [tilespmem:s20], [sflag:$0x2], $0x290, $0x38;
	[tilespmem:$0xA390] =	vst v63  }
0x182: {  	s19 =	simm.s32 @!p1 $0x2  }
0x183: {  	_ =	swait.ge @!p1 [sflag:s19], $0x290  }
0x184: {  	s18 =	sadd.s32 $0x1, s18;
	s25 =	rddreg [dreg:$0x15]  }
0x185: {  	p2 =	sne.s32 s18, s25  }
.Ltmp4:
0x186: {  	_ = 	snop;
	(pc) =	sbr.rel @p2 .LBB2_1-.Ltmp4, $3  }
0x187: {  	_ =	sdelay $0x1  }
0x188: {  	[sflag:s19] =	ssyncset.done @!p1 $0x0  }
0x189: {  	[sflag:s19] =	ssyncadd.s32 @!p1 $0xFFFFFD70  }
0x18a: {  	_ =	sfence.sel $0x180000  }
0x18b: {  	[bflag:$0x0] =	sbarrier.arrive $0xFFFF  }
0x18c: {  	_ =	strace $0x90000047  }
0x18d: {  	s0 =	stileid.u32;
	[bflag:$0x2] =	sbarrier.arrive $0xFFFF  }
0x18e: {  	p0 =	sne.s32 s0, $0x0;
	s0 =	rddreg [dreg:$0x3]  }
0x18f: {  	s0 =	sadd.s32 @!p0 $0x100000, s0  }
0x190: {  	[sflag:s0] =	ssyncadd.tile.s32 @!p0 $0x1;
	_ =	shalt  }
.Lfunc_end2:
_tile_overlayer_lowered:
.L_overlay_start_2:
0x191: {  	(tag) =	ssettag $0x2  }
0x192: {  	s0 =	rddreg [dreg:$0x0];
	s2 =	stileid.u32  }
0x193: {  	s1 =	rddreg [dreg:$0x1];
	p0 =	sne.s32 s2, $0x0  }
0x194: {  	s3 =	rddreg [dreg:$0x2];
	[bflag:$0x3] =	sbarrier.arrive $0xFFFF;
	s2 =	simm.s32 @!p0 $0x1C02  }
0x195: {  	[timem:s3], [sflag:s2] =	dma.local @!p0 [hbm:s0], s1  }
0x196: {  	s0 =	simm.s32 @!p0 $0x2  }
0x197: {  	_ =	swait.ge @!p0 [sflag:s0], s1  }
0x198: {  	s1 =	ssub.s32 @!p0 $0x0, s1;
	[sflag:s0] =	ssyncset.done @!p0 $0x0  }
0x199: {  	[sflag:s0] =	ssyncadd.s32 @!p0 s1  }
0x19a: {  	[bflag:$0x3] =	sbarrier.arrive $0xFFFF  }
0x19b: {  	_ =	shalt  }

</sc_bundles>
